<compile_context>
chip_gen: v7x
topology: tpu7x:2x2x1
jax: 0.10.2.dev20260603
libtpu: 0.0.44.dev20260713+nightly
codegen_flags: <defaults>
</compile_context>

<pallas_src>
import functools

import jax
import jax.numpy as jnp
from jax import lax
from jax.experimental import pallas as pl
from jax.experimental.pallas import tpu as pltpu
from jax.experimental.pallas import tpu_sc as plsc

N = 10000
E = 320000
D = 128
NPAD = 10240
NC = 2
NS = 16
NW = NC * NS
EPT = E // NW
CH = 80
CPT = EPT // CH
NBUF = 5
NWAVE = CPT // NBUF
RPT = NPAD // NS

CH3 = 40
CPT3 = EPT // CH3
NWAVE3 = CPT3 // NBUF


def _sc_mesh():
    return plsc.VectorSubcoreMesh(core_axis_name="c", subcore_axis_name="s")


def _deg_kernel(dst3_hbm, out_hbm, didx_v, ones_v, bounce_v, ssem, deg_sh):
    c = lax.axis_index("c")
    s = lax.axis_index("s")
    wid = s * NC + c

    for j in range(RPT // 16):
        bounce_v[pl.ds(j * 16, 16)] = jnp.zeros((16,), jnp.float32)
    pltpu.sync_copy(bounce_v, deg_sh.at[pl.ds(s * RPT, RPT)])
    for j in range(CH // 16):
        ones_v[pl.ds(j * 16, 16)] = jnp.ones((16,), jnp.float32)
    plsc.subcore_barrier()

    def wait_sc(j):
        pltpu.make_async_copy(out_hbm.at[0, pl.ds(0, CH)], ones_v, ssem.at[j]).wait()

    pltpu.sync_copy(dst3_hbm.at[wid], didx_v)
    for j in range(NBUF):
        pltpu.async_copy(ones_v, deg_sh.at[didx_v.at[j]], ssem.at[j], add=True)

    def wave(g, carry):
        for j in range(NBUF):
            wait_sc(j)
            pltpu.async_copy(
                ones_v, deg_sh.at[didx_v.at[g * NBUF + j]], ssem.at[j], add=True
            )
        return carry

    lax.fori_loop(1, NWAVE, wave, 0)
    for j in range(NBUF):
        wait_sc(j)
    plsc.subcore_barrier()

    pltpu.sync_copy(deg_sh.at[pl.ds(s * RPT, RPT)], out_hbm.at[c, pl.ds(s * RPT, RPT)])


def _degree_partials(dst3):
    k = functools.partial(
        pl.kernel,
        out_type=jax.ShapeDtypeStruct((NC, NPAD), jnp.float32),
        mesh=_sc_mesh(),
        scratch_types=[
            pltpu.VMEM((CPT, CH), jnp.int32),
            pltpu.VMEM((CH,), jnp.float32),
            pltpu.VMEM((RPT,), jnp.float32),
            pltpu.SemaphoreType.DMA((NBUF,)),
            pltpu.VMEM_SHARED((NPAD,), jnp.float32),
        ],
    )(_deg_kernel)
    return k(dst3)


def _h2_body(x_ref, w_ref, degT_ref, h2_ref):
    dsum = degT_ref[:, 0:1] + degT_ref[:, 1:2] + 1.0
    dinv = lax.rsqrt(dsum)
    h = jnp.dot(x_ref[...], w_ref[...], preferred_element_type=jnp.float32)
    h2_ref[...] = h * dinv


def _h2_compute(x, W, degT):
    nb = 10
    rb = N // nb
    return pl.pallas_call(
        _h2_body,
        grid=(nb,),
        in_specs=[
            pl.BlockSpec((rb, D), lambda i: (i, 0)),
            pl.BlockSpec((D, D), lambda i: (0, 0)),
            pl.BlockSpec((rb, NC), lambda i: (i, 0)),
        ],
        out_specs=pl.BlockSpec((rb, D), lambda i: (i, 0)),
        out_shape=jax.ShapeDtypeStruct((N, D), jnp.float32),
    )(x, W, degT)


def _msg_kernel(src_hbm, dst_hbm, h2_hbm, out_hbm,
                sidx_v, didx_v, rows_v, gsem, ssem, isem, zsem, acc_sh):
    c = lax.axis_index("c")
    s = lax.axis_index("s")
    wid = s * NC + c

    def zrow(i, carry):
        for j in range(D // 16):
            rows_v[0, i, pl.ds(j * 16, 16)] = jnp.zeros((16,), jnp.float32)
        return carry

    lax.fori_loop(0, CH3, zrow, 0)

    def drain_z(k):
        for _ in range(k):
            pltpu.make_async_copy(
                h2_hbm.at[pl.ds(0, CH3)], rows_v.at[0], zsem
            ).wait()

    @pl.when(c == 0)
    def _():
        @pl.when(s < NS - 1)
        def _():
            pltpu.sync_copy(h2_hbm.at[pl.ds(s * RPT, RPT)],
                            acc_sh.at[pl.ds(s * RPT, RPT)])

        @pl.when(s == NS - 1)
        def _():
            pltpu.sync_copy(h2_hbm.at[pl.ds((NS - 1) * RPT, N - (NS - 1) * RPT)],
                            acc_sh.at[pl.ds((NS - 1) * RPT, N - (NS - 1) * RPT)])
            for v in range((NPAD - N) // CH3):
                pltpu.async_copy(rows_v.at[0],
                                 acc_sh.at[pl.ds(N + v * CH3, CH3)], zsem)
            drain_z((NPAD - N) // CH3)

    @pl.when(c == 1)
    def _():
        for v in range(RPT // CH3):
            pltpu.async_copy(rows_v.at[0],
                             acc_sh.at[pl.ds(s * RPT + v * CH3, CH3)], zsem)
        drain_z(RPT // CH3)

    plsc.subcore_barrier()

    pltpu.sync_copy(src_hbm.at[pl.ds(wid * EPT, EPT)], sidx_v)
    base = wid * EPT

    def wait_rows(sem_ref, j):
        pltpu.make_async_copy(h2_hbm.at[pl.ds(0, CH3)], rows_v.at[j], sem_ref.at[j]).wait()

    def wait_idx(j):
        pltpu.make_async_copy(
            dst_hbm.at[pl.ds(0, CH3)], didx_v.at[j], isem.at[j]
        ).wait()

    for j in range(NBUF):
        pltpu.async_copy(dst_hbm.at[pl.ds(base + j * CH3, CH3)],
                         didx_v.at[j], isem.at[j])
        pltpu.async_copy(h2_hbm.at[sidx_v.at[pl.ds(j * CH3, CH3)]],
                         rows_v.at[j], gsem.at[j])

    def wave(g, carry):
        for j in range(NBUF):
            wait_rows(gsem, j)
            wait_idx(j)
            pltpu.async_copy(rows_v.at[j], acc_sh.at[didx_v.at[j]],
                             ssem.at[j], add=True)
        for j in range(NBUF):
            t = (g + 1) * NBUF + j
            wait_rows(ssem, j)
            pltpu.async_copy(dst_hbm.at[pl.ds(base + t * CH3, CH3)],
                             didx_v.at[j], isem.at[j])
            pltpu.async_copy(h2_hbm.at[sidx_v.at[pl.ds(t * CH3, CH3)]],
                             rows_v.at[j], gsem.at[j])
        return carry

    lax.fori_loop(0, NWAVE3 - 1, wave, 0)
    for j in range(NBUF):
        wait_rows(gsem, j)
        wait_idx(j)
        pltpu.async_copy(rows_v.at[j], acc_sh.at[didx_v.at[j]],
                         ssem.at[j], add=True)
    for j in range(NBUF):
        wait_rows(ssem, j)
    plsc.subcore_barrier()

    pltpu.sync_copy(acc_sh.at[pl.ds(s * RPT, RPT)],
                    out_hbm.at[c, pl.ds(s * RPT, RPT)])


def _message_partials(src, dst, h2):
    k = functools.partial(
        pl.kernel,
        out_type=jax.ShapeDtypeStruct((NC, NPAD, D), jnp.float32),
        mesh=_sc_mesh(),
        scratch_types=[
            pltpu.VMEM((EPT,), jnp.int32),
            pltpu.VMEM((NBUF, CH3), jnp.int32),
            pltpu.VMEM((NBUF, CH3, D), jnp.float32),
            pltpu.SemaphoreType.DMA((NBUF,)),
            pltpu.SemaphoreType.DMA((NBUF,)),
            pltpu.SemaphoreType.DMA((NBUF,)),
            pltpu.SemaphoreType.DMA,
            pltpu.VMEM_SHARED((NPAD, D), jnp.float32),
        ],
    )(_msg_kernel)
    return k(src, dst, h2)


def _bn_body(seg_ref, degT_ref, b_ref, g_ref, be_ref, out_ref):
    seg = seg_ref[0, :N, :] + seg_ref[1, :N, :]
    dsum = degT_ref[:N, 0:1] + degT_ref[:N, 1:2] + 1.0
    dinv = lax.rsqrt(dsum)
    z = dinv * seg + b_ref[...]
    mean = jnp.mean(z, axis=0, keepdims=True)
    zc = z - mean
    var = jnp.mean(zc * zc, axis=0, keepdims=True)
    y = zc * lax.rsqrt(var + 1e-5) * g_ref[...] + be_ref[...]
    out_ref[...] = jnp.maximum(y, 0.0)


def _bn_relu(seg_pair, degT, b, gamma, beta):
    return pl.pallas_call(
        _bn_body,
        out_shape=jax.ShapeDtypeStruct((N, D), jnp.float32),
    )(seg_pair, degT, b, gamma, beta)


def kernel(x, edge_index, W, b, gamma, beta):
    src = edge_index[0]
    dst = edge_index[1]
    deg_pair = _degree_partials(
        jnp.reshape(dst, (NW, CPT, CH)))
    degT = jnp.transpose(deg_pair)
    h2 = _h2_compute(x, W, degT)
    seg_pair = _message_partials(src, dst, h2)
    return _bn_relu(seg_pair, degT,
                    jnp.reshape(b, (1, D)),
                    jnp.reshape(gamma, (1, D)),
                    jnp.reshape(beta, (1, D)))

# --- scband reference (transcript-rebuilt; emitter-appended) ---
"""Pipeline reference for scband-gcn2-82575041232956 (READ-ONLY COPY).

The authoritative reference and input builder live on the scoring server;
editing this copy changes nothing except your own understanding.
"""

import jax, jax.numpy as jnp
import numpy as np

N_NODES = 10000
N_EDGES = 320000
D = 128

def setup_inputs(seed: int = 0) -> dict:
    key = jax.random.key(seed)
    k1, k2, k3, k4 = jax.random.split(key, 4)
    x = jax.random.normal(k1, (N_NODES, D), dtype=jnp.float32)
    edge_index = jax.random.randint(k2, (2, N_EDGES), 0, N_NODES, dtype=jnp.int32)
    # GCNConv linear weight (glorot-ish) and bias
    W = jax.random.normal(k3, (D, D), dtype=jnp.float32) * (1.0 / np.sqrt(D))
    b = jnp.zeros((D,), dtype=jnp.float32)
    # BatchNorm1d affine params
    gamma = jnp.ones((D,), dtype=jnp.float32)
    beta = jnp.zeros((D,), dtype=jnp.float32)
    return {"x": x, "edge_index": edge_index, "W": W, "b": b, "gamma": gamma, "beta": beta}

def reference(x, edge_index, W, b, gamma, beta):
    n = x.shape[0]
    src = edge_index[0]
    dst = edge_index[1]
    # GCNConv default: add self-loops
    loop = jnp.arange(n, dtype=src.dtype)
    src = jnp.concatenate([src, loop])
    dst = jnp.concatenate([dst, loop])
    # linear transform first (PyG GCNConv applies lin before propagate)
    h = x @ W
    # symmetric normalization deg^-1/2[src] * deg^-1/2[dst]
    ones = jnp.ones(dst.shape[0], dtype=h.dtype)
    deg = jax.ops.segment_sum(ones, dst, num_segments=n)
    dinv = jnp.where(deg > 0, jax.lax.rsqrt(deg), 0.0)
    norm = dinv[src] * dinv[dst]
    # gather messages and scatter-add to dst
    msgs = h[src] * norm[:, None]
    out = jax.ops.segment_sum(msgs, dst, num_segments=n) + b
    # BatchNorm1d (training-mode batch statistics)
    mean = jnp.mean(out, axis=0)
    var = jnp.var(out, axis=0)
    out = (out - mean) * jax.lax.rsqrt(var + 1e-5) * gamma + beta
    # ReLU; dropout treated as identity (deterministic reference)
    return jax.nn.relu(out)

if __name__ == "__main__":
    import jax
    _d = setup_inputs()
    print(jax.jit(kernel)(*tuple(_d.values())))

</pallas_src>

<mosaic_0001>
#map = affine_map<(d0, d1) -> (0, 0, 0)>
#map1 = affine_map<(d0, d1) -> (0, 0)>
module attributes {stable_mosaic.version = 14 : i64} {
  func.func @_deg_kernel(%arg0: i32, %arg1: i32, %arg2: memref<32x125x80xi32, #tpu.memory_space<hbm>>, %arg3: memref<2x10240xf32, #tpu.memory_space<hbm>>, %arg4: memref<125x80xi32, #tpu.memory_space<vmem>>, %arg5: memref<80xf32, #tpu.memory_space<vmem>>, %arg6: memref<640xf32, #tpu.memory_space<vmem>>, %arg7: memref<5x!tpu.dma_semaphore, #tpu.memory_space<semaphore_mem>>, %arg8: memref<10240xf32, #tpu.memory_space<vmem_shared>>) attributes {dimension_semantics = [#tpu.dimension_semantics<core_parallel>, #tpu.dimension_semantics<subcore_parallel>], iteration_bounds = array<i64: 2, 16>, scalar_prefetch = 0 : i64, scratch_operands = 5 : i64, tpu.core_type = #tpu.core_type<sc_vector_subcore>, window_params = [{transform_indices = #map}, {transform_indices = #map1}]} {
    %mul3A = arith.constant 2 : i32
    %mul3A_0 = arith.muli %arg1, %mul3A : i32
    %add3A = arith.addi %mul3A_0, %arg0 : i32
    %broadcast_in_dim3A = arith.constant 0.000000e+00 : f32
    %broadcast_in_dim3A_1 = vector.broadcast %broadcast_in_dim3A : f32 to vector<16xf32>
    %swap3A = arith.constant 0 : index
    %swap3A_2 = tpu.vector_load %arg6[%swap3A] {strides = array<i32>} : memref<640xf32, #tpu.memory_space<vmem>>, vector<16xf32>,
    %swap3A_3 = vector.shape_cast %swap3A_2 : vector<16xf32> to vector<16xf32>
    %swap3A_4 = vector.shape_cast %broadcast_in_dim3A_1 : vector<16xf32> to vector<16xf32>
    tpu.vector_store %arg6[%swap3A], %swap3A_4 {strides = array<i32>} : memref<640xf32, #tpu.memory_space<vmem>>, vector<16xf32>,
    %broadcast_in_dim3A_5 = arith.constant 0.000000e+00 : f32
    %broadcast_in_dim3A_6 = vector.broadcast %broadcast_in_dim3A_5 : f32 to vector<16xf32>
    %swap3A_7 = arith.constant 16 : index
    %swap3A_8 = tpu.vector_load %arg6[%swap3A_7] {strides = array<i32>} : memref<640xf32, #tpu.memory_space<vmem>>, vector<16xf32>,
    %swap3A_9 = vector.shape_cast %swap3A_8 : vector<16xf32> to vector<16xf32>
    %swap3A_10 = vector.shape_cast %broadcast_in_dim3A_6 : vector<16xf32> to vector<16xf32>
    tpu.vector_store %arg6[%swap3A_7], %swap3A_10 {strides = array<i32>} : memref<640xf32, #tpu.memory_space<vmem>>, vector<16xf32>,
    %broadcast_in_dim3A_11 = arith.constant 0.000000e+00 : f32
    %broadcast_in_dim3A_12 = vector.broadcast %broadcast_in_dim3A_11 : f32 to vector<16xf32>
    %swap3A_13 = arith.constant 32 : index
    %swap3A_14 = tpu.vector_load %arg6[%swap3A_13] {strides = array<i32>} : memref<640xf32, #tpu.memory_space<vmem>>, vector<16xf32>,
    %swap3A_15 = vector.shape_cast %swap3A_14 : vector<16xf32> to vector<16xf32>
    %swap3A_16 = vector.shape_cast %broadcast_in_dim3A_12 : vector<16xf32> to vector<16xf32>
    tpu.vector_store %arg6[%swap3A_13], %swap3A_16 {strides = array<i32>} : memref<640xf32, #tpu.memory_space<vmem>>, vector<16xf32>,
    %broadcast_in_dim3A_17 = arith.constant 0.000000e+00 : f32
    %broadcast_in_dim3A_18 = vector.broadcast %broadcast_in_dim3A_17 : f32 to vector<16xf32>
    %swap3A_19 = arith.constant 48 : index
    %swap3A_20 = tpu.vector_load %arg6[%swap3A_19] {strides = array<i32>} : memref<640xf32, #tpu.memory_space<vmem>>, vector<16xf32>,
    %swap3A_21 = vector.shape_cast %swap3A_20 : vector<16xf32> to vector<16xf32>
    %swap3A_22 = vector.shape_cast %broadcast_in_dim3A_18 : vector<16xf32> to vector<16xf32>
    tpu.vector_store %arg6[%swap3A_19], %swap3A_22 {strides = array<i32>} : memref<640xf32, #tpu.memory_space<vmem>>, vector<16xf32>,
    %broadcast_in_dim3A_23 = arith.constant 0.000000e+00 : f32
    %broadcast_in_dim3A_24 = vector.broadcast %broadcast_in_dim3A_23 : f32 to vector<16xf32>
    %swap3A_25 = arith.constant 64 : index
    %swap3A_26 = tpu.vector_load %arg6[%swap3A_25] {strides = array<i32>} : memref<640xf32, #tpu.memory_space<vmem>>, vector<16xf32>,
    %swap3A_27 = vector.shape_cast %swap3A_26 : vector<16xf32> to vector<16xf32>
    %swap3A_28 = vector.shape_cast %broadcast_in_dim3A_24 : vector<16xf32> to vector<16xf32>
    tpu.vector_store %arg6[%swap3A_25], %swap3A_28 {strides = array<i32>} : memref<640xf32, #tpu.memory_space<vmem>>, vector<16xf32>,
    %broadcast_in_dim3A_29 = arith.constant 0.000000e+00 : f32
    %broadcast_in_dim3A_30 = vector.broadcast %broadcast_in_dim3A_29 : f32 to vector<16xf32>
    %swap3A_31 = arith.constant 80 : index
    %swap3A_32 = tpu.vector_load %arg6[%swap3A_31] {strides = array<i32>} : memref<640xf32, #tpu.memory_space<vmem>>, vector<16xf32>,
    %swap3A_33 = vector.shape_cast %swap3A_32 : vector<16xf32> to vector<16xf32>
    %swap3A_34 = vector.shape_cast %broadcast_in_dim3A_30 : vector<16xf32> to vector<16xf32>
    tpu.vector_store %arg6[%swap3A_31], %swap3A_34 {strides = array<i32>} : memref<640xf32, #tpu.memory_space<vmem>>, vector<16xf32>,
    %broadcast_in_dim3A_35 = arith.constant 0.000000e+00 : f32
    %broadcast_in_dim3A_36 = vector.broadcast %broadcast_in_dim3A_35 : f32 to vector<16xf32>
    %swap3A_37 = arith.constant 96 : index
    %swap3A_38 = tpu.vector_load %arg6[%swap3A_37] {strides = array<i32>} : memref<640xf32, #tpu.memory_space<vmem>>, vector<16xf32>,
    %swap3A_39 = vector.shape_cast %swap3A_38 : vector<16xf32> to vector<16xf32>
    %swap3A_40 = vector.shape_cast %broadcast_in_dim3A_36 : vector<16xf32> to vector<16xf32>
    tpu.vector_store %arg6[%swap3A_37], %swap3A_40 {strides = array<i32>} : memref<640xf32, #tpu.memory_space<vmem>>, vector<16xf32>,
    %broadcast_in_dim3A_41 = arith.constant 0.000000e+00 : f32
    %broadcast_in_dim3A_42 = vector.broadcast %broadcast_in_dim3A_41 : f32 to vector<16xf32>
    %swap3A_43 = arith.constant 112 : index
    %swap3A_44 = tpu.vector_load %arg6[%swap3A_43] {strides = array<i32>} : memref<640xf32, #tpu.memory_space<vmem>>, vector<16xf32>,
    %swap3A_45 = vector.shape_cast %swap3A_44 : vector<16xf32> to vector<16xf32>
    %swap3A_46 = vector.shape_cast %broadcast_in_dim3A_42 : vector<16xf32> to vector<16xf32>
    tpu.vector_store %arg6[%swap3A_43], %swap3A_46 {strides = array<i32>} : memref<640xf32, #tpu.memory_space<vmem>>, vector<16xf32>,
    %broadcast_in_dim3A_47 = arith.constant 0.000000e+00 : f32
    %broadcast_in_dim3A_48 = vector.broadcast %broadcast_in_dim3A_47 : f32 to vector<16xf32>
    %swap3A_49 = arith.constant 128 : index
    %swap3A_50 = tpu.vector_load %arg6[%swap3A_49] {strides = array<i32>} : memref<640xf32, #tpu.memory_space<vmem>>, vector<16xf32>,
    %swap3A_51 = vector.shape_cast %swap3A_50 : vector<16xf32> to vector<16xf32>
    %swap3A_52 = vector.shape_cast %broadcast_in_dim3A_48 : vector<16xf32> to vector<16xf32>
    tpu.vector_store %arg6[%swap3A_49], %swap3A_52 {strides = array<i32>} : memref<640xf32, #tpu.memory_space<vmem>>, vector<16xf32>,
    %broadcast_in_dim3A_53 = arith.constant 0.000000e+00 : f32
    %broadcast_in_dim3A_54 = vector.broadcast %broadcast_in_dim3A_53 : f32 to vector<16xf32>
    %swap3A_55 = arith.constant 144 : index
    %swap3A_56 = tpu.vector_load %arg6[%swap3A_55] {strides = array<i32>} : memref<640xf32, #tpu.memory_space<vmem>>, vector<16xf32>,
    %swap3A_57 = vector.shape_cast %swap3A_56 : vector<16xf32> to vector<16xf32>
    %swap3A_58 = vector.shape_cast %broadcast_in_dim3A_54 : vector<16xf32> to vector<16xf32>
    tpu.vector_store %arg6[%swap3A_55], %swap3A_58 {strides = array<i32>} : memref<640xf32, #tpu.memory_space<vmem>>, vector<16xf32>,
    %broadcast_in_dim3A_59 = arith.constant 0.000000e+00 : f32
    %broadcast_in_dim3A_60 = vector.broadcast %broadcast_in_dim3A_59 : f32 to vector<16xf32>
    %swap3A_61 = arith.constant 160 : index
    %swap3A_62 = tpu.vector_load %arg6[%swap3A_61] {strides = array<i32>} : memref<640xf32, #tpu.memory_space<vmem>>, vector<16xf32>,
    %swap3A_63 = vector.shape_cast %swap3A_62 : vector<16xf32> to vector<16xf32>
    %swap3A_64 = vector.shape_cast %broadcast_in_dim3A_60 : vector<16xf32> to vector<16xf32>
    tpu.vector_store %arg6[%swap3A_61], %swap3A_64 {strides = array<i32>} : memref<640xf32, #tpu.memory_space<vmem>>, vector<16xf32>,
    %broadcast_in_dim3A_65 = arith.constant 0.000000e+00 : f32
    %broadcast_in_dim3A_66 = vector.broadcast %broadcast_in_dim3A_65 : f32 to vector<16xf32>
    %swap3A_67 = arith.constant 176 : index
    %swap3A_68 = tpu.vector_load %arg6[%swap3A_67] {strides = array<i32>} : memref<640xf32, #tpu.memory_space<vmem>>, vector<16xf32>,
    %swap3A_69 = vector.shape_cast %swap3A_68 : vector<16xf32> to vector<16xf32>
    %swap3A_70 = vector.shape_cast %broadcast_in_dim3A_66 : vector<16xf32> to vector<16xf32>
    tpu.vector_store %arg6[%swap3A_67], %swap3A_70 {strides = array<i32>} : memref<640xf32, #tpu.memory_space<vmem>>, vector<16xf32>,
    %broadcast_in_dim3A_71 = arith.constant 0.000000e+00 : f32
    %broadcast_in_dim3A_72 = vector.broadcast %broadcast_in_dim3A_71 : f32 to vector<16xf32>
    %swap3A_73 = arith.constant 192 : index
    %swap3A_74 = tpu.vector_load %arg6[%swap3A_73] {strides = array<i32>} : memref<640xf32, #tpu.memory_space<vmem>>, vector<16xf32>,
    %swap3A_75 = vector.shape_cast %swap3A_74 : vector<16xf32> to vector<16xf32>
    %swap3A_76 = vector.shape_cast %broadcast_in_dim3A_72 : vector<16xf32> to vector<16xf32>
    tpu.vector_store %arg6[%swap3A_73], %swap3A_76 {strides = array<i32>} : memref<640xf32, #tpu.memory_space<vmem>>, vector<16xf32>,
    %broadcast_in_dim3A_77 = arith.constant 0.000000e+00 : f32
    %broadcast_in_dim3A_78 = vector.broadcast %broadcast_in_dim3A_77 : f32 to vector<16xf32>
    %swap3A_79 = arith.constant 208 : index
    %swap3A_80 = tpu.vector_load %arg6[%swap3A_79] {strides = array<i32>} : memref<640xf32, #tpu.memory_space<vmem>>, vector<16xf32>,
    %swap3A_81 = vector.shape_cast %swap3A_80 : vector<16xf32> to vector<16xf32>
    %swap3A_82 = vector.shape_cast %broadcast_in_dim3A_78 : vector<16xf32> to vector<16xf32>
    tpu.vector_store %arg6[%swap3A_79], %swap3A_82 {strides = array<i32>} : memref<640xf32, #tpu.memory_space<vmem>>, vector<16xf32>,
    %broadcast_in_dim3A_83 = arith.constant 0.000000e+00 : f32
    %broadcast_in_dim3A_84 = vector.broadcast %broadcast_in_dim3A_83 : f32 to vector<16xf32>
    %swap3A_85 = arith.constant 224 : index
    %swap3A_86 = tpu.vector_load %arg6[%swap3A_85] {strides = array<i32>} : memref<640xf32, #tpu.memory_space<vmem>>, vector<16xf32>,
    %swap3A_87 = vector.shape_cast %swap3A_86 : vector<16xf32> to vector<16xf32>
    %swap3A_88 = vector.shape_cast %broadcast_in_dim3A_84 : vector<16xf32> to vector<16xf32>
    tpu.vector_store %arg6[%swap3A_85], %swap3A_88 {strides = array<i32>} : memref<640xf32, #tpu.memory_space<vmem>>, vector<16xf32>,
    %broadcast_in_dim3A_89 = arith.constant 0.000000e+00 : f32
    %broadcast_in_dim3A_90 = vector.broadcast %broadcast_in_dim3A_89 : f32 to vector<16xf32>
    %swap3A_91 = arith.constant 240 : index
    %swap3A_92 = tpu.vector_load %arg6[%swap3A_91] {strides = array<i32>} : memref<640xf32, #tpu.memory_space<vmem>>, vector<16xf32>,
    %swap3A_93 = vector.shape_cast %swap3A_92 : vector<16xf32> to vector<16xf32>
    %swap3A_94 = vector.shape_cast %broadcast_in_dim3A_90 : vector<16xf32> to vector<16xf32>
    tpu.vector_store %arg6[%swap3A_91], %swap3A_94 {strides = array<i32>} : memref<640xf32, #tpu.memory_space<vmem>>, vector<16xf32>,
    %broadcast_in_dim3A_95 = arith.constant 0.000000e+00 : f32
    %broadcast_in_dim3A_96 = vector.broadcast %broadcast_in_dim3A_95 : f32 to vector<16xf32>
    %swap3A_97 = arith.constant 256 : index
    %swap3A_98 = tpu.vector_load %arg6[%swap3A_97] {strides = array<i32>} : memref<640xf32, #tpu.memory_space<vmem>>, vector<16xf32>,
    %swap3A_99 = vector.shape_cast %swap3A_98 : vector<16xf32> to vector<16xf32>
    %swap3A_100 = vector.shape_cast %broadcast_in_dim3A_96 : vector<16xf32> to vector<16xf32>
    tpu.vector_store %arg6[%swap3A_97], %swap3A_100 {strides = array<i32>} : memref<640xf32, #tpu.memory_space<vmem>>, vector<16xf32>,
    %broadcast_in_dim3A_101 = arith.constant 0.000000e+00 : f32
    %broadcast_in_dim3A_102 = vector.broadcast %broadcast_in_dim3A_101 : f32 to vector<16xf32>
    %swap3A_103 = arith.constant 272 : index
    %swap3A_104 = tpu.vector_load %arg6[%swap3A_103] {strides = array<i32>} : memref<640xf32, #tpu.memory_space<vmem>>, vector<16xf32>,
    %swap3A_105 = vector.shape_cast %swap3A_104 : vector<16xf32> to vector<16xf32>
    %swap3A_106 = vector.shape_cast %broadcast_in_dim3A_102 : vector<16xf32> to vector<16xf32>
    tpu.vector_store %arg6[%swap3A_103], %swap3A_106 {strides = array<i32>} : memref<640xf32, #tpu.memory_space<vmem>>, vector<16xf32>,
    %broadcast_in_dim3A_107 = arith.constant 0.000000e+00 : f32
    %broadcast_in_dim3A_108 = vector.broadcast %broadcast_in_dim3A_107 : f32 to vector<16xf32>
    %swap3A_109 = arith.constant 288 : index
    %swap3A_110 = tpu.vector_load %arg6[%swap3A_109] {strides = array<i32>} : memref<640xf32, #tpu.memory_space<vmem>>, vector<16xf32>,
    %swap3A_111 = vector.shape_cast %swap3A_110 : vector<16xf32> to vector<16xf32>
    %swap3A_112 = vector.shape_cast %broadcast_in_dim3A_108 : vector<16xf32> to vector<16xf32>
    tpu.vector_store %arg6[%swap3A_109], %swap3A_112 {strides = array<i32>} : memref<640xf32, #tpu.memory_space<vmem>>, vector<16xf32>,
    %broadcast_in_dim3A_113 = arith.constant 0.000000e+00 : f32
    %broadcast_in_dim3A_114 = vector.broadcast %broadcast_in_dim3A_113 : f32 to vector<16xf32>
    %swap3A_115 = arith.constant 304 : index
    %swap3A_116 = tpu.vector_load %arg6[%swap3A_115] {strides = array<i32>} : memref<640xf32, #tpu.memory_space<vmem>>, vector<16xf32>,
    %swap3A_117 = vector.shape_cast %swap3A_116 : vector<16xf32> to vector<16xf32>
    %swap3A_118 = vector.shape_cast %broadcast_in_dim3A_114 : vector<16xf32> to vector<16xf32>
    tpu.vector_store %arg6[%swap3A_115], %swap3A_118 {strides = array<i32>} : memref<640xf32, #tpu.memory_space<vmem>>, vector<16xf32>,
    %broadcast_in_dim3A_119 = arith.constant 0.000000e+00 : f32
    %broadcast_in_dim3A_120 = vector.broadcast %broadcast_in_dim3A_119 : f32 to vector<16xf32>
    %swap3A_121 = arith.constant 320 : index
    %swap3A_122 = tpu.vector_load %arg6[%swap3A_121] {strides = array<i32>} : memref<640xf32, #tpu.memory_space<vmem>>, vector<16xf32>,
    %swap3A_123 = vector.shape_cast %swap3A_122 : vector<16xf32> to vector<16xf32>
    %swap3A_124 = vector.shape_cast %broadcast_in_dim3A_120 : vector<16xf32> to vector<16xf32>
    tpu.vector_store %arg6[%swap3A_121], %swap3A_124 {strides = array<i32>} : memref<640xf32, #tpu.memory_space<vmem>>, vector<16xf32>,
    %broadcast_in_dim3A_125 = arith.constant 0.000000e+00 : f32
    %broadcast_in_dim3A_126 = vector.broadcast %broadcast_in_dim3A_125 : f32 to vector<16xf32>
    %swap3A_127 = arith.constant 336 : index
    %swap3A_128 = tpu.vector_load %arg6[%swap3A_127] {strides = array<i32>} : memref<640xf32, #tpu.memory_space<vmem>>, vector<16xf32>,
    %swap3A_129 = vector.shape_cast %swap3A_128 : vector<16xf32> to vector<16xf32>
    %swap3A_130 = vector.shape_cast %broadcast_in_dim3A_126 : vector<16xf32> to vector<16xf32>
    tpu.vector_store %arg6[%swap3A_127], %swap3A_130 {strides = array<i32>} : memref<640xf32, #tpu.memory_space<vmem>>, vector<16xf32>,
    %broadcast_in_dim3A_131 = arith.constant 0.000000e+00 : f32
    %broadcast_in_dim3A_132 = vector.broadcast %broadcast_in_dim3A_131 : f32 to vector<16xf32>
    %swap3A_133 = arith.constant 352 : index
    %swap3A_134 = tpu.vector_load %arg6[%swap3A_133] {strides = array<i32>} : memref<640xf32, #tpu.memory_space<vmem>>, vector<16xf32>,
    %swap3A_135 = vector.shape_cast %swap3A_134 : vector<16xf32> to vector<16xf32>
    %swap3A_136 = vector.shape_cast %broadcast_in_dim3A_132 : vector<16xf32> to vector<16xf32>
    tpu.vector_store %arg6[%swap3A_133], %swap3A_136 {strides = array<i32>} : memref<640xf32, #tpu.memory_space<vmem>>, vector<16xf32>,
    %broadcast_in_dim3A_137 = arith.constant 0.000000e+00 : f32
    %broadcast_in_dim3A_138 = vector.broadcast %broadcast_in_dim3A_137 : f32 to vector<16xf32>
    %swap3A_139 = arith.constant 368 : index
    %swap3A_140 = tpu.vector_load %arg6[%swap3A_139] {strides = array<i32>} : memref<640xf32, #tpu.memory_space<vmem>>, vector<16xf32>,
    %swap3A_141 = vector.shape_cast %swap3A_140 : vector<16xf32> to vector<16xf32>
    %swap3A_142 = vector.shape_cast %broadcast_in_dim3A_138 : vector<16xf32> to vector<16xf32>
    tpu.vector_store %arg6[%swap3A_139], %swap3A_142 {strides = array<i32>} : memref<640xf32, #tpu.memory_space<vmem>>, vector<16xf32>,
    %broadcast_in_dim3A_143 = arith.constant 0.000000e+00 : f32
    %broadcast_in_dim3A_144 = vector.broadcast %broadcast_in_dim3A_143 : f32 to vector<16xf32>
    %swap3A_145 = arith.constant 384 : index
    %swap3A_146 = tpu.vector_load %arg6[%swap3A_145] {strides = array<i32>} : memref<640xf32, #tpu.memory_space<vmem>>, vector<16xf32>,
    %swap3A_147 = vector.shape_cast %swap3A_146 : vector<16xf32> to vector<16xf32>
    %swap3A_148 = vector.shape_cast %broadcast_in_dim3A_144 : vector<16xf32> to vector<16xf32>
    tpu.vector_store %arg6[%swap3A_145], %swap3A_148 {strides = array<i32>} : memref<640xf32, #tpu.memory_space<vmem>>, vector<16xf32>,
    %broadcast_in_dim3A_149 = arith.constant 0.000000e+00 : f32
    %broadcast_in_dim3A_150 = vector.broadcast %broadcast_in_dim3A_149 : f32 to vector<16xf32>
    %swap3A_151 = arith.constant 400 : index
    %swap3A_152 = tpu.vector_load %arg6[%swap3A_151] {strides = array<i32>} : memref<640xf32, #tpu.memory_space<vmem>>, vector<16xf32>,
    %swap3A_153 = vector.shape_cast %swap3A_152 : vector<16xf32> to vector<16xf32>
    %swap3A_154 = vector.shape_cast %broadcast_in_dim3A_150 : vector<16xf32> to vector<16xf32>
    tpu.vector_store %arg6[%swap3A_151], %swap3A_154 {strides = array<i32>} : memref<640xf32, #tpu.memory_space<vmem>>, vector<16xf32>,
    %broadcast_in_dim3A_155 = arith.constant 0.000000e+00 : f32
    %broadcast_in_dim3A_156 = vector.broadcast %broadcast_in_dim3A_155 : f32 to vector<16xf32>
    %swap3A_157 = arith.constant 416 : index
    %swap3A_158 = tpu.vector_load %arg6[%swap3A_157] {strides = array<i32>} : memref<640xf32, #tpu.memory_space<vmem>>, vector<16xf32>,
    %swap3A_159 = vector.shape_cast %swap3A_158 : vector<16xf32> to vector<16xf32>
    %swap3A_160 = vector.shape_cast %broadcast_in_dim3A_156 : vector<16xf32> to vector<16xf32>
    tpu.vector_store %arg6[%swap3A_157], %swap3A_160 {strides = array<i32>} : memref<640xf32, #tpu.memory_space<vmem>>, vector<16xf32>,
    %broadcast_in_dim3A_161 = arith.constant 0.000000e+00 : f32
    %broadcast_in_dim3A_162 = vector.broadcast %broadcast_in_dim3A_161 : f32 to vector<16xf32>
    %swap3A_163 = arith.constant 432 : index
    %swap3A_164 = tpu.vector_load %arg6[%swap3A_163] {strides = array<i32>} : memref<640xf32, #tpu.memory_space<vmem>>, vector<16xf32>,
    %swap3A_165 = vector.shape_cast %swap3A_164 : vector<16xf32> to vector<16xf32>
    %swap3A_166 = vector.shape_cast %broadcast_in_dim3A_162 : vector<16xf32> to vector<16xf32>
    tpu.vector_store %arg6[%swap3A_163], %swap3A_166 {strides = array<i32>} : memref<640xf32, #tpu.memory_space<vmem>>, vector<16xf32>,
    %broadcast_in_dim3A_167 = arith.constant 0.000000e+00 : f32
    %broadcast_in_dim3A_168 = vector.broadcast %broadcast_in_dim3A_167 : f32 to vector<16xf32>
    %swap3A_169 = arith.constant 448 : index
    %swap3A_170 = tpu.vector_load %arg6[%swap3A_169] {strides = array<i32>} : memref<640xf32, #tpu.memory_space<vmem>>, vector<16xf32>,
    %swap3A_171 = vector.shape_cast %swap3A_170 : vector<16xf32> to vector<16xf32>
    %swap3A_172 = vector.shape_cast %broadcast_in_dim3A_168 : vector<16xf32> to vector<16xf32>
    tpu.vector_store %arg6[%swap3A_169], %swap3A_172 {strides = array<i32>} : memref<640xf32, #tpu.memory_space<vmem>>, vector<16xf32>,
    %broadcast_in_dim3A_173 = arith.constant 0.000000e+00 : f32
    %broadcast_in_dim3A_174 = vector.broadcast %broadcast_in_dim3A_173 : f32 to vector<16xf32>
    %swap3A_175 = arith.constant 464 : index
    %swap3A_176 = tpu.vector_load %arg6[%swap3A_175] {strides = array<i32>} : memref<640xf32, #tpu.memory_space<vmem>>, vector<16xf32>,
    %swap3A_177 = vector.shape_cast %swap3A_176 : vector<16xf32> to vector<16xf32>
    %swap3A_178 = vector.shape_cast %broadcast_in_dim3A_174 : vector<16xf32> to vector<16xf32>
    tpu.vector_store %arg6[%swap3A_175], %swap3A_178 {strides = array<i32>} : memref<640xf32, #tpu.memory_space<vmem>>, vector<16xf32>,
    %broadcast_in_dim3A_179 = arith.constant 0.000000e+00 : f32
    %broadcast_in_dim3A_180 = vector.broadcast %broadcast_in_dim3A_179 : f32 to vector<16xf32>
    %swap3A_181 = arith.constant 480 : index
    %swap3A_182 = tpu.vector_load %arg6[%swap3A_181] {strides = array<i32>} : memref<640xf32, #tpu.memory_space<vmem>>, vector<16xf32>,
    %swap3A_183 = vector.shape_cast %swap3A_182 : vector<16xf32> to vector<16xf32>
    %swap3A_184 = vector.shape_cast %broadcast_in_dim3A_180 : vector<16xf32> to vector<16xf32>
    tpu.vector_store %arg6[%swap3A_181], %swap3A_184 {strides = array<i32>} : memref<640xf32, #tpu.memory_space<vmem>>, vector<16xf32>,
    %broadcast_in_dim3A_185 = arith.constant 0.000000e+00 : f32
    %broadcast_in_dim3A_186 = vector.broadcast %broadcast_in_dim3A_185 : f32 to vector<16xf32>
    %swap3A_187 = arith.constant 496 : index
    %swap3A_188 = tpu.vector_load %arg6[%swap3A_187] {strides = array<i32>} : memref<640xf32, #tpu.memory_space<vmem>>, vector<16xf32>,
    %swap3A_189 = vector.shape_cast %swap3A_188 : vector<16xf32> to vector<16xf32>
    %swap3A_190 = vector.shape_cast %broadcast_in_dim3A_186 : vector<16xf32> to vector<16xf32>
    tpu.vector_store %arg6[%swap3A_187], %swap3A_190 {strides = array<i32>} : memref<640xf32, #tpu.memory_space<vmem>>, vector<16xf32>,
    %broadcast_in_dim3A_191 = arith.constant 0.000000e+00 : f32
    %broadcast_in_dim3A_192 = vector.broadcast %broadcast_in_dim3A_191 : f32 to vector<16xf32>
    %swap3A_193 = arith.constant 512 : index
    %swap3A_194 = tpu.vector_load %arg6[%swap3A_193] {strides = array<i32>} : memref<640xf32, #tpu.memory_space<vmem>>, vector<16xf32>,
    %swap3A_195 = vector.shape_cast %swap3A_194 : vector<16xf32> to vector<16xf32>
    %swap3A_196 = vector.shape_cast %broadcast_in_dim3A_192 : vector<16xf32> to vector<16xf32>
    tpu.vector_store %arg6[%swap3A_193], %swap3A_196 {strides = array<i32>} : memref<640xf32, #tpu.memory_space<vmem>>, vector<16xf32>,
    %broadcast_in_dim3A_197 = arith.constant 0.000000e+00 : f32
    %broadcast_in_dim3A_198 = vector.broadcast %broadcast_in_dim3A_197 : f32 to vector<16xf32>
    %swap3A_199 = arith.constant 528 : index
    %swap3A_200 = tpu.vector_load %arg6[%swap3A_199] {strides = array<i32>} : memref<640xf32, #tpu.memory_space<vmem>>, vector<16xf32>,
    %swap3A_201 = vector.shape_cast %swap3A_200 : vector<16xf32> to vector<16xf32>
    %swap3A_202 = vector.shape_cast %broadcast_in_dim3A_198 : vector<16xf32> to vector<16xf32>
    tpu.vector_store %arg6[%swap3A_199], %swap3A_202 {strides = array<i32>} : memref<640xf32, #tpu.memory_space<vmem>>, vector<16xf32>,
    %broadcast_in_dim3A_203 = arith.constant 0.000000e+00 : f32
    %broadcast_in_dim3A_204 = vector.broadcast %broadcast_in_dim3A_203 : f32 to vector<16xf32>
    %swap3A_205 = arith.constant 544 : index
    %swap3A_206 = tpu.vector_load %arg6[%swap3A_205] {strides = array<i32>} : memref<640xf32, #tpu.memory_space<vmem>>, vector<16xf32>,
    %swap3A_207 = vector.shape_cast %swap3A_206 : vector<16xf32> to vector<16xf32>
    %swap3A_208 = vector.shape_cast %broadcast_in_dim3A_204 : vector<16xf32> to vector<16xf32>
    tpu.vector_store %arg6[%swap3A_205], %swap3A_208 {strides = array<i32>} : memref<640xf32, #tpu.memory_space<vmem>>, vector<16xf32>,
    %broadcast_in_dim3A_209 = arith.constant 0.000000e+00 : f32
    %broadcast_in_dim3A_210 = vector.broadcast %broadcast_in_dim3A_209 : f32 to vector<16xf32>
    %swap3A_211 = arith.constant 560 : index
    %swap3A_212 = tpu.vector_load %arg6[%swap3A_211] {strides = array<i32>} : memref<640xf32, #tpu.memory_space<vmem>>, vector<16xf32>,
    %swap3A_213 = vector.shape_cast %swap3A_212 : vector<16xf32> to vector<16xf32>
    %swap3A_214 = vector.shape_cast %broadcast_in_dim3A_210 : vector<16xf32> to vector<16xf32>
    tpu.vector_store %arg6[%swap3A_211], %swap3A_214 {strides = array<i32>} : memref<640xf32, #tpu.memory_space<vmem>>, vector<16xf32>,
    %broadcast_in_dim3A_215 = arith.constant 0.000000e+00 : f32
    %broadcast_in_dim3A_216 = vector.broadcast %broadcast_in_dim3A_215 : f32 to vector<16xf32>
    %swap3A_217 = arith.constant 576 : index
    %swap3A_218 = tpu.vector_load %arg6[%swap3A_217] {strides = array<i32>} : memref<640xf32, #tpu.memory_space<vmem>>, vector<16xf32>,
    %swap3A_219 = vector.shape_cast %swap3A_218 : vector<16xf32> to vector<16xf32>
    %swap3A_220 = vector.shape_cast %broadcast_in_dim3A_216 : vector<16xf32> to vector<16xf32>
    tpu.vector_store %arg6[%swap3A_217], %swap3A_220 {strides = array<i32>} : memref<640xf32, #tpu.memory_space<vmem>>, vector<16xf32>,
    %broadcast_in_dim3A_221 = arith.constant 0.000000e+00 : f32
    %broadcast_in_dim3A_222 = vector.broadcast %broadcast_in_dim3A_221 : f32 to vector<16xf32>
    %swap3A_223 = arith.constant 592 : index
    %swap3A_224 = tpu.vector_load %arg6[%swap3A_223] {strides = array<i32>} : memref<640xf32, #tpu.memory_space<vmem>>, vector<16xf32>,
    %swap3A_225 = vector.shape_cast %swap3A_224 : vector<16xf32> to vector<16xf32>
    %swap3A_226 = vector.shape_cast %broadcast_in_dim3A_222 : vector<16xf32> to vector<16xf32>
    tpu.vector_store %arg6[%swap3A_223], %swap3A_226 {strides = array<i32>} : memref<640xf32, #tpu.memory_space<vmem>>, vector<16xf32>,
    %broadcast_in_dim3A_227 = arith.constant 0.000000e+00 : f32
    %broadcast_in_dim3A_228 = vector.broadcast %broadcast_in_dim3A_227 : f32 to vector<16xf32>
    %swap3A_229 = arith.constant 608 : index
    %swap3A_230 = tpu.vector_load %arg6[%swap3A_229] {strides = array<i32>} : memref<640xf32, #tpu.memory_space<vmem>>, vector<16xf32>,
    %swap3A_231 = vector.shape_cast %swap3A_230 : vector<16xf32> to vector<16xf32>
    %swap3A_232 = vector.shape_cast %broadcast_in_dim3A_228 : vector<16xf32> to vector<16xf32>
    tpu.vector_store %arg6[%swap3A_229], %swap3A_232 {strides = array<i32>} : memref<640xf32, #tpu.memory_space<vmem>>, vector<16xf32>,
    %broadcast_in_dim3A_233 = arith.constant 0.000000e+00 : f32
    %broadcast_in_dim3A_234 = vector.broadcast %broadcast_in_dim3A_233 : f32 to vector<16xf32>
    %swap3A_235 = arith.constant 624 : index
    %swap3A_236 = tpu.vector_load %arg6[%swap3A_235] {strides = array<i32>} : memref<640xf32, #tpu.memory_space<vmem>>, vector<16xf32>,
    %swap3A_237 = vector.shape_cast %swap3A_236 : vector<16xf32> to vector<16xf32>
    %swap3A_238 = vector.shape_cast %broadcast_in_dim3A_234 : vector<16xf32> to vector<16xf32>
    tpu.vector_store %arg6[%swap3A_235], %swap3A_238 {strides = array<i32>} : memref<640xf32, #tpu.memory_space<vmem>>, vector<16xf32>,
    %mul3A_239 = arith.constant 640 : i32
    %mul3A_240 = arith.muli %arg1, %mul3A_239 : i32
    "tpu.region"() ({
      %run_scoped3A = tpu.sem_alloc : memref<!tpu.dma_semaphore, #tpu.memory_space<semaphore_mem>>
      %dma_start3A_374 = tpu.memref_slice %arg8[%mul3A_240] : memref<10240xf32, #tpu.memory_space<vmem_shared>> -> memref<640xf32, #tpu.memory_space<vmem_shared>>
      %dma_start3A_375 = tpu.memref_slice %arg8[%mul3A_240] : memref<10240xf32, #tpu.memory_space<vmem_shared>> -> memref<640xf32, #tpu.memory_space<vmem_shared>>
      tpu.enqueue_dma source(%arg6 : memref<640xf32, #tpu.memory_space<vmem>>) target(%dma_start3A_375 : memref<640xf32, #tpu.memory_space<vmem_shared>>) target_semaphore(%run_scoped3A : memref<!tpu.dma_semaphore, #tpu.memory_space<semaphore_mem>>)
      %dma_wait3A_376 = tpu.memref_slice %arg8[%mul3A_240] : memref<10240xf32, #tpu.memory_space<vmem_shared>> -> memref<640xf32, #tpu.memory_space<vmem_shared>>
      %dma_wait3A_377 = tpu.memref_slice %arg8[%mul3A_240] : memref<10240xf32, #tpu.memory_space<vmem_shared>> -> memref<640xf32, #tpu.memory_space<vmem_shared>>
      tpu.wait_dma2 semaphore(%run_scoped3A : memref<!tpu.dma_semaphore, #tpu.memory_space<semaphore_mem>>) src(%arg6 : memref<640xf32, #tpu.memory_space<vmem>>) dst(%dma_wait3A_377 : memref<640xf32, #tpu.memory_space<vmem_shared>>)
      tpu.yield
    }) : () -> ()
    %broadcast_in_dim3A_241 = arith.constant 1.000000e+00 : f32
    %broadcast_in_dim3A_242 = vector.broadcast %broadcast_in_dim3A_241 : f32 to vector<16xf32>
    %swap3A_243 = arith.constant 0 : index
    %swap3A_244 = tpu.vector_load %arg5[%swap3A_243] {strides = array<i32>} : memref<80xf32, #tpu.memory_space<vmem>>, vector<16xf32>,
    %swap3A_245 = vector.shape_cast %swap3A_244 : vector<16xf32> to vector<16xf32>
    %swap3A_246 = vector.shape_cast %broadcast_in_dim3A_242 : vector<16xf32> to vector<16xf32>
    tpu.vector_store %arg5[%swap3A_243], %swap3A_246 {strides = array<i32>} : memref<80xf32, #tpu.memory_space<vmem>>, vector<16xf32>,
    %broadcast_in_dim3A_247 = arith.constant 1.000000e+00 : f32
    %broadcast_in_dim3A_248 = vector.broadcast %broadcast_in_dim3A_247 : f32 to vector<16xf32>
    %swap3A_249 = arith.constant 16 : index
    %swap3A_250 = tpu.vector_load %arg5[%swap3A_249] {strides = array<i32>} : memref<80xf32, #tpu.memory_space<vmem>>, vector<16xf32>,
    %swap3A_251 = vector.shape_cast %swap3A_250 : vector<16xf32> to vector<16xf32>
    %swap3A_252 = vector.shape_cast %broadcast_in_dim3A_248 : vector<16xf32> to vector<16xf32>
    tpu.vector_store %arg5[%swap3A_249], %swap3A_252 {strides = array<i32>} : memref<80xf32, #tpu.memory_space<vmem>>, vector<16xf32>,
    %broadcast_in_dim3A_253 = arith.constant 1.000000e+00 : f32
    %broadcast_in_dim3A_254 = vector.broadcast %broadcast_in_dim3A_253 : f32 to vector<16xf32>
    %swap3A_255 = arith.constant 32 : index
    %swap3A_256 = tpu.vector_load %arg5[%swap3A_255] {strides = array<i32>} : memref<80xf32, #tpu.memory_space<vmem>>, vector<16xf32>,
    %swap3A_257 = vector.shape_cast %swap3A_256 : vector<16xf32> to vector<16xf32>
    %swap3A_258 = vector.shape_cast %broadcast_in_dim3A_254 : vector<16xf32> to vector<16xf32>
    tpu.vector_store %arg5[%swap3A_255], %swap3A_258 {strides = array<i32>} : memref<80xf32, #tpu.memory_space<vmem>>, vector<16xf32>,
    %broadcast_in_dim3A_259 = arith.constant 1.000000e+00 : f32
    %broadcast_in_dim3A_260 = vector.broadcast %broadcast_in_dim3A_259 : f32 to vector<16xf32>
    %swap3A_261 = arith.constant 48 : index
    %swap3A_262 = tpu.vector_load %arg5[%swap3A_261] {strides = array<i32>} : memref<80xf32, #tpu.memory_space<vmem>>, vector<16xf32>,
    %swap3A_263 = vector.shape_cast %swap3A_262 : vector<16xf32> to vector<16xf32>
    %swap3A_264 = vector.shape_cast %broadcast_in_dim3A_260 : vector<16xf32> to vector<16xf32>
    tpu.vector_store %arg5[%swap3A_261], %swap3A_264 {strides = array<i32>} : memref<80xf32, #tpu.memory_space<vmem>>, vector<16xf32>,
    %broadcast_in_dim3A_265 = arith.constant 1.000000e+00 : f32
    %broadcast_in_dim3A_266 = vector.broadcast %broadcast_in_dim3A_265 : f32 to vector<16xf32>
    %swap3A_267 = arith.constant 64 : index
    %swap3A_268 = tpu.vector_load %arg5[%swap3A_267] {strides = array<i32>} : memref<80xf32, #tpu.memory_space<vmem>>, vector<16xf32>,
    %swap3A_269 = vector.shape_cast %swap3A_268 : vector<16xf32> to vector<16xf32>
    %swap3A_270 = vector.shape_cast %broadcast_in_dim3A_266 : vector<16xf32> to vector<16xf32>
    tpu.vector_store %arg5[%swap3A_267], %swap3A_270 {strides = array<i32>} : memref<80xf32, #tpu.memory_space<vmem>>, vector<16xf32>,
    %barrier3A = arith.constant 0 : index
    tpu.barrier barrier_id(%barrier3A)
    "tpu.region"() ({
      %run_scoped3A = tpu.sem_alloc : memref<!tpu.dma_semaphore, #tpu.memory_space<semaphore_mem>>
      %dma_start3A_374 = arith.constant 0 : i32
      %dma_start3A_375 = arith.constant 0 : i32
      %dma_start3A_376 = tpu.memref_slice %arg2[%add3A, %dma_start3A_374, %dma_start3A_375] : memref<32x125x80xi32, #tpu.memory_space<hbm>> -> memref<1x125x80xi32, #tpu.memory_space<hbm>>
      %dma_start3A_377 = tpu.memref_squeeze %dma_start3A_376 : memref<1x125x80xi32, #tpu.memory_space<hbm>> -> memref<125x80xi32, #tpu.memory_space<hbm>>
      %dma_start3A_378 = arith.constant 0 : i32
      %dma_start3A_379 = arith.constant 0 : i32
      %dma_start3A_380 = tpu.memref_slice %arg2[%add3A, %dma_start3A_378, %dma_start3A_379] : memref<32x125x80xi32, #tpu.memory_space<hbm>> -> memref<1x125x80xi32, #tpu.memory_space<hbm>>
      %dma_start3A_381 = tpu.memref_squeeze %dma_start3A_380 : memref<1x125x80xi32, #tpu.memory_space<hbm>> -> memref<125x80xi32, #tpu.memory_space<hbm>>
      tpu.enqueue_dma source(%dma_start3A_381 : memref<125x80xi32, #tpu.memory_space<hbm>>) target(%arg4 : memref<125x80xi32, #tpu.memory_space<vmem>>) target_semaphore(%run_scoped3A : memref<!tpu.dma_semaphore, #tpu.memory_space<semaphore_mem>>)
      %dma_wait3A_382 = arith.constant 0 : i32
      %dma_wait3A_383 = arith.constant 0 : i32
      %dma_wait3A_384 = tpu.memref_slice %arg2[%add3A, %dma_wait3A_382, %dma_wait3A_383] : memref<32x125x80xi32, #tpu.memory_space<hbm>> -> memref<1x125x80xi32, #tpu.memory_space<hbm>>
      %dma_wait3A_385 = tpu.memref_squeeze %dma_wait3A_384 : memref<1x125x80xi32, #tpu.memory_space<hbm>> -> memref<125x80xi32, #tpu.memory_space<hbm>>
      %dma_wait3A_386 = arith.constant 0 : i32
      %dma_wait3A_387 = arith.constant 0 : i32
      %dma_wait3A_388 = tpu.memref_slice %arg2[%add3A, %dma_wait3A_386, %dma_wait3A_387] : memref<32x125x80xi32, #tpu.memory_space<hbm>> -> memref<1x125x80xi32, #tpu.memory_space<hbm>>
      %dma_wait3A_389 = tpu.memref_squeeze %dma_wait3A_388 : memref<1x125x80xi32, #tpu.memory_space<hbm>> -> memref<125x80xi32, #tpu.memory_space<hbm>>
      tpu.wait_dma2 semaphore(%run_scoped3A : memref<!tpu.dma_semaphore, #tpu.memory_space<semaphore_mem>>) src(%dma_wait3A_389 : memref<125x80xi32, #tpu.memory_space<hbm>>) dst(%arg4 : memref<125x80xi32, #tpu.memory_space<vmem>>)
      tpu.yield
    }) : () -> ()
    %dma_start3A = arith.constant 0 : i32
    %dma_start3A_271 = arith.constant 0 : i32
    %dma_start3A_272 = arith.constant 0 : i32
    %dma_start3A_273 = tpu.memref_slice %arg4[%dma_start3A, %dma_start3A_272] : memref<125x80xi32, #tpu.memory_space<vmem>> -> memref<1x80xi32, #tpu.memory_space<vmem>>
    %dma_start3A_274 = tpu.memref_squeeze %dma_start3A_273 : memref<1x80xi32, #tpu.memory_space<vmem>> -> memref<80xi32, #tpu.memory_space<vmem>>
    %dma_start3A_275 = arith.constant 0 : i32
    %dma_start3A_276 = tpu.memref_slice %arg8[%dma_start3A_275] : memref<10240xf32, #tpu.memory_space<vmem_shared>> -> memref<10240xf32, #tpu.memory_space<vmem_shared>>
    %dma_start3A_277 = tpu.memref_slice %arg7[%dma_start3A_271] : memref<5x!tpu.dma_semaphore, #tpu.memory_space<semaphore_mem>> -> memref<1x!tpu.dma_semaphore, #tpu.memory_space<semaphore_mem>>
    %dma_start3A_278 = tpu.memref_squeeze %dma_start3A_277 : memref<1x!tpu.dma_semaphore, #tpu.memory_space<semaphore_mem>> -> memref<!tpu.dma_semaphore, #tpu.memory_space<semaphore_mem>>
    tpu.enqueue_indirect_dma source(%arg5 : memref<80xf32, #tpu.memory_space<vmem>>) target(%dma_start3A_276 : memref<10240xf32, #tpu.memory_space<vmem_shared>>) offsets(%dma_start3A_274 : memref<80xi32, #tpu.memory_space<vmem>>) semaphore(%dma_start3A_278 : memref<!tpu.dma_semaphore, #tpu.memory_space<semaphore_mem>>) {add = true}
    %dma_start3A_279 = arith.constant 1 : i32
    %dma_start3A_280 = arith.constant 1 : i32
    %dma_start3A_281 = arith.constant 0 : i32
    %dma_start3A_282 = tpu.memref_slice %arg4[%dma_start3A_279, %dma_start3A_281] : memref<125x80xi32, #tpu.memory_space<vmem>> -> memref<1x80xi32, #tpu.memory_space<vmem>>
    %dma_start3A_283 = tpu.memref_squeeze %dma_start3A_282 : memref<1x80xi32, #tpu.memory_space<vmem>> -> memref<80xi32, #tpu.memory_space<vmem>>
    %dma_start3A_284 = arith.constant 0 : i32
    %dma_start3A_285 = tpu.memref_slice %arg8[%dma_start3A_284] : memref<10240xf32, #tpu.memory_space<vmem_shared>> -> memref<10240xf32, #tpu.memory_space<vmem_shared>>
    %dma_start3A_286 = tpu.memref_slice %arg7[%dma_start3A_280] : memref<5x!tpu.dma_semaphore, #tpu.memory_space<semaphore_mem>> -> memref<1x!tpu.dma_semaphore, #tpu.memory_space<semaphore_mem>>
    %dma_start3A_287 = tpu.memref_squeeze %dma_start3A_286 : memref<1x!tpu.dma_semaphore, #tpu.memory_space<semaphore_mem>> -> memref<!tpu.dma_semaphore, #tpu.memory_space<semaphore_mem>>
    tpu.enqueue_indirect_dma source(%arg5 : memref<80xf32, #tpu.memory_space<vmem>>) target(%dma_start3A_285 : memref<10240xf32, #tpu.memory_space<vmem_shared>>) offsets(%dma_start3A_283 : memref<80xi32, #tpu.memory_space<vmem>>) semaphore(%dma_start3A_287 : memref<!tpu.dma_semaphore, #tpu.memory_space<semaphore_mem>>) {add = true}
    %dma_start3A_288 = arith.constant 2 : i32
    %dma_start3A_289 = arith.constant 2 : i32
    %dma_start3A_290 = arith.constant 0 : i32
    %dma_start3A_291 = tpu.memref_slice %arg4[%dma_start3A_288, %dma_start3A_290] : memref<125x80xi32, #tpu.memory_space<vmem>> -> memref<1x80xi32, #tpu.memory_space<vmem>>
    %dma_start3A_292 = tpu.memref_squeeze %dma_start3A_291 : memref<1x80xi32, #tpu.memory_space<vmem>> -> memref<80xi32, #tpu.memory_space<vmem>>
    %dma_start3A_293 = arith.constant 0 : i32
    %dma_start3A_294 = tpu.memref_slice %arg8[%dma_start3A_293] : memref<10240xf32, #tpu.memory_space<vmem_shared>> -> memref<10240xf32, #tpu.memory_space<vmem_shared>>
    %dma_start3A_295 = tpu.memref_slice %arg7[%dma_start3A_289] : memref<5x!tpu.dma_semaphore, #tpu.memory_space<semaphore_mem>> -> memref<1x!tpu.dma_semaphore, #tpu.memory_space<semaphore_mem>>
    %dma_start3A_296 = tpu.memref_squeeze %dma_start3A_295 : memref<1x!tpu.dma_semaphore, #tpu.memory_space<semaphore_mem>> -> memref<!tpu.dma_semaphore, #tpu.memory_space<semaphore_mem>>
    tpu.enqueue_indirect_dma source(%arg5 : memref<80xf32, #tpu.memory_space<vmem>>) target(%dma_start3A_294 : memref<10240xf32, #tpu.memory_space<vmem_shared>>) offsets(%dma_start3A_292 : memref<80xi32, #tpu.memory_space<vmem>>) semaphore(%dma_start3A_296 : memref<!tpu.dma_semaphore, #tpu.memory_space<semaphore_mem>>) {add = true}
    %dma_start3A_297 = arith.constant 3 : i32
    %dma_start3A_298 = arith.constant 3 : i32
    %dma_start3A_299 = arith.constant 0 : i32
    %dma_start3A_300 = tpu.memref_slice %arg4[%dma_start3A_297, %dma_start3A_299] : memref<125x80xi32, #tpu.memory_space<vmem>> -> memref<1x80xi32, #tpu.memory_space<vmem>>
    %dma_start3A_301 = tpu.memref_squeeze %dma_start3A_300 : memref<1x80xi32, #tpu.memory_space<vmem>> -> memref<80xi32, #tpu.memory_space<vmem>>
    %dma_start3A_302 = arith.constant 0 : i32
    %dma_start3A_303 = tpu.memref_slice %arg8[%dma_start3A_302] : memref<10240xf32, #tpu.memory_space<vmem_shared>> -> memref<10240xf32, #tpu.memory_space<vmem_shared>>
    %dma_start3A_304 = tpu.memref_slice %arg7[%dma_start3A_298] : memref<5x!tpu.dma_semaphore, #tpu.memory_space<semaphore_mem>> -> memref<1x!tpu.dma_semaphore, #tpu.memory_space<semaphore_mem>>
    %dma_start3A_305 = tpu.memref_squeeze %dma_start3A_304 : memref<1x!tpu.dma_semaphore, #tpu.memory_space<semaphore_mem>> -> memref<!tpu.dma_semaphore, #tpu.memory_space<semaphore_mem>>
    tpu.enqueue_indirect_dma source(%arg5 : memref<80xf32, #tpu.memory_space<vmem>>) target(%dma_start3A_303 : memref<10240xf32, #tpu.memory_space<vmem_shared>>) offsets(%dma_start3A_301 : memref<80xi32, #tpu.memory_space<vmem>>) semaphore(%dma_start3A_305 : memref<!tpu.dma_semaphore, #tpu.memory_space<semaphore_mem>>) {add = true}
    %dma_start3A_306 = arith.constant 4 : i32
    %dma_start3A_307 = arith.constant 4 : i32
    %dma_start3A_308 = arith.constant 0 : i32
    %dma_start3A_309 = tpu.memref_slice %arg4[%dma_start3A_306, %dma_start3A_308] : memref<125x80xi32, #tpu.memory_space<vmem>> -> memref<1x80xi32, #tpu.memory_space<vmem>>
    %dma_start3A_310 = tpu.memref_squeeze %dma_start3A_309 : memref<1x80xi32, #tpu.memory_space<vmem>> -> memref<80xi32, #tpu.memory_space<vmem>>
    %dma_start3A_311 = arith.constant 0 : i32
    %dma_start3A_312 = tpu.memref_slice %arg8[%dma_start3A_311] : memref<10240xf32, #tpu.memory_space<vmem_shared>> -> memref<10240xf32, #tpu.memory_space<vmem_shared>>
    %dma_start3A_313 = tpu.memref_slice %arg7[%dma_start3A_307] : memref<5x!tpu.dma_semaphore, #tpu.memory_space<semaphore_mem>> -> memref<1x!tpu.dma_semaphore, #tpu.memory_space<semaphore_mem>>
    %dma_start3A_314 = tpu.memref_squeeze %dma_start3A_313 : memref<1x!tpu.dma_semaphore, #tpu.memory_space<semaphore_mem>> -> memref<!tpu.dma_semaphore, #tpu.memory_space<semaphore_mem>>
    tpu.enqueue_indirect_dma source(%arg5 : memref<80xf32, #tpu.memory_space<vmem>>) target(%dma_start3A_312 : memref<10240xf32, #tpu.memory_space<vmem_shared>>) offsets(%dma_start3A_310 : memref<80xi32, #tpu.memory_space<vmem>>) semaphore(%dma_start3A_314 : memref<!tpu.dma_semaphore, #tpu.memory_space<semaphore_mem>>) {add = true}
    %scan3A = arith.constant 0 : i32
    %scan3A_315 = arith.constant 1 : i32
    %scan3A_316 = arith.constant 24 : i32
    %scan3A_317 = arith.addi %scan3A_315, %scan3A_316 : i32
    %scan3A_318 = arith.constant 1 : i32
    scf.for %scan3A_374 = %scan3A_315 to %scan3A_317 step %scan3A_318  : i32 {
      %dma_wait3A_375 = arith.constant 0 : i32
      %dma_wait3A_376 = arith.constant 0 : i32
      %dma_wait3A_377 = arith.constant 0 : i32
      %dma_wait3A_378 = tpu.memref_slice %arg3[%dma_wait3A_375, %dma_wait3A_377] : memref<2x10240xf32, #tpu.memory_space<hbm>> -> memref<1x80xf32, #tpu.memory_space<hbm>>
      %dma_wait3A_379 = tpu.memref_squeeze %dma_wait3A_378 : memref<1x80xf32, #tpu.memory_space<hbm>> -> memref<80xf32, #tpu.memory_space<hbm>>
      %dma_wait3A_380 = tpu.memref_slice %arg7[%dma_wait3A_376] : memref<5x!tpu.dma_semaphore, #tpu.memory_space<semaphore_mem>> -> memref<1x!tpu.dma_semaphore, #tpu.memory_space<semaphore_mem>>
      %dma_wait3A_381 = tpu.memref_squeeze %dma_wait3A_380 : memref<1x!tpu.dma_semaphore, #tpu.memory_space<semaphore_mem>> -> memref<!tpu.dma_semaphore, #tpu.memory_space<semaphore_mem>>
      %dma_wait3A_382 = arith.constant 0 : i32
      %dma_wait3A_383 = tpu.memref_slice %arg3[%dma_wait3A_375, %dma_wait3A_382] : memref<2x10240xf32, #tpu.memory_space<hbm>> -> memref<1x80xf32, #tpu.memory_space<hbm>>
      %dma_wait3A_384 = tpu.memref_squeeze %dma_wait3A_383 : memref<1x80xf32, #tpu.memory_space<hbm>> -> memref<80xf32, #tpu.memory_space<hbm>>
      tpu.wait_dma2 semaphore(%dma_wait3A_381 : memref<!tpu.dma_semaphore, #tpu.memory_space<semaphore_mem>>) src(%dma_wait3A_384 : memref<80xf32, #tpu.memory_space<hbm>>) dst(%arg5 : memref<80xf32, #tpu.memory_space<vmem>>)
      %mul3A_385 = arith.constant 5 : i32
      %mul3A_386 = arith.muli %scan3A_374, %mul3A_385 : i32
      %add3A_387 = arith.constant 0 : i32
      %add3A_388 = arith.addi %mul3A_386, %add3A_387 : i32
      %dma_start3A_389 = arith.constant 0 : i32
      %dma_start3A_390 = arith.constant 0 : i32
      %dma_start3A_391 = tpu.memref_slice %arg4[%add3A_388, %dma_start3A_390] : memref<125x80xi32, #tpu.memory_space<vmem>> -> memref<1x80xi32, #tpu.memory_space<vmem>>
      %dma_start3A_392 = tpu.memref_squeeze %dma_start3A_391 : memref<1x80xi32, #tpu.memory_space<vmem>> -> memref<80xi32, #tpu.memory_space<vmem>>
      %dma_start3A_393 = arith.constant 0 : i32
      %dma_start3A_394 = tpu.memref_slice %arg8[%dma_start3A_393] : memref<10240xf32, #tpu.memory_space<vmem_shared>> -> memref<10240xf32, #tpu.memory_space<vmem_shared>>
      %dma_start3A_395 = tpu.memref_slice %arg7[%dma_start3A_389] : memref<5x!tpu.dma_semaphore, #tpu.memory_space<semaphore_mem>> -> memref<1x!tpu.dma_semaphore, #tpu.memory_space<semaphore_mem>>
      %dma_start3A_396 = tpu.memref_squeeze %dma_start3A_395 : memref<1x!tpu.dma_semaphore, #tpu.memory_space<semaphore_mem>> -> memref<!tpu.dma_semaphore, #tpu.memory_space<semaphore_mem>>
      tpu.enqueue_indirect_dma source(%arg5 : memref<80xf32, #tpu.memory_space<vmem>>) target(%dma_start3A_394 : memref<10240xf32, #tpu.memory_space<vmem_shared>>) offsets(%dma_start3A_392 : memref<80xi32, #tpu.memory_space<vmem>>) semaphore(%dma_start3A_396 : memref<!tpu.dma_semaphore, #tpu.memory_space<semaphore_mem>>) {add = true}
      %dma_wait3A_397 = arith.constant 0 : i32
      %dma_wait3A_398 = arith.constant 1 : i32
      %dma_wait3A_399 = arith.constant 0 : i32
      %dma_wait3A_400 = tpu.memref_slice %arg3[%dma_wait3A_397, %dma_wait3A_399] : memref<2x10240xf32, #tpu.memory_space<hbm>> -> memref<1x80xf32, #tpu.memory_space<hbm>>
      %dma_wait3A_401 = tpu.memref_squeeze %dma_wait3A_400 : memref<1x80xf32, #tpu.memory_space<hbm>> -> memref<80xf32, #tpu.memory_space<hbm>>
      %dma_wait3A_402 = tpu.memref_slice %arg7[%dma_wait3A_398] : memref<5x!tpu.dma_semaphore, #tpu.memory_space<semaphore_mem>> -> memref<1x!tpu.dma_semaphore, #tpu.memory_space<semaphore_mem>>
      %dma_wait3A_403 = tpu.memref_squeeze %dma_wait3A_402 : memref<1x!tpu.dma_semaphore, #tpu.memory_space<semaphore_mem>> -> memref<!tpu.dma_semaphore, #tpu.memory_space<semaphore_mem>>
      %dma_wait3A_404 = arith.constant 0 : i32
      %dma_wait3A_405 = tpu.memref_slice %arg3[%dma_wait3A_397, %dma_wait3A_404] : memref<2x10240xf32, #tpu.memory_space<hbm>> -> memref<1x80xf32, #tpu.memory_space<hbm>>
      %dma_wait3A_406 = tpu.memref_squeeze %dma_wait3A_405 : memref<1x80xf32, #tpu.memory_space<hbm>> -> memref<80xf32, #tpu.memory_space<hbm>>
      tpu.wait_dma2 semaphore(%dma_wait3A_403 : memref<!tpu.dma_semaphore, #tpu.memory_space<semaphore_mem>>) src(%dma_wait3A_406 : memref<80xf32, #tpu.memory_space<hbm>>) dst(%arg5 : memref<80xf32, #tpu.memory_space<vmem>>)
      %mul3A_407 = arith.constant 5 : i32
      %mul3A_408 = arith.muli %scan3A_374, %mul3A_407 : i32
      %add3A_409 = arith.constant 1 : i32
      %add3A_410 = arith.addi %mul3A_408, %add3A_409 : i32
      %dma_start3A_411 = arith.constant 1 : i32
      %dma_start3A_412 = arith.constant 0 : i32
      %dma_start3A_413 = tpu.memref_slice %arg4[%add3A_410, %dma_start3A_412] : memref<125x80xi32, #tpu.memory_space<vmem>> -> memref<1x80xi32, #tpu.memory_space<vmem>>
      %dma_start3A_414 = tpu.memref_squeeze %dma_start3A_413 : memref<1x80xi32, #tpu.memory_space<vmem>> -> memref<80xi32, #tpu.memory_space<vmem>>
      %dma_start3A_415 = arith.constant 0 : i32
      %dma_start3A_416 = tpu.memref_slice %arg8[%dma_start3A_415] : memref<10240xf32, #tpu.memory_space<vmem_shared>> -> memref<10240xf32, #tpu.memory_space<vmem_shared>>
      %dma_start3A_417 = tpu.memref_slice %arg7[%dma_start3A_411] : memref<5x!tpu.dma_semaphore, #tpu.memory_space<semaphore_mem>> -> memref<1x!tpu.dma_semaphore, #tpu.memory_space<semaphore_mem>>
      %dma_start3A_418 = tpu.memref_squeeze %dma_start3A_417 : memref<1x!tpu.dma_semaphore, #tpu.memory_space<semaphore_mem>> -> memref<!tpu.dma_semaphore, #tpu.memory_space<semaphore_mem>>
      tpu.enqueue_indirect_dma source(%arg5 : memref<80xf32, #tpu.memory_space<vmem>>) target(%dma_start3A_416 : memref<10240xf32, #tpu.memory_space<vmem_shared>>) offsets(%dma_start3A_414 : memref<80xi32, #tpu.memory_space<vmem>>) semaphore(%dma_start3A_418 : memref<!tpu.dma_semaphore, #tpu.memory_space<semaphore_mem>>) {add = true}
      %dma_wait3A_419 = arith.constant 0 : i32
      %dma_wait3A_420 = arith.constant 2 : i32
      %dma_wait3A_421 = arith.constant 0 : i32
      %dma_wait3A_422 = tpu.memref_slice %arg3[%dma_wait3A_419, %dma_wait3A_421] : memref<2x10240xf32, #tpu.memory_space<hbm>> -> memref<1x80xf32, #tpu.memory_space<hbm>>
      %dma_wait3A_423 = tpu.memref_squeeze %dma_wait3A_422 : memref<1x80xf32, #tpu.memory_space<hbm>> -> memref<80xf32, #tpu.memory_space<hbm>>
      %dma_wait3A_424 = tpu.memref_slice %arg7[%dma_wait3A_420] : memref<5x!tpu.dma_semaphore, #tpu.memory_space<semaphore_mem>> -> memref<1x!tpu.dma_semaphore, #tpu.memory_space<semaphore_mem>>
      %dma_wait3A_425 = tpu.memref_squeeze %dma_wait3A_424 : memref<1x!tpu.dma_semaphore, #tpu.memory_space<semaphore_mem>> -> memref<!tpu.dma_semaphore, #tpu.memory_space<semaphore_mem>>
      %dma_wait3A_426 = arith.constant 0 : i32
      %dma_wait3A_427 = tpu.memref_slice %arg3[%dma_wait3A_419, %dma_wait3A_426] : memref<2x10240xf32, #tpu.memory_space<hbm>> -> memref<1x80xf32, #tpu.memory_space<hbm>>
      %dma_wait3A_428 = tpu.memref_squeeze %dma_wait3A_427 : memref<1x80xf32, #tpu.memory_space<hbm>> -> memref<80xf32, #tpu.memory_space<hbm>>
      tpu.wait_dma2 semaphore(%dma_wait3A_425 : memref<!tpu.dma_semaphore, #tpu.memory_space<semaphore_mem>>) src(%dma_wait3A_428 : memref<80xf32, #tpu.memory_space<hbm>>) dst(%arg5 : memref<80xf32, #tpu.memory_space<vmem>>)
      %mul3A_429 = arith.constant 5 : i32
      %mul3A_430 = arith.muli %scan3A_374, %mul3A_429 : i32
      %add3A_431 = arith.constant 2 : i32
      %add3A_432 = arith.addi %mul3A_430, %add3A_431 : i32
      %dma_start3A_433 = arith.constant 2 : i32
      %dma_start3A_434 = arith.constant 0 : i32
      %dma_start3A_435 = tpu.memref_slice %arg4[%add3A_432, %dma_start3A_434] : memref<125x80xi32, #tpu.memory_space<vmem>> -> memref<1x80xi32, #tpu.memory_space<vmem>>
      %dma_start3A_436 = tpu.memref_squeeze %dma_start3A_435 : memref<1x80xi32, #tpu.memory_space<vmem>> -> memref<80xi32, #tpu.memory_space<vmem>>
      %dma_start3A_437 = arith.constant 0 : i32
      %dma_start3A_438 = tpu.memref_slice %arg8[%dma_start3A_437] : memref<10240xf32, #tpu.memory_space<vmem_shared>> -> memref<10240xf32, #tpu.memory_space<vmem_shared>>
      %dma_start3A_439 = tpu.memref_slice %arg7[%dma_start3A_433] : memref<5x!tpu.dma_semaphore, #tpu.memory_space<semaphore_mem>> -> memref<1x!tpu.dma_semaphore, #tpu.memory_space<semaphore_mem>>
      %dma_start3A_440 = tpu.memref_squeeze %dma_start3A_439 : memref<1x!tpu.dma_semaphore, #tpu.memory_space<semaphore_mem>> -> memref<!tpu.dma_semaphore, #tpu.memory_space<semaphore_mem>>
      tpu.enqueue_indirect_dma source(%arg5 : memref<80xf32, #tpu.memory_space<vmem>>) target(%dma_start3A_438 : memref<10240xf32, #tpu.memory_space<vmem_shared>>) offsets(%dma_start3A_436 : memref<80xi32, #tpu.memory_space<vmem>>) semaphore(%dma_start3A_440 : memref<!tpu.dma_semaphore, #tpu.memory_space<semaphore_mem>>) {add = true}
      %dma_wait3A_441 = arith.constant 0 : i32
      %dma_wait3A_442 = arith.constant 3 : i32
      %dma_wait3A_443 = arith.constant 0 : i32
      %dma_wait3A_444 = tpu.memref_slice %arg3[%dma_wait3A_441, %dma_wait3A_443] : memref<2x10240xf32, #tpu.memory_space<hbm>> -> memref<1x80xf32, #tpu.memory_space<hbm>>
      %dma_wait3A_445 = tpu.memref_squeeze %dma_wait3A_444 : memref<1x80xf32, #tpu.memory_space<hbm>> -> memref<80xf32, #tpu.memory_space<hbm>>
      %dma_wait3A_446 = tpu.memref_slice %arg7[%dma_wait3A_442] : memref<5x!tpu.dma_semaphore, #tpu.memory_space<semaphore_mem>> -> memref<1x!tpu.dma_semaphore, #tpu.memory_space<semaphore_mem>>
      %dma_wait3A_447 = tpu.memref_squeeze %dma_wait3A_446 : memref<1x!tpu.dma_semaphore, #tpu.memory_space<semaphore_mem>> -> memref<!tpu.dma_semaphore, #tpu.memory_space<semaphore_mem>>
      %dma_wait3A_448 = arith.constant 0 : i32
      %dma_wait3A_449 = tpu.memref_slice %arg3[%dma_wait3A_441, %dma_wait3A_448] : memref<2x10240xf32, #tpu.memory_space<hbm>> -> memref<1x80xf32, #tpu.memory_space<hbm>>
      %dma_wait3A_450 = tpu.memref_squeeze %dma_wait3A_449 : memref<1x80xf32, #tpu.memory_space<hbm>> -> memref<80xf32, #tpu.memory_space<hbm>>
      tpu.wait_dma2 semaphore(%dma_wait3A_447 : memref<!tpu.dma_semaphore, #tpu.memory_space<semaphore_mem>>) src(%dma_wait3A_450 : memref<80xf32, #tpu.memory_space<hbm>>) dst(%arg5 : memref<80xf32, #tpu.memory_space<vmem>>)
      %mul3A_451 = arith.constant 5 : i32
      %mul3A_452 = arith.muli %scan3A_374, %mul3A_451 : i32
      %add3A_453 = arith.constant 3 : i32
      %add3A_454 = arith.addi %mul3A_452, %add3A_453 : i32
      %dma_start3A_455 = arith.constant 3 : i32
      %dma_start3A_456 = arith.constant 0 : i32
      %dma_start3A_457 = tpu.memref_slice %arg4[%add3A_454, %dma_start3A_456] : memref<125x80xi32, #tpu.memory_space<vmem>> -> memref<1x80xi32, #tpu.memory_space<vmem>>
      %dma_start3A_458 = tpu.memref_squeeze %dma_start3A_457 : memref<1x80xi32, #tpu.memory_space<vmem>> -> memref<80xi32, #tpu.memory_space<vmem>>
      %dma_start3A_459 = arith.constant 0 : i32
      %dma_start3A_460 = tpu.memref_slice %arg8[%dma_start3A_459] : memref<10240xf32, #tpu.memory_space<vmem_shared>> -> memref<10240xf32, #tpu.memory_space<vmem_shared>>
      %dma_start3A_461 = tpu.memref_slice %arg7[%dma_start3A_455] : memref<5x!tpu.dma_semaphore, #tpu.memory_space<semaphore_mem>> -> memref<1x!tpu.dma_semaphore, #tpu.memory_space<semaphore_mem>>
      %dma_start3A_462 = tpu.memref_squeeze %dma_start3A_461 : memref<1x!tpu.dma_semaphore, #tpu.memory_space<semaphore_mem>> -> memref<!tpu.dma_semaphore, #tpu.memory_space<semaphore_mem>>
      tpu.enqueue_indirect_dma source(%arg5 : memref<80xf32, #tpu.memory_space<vmem>>) target(%dma_start3A_460 : memref<10240xf32, #tpu.memory_space<vmem_shared>>) offsets(%dma_start3A_458 : memref<80xi32, #tpu.memory_space<vmem>>) semaphore(%dma_start3A_462 : memref<!tpu.dma_semaphore, #tpu.memory_space<semaphore_mem>>) {add = true}
      %dma_wait3A_463 = arith.constant 0 : i32
      %dma_wait3A_464 = arith.constant 4 : i32
      %dma_wait3A_465 = arith.constant 0 : i32
      %dma_wait3A_466 = tpu.memref_slice %arg3[%dma_wait3A_463, %dma_wait3A_465] : memref<2x10240xf32, #tpu.memory_space<hbm>> -> memref<1x80xf32, #tpu.memory_space<hbm>>
      %dma_wait3A_467 = tpu.memref_squeeze %dma_wait3A_466 : memref<1x80xf32, #tpu.memory_space<hbm>> -> memref<80xf32, #tpu.memory_space<hbm>>
      %dma_wait3A_468 = tpu.memref_slice %arg7[%dma_wait3A_464] : memref<5x!tpu.dma_semaphore, #tpu.memory_space<semaphore_mem>> -> memref<1x!tpu.dma_semaphore, #tpu.memory_space<semaphore_mem>>
      %dma_wait3A_469 = tpu.memref_squeeze %dma_wait3A_468 : memref<1x!tpu.dma_semaphore, #tpu.memory_space<semaphore_mem>> -> memref<!tpu.dma_semaphore, #tpu.memory_space<semaphore_mem>>
      %dma_wait3A_470 = arith.constant 0 : i32
      %dma_wait3A_471 = tpu.memref_slice %arg3[%dma_wait3A_463, %dma_wait3A_470] : memref<2x10240xf32, #tpu.memory_space<hbm>> -> memref<1x80xf32, #tpu.memory_space<hbm>>
      %dma_wait3A_472 = tpu.memref_squeeze %dma_wait3A_471 : memref<1x80xf32, #tpu.memory_space<hbm>> -> memref<80xf32, #tpu.memory_space<hbm>>
      tpu.wait_dma2 semaphore(%dma_wait3A_469 : memref<!tpu.dma_semaphore, #tpu.memory_space<semaphore_mem>>) src(%dma_wait3A_472 : memref<80xf32, #tpu.memory_space<hbm>>) dst(%arg5 : memref<80xf32, #tpu.memory_space<vmem>>)
      %mul3A_473 = arith.constant 5 : i32
      %mul3A_474 = arith.muli %scan3A_374, %mul3A_473 : i32
      %add3A_475 = arith.constant 4 : i32
      %add3A_476 = arith.addi %mul3A_474, %add3A_475 : i32
      %dma_start3A_477 = arith.constant 4 : i32
      %dma_start3A_478 = arith.constant 0 : i32
      %dma_start3A_479 = tpu.memref_slice %arg4[%add3A_476, %dma_start3A_478] : memref<125x80xi32, #tpu.memory_space<vmem>> -> memref<1x80xi32, #tpu.memory_space<vmem>>
      %dma_start3A_480 = tpu.memref_squeeze %dma_start3A_479 : memref<1x80xi32, #tpu.memory_space<vmem>> -> memref<80xi32, #tpu.memory_space<vmem>>
      %dma_start3A_481 = arith.constant 0 : i32
      %dma_start3A_482 = tpu.memref_slice %arg8[%dma_start3A_481] : memref<10240xf32, #tpu.memory_space<vmem_shared>> -> memref<10240xf32, #tpu.memory_space<vmem_shared>>
      %dma_start3A_483 = tpu.memref_slice %arg7[%dma_start3A_477] : memref<5x!tpu.dma_semaphore, #tpu.memory_space<semaphore_mem>> -> memref<1x!tpu.dma_semaphore, #tpu.memory_space<semaphore_mem>>
      %dma_start3A_484 = tpu.memref_squeeze %dma_start3A_483 : memref<1x!tpu.dma_semaphore, #tpu.memory_space<semaphore_mem>> -> memref<!tpu.dma_semaphore, #tpu.memory_space<semaphore_mem>>
      tpu.enqueue_indirect_dma source(%arg5 : memref<80xf32, #tpu.memory_space<vmem>>) target(%dma_start3A_482 : memref<10240xf32, #tpu.memory_space<vmem_shared>>) offsets(%dma_start3A_480 : memref<80xi32, #tpu.memory_space<vmem>>) semaphore(%dma_start3A_484 : memref<!tpu.dma_semaphore, #tpu.memory_space<semaphore_mem>>) {add = true}
    }
    %scan3A_319 = arith.constant 24 : i32
    %dma_wait3A = arith.constant 0 : i32
    %dma_wait3A_320 = arith.constant 0 : i32
    %dma_wait3A_321 = arith.constant 0 : i32
    %dma_wait3A_322 = tpu.memref_slice %arg3[%dma_wait3A, %dma_wait3A_321] : memref<2x10240xf32, #tpu.memory_space<hbm>> -> memref<1x80xf32, #tpu.memory_space<hbm>>
    %dma_wait3A_323 = tpu.memref_squeeze %dma_wait3A_322 : memref<1x80xf32, #tpu.memory_space<hbm>> -> memref<80xf32, #tpu.memory_space<hbm>>
    %dma_wait3A_324 = tpu.memref_slice %arg7[%dma_wait3A_320] : memref<5x!tpu.dma_semaphore, #tpu.memory_space<semaphore_mem>> -> memref<1x!tpu.dma_semaphore, #tpu.memory_space<semaphore_mem>>
    %dma_wait3A_325 = tpu.memref_squeeze %dma_wait3A_324 : memref<1x!tpu.dma_semaphore, #tpu.memory_space<semaphore_mem>> -> memref<!tpu.dma_semaphore, #tpu.memory_space<semaphore_mem>>
    %dma_wait3A_326 = arith.constant 0 : i32
    %dma_wait3A_327 = tpu.memref_slice %arg3[%dma_wait3A, %dma_wait3A_326] : memref<2x10240xf32, #tpu.memory_space<hbm>> -> memref<1x80xf32, #tpu.memory_space<hbm>>
    %dma_wait3A_328 = tpu.memref_squeeze %dma_wait3A_327 : memref<1x80xf32, #tpu.memory_space<hbm>> -> memref<80xf32, #tpu.memory_space<hbm>>
    tpu.wait_dma2 semaphore(%dma_wait3A_325 : memref<!tpu.dma_semaphore, #tpu.memory_space<semaphore_mem>>) src(%dma_wait3A_328 : memref<80xf32, #tpu.memory_space<hbm>>) dst(%arg5 : memref<80xf32, #tpu.memory_space<vmem>>)
    %dma_wait3A_329 = arith.constant 0 : i32
    %dma_wait3A_330 = arith.constant 1 : i32
    %dma_wait3A_331 = arith.constant 0 : i32
    %dma_wait3A_332 = tpu.memref_slice %arg3[%dma_wait3A_329, %dma_wait3A_331] : memref<2x10240xf32, #tpu.memory_space<hbm>> -> memref<1x80xf32, #tpu.memory_space<hbm>>
    %dma_wait3A_333 = tpu.memref_squeeze %dma_wait3A_332 : memref<1x80xf32, #tpu.memory_space<hbm>> -> memref<80xf32, #tpu.memory_space<hbm>>
    %dma_wait3A_334 = tpu.memref_slice %arg7[%dma_wait3A_330] : memref<5x!tpu.dma_semaphore, #tpu.memory_space<semaphore_mem>> -> memref<1x!tpu.dma_semaphore, #tpu.memory_space<semaphore_mem>>
    %dma_wait3A_335 = tpu.memref_squeeze %dma_wait3A_334 : memref<1x!tpu.dma_semaphore, #tpu.memory_space<semaphore_mem>> -> memref<!tpu.dma_semaphore, #tpu.memory_space<semaphore_mem>>
    %dma_wait3A_336 = arith.constant 0 : i32
    %dma_wait3A_337 = tpu.memref_slice %arg3[%dma_wait3A_329, %dma_wait3A_336] : memref<2x10240xf32, #tpu.memory_space<hbm>> -> memref<1x80xf32, #tpu.memory_space<hbm>>
    %dma_wait3A_338 = tpu.memref_squeeze %dma_wait3A_337 : memref<1x80xf32, #tpu.memory_space<hbm>> -> memref<80xf32, #tpu.memory_space<hbm>>
    tpu.wait_dma2 semaphore(%dma_wait3A_335 : memref<!tpu.dma_semaphore, #tpu.memory_space<semaphore_mem>>) src(%dma_wait3A_338 : memref<80xf32, #tpu.memory_space<hbm>>) dst(%arg5 : memref<80xf32, #tpu.memory_space<vmem>>)
    %dma_wait3A_339 = arith.constant 0 : i32
    %dma_wait3A_340 = arith.constant 2 : i32
    %dma_wait3A_341 = arith.constant 0 : i32
    %dma_wait3A_342 = tpu.memref_slice %arg3[%dma_wait3A_339, %dma_wait3A_341] : memref<2x10240xf32, #tpu.memory_space<hbm>> -> memref<1x80xf32, #tpu.memory_space<hbm>>
    %dma_wait3A_343 = tpu.memref_squeeze %dma_wait3A_342 : memref<1x80xf32, #tpu.memory_space<hbm>> -> memref<80xf32, #tpu.memory_space<hbm>>
    %dma_wait3A_344 = tpu.memref_slice %arg7[%dma_wait3A_340] : memref<5x!tpu.dma_semaphore, #tpu.memory_space<semaphore_mem>> -> memref<1x!tpu.dma_semaphore, #tpu.memory_space<semaphore_mem>>
    %dma_wait3A_345 = tpu.memref_squeeze %dma_wait3A_344 : memref<1x!tpu.dma_semaphore, #tpu.memory_space<semaphore_mem>> -> memref<!tpu.dma_semaphore, #tpu.memory_space<semaphore_mem>>
    %dma_wait3A_346 = arith.constant 0 : i32
    %dma_wait3A_347 = tpu.memref_slice %arg3[%dma_wait3A_339, %dma_wait3A_346] : memref<2x10240xf32, #tpu.memory_space<hbm>> -> memref<1x80xf32, #tpu.memory_space<hbm>>
    %dma_wait3A_348 = tpu.memref_squeeze %dma_wait3A_347 : memref<1x80xf32, #tpu.memory_space<hbm>> -> memref<80xf32, #tpu.memory_space<hbm>>
    tpu.wait_dma2 semaphore(%dma_wait3A_345 : memref<!tpu.dma_semaphore, #tpu.memory_space<semaphore_mem>>) src(%dma_wait3A_348 : memref<80xf32, #tpu.memory_space<hbm>>) dst(%arg5 : memref<80xf32, #tpu.memory_space<vmem>>)
    %dma_wait3A_349 = arith.constant 0 : i32
    %dma_wait3A_350 = arith.constant 3 : i32
    %dma_wait3A_351 = arith.constant 0 : i32
    %dma_wait3A_352 = tpu.memref_slice %arg3[%dma_wait3A_349, %dma_wait3A_351] : memref<2x10240xf32, #tpu.memory_space<hbm>> -> memref<1x80xf32, #tpu.memory_space<hbm>>
    %dma_wait3A_353 = tpu.memref_squeeze %dma_wait3A_352 : memref<1x80xf32, #tpu.memory_space<hbm>> -> memref<80xf32, #tpu.memory_space<hbm>>
    %dma_wait3A_354 = tpu.memref_slice %arg7[%dma_wait3A_350] : memref<5x!tpu.dma_semaphore, #tpu.memory_space<semaphore_mem>> -> memref<1x!tpu.dma_semaphore, #tpu.memory_space<semaphore_mem>>
    %dma_wait3A_355 = tpu.memref_squeeze %dma_wait3A_354 : memref<1x!tpu.dma_semaphore, #tpu.memory_space<semaphore_mem>> -> memref<!tpu.dma_semaphore, #tpu.memory_space<semaphore_mem>>
    %dma_wait3A_356 = arith.constant 0 : i32
    %dma_wait3A_357 = tpu.memref_slice %arg3[%dma_wait3A_349, %dma_wait3A_356] : memref<2x10240xf32, #tpu.memory_space<hbm>> -> memref<1x80xf32, #tpu.memory_space<hbm>>
    %dma_wait3A_358 = tpu.memref_squeeze %dma_wait3A_357 : memref<1x80xf32, #tpu.memory_space<hbm>> -> memref<80xf32, #tpu.memory_space<hbm>>
    tpu.wait_dma2 semaphore(%dma_wait3A_355 : memref<!tpu.dma_semaphore, #tpu.memory_space<semaphore_mem>>) src(%dma_wait3A_358 : memref<80xf32, #tpu.memory_space<hbm>>) dst(%arg5 : memref<80xf32, #tpu.memory_space<vmem>>)
    %dma_wait3A_359 = arith.constant 0 : i32
    %dma_wait3A_360 = arith.constant 4 : i32
    %dma_wait3A_361 = arith.constant 0 : i32
    %dma_wait3A_362 = tpu.memref_slice %arg3[%dma_wait3A_359, %dma_wait3A_361] : memref<2x10240xf32, #tpu.memory_space<hbm>> -> memref<1x80xf32, #tpu.memory_space<hbm>>
    %dma_wait3A_363 = tpu.memref_squeeze %dma_wait3A_362 : memref<1x80xf32, #tpu.memory_space<hbm>> -> memref<80xf32, #tpu.memory_space<hbm>>
    %dma_wait3A_364 = tpu.memref_slice %arg7[%dma_wait3A_360] : memref<5x!tpu.dma_semaphore, #tpu.memory_space<semaphore_mem>> -> memref<1x!tpu.dma_semaphore, #tpu.memory_space<semaphore_mem>>
    %dma_wait3A_365 = tpu.memref_squeeze %dma_wait3A_364 : memref<1x!tpu.dma_semaphore, #tpu.memory_space<semaphore_mem>> -> memref<!tpu.dma_semaphore, #tpu.memory_space<semaphore_mem>>
    %dma_wait3A_366 = arith.constant 0 : i32
    %dma_wait3A_367 = tpu.memref_slice %arg3[%dma_wait3A_359, %dma_wait3A_366] : memref<2x10240xf32, #tpu.memory_space<hbm>> -> memref<1x80xf32, #tpu.memory_space<hbm>>
    %dma_wait3A_368 = tpu.memref_squeeze %dma_wait3A_367 : memref<1x80xf32, #tpu.memory_space<hbm>> -> memref<80xf32, #tpu.memory_space<hbm>>
    tpu.wait_dma2 semaphore(%dma_wait3A_365 : memref<!tpu.dma_semaphore, #tpu.memory_space<semaphore_mem>>) src(%dma_wait3A_368 : memref<80xf32, #tpu.memory_space<hbm>>) dst(%arg5 : memref<80xf32, #tpu.memory_space<vmem>>)
    %barrier3A_369 = arith.constant 0 : index
    tpu.barrier barrier_id(%barrier3A_369)
    %mul3A_370 = arith.constant 640 : i32
    %mul3A_371 = arith.muli %arg1, %mul3A_370 : i32
    %mul3A_372 = arith.constant 640 : i32
    %mul3A_373 = arith.muli %arg1, %mul3A_372 : i32
    "tpu.region"() ({
      %run_scoped3A = tpu.sem_alloc : memref<!tpu.dma_semaphore, #tpu.memory_space<semaphore_mem>>
      %dma_start3A_374 = tpu.memref_slice %arg3[%arg0, %mul3A_373] : memref<2x10240xf32, #tpu.memory_space<hbm>> -> memref<1x640xf32, #tpu.memory_space<hbm>>
      %dma_start3A_375 = tpu.memref_squeeze %dma_start3A_374 : memref<1x640xf32, #tpu.memory_space<hbm>> -> memref<640xf32, #tpu.memory_space<hbm>>
      %dma_start3A_376 = tpu.memref_slice %arg8[%mul3A_371] : memref<10240xf32, #tpu.memory_space<vmem_shared>> -> memref<640xf32, #tpu.memory_space<vmem_shared>>
      tpu.enqueue_dma source(%dma_start3A_376 : memref<640xf32, #tpu.memory_space<vmem_shared>>) target(%dma_start3A_375 : memref<640xf32, #tpu.memory_space<hbm>>) target_semaphore(%run_scoped3A : memref<!tpu.dma_semaphore, #tpu.memory_space<semaphore_mem>>)
      %dma_wait3A_377 = tpu.memref_slice %arg3[%arg0, %mul3A_373] : memref<2x10240xf32, #tpu.memory_space<hbm>> -> memref<1x640xf32, #tpu.memory_space<hbm>>
      %dma_wait3A_378 = tpu.memref_squeeze %dma_wait3A_377 : memref<1x640xf32, #tpu.memory_space<hbm>> -> memref<640xf32, #tpu.memory_space<hbm>>
      %dma_wait3A_379 = tpu.memref_slice %arg8[%mul3A_371] : memref<10240xf32, #tpu.memory_space<vmem_shared>> -> memref<640xf32, #tpu.memory_space<vmem_shared>>
      tpu.wait_dma2 semaphore(%run_scoped3A : memref<!tpu.dma_semaphore, #tpu.memory_space<semaphore_mem>>) src(%dma_wait3A_379 : memref<640xf32, #tpu.memory_space<vmem_shared>>) dst(%dma_wait3A_378 : memref<640xf32, #tpu.memory_space<hbm>>)
      tpu.yield
    }) : () -> ()
    return
  }
}

#map = affine_map<(d0, d1) -> (0)>
#map1 = affine_map<(d0, d1) -> (0, 0)>
#map2 = affine_map<(d0, d1) -> (0, 0, 0)>
module attributes {stable_mosaic.version = 14 : i64} {
  func.func @_msg_kernel(%arg0: i32, %arg1: i32, %arg2: memref<320000xi32, #tpu.memory_space<hbm>>, %arg3: memref<320000xi32, #tpu.memory_space<hbm>>, %arg4: memref<10000x128xf32, #tpu.memory_space<hbm>>, %arg5: memref<2x10240x128xf32, #tpu.memory_space<hbm>>, %arg6: memref<10000xi32, #tpu.memory_space<vmem>>, %arg7: memref<5x40xi32, #tpu.memory_space<vmem>>, %arg8: memref<5x40x128xf32, #tpu.memory_space<vmem>>, %arg9: memref<5x!tpu.dma_semaphore, #tpu.memory_space<semaphore_mem>>, %arg10: memref<5x!tpu.dma_semaphore, #tpu.memory_space<semaphore_mem>>, %arg11: memref<5x!tpu.dma_semaphore, #tpu.memory_space<semaphore_mem>>, %arg12: memref<!tpu.dma_semaphore, #tpu.memory_space<semaphore_mem>>, %arg13: memref<10240x128xf32, #tpu.memory_space<vmem_shared>>) attributes {dimension_semantics = [#tpu.dimension_semantics<core_parallel>, #tpu.dimension_semantics<subcore_parallel>], iteration_bounds = array<i64: 2, 16>, scalar_prefetch = 0 : i64, scratch_operands = 8 : i64, tpu.core_type = #tpu.core_type<sc_vector_subcore>, window_params = [{transform_indices = #map}, {transform_indices = #map}, {transform_indices = #map1}, {transform_indices = #map2}]} {
    %mul3A = arith.constant 2 : i32
    %mul3A_0 = arith.muli %arg1, %mul3A : i32
    %add3A = arith.addi %mul3A_0, %arg0 : i32
    %scan3A = arith.constant 0 : i32
    %scan3A_1 = arith.constant 0 : i32
    %scan3A_2 = arith.constant 40 : i32
    %scan3A_3 = arith.addi %scan3A_1, %scan3A_2 : i32
    %scan3A_4 = arith.constant 1 : i32
    scf.for %scan3A_486 = %scan3A_1 to %scan3A_3 step %scan3A_4  : i32 {
      %broadcast_in_dim3A = arith.constant 0.000000e+00 : f32
      %broadcast_in_dim3A_487 = vector.broadcast %broadcast_in_dim3A : f32 to vector<16xf32>
      %swap3A = arith.constant 0 : i32
      %swap3A_488 = arith.index_cast %swap3A : i32 to index
      %swap3A_489 = arith.index_cast %scan3A_486 : i32 to index
      %swap3A_490 = arith.constant 0 : index
      %swap3A_491 = tpu.vector_load %arg8[%swap3A_488, %swap3A_489, %swap3A_490] {strides = array<i32>} : memref<5x40x128xf32, #tpu.memory_space<vmem>>, vector<1x1x16xf32>,
      %swap3A_492 = vector.shape_cast %swap3A_491 : vector<1x1x16xf32> to vector<16xf32>
      %swap3A_493 = vector.shape_cast %broadcast_in_dim3A_487 : vector<16xf32> to vector<1x1x16xf32>
      tpu.vector_store %arg8[%swap3A_488, %swap3A_489, %swap3A_490], %swap3A_493 {strides = array<i32>} : memref<5x40x128xf32, #tpu.memory_space<vmem>>, vector<1x1x16xf32>,
      %broadcast_in_dim3A_494 = arith.constant 0.000000e+00 : f32
      %broadcast_in_dim3A_495 = vector.broadcast %broadcast_in_dim3A_494 : f32 to vector<16xf32>
      %swap3A_496 = arith.constant 0 : i32
      %swap3A_497 = arith.index_cast %swap3A_496 : i32 to index
      %swap3A_498 = arith.index_cast %scan3A_486 : i32 to index
      %swap3A_499 = arith.constant 16 : index
      %swap3A_500 = tpu.vector_load %arg8[%swap3A_497, %swap3A_498, %swap3A_499] {strides = array<i32>} : memref<5x40x128xf32, #tpu.memory_space<vmem>>, vector<1x1x16xf32>,
      %swap3A_501 = vector.shape_cast %swap3A_500 : vector<1x1x16xf32> to vector<16xf32>
      %swap3A_502 = vector.shape_cast %broadcast_in_dim3A_495 : vector<16xf32> to vector<1x1x16xf32>
      tpu.vector_store %arg8[%swap3A_497, %swap3A_498, %swap3A_499], %swap3A_502 {strides = array<i32>} : memref<5x40x128xf32, #tpu.memory_space<vmem>>, vector<1x1x16xf32>,
      %broadcast_in_dim3A_503 = arith.constant 0.000000e+00 : f32
      %broadcast_in_dim3A_504 = vector.broadcast %broadcast_in_dim3A_503 : f32 to vector<16xf32>
      %swap3A_505 = arith.constant 0 : i32
      %swap3A_506 = arith.index_cast %swap3A_505 : i32 to index
      %swap3A_507 = arith.index_cast %scan3A_486 : i32 to index
      %swap3A_508 = arith.constant 32 : index
      %swap3A_509 = tpu.vector_load %arg8[%swap3A_506, %swap3A_507, %swap3A_508] {strides = array<i32>} : memref<5x40x128xf32, #tpu.memory_space<vmem>>, vector<1x1x16xf32>,
      %swap3A_510 = vector.shape_cast %swap3A_509 : vector<1x1x16xf32> to vector<16xf32>
      %swap3A_511 = vector.shape_cast %broadcast_in_dim3A_504 : vector<16xf32> to vector<1x1x16xf32>
      tpu.vector_store %arg8[%swap3A_506, %swap3A_507, %swap3A_508], %swap3A_511 {strides = array<i32>} : memref<5x40x128xf32, #tpu.memory_space<vmem>>, vector<1x1x16xf32>,
      %broadcast_in_dim3A_512 = arith.constant 0.000000e+00 : f32
      %broadcast_in_dim3A_513 = vector.broadcast %broadcast_in_dim3A_512 : f32 to vector<16xf32>
      %swap3A_514 = arith.constant 0 : i32
      %swap3A_515 = arith.index_cast %swap3A_514 : i32 to index
      %swap3A_516 = arith.index_cast %scan3A_486 : i32 to index
      %swap3A_517 = arith.constant 48 : index
      %swap3A_518 = tpu.vector_load %arg8[%swap3A_515, %swap3A_516, %swap3A_517] {strides = array<i32>} : memref<5x40x128xf32, #tpu.memory_space<vmem>>, vector<1x1x16xf32>,
      %swap3A_519 = vector.shape_cast %swap3A_518 : vector<1x1x16xf32> to vector<16xf32>
      %swap3A_520 = vector.shape_cast %broadcast_in_dim3A_513 : vector<16xf32> to vector<1x1x16xf32>
      tpu.vector_store %arg8[%swap3A_515, %swap3A_516, %swap3A_517], %swap3A_520 {strides = array<i32>} : memref<5x40x128xf32, #tpu.memory_space<vmem>>, vector<1x1x16xf32>,
      %broadcast_in_dim3A_521 = arith.constant 0.000000e+00 : f32
      %broadcast_in_dim3A_522 = vector.broadcast %broadcast_in_dim3A_521 : f32 to vector<16xf32>
      %swap3A_523 = arith.constant 0 : i32
      %swap3A_524 = arith.index_cast %swap3A_523 : i32 to index
      %swap3A_525 = arith.index_cast %scan3A_486 : i32 to index
      %swap3A_526 = arith.constant 64 : index
      %swap3A_527 = tpu.vector_load %arg8[%swap3A_524, %swap3A_525, %swap3A_526] {strides = array<i32>} : memref<5x40x128xf32, #tpu.memory_space<vmem>>, vector<1x1x16xf32>,
      %swap3A_528 = vector.shape_cast %swap3A_527 : vector<1x1x16xf32> to vector<16xf32>
      %swap3A_529 = vector.shape_cast %broadcast_in_dim3A_522 : vector<16xf32> to vector<1x1x16xf32>
      tpu.vector_store %arg8[%swap3A_524, %swap3A_525, %swap3A_526], %swap3A_529 {strides = array<i32>} : memref<5x40x128xf32, #tpu.memory_space<vmem>>, vector<1x1x16xf32>,
      %broadcast_in_dim3A_530 = arith.constant 0.000000e+00 : f32
      %broadcast_in_dim3A_531 = vector.broadcast %broadcast_in_dim3A_530 : f32 to vector<16xf32>
      %swap3A_532 = arith.constant 0 : i32
      %swap3A_533 = arith.index_cast %swap3A_532 : i32 to index
      %swap3A_534 = arith.index_cast %scan3A_486 : i32 to index
      %swap3A_535 = arith.constant 80 : index
      %swap3A_536 = tpu.vector_load %arg8[%swap3A_533, %swap3A_534, %swap3A_535] {strides = array<i32>} : memref<5x40x128xf32, #tpu.memory_space<vmem>>, vector<1x1x16xf32>,
      %swap3A_537 = vector.shape_cast %swap3A_536 : vector<1x1x16xf32> to vector<16xf32>
      %swap3A_538 = vector.shape_cast %broadcast_in_dim3A_531 : vector<16xf32> to vector<1x1x16xf32>
      tpu.vector_store %arg8[%swap3A_533, %swap3A_534, %swap3A_535], %swap3A_538 {strides = array<i32>} : memref<5x40x128xf32, #tpu.memory_space<vmem>>, vector<1x1x16xf32>,
      %broadcast_in_dim3A_539 = arith.constant 0.000000e+00 : f32
      %broadcast_in_dim3A_540 = vector.broadcast %broadcast_in_dim3A_539 : f32 to vector<16xf32>
      %swap3A_541 = arith.constant 0 : i32
      %swap3A_542 = arith.index_cast %swap3A_541 : i32 to index
      %swap3A_543 = arith.index_cast %scan3A_486 : i32 to index
      %swap3A_544 = arith.constant 96 : index
      %swap3A_545 = tpu.vector_load %arg8[%swap3A_542, %swap3A_543, %swap3A_544] {strides = array<i32>} : memref<5x40x128xf32, #tpu.memory_space<vmem>>, vector<1x1x16xf32>,
      %swap3A_546 = vector.shape_cast %swap3A_545 : vector<1x1x16xf32> to vector<16xf32>
      %swap3A_547 = vector.shape_cast %broadcast_in_dim3A_540 : vector<16xf32> to vector<1x1x16xf32>
      tpu.vector_store %arg8[%swap3A_542, %swap3A_543, %swap3A_544], %swap3A_547 {strides = array<i32>} : memref<5x40x128xf32, #tpu.memory_space<vmem>>, vector<1x1x16xf32>,
      %broadcast_in_dim3A_548 = arith.constant 0.000000e+00 : f32
      %broadcast_in_dim3A_549 = vector.broadcast %broadcast_in_dim3A_548 : f32 to vector<16xf32>
      %swap3A_550 = arith.constant 0 : i32
      %swap3A_551 = arith.index_cast %swap3A_550 : i32 to index
      %swap3A_552 = arith.index_cast %scan3A_486 : i32 to index
      %swap3A_553 = arith.constant 112 : index
      %swap3A_554 = tpu.vector_load %arg8[%swap3A_551, %swap3A_552, %swap3A_553] {strides = array<i32>} : memref<5x40x128xf32, #tpu.memory_space<vmem>>, vector<1x1x16xf32>,
      %swap3A_555 = vector.shape_cast %swap3A_554 : vector<1x1x16xf32> to vector<16xf32>
      %swap3A_556 = vector.shape_cast %broadcast_in_dim3A_549 : vector<16xf32> to vector<1x1x16xf32>
      tpu.vector_store %arg8[%swap3A_551, %swap3A_552, %swap3A_553], %swap3A_556 {strides = array<i32>} : memref<5x40x128xf32, #tpu.memory_space<vmem>>, vector<1x1x16xf32>,
    }
    %scan3A_5 = arith.constant 40 : i32
    %eq3A = arith.constant 0 : i32
    %eq3A_6 = arith.cmpi eq, %arg0, %eq3A : i32
    %convert_element_type3A = arith.extui %eq3A_6 : i1 to i32
    %cond3A = arith.constant 0 : i32
    %cond3A_7 = arith.cmpi ne, %convert_element_type3A, %cond3A : i32
    scf.if %cond3A_7 {
      %lt3A = arith.constant 15 : i32
      %lt3A_486 = arith.cmpi slt, %arg1, %lt3A : i32
      %convert_element_type3A_487 = arith.extui %lt3A_486 : i1 to i32
      %cond3A_488 = arith.constant 0 : i32
      %cond3A_489 = arith.cmpi ne, %convert_element_type3A_487, %cond3A_488 : i32
      scf.if %cond3A_489 {
        %mul3A_495 = arith.constant 640 : i32
        %mul3A_496 = arith.muli %arg1, %mul3A_495 : i32
        %mul3A_497 = arith.constant 640 : i32
        %mul3A_498 = arith.muli %arg1, %mul3A_497 : i32
        "tpu.region"() ({
          %run_scoped3A = tpu.sem_alloc : memref<!tpu.dma_semaphore, #tpu.memory_space<semaphore_mem>>
          %dma_start3A_499 = arith.constant 0 : i32
          %dma_start3A_500 = tpu.memref_slice %arg13[%mul3A_498, %dma_start3A_499] : memref<10240x128xf32, #tpu.memory_space<vmem_shared>> -> memref<640x128xf32, #tpu.memory_space<vmem_shared>>
          %dma_start3A_501 = arith.constant 0 : i32
          %dma_start3A_502 = tpu.memref_slice %arg4[%mul3A_496, %dma_start3A_501] : memref<10000x128xf32, #tpu.memory_space<hbm>> -> memref<640x128xf32, #tpu.memory_space<hbm>>
          tpu.enqueue_dma source(%dma_start3A_502 : memref<640x128xf32, #tpu.memory_space<hbm>>) target(%dma_start3A_500 : memref<640x128xf32, #tpu.memory_space<vmem_shared>>) target_semaphore(%run_scoped3A : memref<!tpu.dma_semaphore, #tpu.memory_space<semaphore_mem>>)
          %dma_wait3A_503 = arith.constant 0 : i32
          %dma_wait3A_504 = tpu.memref_slice %arg13[%mul3A_498, %dma_wait3A_503] : memref<10240x128xf32, #tpu.memory_space<vmem_shared>> -> memref<640x128xf32, #tpu.memory_space<vmem_shared>>
          %dma_wait3A_505 = arith.constant 0 : i32
          %dma_wait3A_506 = tpu.memref_slice %arg4[%mul3A_496, %dma_wait3A_505] : memref<10000x128xf32, #tpu.memory_space<hbm>> -> memref<640x128xf32, #tpu.memory_space<hbm>>
          tpu.wait_dma2 semaphore(%run_scoped3A : memref<!tpu.dma_semaphore, #tpu.memory_space<semaphore_mem>>) src(%dma_wait3A_506 : memref<640x128xf32, #tpu.memory_space<hbm>>) dst(%dma_wait3A_504 : memref<640x128xf32, #tpu.memory_space<vmem_shared>>)
          tpu.yield
        }) : () -> ()
      } else {
      }
      %eq3A_490 = arith.constant 15 : i32
      %eq3A_491 = arith.cmpi eq, %arg1, %eq3A_490 : i32
      %convert_element_type3A_492 = arith.extui %eq3A_491 : i1 to i32
      %cond3A_493 = arith.constant 0 : i32
      %cond3A_494 = arith.cmpi ne, %convert_element_type3A_492, %cond3A_493 : i32
      scf.if %cond3A_494 {
        "tpu.region"() ({
          %run_scoped3A = tpu.sem_alloc : memref<!tpu.dma_semaphore, #tpu.memory_space<semaphore_mem>>
          %dma_start3A_675 = arith.constant 9600 : i32
          %dma_start3A_676 = arith.constant 0 : i32
          %dma_start3A_677 = tpu.memref_slice %arg13[%dma_start3A_675, %dma_start3A_676] : memref<10240x128xf32, #tpu.memory_space<vmem_shared>> -> memref<400x128xf32, #tpu.memory_space<vmem_shared>>
          %dma_start3A_678 = arith.constant 9600 : i32
          %dma_start3A_679 = arith.constant 0 : i32
          %dma_start3A_680 = tpu.memref_slice %arg4[%dma_start3A_678, %dma_start3A_679] : memref<10000x128xf32, #tpu.memory_space<hbm>> -> memref<400x128xf32, #tpu.memory_space<hbm>>
          tpu.enqueue_dma source(%dma_start3A_680 : memref<400x128xf32, #tpu.memory_space<hbm>>) target(%dma_start3A_677 : memref<400x128xf32, #tpu.memory_space<vmem_shared>>) target_semaphore(%run_scoped3A : memref<!tpu.dma_semaphore, #tpu.memory_space<semaphore_mem>>)
          %dma_wait3A_681 = arith.constant 9600 : i32
          %dma_wait3A_682 = arith.constant 0 : i32
          %dma_wait3A_683 = tpu.memref_slice %arg13[%dma_wait3A_681, %dma_wait3A_682] : memref<10240x128xf32, #tpu.memory_space<vmem_shared>> -> memref<400x128xf32, #tpu.memory_space<vmem_shared>>
          %dma_wait3A_684 = arith.constant 9600 : i32
          %dma_wait3A_685 = arith.constant 0 : i32
          %dma_wait3A_686 = tpu.memref_slice %arg4[%dma_wait3A_684, %dma_wait3A_685] : memref<10000x128xf32, #tpu.memory_space<hbm>> -> memref<400x128xf32, #tpu.memory_space<hbm>>
          tpu.wait_dma2 semaphore(%run_scoped3A : memref<!tpu.dma_semaphore, #tpu.memory_space<semaphore_mem>>) src(%dma_wait3A_686 : memref<400x128xf32, #tpu.memory_space<hbm>>) dst(%dma_wait3A_683 : memref<400x128xf32, #tpu.memory_space<vmem_shared>>)
          tpu.yield
        }) : () -> ()
        %dma_start3A_495 = arith.constant 0 : i32
        %dma_start3A_496 = arith.constant 0 : i32
        %dma_start3A_497 = arith.constant 0 : i32
        %dma_start3A_498 = tpu.memref_slice %arg8[%dma_start3A_495, %dma_start3A_496, %dma_start3A_497] : memref<5x40x128xf32, #tpu.memory_space<vmem>> -> memref<1x40x128xf32, #tpu.memory_space<vmem>>
        %dma_start3A_499 = tpu.memref_squeeze %dma_start3A_498 : memref<1x40x128xf32, #tpu.memory_space<vmem>> -> memref<40x128xf32, #tpu.memory_space<vmem>>
        %dma_start3A_500 = arith.constant 10000 : i32
        %dma_start3A_501 = arith.constant 0 : i32
        %dma_start3A_502 = tpu.memref_slice %arg13[%dma_start3A_500, %dma_start3A_501] : memref<10240x128xf32, #tpu.memory_space<vmem_shared>> -> memref<40x128xf32, #tpu.memory_space<vmem_shared>>
        %dma_start3A_503 = arith.constant 10000 : i32
        %dma_start3A_504 = arith.constant 0 : i32
        %dma_start3A_505 = tpu.memref_slice %arg13[%dma_start3A_503, %dma_start3A_504] : memref<10240x128xf32, #tpu.memory_space<vmem_shared>> -> memref<40x128xf32, #tpu.memory_space<vmem_shared>>
        %dma_start3A_506 = arith.constant 0 : i32
        %dma_start3A_507 = arith.constant 0 : i32
        %dma_start3A_508 = tpu.memref_slice %arg8[%dma_start3A_495, %dma_start3A_506, %dma_start3A_507] : memref<5x40x128xf32, #tpu.memory_space<vmem>> -> memref<1x40x128xf32, #tpu.memory_space<vmem>>
        %dma_start3A_509 = tpu.memref_squeeze %dma_start3A_508 : memref<1x40x128xf32, #tpu.memory_space<vmem>> -> memref<40x128xf32, #tpu.memory_space<vmem>>
        tpu.enqueue_dma source(%dma_start3A_509 : memref<40x128xf32, #tpu.memory_space<vmem>>) target(%dma_start3A_505 : memref<40x128xf32, #tpu.memory_space<vmem_shared>>) target_semaphore(%arg12 : memref<!tpu.dma_semaphore, #tpu.memory_space<semaphore_mem>>)
        %dma_start3A_510 = arith.constant 0 : i32
        %dma_start3A_511 = arith.constant 0 : i32
        %dma_start3A_512 = arith.constant 0 : i32
        %dma_start3A_513 = tpu.memref_slice %arg8[%dma_start3A_510, %dma_start3A_511, %dma_start3A_512] : memref<5x40x128xf32, #tpu.memory_space<vmem>> -> memref<1x40x128xf32, #tpu.memory_space<vmem>>
        %dma_start3A_514 = tpu.memref_squeeze %dma_start3A_513 : memref<1x40x128xf32, #tpu.memory_space<vmem>> -> memref<40x128xf32, #tpu.memory_space<vmem>>
        %dma_start3A_515 = arith.constant 10040 : i32
        %dma_start3A_516 = arith.constant 0 : i32
        %dma_start3A_517 = tpu.memref_slice %arg13[%dma_start3A_515, %dma_start3A_516] : memref<10240x128xf32, #tpu.memory_space<vmem_shared>> -> memref<40x128xf32, #tpu.memory_space<vmem_shared>>
        %dma_start3A_518 = arith.constant 10040 : i32
        %dma_start3A_519 = arith.constant 0 : i32
        %dma_start3A_520 = tpu.memref_slice %arg13[%dma_start3A_518, %dma_start3A_519] : memref<10240x128xf32, #tpu.memory_space<vmem_shared>> -> memref<40x128xf32, #tpu.memory_space<vmem_shared>>
        %dma_start3A_521 = arith.constant 0 : i32
        %dma_start3A_522 = arith.constant 0 : i32
        %dma_start3A_523 = tpu.memref_slice %arg8[%dma_start3A_510, %dma_start3A_521, %dma_start3A_522] : memref<5x40x128xf32, #tpu.memory_space<vmem>> -> memref<1x40x128xf32, #tpu.memory_space<vmem>>
        %dma_start3A_524 = tpu.memref_squeeze %dma_start3A_523 : memref<1x40x128xf32, #tpu.memory_space<vmem>> -> memref<40x128xf32, #tpu.memory_space<vmem>>
        tpu.enqueue_dma source(%dma_start3A_524 : memref<40x128xf32, #tpu.memory_space<vmem>>) target(%dma_start3A_520 : memref<40x128xf32, #tpu.memory_space<vmem_shared>>) target_semaphore(%arg12 : memref<!tpu.dma_semaphore, #tpu.memory_space<semaphore_mem>>)
        %dma_start3A_525 = arith.constant 0 : i32
        %dma_start3A_526 = arith.constant 0 : i32
        %dma_start3A_527 = arith.constant 0 : i32
        %dma_start3A_528 = tpu.memref_slice %arg8[%dma_start3A_525, %dma_start3A_526, %dma_start3A_527] : memref<5x40x128xf32, #tpu.memory_space<vmem>> -> memref<1x40x128xf32, #tpu.memory_space<vmem>>
        %dma_start3A_529 = tpu.memref_squeeze %dma_start3A_528 : memref<1x40x128xf32, #tpu.memory_space<vmem>> -> memref<40x128xf32, #tpu.memory_space<vmem>>
        %dma_start3A_530 = arith.constant 10080 : i32
        %dma_start3A_531 = arith.constant 0 : i32
        %dma_start3A_532 = tpu.memref_slice %arg13[%dma_start3A_530, %dma_start3A_531] : memref<10240x128xf32, #tpu.memory_space<vmem_shared>> -> memref<40x128xf32, #tpu.memory_space<vmem_shared>>
        %dma_start3A_533 = arith.constant 10080 : i32
        %dma_start3A_534 = arith.constant 0 : i32
        %dma_start3A_535 = tpu.memref_slice %arg13[%dma_start3A_533, %dma_start3A_534] : memref<10240x128xf32, #tpu.memory_space<vmem_shared>> -> memref<40x128xf32, #tpu.memory_space<vmem_shared>>
        %dma_start3A_536 = arith.constant 0 : i32
        %dma_start3A_537 = arith.constant 0 : i32
        %dma_start3A_538 = tpu.memref_slice %arg8[%dma_start3A_525, %dma_start3A_536, %dma_start3A_537] : memref<5x40x128xf32, #tpu.memory_space<vmem>> -> memref<1x40x128xf32, #tpu.memory_space<vmem>>
        %dma_start3A_539 = tpu.memref_squeeze %dma_start3A_538 : memref<1x40x128xf32, #tpu.memory_space<vmem>> -> memref<40x128xf32, #tpu.memory_space<vmem>>
        tpu.enqueue_dma source(%dma_start3A_539 : memref<40x128xf32, #tpu.memory_space<vmem>>) target(%dma_start3A_535 : memref<40x128xf32, #tpu.memory_space<vmem_shared>>) target_semaphore(%arg12 : memref<!tpu.dma_semaphore, #tpu.memory_space<semaphore_mem>>)
        %dma_start3A_540 = arith.constant 0 : i32
        %dma_start3A_541 = arith.constant 0 : i32
        %dma_start3A_542 = arith.constant 0 : i32
        %dma_start3A_543 = tpu.memref_slice %arg8[%dma_start3A_540, %dma_start3A_541, %dma_start3A_542] : memref<5x40x128xf32, #tpu.memory_space<vmem>> -> memref<1x40x128xf32, #tpu.memory_space<vmem>>
        %dma_start3A_544 = tpu.memref_squeeze %dma_start3A_543 : memref<1x40x128xf32, #tpu.memory_space<vmem>> -> memref<40x128xf32, #tpu.memory_space<vmem>>
        %dma_start3A_545 = arith.constant 10120 : i32
        %dma_start3A_546 = arith.constant 0 : i32
        %dma_start3A_547 = tpu.memref_slice %arg13[%dma_start3A_545, %dma_start3A_546] : memref<10240x128xf32, #tpu.memory_space<vmem_shared>> -> memref<40x128xf32, #tpu.memory_space<vmem_shared>>
        %dma_start3A_548 = arith.constant 10120 : i32
        %dma_start3A_549 = arith.constant 0 : i32
        %dma_start3A_550 = tpu.memref_slice %arg13[%dma_start3A_548, %dma_start3A_549] : memref<10240x128xf32, #tpu.memory_space<vmem_shared>> -> memref<40x128xf32, #tpu.memory_space<vmem_shared>>
        %dma_start3A_551 = arith.constant 0 : i32
        %dma_start3A_552 = arith.constant 0 : i32
        %dma_start3A_553 = tpu.memref_slice %arg8[%dma_start3A_540, %dma_start3A_551, %dma_start3A_552] : memref<5x40x128xf32, #tpu.memory_space<vmem>> -> memref<1x40x128xf32, #tpu.memory_space<vmem>>
        %dma_start3A_554 = tpu.memref_squeeze %dma_start3A_553 : memref<1x40x128xf32, #tpu.memory_space<vmem>> -> memref<40x128xf32, #tpu.memory_space<vmem>>
        tpu.enqueue_dma source(%dma_start3A_554 : memref<40x128xf32, #tpu.memory_space<vmem>>) target(%dma_start3A_550 : memref<40x128xf32, #tpu.memory_space<vmem_shared>>) target_semaphore(%arg12 : memref<!tpu.dma_semaphore, #tpu.memory_space<semaphore_mem>>)
        %dma_start3A_555 = arith.constant 0 : i32
        %dma_start3A_556 = arith.constant 0 : i32
        %dma_start3A_557 = arith.constant 0 : i32
        %dma_start3A_558 = tpu.memref_slice %arg8[%dma_start3A_555, %dma_start3A_556, %dma_start3A_557] : memref<5x40x128xf32, #tpu.memory_space<vmem>> -> memref<1x40x128xf32, #tpu.memory_space<vmem>>
        %dma_start3A_559 = tpu.memref_squeeze %dma_start3A_558 : memref<1x40x128xf32, #tpu.memory_space<vmem>> -> memref<40x128xf32, #tpu.memory_space<vmem>>
        %dma_start3A_560 = arith.constant 10160 : i32
        %dma_start3A_561 = arith.constant 0 : i32
        %dma_start3A_562 = tpu.memref_slice %arg13[%dma_start3A_560, %dma_start3A_561] : memref<10240x128xf32, #tpu.memory_space<vmem_shared>> -> memref<40x128xf32, #tpu.memory_space<vmem_shared>>
        %dma_start3A_563 = arith.constant 10160 : i32
        %dma_start3A_564 = arith.constant 0 : i32
        %dma_start3A_565 = tpu.memref_slice %arg13[%dma_start3A_563, %dma_start3A_564] : memref<10240x128xf32, #tpu.memory_space<vmem_shared>> -> memref<40x128xf32, #tpu.memory_space<vmem_shared>>
        %dma_start3A_566 = arith.constant 0 : i32
        %dma_start3A_567 = arith.constant 0 : i32
        %dma_start3A_568 = tpu.memref_slice %arg8[%dma_start3A_555, %dma_start3A_566, %dma_start3A_567] : memref<5x40x128xf32, #tpu.memory_space<vmem>> -> memref<1x40x128xf32, #tpu.memory_space<vmem>>
        %dma_start3A_569 = tpu.memref_squeeze %dma_start3A_568 : memref<1x40x128xf32, #tpu.memory_space<vmem>> -> memref<40x128xf32, #tpu.memory_space<vmem>>
        tpu.enqueue_dma source(%dma_start3A_569 : memref<40x128xf32, #tpu.memory_space<vmem>>) target(%dma_start3A_565 : memref<40x128xf32, #tpu.memory_space<vmem_shared>>) target_semaphore(%arg12 : memref<!tpu.dma_semaphore, #tpu.memory_space<semaphore_mem>>)
        %dma_start3A_570 = arith.constant 0 : i32
        %dma_start3A_571 = arith.constant 0 : i32
        %dma_start3A_572 = arith.constant 0 : i32
        %dma_start3A_573 = tpu.memref_slice %arg8[%dma_start3A_570, %dma_start3A_571, %dma_start3A_572] : memref<5x40x128xf32, #tpu.memory_space<vmem>> -> memref<1x40x128xf32, #tpu.memory_space<vmem>>
        %dma_start3A_574 = tpu.memref_squeeze %dma_start3A_573 : memref<1x40x128xf32, #tpu.memory_space<vmem>> -> memref<40x128xf32, #tpu.memory_space<vmem>>
        %dma_start3A_575 = arith.constant 10200 : i32
        %dma_start3A_576 = arith.constant 0 : i32
        %dma_start3A_577 = tpu.memref_slice %arg13[%dma_start3A_575, %dma_start3A_576] : memref<10240x128xf32, #tpu.memory_space<vmem_shared>> -> memref<40x128xf32, #tpu.memory_space<vmem_shared>>
        %dma_start3A_578 = arith.constant 10200 : i32
        %dma_start3A_579 = arith.constant 0 : i32
        %dma_start3A_580 = tpu.memref_slice %arg13[%dma_start3A_578, %dma_start3A_579] : memref<10240x128xf32, #tpu.memory_space<vmem_shared>> -> memref<40x128xf32, #tpu.memory_space<vmem_shared>>
        %dma_start3A_581 = arith.constant 0 : i32
        %dma_start3A_582 = arith.constant 0 : i32
        %dma_start3A_583 = tpu.memref_slice %arg8[%dma_start3A_570, %dma_start3A_581, %dma_start3A_582] : memref<5x40x128xf32, #tpu.memory_space<vmem>> -> memref<1x40x128xf32, #tpu.memory_space<vmem>>
        %dma_start3A_584 = tpu.memref_squeeze %dma_start3A_583 : memref<1x40x128xf32, #tpu.memory_space<vmem>> -> memref<40x128xf32, #tpu.memory_space<vmem>>
        tpu.enqueue_dma source(%dma_start3A_584 : memref<40x128xf32, #tpu.memory_space<vmem>>) target(%dma_start3A_580 : memref<40x128xf32, #tpu.memory_space<vmem_shared>>) target_semaphore(%arg12 : memref<!tpu.dma_semaphore, #tpu.memory_space<semaphore_mem>>)
        %dma_wait3A_585 = arith.constant 0 : i32
        %dma_wait3A_586 = arith.constant 0 : i32
        %dma_wait3A_587 = arith.constant 0 : i32
        %dma_wait3A_588 = tpu.memref_slice %arg8[%dma_wait3A_585, %dma_wait3A_586, %dma_wait3A_587] : memref<5x40x128xf32, #tpu.memory_space<vmem>> -> memref<1x40x128xf32, #tpu.memory_space<vmem>>
        %dma_wait3A_589 = tpu.memref_squeeze %dma_wait3A_588 : memref<1x40x128xf32, #tpu.memory_space<vmem>> -> memref<40x128xf32, #tpu.memory_space<vmem>>
        %dma_wait3A_590 = arith.constant 0 : i32
        %dma_wait3A_591 = arith.constant 0 : i32
        %dma_wait3A_592 = tpu.memref_slice %arg4[%dma_wait3A_590, %dma_wait3A_591] : memref<10000x128xf32, #tpu.memory_space<hbm>> -> memref<40x128xf32, #tpu.memory_space<hbm>>
        %dma_wait3A_593 = arith.constant 0 : i32
        %dma_wait3A_594 = arith.constant 0 : i32
        %dma_wait3A_595 = tpu.memref_slice %arg8[%dma_wait3A_585, %dma_wait3A_593, %dma_wait3A_594] : memref<5x40x128xf32, #tpu.memory_space<vmem>> -> memref<1x40x128xf32, #tpu.memory_space<vmem>>
        %dma_wait3A_596 = tpu.memref_squeeze %dma_wait3A_595 : memref<1x40x128xf32, #tpu.memory_space<vmem>> -> memref<40x128xf32, #tpu.memory_space<vmem>>
        %dma_wait3A_597 = arith.constant 0 : i32
        %dma_wait3A_598 = arith.constant 0 : i32
        %dma_wait3A_599 = tpu.memref_slice %arg4[%dma_wait3A_597, %dma_wait3A_598] : memref<10000x128xf32, #tpu.memory_space<hbm>> -> memref<40x128xf32, #tpu.memory_space<hbm>>
        tpu.wait_dma2 semaphore(%arg12 : memref<!tpu.dma_semaphore, #tpu.memory_space<semaphore_mem>>) src(%dma_wait3A_599 : memref<40x128xf32, #tpu.memory_space<hbm>>) dst(%dma_wait3A_596 : memref<40x128xf32, #tpu.memory_space<vmem>>)
        %dma_wait3A_600 = arith.constant 0 : i32
        %dma_wait3A_601 = arith.constant 0 : i32
        %dma_wait3A_602 = arith.constant 0 : i32
        %dma_wait3A_603 = tpu.memref_slice %arg8[%dma_wait3A_600, %dma_wait3A_601, %dma_wait3A_602] : memref<5x40x128xf32, #tpu.memory_space<vmem>> -> memref<1x40x128xf32, #tpu.memory_space<vmem>>
        %dma_wait3A_604 = tpu.memref_squeeze %dma_wait3A_603 : memref<1x40x128xf32, #tpu.memory_space<vmem>> -> memref<40x128xf32, #tpu.memory_space<vmem>>
        %dma_wait3A_605 = arith.constant 0 : i32
        %dma_wait3A_606 = arith.constant 0 : i32
        %dma_wait3A_607 = tpu.memref_slice %arg4[%dma_wait3A_605, %dma_wait3A_606] : memref<10000x128xf32, #tpu.memory_space<hbm>> -> memref<40x128xf32, #tpu.memory_space<hbm>>
        %dma_wait3A_608 = arith.constant 0 : i32
        %dma_wait3A_609 = arith.constant 0 : i32
        %dma_wait3A_610 = tpu.memref_slice %arg8[%dma_wait3A_600, %dma_wait3A_608, %dma_wait3A_609] : memref<5x40x128xf32, #tpu.memory_space<vmem>> -> memref<1x40x128xf32, #tpu.memory_space<vmem>>
        %dma_wait3A_611 = tpu.memref_squeeze %dma_wait3A_610 : memref<1x40x128xf32, #tpu.memory_space<vmem>> -> memref<40x128xf32, #tpu.memory_space<vmem>>
        %dma_wait3A_612 = arith.constant 0 : i32
        %dma_wait3A_613 = arith.constant 0 : i32
        %dma_wait3A_614 = tpu.memref_slice %arg4[%dma_wait3A_612, %dma_wait3A_613] : memref<10000x128xf32, #tpu.memory_space<hbm>> -> memref<40x128xf32, #tpu.memory_space<hbm>>
        tpu.wait_dma2 semaphore(%arg12 : memref<!tpu.dma_semaphore, #tpu.memory_space<semaphore_mem>>) src(%dma_wait3A_614 : memref<40x128xf32, #tpu.memory_space<hbm>>) dst(%dma_wait3A_611 : memref<40x128xf32, #tpu.memory_space<vmem>>)
        %dma_wait3A_615 = arith.constant 0 : i32
        %dma_wait3A_616 = arith.constant 0 : i32
        %dma_wait3A_617 = arith.constant 0 : i32
        %dma_wait3A_618 = tpu.memref_slice %arg8[%dma_wait3A_615, %dma_wait3A_616, %dma_wait3A_617] : memref<5x40x128xf32, #tpu.memory_space<vmem>> -> memref<1x40x128xf32, #tpu.memory_space<vmem>>
        %dma_wait3A_619 = tpu.memref_squeeze %dma_wait3A_618 : memref<1x40x128xf32, #tpu.memory_space<vmem>> -> memref<40x128xf32, #tpu.memory_space<vmem>>
        %dma_wait3A_620 = arith.constant 0 : i32
        %dma_wait3A_621 = arith.constant 0 : i32
        %dma_wait3A_622 = tpu.memref_slice %arg4[%dma_wait3A_620, %dma_wait3A_621] : memref<10000x128xf32, #tpu.memory_space<hbm>> -> memref<40x128xf32, #tpu.memory_space<hbm>>
        %dma_wait3A_623 = arith.constant 0 : i32
        %dma_wait3A_624 = arith.constant 0 : i32
        %dma_wait3A_625 = tpu.memref_slice %arg8[%dma_wait3A_615, %dma_wait3A_623, %dma_wait3A_624] : memref<5x40x128xf32, #tpu.memory_space<vmem>> -> memref<1x40x128xf32, #tpu.memory_space<vmem>>
        %dma_wait3A_626 = tpu.memref_squeeze %dma_wait3A_625 : memref<1x40x128xf32, #tpu.memory_space<vmem>> -> memref<40x128xf32, #tpu.memory_space<vmem>>
        %dma_wait3A_627 = arith.constant 0 : i32
        %dma_wait3A_628 = arith.constant 0 : i32
        %dma_wait3A_629 = tpu.memref_slice %arg4[%dma_wait3A_627, %dma_wait3A_628] : memref<10000x128xf32, #tpu.memory_space<hbm>> -> memref<40x128xf32, #tpu.memory_space<hbm>>
        tpu.wait_dma2 semaphore(%arg12 : memref<!tpu.dma_semaphore, #tpu.memory_space<semaphore_mem>>) src(%dma_wait3A_629 : memref<40x128xf32, #tpu.memory_space<hbm>>) dst(%dma_wait3A_626 : memref<40x128xf32, #tpu.memory_space<vmem>>)
        %dma_wait3A_630 = arith.constant 0 : i32
        %dma_wait3A_631 = arith.constant 0 : i32
        %dma_wait3A_632 = arith.constant 0 : i32
        %dma_wait3A_633 = tpu.memref_slice %arg8[%dma_wait3A_630, %dma_wait3A_631, %dma_wait3A_632] : memref<5x40x128xf32, #tpu.memory_space<vmem>> -> memref<1x40x128xf32, #tpu.memory_space<vmem>>
        %dma_wait3A_634 = tpu.memref_squeeze %dma_wait3A_633 : memref<1x40x128xf32, #tpu.memory_space<vmem>> -> memref<40x128xf32, #tpu.memory_space<vmem>>
        %dma_wait3A_635 = arith.constant 0 : i32
        %dma_wait3A_636 = arith.constant 0 : i32
        %dma_wait3A_637 = tpu.memref_slice %arg4[%dma_wait3A_635, %dma_wait3A_636] : memref<10000x128xf32, #tpu.memory_space<hbm>> -> memref<40x128xf32, #tpu.memory_space<hbm>>
        %dma_wait3A_638 = arith.constant 0 : i32
        %dma_wait3A_639 = arith.constant 0 : i32
        %dma_wait3A_640 = tpu.memref_slice %arg8[%dma_wait3A_630, %dma_wait3A_638, %dma_wait3A_639] : memref<5x40x128xf32, #tpu.memory_space<vmem>> -> memref<1x40x128xf32, #tpu.memory_space<vmem>>
        %dma_wait3A_641 = tpu.memref_squeeze %dma_wait3A_640 : memref<1x40x128xf32, #tpu.memory_space<vmem>> -> memref<40x128xf32, #tpu.memory_space<vmem>>
        %dma_wait3A_642 = arith.constant 0 : i32
        %dma_wait3A_643 = arith.constant 0 : i32
        %dma_wait3A_644 = tpu.memref_slice %arg4[%dma_wait3A_642, %dma_wait3A_643] : memref<10000x128xf32, #tpu.memory_space<hbm>> -> memref<40x128xf32, #tpu.memory_space<hbm>>
        tpu.wait_dma2 semaphore(%arg12 : memref<!tpu.dma_semaphore, #tpu.memory_space<semaphore_mem>>) src(%dma_wait3A_644 : memref<40x128xf32, #tpu.memory_space<hbm>>) dst(%dma_wait3A_641 : memref<40x128xf32, #tpu.memory_space<vmem>>)
        %dma_wait3A_645 = arith.constant 0 : i32
        %dma_wait3A_646 = arith.constant 0 : i32
        %dma_wait3A_647 = arith.constant 0 : i32
        %dma_wait3A_648 = tpu.memref_slice %arg8[%dma_wait3A_645, %dma_wait3A_646, %dma_wait3A_647] : memref<5x40x128xf32, #tpu.memory_space<vmem>> -> memref<1x40x128xf32, #tpu.memory_space<vmem>>
        %dma_wait3A_649 = tpu.memref_squeeze %dma_wait3A_648 : memref<1x40x128xf32, #tpu.memory_space<vmem>> -> memref<40x128xf32, #tpu.memory_space<vmem>>
        %dma_wait3A_650 = arith.constant 0 : i32
        %dma_wait3A_651 = arith.constant 0 : i32
        %dma_wait3A_652 = tpu.memref_slice %arg4[%dma_wait3A_650, %dma_wait3A_651] : memref<10000x128xf32, #tpu.memory_space<hbm>> -> memref<40x128xf32, #tpu.memory_space<hbm>>
        %dma_wait3A_653 = arith.constant 0 : i32
        %dma_wait3A_654 = arith.constant 0 : i32
        %dma_wait3A_655 = tpu.memref_slice %arg8[%dma_wait3A_645, %dma_wait3A_653, %dma_wait3A_654] : memref<5x40x128xf32, #tpu.memory_space<vmem>> -> memref<1x40x128xf32, #tpu.memory_space<vmem>>
        %dma_wait3A_656 = tpu.memref_squeeze %dma_wait3A_655 : memref<1x40x128xf32, #tpu.memory_space<vmem>> -> memref<40x128xf32, #tpu.memory_space<vmem>>
        %dma_wait3A_657 = arith.constant 0 : i32
        %dma_wait3A_658 = arith.constant 0 : i32
        %dma_wait3A_659 = tpu.memref_slice %arg4[%dma_wait3A_657, %dma_wait3A_658] : memref<10000x128xf32, #tpu.memory_space<hbm>> -> memref<40x128xf32, #tpu.memory_space<hbm>>
        tpu.wait_dma2 semaphore(%arg12 : memref<!tpu.dma_semaphore, #tpu.memory_space<semaphore_mem>>) src(%dma_wait3A_659 : memref<40x128xf32, #tpu.memory_space<hbm>>) dst(%dma_wait3A_656 : memref<40x128xf32, #tpu.memory_space<vmem>>)
        %dma_wait3A_660 = arith.constant 0 : i32
        %dma_wait3A_661 = arith.constant 0 : i32
        %dma_wait3A_662 = arith.constant 0 : i32
        %dma_wait3A_663 = tpu.memref_slice %arg8[%dma_wait3A_660, %dma_wait3A_661, %dma_wait3A_662] : memref<5x40x128xf32, #tpu.memory_space<vmem>> -> memref<1x40x128xf32, #tpu.memory_space<vmem>>
        %dma_wait3A_664 = tpu.memref_squeeze %dma_wait3A_663 : memref<1x40x128xf32, #tpu.memory_space<vmem>> -> memref<40x128xf32, #tpu.memory_space<vmem>>
        %dma_wait3A_665 = arith.constant 0 : i32
        %dma_wait3A_666 = arith.constant 0 : i32
        %dma_wait3A_667 = tpu.memref_slice %arg4[%dma_wait3A_665, %dma_wait3A_666] : memref<10000x128xf32, #tpu.memory_space<hbm>> -> memref<40x128xf32, #tpu.memory_space<hbm>>
        %dma_wait3A_668 = arith.constant 0 : i32
        %dma_wait3A_669 = arith.constant 0 : i32
        %dma_wait3A_670 = tpu.memref_slice %arg8[%dma_wait3A_660, %dma_wait3A_668, %dma_wait3A_669] : memref<5x40x128xf32, #tpu.memory_space<vmem>> -> memref<1x40x128xf32, #tpu.memory_space<vmem>>
        %dma_wait3A_671 = tpu.memref_squeeze %dma_wait3A_670 : memref<1x40x128xf32, #tpu.memory_space<vmem>> -> memref<40x128xf32, #tpu.memory_space<vmem>>
        %dma_wait3A_672 = arith.constant 0 : i32
        %dma_wait3A_673 = arith.constant 0 : i32
        %dma_wait3A_674 = tpu.memref_slice %arg4[%dma_wait3A_672, %dma_wait3A_673] : memref<10000x128xf32, #tpu.memory_space<hbm>> -> memref<40x128xf32, #tpu.memory_space<hbm>>
        tpu.wait_dma2 semaphore(%arg12 : memref<!tpu.dma_semaphore, #tpu.memory_space<semaphore_mem>>) src(%dma_wait3A_674 : memref<40x128xf32, #tpu.memory_space<hbm>>) dst(%dma_wait3A_671 : memref<40x128xf32, #tpu.memory_space<vmem>>)
      } else {
      }
    } else {
    }
    %eq3A_8 = arith.constant 1 : i32
    %eq3A_9 = arith.cmpi eq, %arg0, %eq3A_8 : i32
    %convert_element_type3A_10 = arith.extui %eq3A_9 : i1 to i32
    %cond3A_11 = arith.constant 0 : i32
    %cond3A_12 = arith.cmpi ne, %convert_element_type3A_10, %cond3A_11 : i32
    scf.if %cond3A_12 {
      %mul3A_486 = arith.constant 640 : i32
      %mul3A_487 = arith.muli %arg1, %mul3A_486 : i32
      %add3A_488 = arith.constant 0 : i32
      %add3A_489 = arith.addi %mul3A_487, %add3A_488 : i32
      %dma_start3A_490 = arith.constant 0 : i32
      %dma_start3A_491 = arith.constant 0 : i32
      %dma_start3A_492 = arith.constant 0 : i32
      %dma_start3A_493 = tpu.memref_slice %arg8[%dma_start3A_490, %dma_start3A_491, %dma_start3A_492] : memref<5x40x128xf32, #tpu.memory_space<vmem>> -> memref<1x40x128xf32, #tpu.memory_space<vmem>>
      %dma_start3A_494 = tpu.memref_squeeze %dma_start3A_493 : memref<1x40x128xf32, #tpu.memory_space<vmem>> -> memref<40x128xf32, #tpu.memory_space<vmem>>
      %dma_start3A_495 = arith.constant 0 : i32
      %dma_start3A_496 = tpu.memref_slice %arg13[%add3A_489, %dma_start3A_495] : memref<10240x128xf32, #tpu.memory_space<vmem_shared>> -> memref<40x128xf32, #tpu.memory_space<vmem_shared>>
      %dma_start3A_497 = arith.constant 0 : i32
      %dma_start3A_498 = tpu.memref_slice %arg13[%add3A_489, %dma_start3A_497] : memref<10240x128xf32, #tpu.memory_space<vmem_shared>> -> memref<40x128xf32, #tpu.memory_space<vmem_shared>>
      %dma_start3A_499 = arith.constant 0 : i32
      %dma_start3A_500 = arith.constant 0 : i32
      %dma_start3A_501 = tpu.memref_slice %arg8[%dma_start3A_490, %dma_start3A_499, %dma_start3A_500] : memref<5x40x128xf32, #tpu.memory_space<vmem>> -> memref<1x40x128xf32, #tpu.memory_space<vmem>>
      %dma_start3A_502 = tpu.memref_squeeze %dma_start3A_501 : memref<1x40x128xf32, #tpu.memory_space<vmem>> -> memref<40x128xf32, #tpu.memory_space<vmem>>
      tpu.enqueue_dma source(%dma_start3A_502 : memref<40x128xf32, #tpu.memory_space<vmem>>) target(%dma_start3A_498 : memref<40x128xf32, #tpu.memory_space<vmem_shared>>) target_semaphore(%arg12 : memref<!tpu.dma_semaphore, #tpu.memory_space<semaphore_mem>>)
      %mul3A_503 = arith.constant 640 : i32
      %mul3A_504 = arith.muli %arg1, %mul3A_503 : i32
      %add3A_505 = arith.constant 40 : i32
      %add3A_506 = arith.addi %mul3A_504, %add3A_505 : i32
      %dma_start3A_507 = arith.constant 0 : i32
      %dma_start3A_508 = arith.constant 0 : i32
      %dma_start3A_509 = arith.constant 0 : i32
      %dma_start3A_510 = tpu.memref_slice %arg8[%dma_start3A_507, %dma_start3A_508, %dma_start3A_509] : memref<5x40x128xf32, #tpu.memory_space<vmem>> -> memref<1x40x128xf32, #tpu.memory_space<vmem>>
      %dma_start3A_511 = tpu.memref_squeeze %dma_start3A_510 : memref<1x40x128xf32, #tpu.memory_space<vmem>> -> memref<40x128xf32, #tpu.memory_space<vmem>>
      %dma_start3A_512 = arith.constant 0 : i32
      %dma_start3A_513 = tpu.memref_slice %arg13[%add3A_506, %dma_start3A_512] : memref<10240x128xf32, #tpu.memory_space<vmem_shared>> -> memref<40x128xf32, #tpu.memory_space<vmem_shared>>
      %dma_start3A_514 = arith.constant 0 : i32
      %dma_start3A_515 = tpu.memref_slice %arg13[%add3A_506, %dma_start3A_514] : memref<10240x128xf32, #tpu.memory_space<vmem_shared>> -> memref<40x128xf32, #tpu.memory_space<vmem_shared>>
      %dma_start3A_516 = arith.constant 0 : i32
      %dma_start3A_517 = arith.constant 0 : i32
      %dma_start3A_518 = tpu.memref_slice %arg8[%dma_start3A_507, %dma_start3A_516, %dma_start3A_517] : memref<5x40x128xf32, #tpu.memory_space<vmem>> -> memref<1x40x128xf32, #tpu.memory_space<vmem>>
      %dma_start3A_519 = tpu.memref_squeeze %dma_start3A_518 : memref<1x40x128xf32, #tpu.memory_space<vmem>> -> memref<40x128xf32, #tpu.memory_space<vmem>>
      tpu.enqueue_dma source(%dma_start3A_519 : memref<40x128xf32, #tpu.memory_space<vmem>>) target(%dma_start3A_515 : memref<40x128xf32, #tpu.memory_space<vmem_shared>>) target_semaphore(%arg12 : memref<!tpu.dma_semaphore, #tpu.memory_space<semaphore_mem>>)
      %mul3A_520 = arith.constant 640 : i32
      %mul3A_521 = arith.muli %arg1, %mul3A_520 : i32
      %add3A_522 = arith.constant 80 : i32
      %add3A_523 = arith.addi %mul3A_521, %add3A_522 : i32
      %dma_start3A_524 = arith.constant 0 : i32
      %dma_start3A_525 = arith.constant 0 : i32
      %dma_start3A_526 = arith.constant 0 : i32
      %dma_start3A_527 = tpu.memref_slice %arg8[%dma_start3A_524, %dma_start3A_525, %dma_start3A_526] : memref<5x40x128xf32, #tpu.memory_space<vmem>> -> memref<1x40x128xf32, #tpu.memory_space<vmem>>
      %dma_start3A_528 = tpu.memref_squeeze %dma_start3A_527 : memref<1x40x128xf32, #tpu.memory_space<vmem>> -> memref<40x128xf32, #tpu.memory_space<vmem>>
      %dma_start3A_529 = arith.constant 0 : i32
      %dma_start3A_530 = tpu.memref_slice %arg13[%add3A_523, %dma_start3A_529] : memref<10240x128xf32, #tpu.memory_space<vmem_shared>> -> memref<40x128xf32, #tpu.memory_space<vmem_shared>>
      %dma_start3A_531 = arith.constant 0 : i32
      %dma_start3A_532 = tpu.memref_slice %arg13[%add3A_523, %dma_start3A_531] : memref<10240x128xf32, #tpu.memory_space<vmem_shared>> -> memref<40x128xf32, #tpu.memory_space<vmem_shared>>
      %dma_start3A_533 = arith.constant 0 : i32
      %dma_start3A_534 = arith.constant 0 : i32
      %dma_start3A_535 = tpu.memref_slice %arg8[%dma_start3A_524, %dma_start3A_533, %dma_start3A_534] : memref<5x40x128xf32, #tpu.memory_space<vmem>> -> memref<1x40x128xf32, #tpu.memory_space<vmem>>
      %dma_start3A_536 = tpu.memref_squeeze %dma_start3A_535 : memref<1x40x128xf32, #tpu.memory_space<vmem>> -> memref<40x128xf32, #tpu.memory_space<vmem>>
      tpu.enqueue_dma source(%dma_start3A_536 : memref<40x128xf32, #tpu.memory_space<vmem>>) target(%dma_start3A_532 : memref<40x128xf32, #tpu.memory_space<vmem_shared>>) target_semaphore(%arg12 : memref<!tpu.dma_semaphore, #tpu.memory_space<semaphore_mem>>)
      %mul3A_537 = arith.constant 640 : i32
      %mul3A_538 = arith.muli %arg1, %mul3A_537 : i32
      %add3A_539 = arith.constant 120 : i32
      %add3A_540 = arith.addi %mul3A_538, %add3A_539 : i32
      %dma_start3A_541 = arith.constant 0 : i32
      %dma_start3A_542 = arith.constant 0 : i32
      %dma_start3A_543 = arith.constant 0 : i32
      %dma_start3A_544 = tpu.memref_slice %arg8[%dma_start3A_541, %dma_start3A_542, %dma_start3A_543] : memref<5x40x128xf32, #tpu.memory_space<vmem>> -> memref<1x40x128xf32, #tpu.memory_space<vmem>>
      %dma_start3A_545 = tpu.memref_squeeze %dma_start3A_544 : memref<1x40x128xf32, #tpu.memory_space<vmem>> -> memref<40x128xf32, #tpu.memory_space<vmem>>
      %dma_start3A_546 = arith.constant 0 : i32
      %dma_start3A_547 = tpu.memref_slice %arg13[%add3A_540, %dma_start3A_546] : memref<10240x128xf32, #tpu.memory_space<vmem_shared>> -> memref<40x128xf32, #tpu.memory_space<vmem_shared>>
      %dma_start3A_548 = arith.constant 0 : i32
      %dma_start3A_549 = tpu.memref_slice %arg13[%add3A_540, %dma_start3A_548] : memref<10240x128xf32, #tpu.memory_space<vmem_shared>> -> memref<40x128xf32, #tpu.memory_space<vmem_shared>>
      %dma_start3A_550 = arith.constant 0 : i32
      %dma_start3A_551 = arith.constant 0 : i32
      %dma_start3A_552 = tpu.memref_slice %arg8[%dma_start3A_541, %dma_start3A_550, %dma_start3A_551] : memref<5x40x128xf32, #tpu.memory_space<vmem>> -> memref<1x40x128xf32, #tpu.memory_space<vmem>>
      %dma_start3A_553 = tpu.memref_squeeze %dma_start3A_552 : memref<1x40x128xf32, #tpu.memory_space<vmem>> -> memref<40x128xf32, #tpu.memory_space<vmem>>
      tpu.enqueue_dma source(%dma_start3A_553 : memref<40x128xf32, #tpu.memory_space<vmem>>) target(%dma_start3A_549 : memref<40x128xf32, #tpu.memory_space<vmem_shared>>) target_semaphore(%arg12 : memref<!tpu.dma_semaphore, #tpu.memory_space<semaphore_mem>>)
      %mul3A_554 = arith.constant 640 : i32
      %mul3A_555 = arith.muli %arg1, %mul3A_554 : i32
      %add3A_556 = arith.constant 160 : i32
      %add3A_557 = arith.addi %mul3A_555, %add3A_556 : i32
      %dma_start3A_558 = arith.constant 0 : i32
      %dma_start3A_559 = arith.constant 0 : i32
      %dma_start3A_560 = arith.constant 0 : i32
      %dma_start3A_561 = tpu.memref_slice %arg8[%dma_start3A_558, %dma_start3A_559, %dma_start3A_560] : memref<5x40x128xf32, #tpu.memory_space<vmem>> -> memref<1x40x128xf32, #tpu.memory_space<vmem>>
      %dma_start3A_562 = tpu.memref_squeeze %dma_start3A_561 : memref<1x40x128xf32, #tpu.memory_space<vmem>> -> memref<40x128xf32, #tpu.memory_space<vmem>>
      %dma_start3A_563 = arith.constant 0 : i32
      %dma_start3A_564 = tpu.memref_slice %arg13[%add3A_557, %dma_start3A_563] : memref<10240x128xf32, #tpu.memory_space<vmem_shared>> -> memref<40x128xf32, #tpu.memory_space<vmem_shared>>
      %dma_start3A_565 = arith.constant 0 : i32
      %dma_start3A_566 = tpu.memref_slice %arg13[%add3A_557, %dma_start3A_565] : memref<10240x128xf32, #tpu.memory_space<vmem_shared>> -> memref<40x128xf32, #tpu.memory_space<vmem_shared>>
      %dma_start3A_567 = arith.constant 0 : i32
      %dma_start3A_568 = arith.constant 0 : i32
      %dma_start3A_569 = tpu.memref_slice %arg8[%dma_start3A_558, %dma_start3A_567, %dma_start3A_568] : memref<5x40x128xf32, #tpu.memory_space<vmem>> -> memref<1x40x128xf32, #tpu.memory_space<vmem>>
      %dma_start3A_570 = tpu.memref_squeeze %dma_start3A_569 : memref<1x40x128xf32, #tpu.memory_space<vmem>> -> memref<40x128xf32, #tpu.memory_space<vmem>>
      tpu.enqueue_dma source(%dma_start3A_570 : memref<40x128xf32, #tpu.memory_space<vmem>>) target(%dma_start3A_566 : memref<40x128xf32, #tpu.memory_space<vmem_shared>>) target_semaphore(%arg12 : memref<!tpu.dma_semaphore, #tpu.memory_space<semaphore_mem>>)
      %mul3A_571 = arith.constant 640 : i32
      %mul3A_572 = arith.muli %arg1, %mul3A_571 : i32
      %add3A_573 = arith.constant 200 : i32
      %add3A_574 = arith.addi %mul3A_572, %add3A_573 : i32
      %dma_start3A_575 = arith.constant 0 : i32
      %dma_start3A_576 = arith.constant 0 : i32
      %dma_start3A_577 = arith.constant 0 : i32
      %dma_start3A_578 = tpu.memref_slice %arg8[%dma_start3A_575, %dma_start3A_576, %dma_start3A_577] : memref<5x40x128xf32, #tpu.memory_space<vmem>> -> memref<1x40x128xf32, #tpu.memory_space<vmem>>
      %dma_start3A_579 = tpu.memref_squeeze %dma_start3A_578 : memref<1x40x128xf32, #tpu.memory_space<vmem>> -> memref<40x128xf32, #tpu.memory_space<vmem>>
      %dma_start3A_580 = arith.constant 0 : i32
      %dma_start3A_581 = tpu.memref_slice %arg13[%add3A_574, %dma_start3A_580] : memref<10240x128xf32, #tpu.memory_space<vmem_shared>> -> memref<40x128xf32, #tpu.memory_space<vmem_shared>>
      %dma_start3A_582 = arith.constant 0 : i32
      %dma_start3A_583 = tpu.memref_slice %arg13[%add3A_574, %dma_start3A_582] : memref<10240x128xf32, #tpu.memory_space<vmem_shared>> -> memref<40x128xf32, #tpu.memory_space<vmem_shared>>
      %dma_start3A_584 = arith.constant 0 : i32
      %dma_start3A_585 = arith.constant 0 : i32
      %dma_start3A_586 = tpu.memref_slice %arg8[%dma_start3A_575, %dma_start3A_584, %dma_start3A_585] : memref<5x40x128xf32, #tpu.memory_space<vmem>> -> memref<1x40x128xf32, #tpu.memory_space<vmem>>
      %dma_start3A_587 = tpu.memref_squeeze %dma_start3A_586 : memref<1x40x128xf32, #tpu.memory_space<vmem>> -> memref<40x128xf32, #tpu.memory_space<vmem>>
      tpu.enqueue_dma source(%dma_start3A_587 : memref<40x128xf32, #tpu.memory_space<vmem>>) target(%dma_start3A_583 : memref<40x128xf32, #tpu.memory_space<vmem_shared>>) target_semaphore(%arg12 : memref<!tpu.dma_semaphore, #tpu.memory_space<semaphore_mem>>)
      %mul3A_588 = arith.constant 640 : i32
      %mul3A_589 = arith.muli %arg1, %mul3A_588 : i32
      %add3A_590 = arith.constant 240 : i32
      %add3A_591 = arith.addi %mul3A_589, %add3A_590 : i32
      %dma_start3A_592 = arith.constant 0 : i32
      %dma_start3A_593 = arith.constant 0 : i32
      %dma_start3A_594 = arith.constant 0 : i32
      %dma_start3A_595 = tpu.memref_slice %arg8[%dma_start3A_592, %dma_start3A_593, %dma_start3A_594] : memref<5x40x128xf32, #tpu.memory_space<vmem>> -> memref<1x40x128xf32, #tpu.memory_space<vmem>>
      %dma_start3A_596 = tpu.memref_squeeze %dma_start3A_595 : memref<1x40x128xf32, #tpu.memory_space<vmem>> -> memref<40x128xf32, #tpu.memory_space<vmem>>
      %dma_start3A_597 = arith.constant 0 : i32
      %dma_start3A_598 = tpu.memref_slice %arg13[%add3A_591, %dma_start3A_597] : memref<10240x128xf32, #tpu.memory_space<vmem_shared>> -> memref<40x128xf32, #tpu.memory_space<vmem_shared>>
      %dma_start3A_599 = arith.constant 0 : i32
      %dma_start3A_600 = tpu.memref_slice %arg13[%add3A_591, %dma_start3A_599] : memref<10240x128xf32, #tpu.memory_space<vmem_shared>> -> memref<40x128xf32, #tpu.memory_space<vmem_shared>>
      %dma_start3A_601 = arith.constant 0 : i32
      %dma_start3A_602 = arith.constant 0 : i32
      %dma_start3A_603 = tpu.memref_slice %arg8[%dma_start3A_592, %dma_start3A_601, %dma_start3A_602] : memref<5x40x128xf32, #tpu.memory_space<vmem>> -> memref<1x40x128xf32, #tpu.memory_space<vmem>>
      %dma_start3A_604 = tpu.memref_squeeze %dma_start3A_603 : memref<1x40x128xf32, #tpu.memory_space<vmem>> -> memref<40x128xf32, #tpu.memory_space<vmem>>
      tpu.enqueue_dma source(%dma_start3A_604 : memref<40x128xf32, #tpu.memory_space<vmem>>) target(%dma_start3A_600 : memref<40x128xf32, #tpu.memory_space<vmem_shared>>) target_semaphore(%arg12 : memref<!tpu.dma_semaphore, #tpu.memory_space<semaphore_mem>>)
      %mul3A_605 = arith.constant 640 : i32
      %mul3A_606 = arith.muli %arg1, %mul3A_605 : i32
      %add3A_607 = arith.constant 280 : i32
      %add3A_608 = arith.addi %mul3A_606, %add3A_607 : i32
      %dma_start3A_609 = arith.constant 0 : i32
      %dma_start3A_610 = arith.constant 0 : i32
      %dma_start3A_611 = arith.constant 0 : i32
      %dma_start3A_612 = tpu.memref_slice %arg8[%dma_start3A_609, %dma_start3A_610, %dma_start3A_611] : memref<5x40x128xf32, #tpu.memory_space<vmem>> -> memref<1x40x128xf32, #tpu.memory_space<vmem>>
      %dma_start3A_613 = tpu.memref_squeeze %dma_start3A_612 : memref<1x40x128xf32, #tpu.memory_space<vmem>> -> memref<40x128xf32, #tpu.memory_space<vmem>>
      %dma_start3A_614 = arith.constant 0 : i32
      %dma_start3A_615 = tpu.memref_slice %arg13[%add3A_608, %dma_start3A_614] : memref<10240x128xf32, #tpu.memory_space<vmem_shared>> -> memref<40x128xf32, #tpu.memory_space<vmem_shared>>
      %dma_start3A_616 = arith.constant 0 : i32
      %dma_start3A_617 = tpu.memref_slice %arg13[%add3A_608, %dma_start3A_616] : memref<10240x128xf32, #tpu.memory_space<vmem_shared>> -> memref<40x128xf32, #tpu.memory_space<vmem_shared>>
      %dma_start3A_618 = arith.constant 0 : i32
      %dma_start3A_619 = arith.constant 0 : i32
      %dma_start3A_620 = tpu.memref_slice %arg8[%dma_start3A_609, %dma_start3A_618, %dma_start3A_619] : memref<5x40x128xf32, #tpu.memory_space<vmem>> -> memref<1x40x128xf32, #tpu.memory_space<vmem>>
      %dma_start3A_621 = tpu.memref_squeeze %dma_start3A_620 : memref<1x40x128xf32, #tpu.memory_space<vmem>> -> memref<40x128xf32, #tpu.memory_space<vmem>>
      tpu.enqueue_dma source(%dma_start3A_621 : memref<40x128xf32, #tpu.memory_space<vmem>>) target(%dma_start3A_617 : memref<40x128xf32, #tpu.memory_space<vmem_shared>>) target_semaphore(%arg12 : memref<!tpu.dma_semaphore, #tpu.memory_space<semaphore_mem>>)
      %mul3A_622 = arith.constant 640 : i32
      %mul3A_623 = arith.muli %arg1, %mul3A_622 : i32
      %add3A_624 = arith.constant 320 : i32
      %add3A_625 = arith.addi %mul3A_623, %add3A_624 : i32
      %dma_start3A_626 = arith.constant 0 : i32
      %dma_start3A_627 = arith.constant 0 : i32
      %dma_start3A_628 = arith.constant 0 : i32
      %dma_start3A_629 = tpu.memref_slice %arg8[%dma_start3A_626, %dma_start3A_627, %dma_start3A_628] : memref<5x40x128xf32, #tpu.memory_space<vmem>> -> memref<1x40x128xf32, #tpu.memory_space<vmem>>
      %dma_start3A_630 = tpu.memref_squeeze %dma_start3A_629 : memref<1x40x128xf32, #tpu.memory_space<vmem>> -> memref<40x128xf32, #tpu.memory_space<vmem>>
      %dma_start3A_631 = arith.constant 0 : i32
      %dma_start3A_632 = tpu.memref_slice %arg13[%add3A_625, %dma_start3A_631] : memref<10240x128xf32, #tpu.memory_space<vmem_shared>> -> memref<40x128xf32, #tpu.memory_space<vmem_shared>>
      %dma_start3A_633 = arith.constant 0 : i32
      %dma_start3A_634 = tpu.memref_slice %arg13[%add3A_625, %dma_start3A_633] : memref<10240x128xf32, #tpu.memory_space<vmem_shared>> -> memref<40x128xf32, #tpu.memory_space<vmem_shared>>
      %dma_start3A_635 = arith.constant 0 : i32
      %dma_start3A_636 = arith.constant 0 : i32
      %dma_start3A_637 = tpu.memref_slice %arg8[%dma_start3A_626, %dma_start3A_635, %dma_start3A_636] : memref<5x40x128xf32, #tpu.memory_space<vmem>> -> memref<1x40x128xf32, #tpu.memory_space<vmem>>
      %dma_start3A_638 = tpu.memref_squeeze %dma_start3A_637 : memref<1x40x128xf32, #tpu.memory_space<vmem>> -> memref<40x128xf32, #tpu.memory_space<vmem>>
      tpu.enqueue_dma source(%dma_start3A_638 : memref<40x128xf32, #tpu.memory_space<vmem>>) target(%dma_start3A_634 : memref<40x128xf32, #tpu.memory_space<vmem_shared>>) target_semaphore(%arg12 : memref<!tpu.dma_semaphore, #tpu.memory_space<semaphore_mem>>)
      %mul3A_639 = arith.constant 640 : i32
      %mul3A_640 = arith.muli %arg1, %mul3A_639 : i32
      %add3A_641 = arith.constant 360 : i32
      %add3A_642 = arith.addi %mul3A_640, %add3A_641 : i32
      %dma_start3A_643 = arith.constant 0 : i32
      %dma_start3A_644 = arith.constant 0 : i32
      %dma_start3A_645 = arith.constant 0 : i32
      %dma_start3A_646 = tpu.memref_slice %arg8[%dma_start3A_643, %dma_start3A_644, %dma_start3A_645] : memref<5x40x128xf32, #tpu.memory_space<vmem>> -> memref<1x40x128xf32, #tpu.memory_space<vmem>>
      %dma_start3A_647 = tpu.memref_squeeze %dma_start3A_646 : memref<1x40x128xf32, #tpu.memory_space<vmem>> -> memref<40x128xf32, #tpu.memory_space<vmem>>
      %dma_start3A_648 = arith.constant 0 : i32
      %dma_start3A_649 = tpu.memref_slice %arg13[%add3A_642, %dma_start3A_648] : memref<10240x128xf32, #tpu.memory_space<vmem_shared>> -> memref<40x128xf32, #tpu.memory_space<vmem_shared>>
      %dma_start3A_650 = arith.constant 0 : i32
      %dma_start3A_651 = tpu.memref_slice %arg13[%add3A_642, %dma_start3A_650] : memref<10240x128xf32, #tpu.memory_space<vmem_shared>> -> memref<40x128xf32, #tpu.memory_space<vmem_shared>>
      %dma_start3A_652 = arith.constant 0 : i32
      %dma_start3A_653 = arith.constant 0 : i32
      %dma_start3A_654 = tpu.memref_slice %arg8[%dma_start3A_643, %dma_start3A_652, %dma_start3A_653] : memref<5x40x128xf32, #tpu.memory_space<vmem>> -> memref<1x40x128xf32, #tpu.memory_space<vmem>>
      %dma_start3A_655 = tpu.memref_squeeze %dma_start3A_654 : memref<1x40x128xf32, #tpu.memory_space<vmem>> -> memref<40x128xf32, #tpu.memory_space<vmem>>
      tpu.enqueue_dma source(%dma_start3A_655 : memref<40x128xf32, #tpu.memory_space<vmem>>) target(%dma_start3A_651 : memref<40x128xf32, #tpu.memory_space<vmem_shared>>) target_semaphore(%arg12 : memref<!tpu.dma_semaphore, #tpu.memory_space<semaphore_mem>>)
      %mul3A_656 = arith.constant 640 : i32
      %mul3A_657 = arith.muli %arg1, %mul3A_656 : i32
      %add3A_658 = arith.constant 400 : i32
      %add3A_659 = arith.addi %mul3A_657, %add3A_658 : i32
      %dma_start3A_660 = arith.constant 0 : i32
      %dma_start3A_661 = arith.constant 0 : i32
      %dma_start3A_662 = arith.constant 0 : i32
      %dma_start3A_663 = tpu.memref_slice %arg8[%dma_start3A_660, %dma_start3A_661, %dma_start3A_662] : memref<5x40x128xf32, #tpu.memory_space<vmem>> -> memref<1x40x128xf32, #tpu.memory_space<vmem>>
      %dma_start3A_664 = tpu.memref_squeeze %dma_start3A_663 : memref<1x40x128xf32, #tpu.memory_space<vmem>> -> memref<40x128xf32, #tpu.memory_space<vmem>>
      %dma_start3A_665 = arith.constant 0 : i32
      %dma_start3A_666 = tpu.memref_slice %arg13[%add3A_659, %dma_start3A_665] : memref<10240x128xf32, #tpu.memory_space<vmem_shared>> -> memref<40x128xf32, #tpu.memory_space<vmem_shared>>
      %dma_start3A_667 = arith.constant 0 : i32
      %dma_start3A_668 = tpu.memref_slice %arg13[%add3A_659, %dma_start3A_667] : memref<10240x128xf32, #tpu.memory_space<vmem_shared>> -> memref<40x128xf32, #tpu.memory_space<vmem_shared>>
      %dma_start3A_669 = arith.constant 0 : i32
      %dma_start3A_670 = arith.constant 0 : i32
      %dma_start3A_671 = tpu.memref_slice %arg8[%dma_start3A_660, %dma_start3A_669, %dma_start3A_670] : memref<5x40x128xf32, #tpu.memory_space<vmem>> -> memref<1x40x128xf32, #tpu.memory_space<vmem>>
      %dma_start3A_672 = tpu.memref_squeeze %dma_start3A_671 : memref<1x40x128xf32, #tpu.memory_space<vmem>> -> memref<40x128xf32, #tpu.memory_space<vmem>>
      tpu.enqueue_dma source(%dma_start3A_672 : memref<40x128xf32, #tpu.memory_space<vmem>>) target(%dma_start3A_668 : memref<40x128xf32, #tpu.memory_space<vmem_shared>>) target_semaphore(%arg12 : memref<!tpu.dma_semaphore, #tpu.memory_space<semaphore_mem>>)
      %mul3A_673 = arith.constant 640 : i32
      %mul3A_674 = arith.muli %arg1, %mul3A_673 : i32
      %add3A_675 = arith.constant 440 : i32
      %add3A_676 = arith.addi %mul3A_674, %add3A_675 : i32
      %dma_start3A_677 = arith.constant 0 : i32
      %dma_start3A_678 = arith.constant 0 : i32
      %dma_start3A_679 = arith.constant 0 : i32
      %dma_start3A_680 = tpu.memref_slice %arg8[%dma_start3A_677, %dma_start3A_678, %dma_start3A_679] : memref<5x40x128xf32, #tpu.memory_space<vmem>> -> memref<1x40x128xf32, #tpu.memory_space<vmem>>
      %dma_start3A_681 = tpu.memref_squeeze %dma_start3A_680 : memref<1x40x128xf32, #tpu.memory_space<vmem>> -> memref<40x128xf32, #tpu.memory_space<vmem>>
      %dma_start3A_682 = arith.constant 0 : i32
      %dma_start3A_683 = tpu.memref_slice %arg13[%add3A_676, %dma_start3A_682] : memref<10240x128xf32, #tpu.memory_space<vmem_shared>> -> memref<40x128xf32, #tpu.memory_space<vmem_shared>>
      %dma_start3A_684 = arith.constant 0 : i32
      %dma_start3A_685 = tpu.memref_slice %arg13[%add3A_676, %dma_start3A_684] : memref<10240x128xf32, #tpu.memory_space<vmem_shared>> -> memref<40x128xf32, #tpu.memory_space<vmem_shared>>
      %dma_start3A_686 = arith.constant 0 : i32
      %dma_start3A_687 = arith.constant 0 : i32
      %dma_start3A_688 = tpu.memref_slice %arg8[%dma_start3A_677, %dma_start3A_686, %dma_start3A_687] : memref<5x40x128xf32, #tpu.memory_space<vmem>> -> memref<1x40x128xf32, #tpu.memory_space<vmem>>
      %dma_start3A_689 = tpu.memref_squeeze %dma_start3A_688 : memref<1x40x128xf32, #tpu.memory_space<vmem>> -> memref<40x128xf32, #tpu.memory_space<vmem>>
      tpu.enqueue_dma source(%dma_start3A_689 : memref<40x128xf32, #tpu.memory_space<vmem>>) target(%dma_start3A_685 : memref<40x128xf32, #tpu.memory_space<vmem_shared>>) target_semaphore(%arg12 : memref<!tpu.dma_semaphore, #tpu.memory_space<semaphore_mem>>)
      %mul3A_690 = arith.constant 640 : i32
      %mul3A_691 = arith.muli %arg1, %mul3A_690 : i32
      %add3A_692 = arith.constant 480 : i32
      %add3A_693 = arith.addi %mul3A_691, %add3A_692 : i32
      %dma_start3A_694 = arith.constant 0 : i32
      %dma_start3A_695 = arith.constant 0 : i32
      %dma_start3A_696 = arith.constant 0 : i32
      %dma_start3A_697 = tpu.memref_slice %arg8[%dma_start3A_694, %dma_start3A_695, %dma_start3A_696] : memref<5x40x128xf32, #tpu.memory_space<vmem>> -> memref<1x40x128xf32, #tpu.memory_space<vmem>>
      %dma_start3A_698 = tpu.memref_squeeze %dma_start3A_697 : memref<1x40x128xf32, #tpu.memory_space<vmem>> -> memref<40x128xf32, #tpu.memory_space<vmem>>
      %dma_start3A_699 = arith.constant 0 : i32
      %dma_start3A_700 = tpu.memref_slice %arg13[%add3A_693, %dma_start3A_699] : memref<10240x128xf32, #tpu.memory_space<vmem_shared>> -> memref<40x128xf32, #tpu.memory_space<vmem_shared>>
      %dma_start3A_701 = arith.constant 0 : i32
      %dma_start3A_702 = tpu.memref_slice %arg13[%add3A_693, %dma_start3A_701] : memref<10240x128xf32, #tpu.memory_space<vmem_shared>> -> memref<40x128xf32, #tpu.memory_space<vmem_shared>>
      %dma_start3A_703 = arith.constant 0 : i32
      %dma_start3A_704 = arith.constant 0 : i32
      %dma_start3A_705 = tpu.memref_slice %arg8[%dma_start3A_694, %dma_start3A_703, %dma_start3A_704] : memref<5x40x128xf32, #tpu.memory_space<vmem>> -> memref<1x40x128xf32, #tpu.memory_space<vmem>>
      %dma_start3A_706 = tpu.memref_squeeze %dma_start3A_705 : memref<1x40x128xf32, #tpu.memory_space<vmem>> -> memref<40x128xf32, #tpu.memory_space<vmem>>
      tpu.enqueue_dma source(%dma_start3A_706 : memref<40x128xf32, #tpu.memory_space<vmem>>) target(%dma_start3A_702 : memref<40x128xf32, #tpu.memory_space<vmem_shared>>) target_semaphore(%arg12 : memref<!tpu.dma_semaphore, #tpu.memory_space<semaphore_mem>>)
      %mul3A_707 = arith.constant 640 : i32
      %mul3A_708 = arith.muli %arg1, %mul3A_707 : i32
      %add3A_709 = arith.constant 520 : i32
      %add3A_710 = arith.addi %mul3A_708, %add3A_709 : i32
      %dma_start3A_711 = arith.constant 0 : i32
      %dma_start3A_712 = arith.constant 0 : i32
      %dma_start3A_713 = arith.constant 0 : i32
      %dma_start3A_714 = tpu.memref_slice %arg8[%dma_start3A_711, %dma_start3A_712, %dma_start3A_713] : memref<5x40x128xf32, #tpu.memory_space<vmem>> -> memref<1x40x128xf32, #tpu.memory_space<vmem>>
      %dma_start3A_715 = tpu.memref_squeeze %dma_start3A_714 : memref<1x40x128xf32, #tpu.memory_space<vmem>> -> memref<40x128xf32, #tpu.memory_space<vmem>>
      %dma_start3A_716 = arith.constant 0 : i32
      %dma_start3A_717 = tpu.memref_slice %arg13[%add3A_710, %dma_start3A_716] : memref<10240x128xf32, #tpu.memory_space<vmem_shared>> -> memref<40x128xf32, #tpu.memory_space<vmem_shared>>
      %dma_start3A_718 = arith.constant 0 : i32
      %dma_start3A_719 = tpu.memref_slice %arg13[%add3A_710, %dma_start3A_718] : memref<10240x128xf32, #tpu.memory_space<vmem_shared>> -> memref<40x128xf32, #tpu.memory_space<vmem_shared>>
      %dma_start3A_720 = arith.constant 0 : i32
      %dma_start3A_721 = arith.constant 0 : i32
      %dma_start3A_722 = tpu.memref_slice %arg8[%dma_start3A_711, %dma_start3A_720, %dma_start3A_721] : memref<5x40x128xf32, #tpu.memory_space<vmem>> -> memref<1x40x128xf32, #tpu.memory_space<vmem>>
      %dma_start3A_723 = tpu.memref_squeeze %dma_start3A_722 : memref<1x40x128xf32, #tpu.memory_space<vmem>> -> memref<40x128xf32, #tpu.memory_space<vmem>>
      tpu.enqueue_dma source(%dma_start3A_723 : memref<40x128xf32, #tpu.memory_space<vmem>>) target(%dma_start3A_719 : memref<40x128xf32, #tpu.memory_space<vmem_shared>>) target_semaphore(%arg12 : memref<!tpu.dma_semaphore, #tpu.memory_space<semaphore_mem>>)
      %mul3A_724 = arith.constant 640 : i32
      %mul3A_725 = arith.muli %arg1, %mul3A_724 : i32
      %add3A_726 = arith.constant 560 : i32
      %add3A_727 = arith.addi %mul3A_725, %add3A_726 : i32
      %dma_start3A_728 = arith.constant 0 : i32
      %dma_start3A_729 = arith.constant 0 : i32
      %dma_start3A_730 = arith.constant 0 : i32
      %dma_start3A_731 = tpu.memref_slice %arg8[%dma_start3A_728, %dma_start3A_729, %dma_start3A_730] : memref<5x40x128xf32, #tpu.memory_space<vmem>> -> memref<1x40x128xf32, #tpu.memory_space<vmem>>
      %dma_start3A_732 = tpu.memref_squeeze %dma_start3A_731 : memref<1x40x128xf32, #tpu.memory_space<vmem>> -> memref<40x128xf32, #tpu.memory_space<vmem>>
      %dma_start3A_733 = arith.constant 0 : i32
      %dma_start3A_734 = tpu.memref_slice %arg13[%add3A_727, %dma_start3A_733] : memref<10240x128xf32, #tpu.memory_space<vmem_shared>> -> memref<40x128xf32, #tpu.memory_space<vmem_shared>>
      %dma_start3A_735 = arith.constant 0 : i32
      %dma_start3A_736 = tpu.memref_slice %arg13[%add3A_727, %dma_start3A_735] : memref<10240x128xf32, #tpu.memory_space<vmem_shared>> -> memref<40x128xf32, #tpu.memory_space<vmem_shared>>
      %dma_start3A_737 = arith.constant 0 : i32
      %dma_start3A_738 = arith.constant 0 : i32
      %dma_start3A_739 = tpu.memref_slice %arg8[%dma_start3A_728, %dma_start3A_737, %dma_start3A_738] : memref<5x40x128xf32, #tpu.memory_space<vmem>> -> memref<1x40x128xf32, #tpu.memory_space<vmem>>
      %dma_start3A_740 = tpu.memref_squeeze %dma_start3A_739 : memref<1x40x128xf32, #tpu.memory_space<vmem>> -> memref<40x128xf32, #tpu.memory_space<vmem>>
      tpu.enqueue_dma source(%dma_start3A_740 : memref<40x128xf32, #tpu.memory_space<vmem>>) target(%dma_start3A_736 : memref<40x128xf32, #tpu.memory_space<vmem_shared>>) target_semaphore(%arg12 : memref<!tpu.dma_semaphore, #tpu.memory_space<semaphore_mem>>)
      %mul3A_741 = arith.constant 640 : i32
      %mul3A_742 = arith.muli %arg1, %mul3A_741 : i32
      %add3A_743 = arith.constant 600 : i32
      %add3A_744 = arith.addi %mul3A_742, %add3A_743 : i32
      %dma_start3A_745 = arith.constant 0 : i32
      %dma_start3A_746 = arith.constant 0 : i32
      %dma_start3A_747 = arith.constant 0 : i32
      %dma_start3A_748 = tpu.memref_slice %arg8[%dma_start3A_745, %dma_start3A_746, %dma_start3A_747] : memref<5x40x128xf32, #tpu.memory_space<vmem>> -> memref<1x40x128xf32, #tpu.memory_space<vmem>>
      %dma_start3A_749 = tpu.memref_squeeze %dma_start3A_748 : memref<1x40x128xf32, #tpu.memory_space<vmem>> -> memref<40x128xf32, #tpu.memory_space<vmem>>
      %dma_start3A_750 = arith.constant 0 : i32
      %dma_start3A_751 = tpu.memref_slice %arg13[%add3A_744, %dma_start3A_750] : memref<10240x128xf32, #tpu.memory_space<vmem_shared>> -> memref<40x128xf32, #tpu.memory_space<vmem_shared>>
      %dma_start3A_752 = arith.constant 0 : i32
      %dma_start3A_753 = tpu.memref_slice %arg13[%add3A_744, %dma_start3A_752] : memref<10240x128xf32, #tpu.memory_space<vmem_shared>> -> memref<40x128xf32, #tpu.memory_space<vmem_shared>>
      %dma_start3A_754 = arith.constant 0 : i32
      %dma_start3A_755 = arith.constant 0 : i32
      %dma_start3A_756 = tpu.memref_slice %arg8[%dma_start3A_745, %dma_start3A_754, %dma_start3A_755] : memref<5x40x128xf32, #tpu.memory_space<vmem>> -> memref<1x40x128xf32, #tpu.memory_space<vmem>>
      %dma_start3A_757 = tpu.memref_squeeze %dma_start3A_756 : memref<1x40x128xf32, #tpu.memory_space<vmem>> -> memref<40x128xf32, #tpu.memory_space<vmem>>
      tpu.enqueue_dma source(%dma_start3A_757 : memref<40x128xf32, #tpu.memory_space<vmem>>) target(%dma_start3A_753 : memref<40x128xf32, #tpu.memory_space<vmem_shared>>) target_semaphore(%arg12 : memref<!tpu.dma_semaphore, #tpu.memory_space<semaphore_mem>>)
      %dma_wait3A_758 = arith.constant 0 : i32
      %dma_wait3A_759 = arith.constant 0 : i32
      %dma_wait3A_760 = arith.constant 0 : i32
      %dma_wait3A_761 = tpu.memref_slice %arg8[%dma_wait3A_758, %dma_wait3A_759, %dma_wait3A_760] : memref<5x40x128xf32, #tpu.memory_space<vmem>> -> memref<1x40x128xf32, #tpu.memory_space<vmem>>
      %dma_wait3A_762 = tpu.memref_squeeze %dma_wait3A_761 : memref<1x40x128xf32, #tpu.memory_space<vmem>> -> memref<40x128xf32, #tpu.memory_space<vmem>>
      %dma_wait3A_763 = arith.constant 0 : i32
      %dma_wait3A_764 = arith.constant 0 : i32
      %dma_wait3A_765 = tpu.memref_slice %arg4[%dma_wait3A_763, %dma_wait3A_764] : memref<10000x128xf32, #tpu.memory_space<hbm>> -> memref<40x128xf32, #tpu.memory_space<hbm>>
      %dma_wait3A_766 = arith.constant 0 : i32
      %dma_wait3A_767 = arith.constant 0 : i32
      %dma_wait3A_768 = tpu.memref_slice %arg8[%dma_wait3A_758, %dma_wait3A_766, %dma_wait3A_767] : memref<5x40x128xf32, #tpu.memory_space<vmem>> -> memref<1x40x128xf32, #tpu.memory_space<vmem>>
      %dma_wait3A_769 = tpu.memref_squeeze %dma_wait3A_768 : memref<1x40x128xf32, #tpu.memory_space<vmem>> -> memref<40x128xf32, #tpu.memory_space<vmem>>
      %dma_wait3A_770 = arith.constant 0 : i32
      %dma_wait3A_771 = arith.constant 0 : i32
      %dma_wait3A_772 = tpu.memref_slice %arg4[%dma_wait3A_770, %dma_wait3A_771] : memref<10000x128xf32, #tpu.memory_space<hbm>> -> memref<40x128xf32, #tpu.memory_space<hbm>>
      tpu.wait_dma2 semaphore(%arg12 : memref<!tpu.dma_semaphore, #tpu.memory_space<semaphore_mem>>) src(%dma_wait3A_772 : memref<40x128xf32, #tpu.memory_space<hbm>>) dst(%dma_wait3A_769 : memref<40x128xf32, #tpu.memory_space<vmem>>)
      %dma_wait3A_773 = arith.constant 0 : i32
      %dma_wait3A_774 = arith.constant 0 : i32
      %dma_wait3A_775 = arith.constant 0 : i32
      %dma_wait3A_776 = tpu.memref_slice %arg8[%dma_wait3A_773, %dma_wait3A_774, %dma_wait3A_775] : memref<5x40x128xf32, #tpu.memory_space<vmem>> -> memref<1x40x128xf32, #tpu.memory_space<vmem>>
      %dma_wait3A_777 = tpu.memref_squeeze %dma_wait3A_776 : memref<1x40x128xf32, #tpu.memory_space<vmem>> -> memref<40x128xf32, #tpu.memory_space<vmem>>
      %dma_wait3A_778 = arith.constant 0 : i32
      %dma_wait3A_779 = arith.constant 0 : i32
      %dma_wait3A_780 = tpu.memref_slice %arg4[%dma_wait3A_778, %dma_wait3A_779] : memref<10000x128xf32, #tpu.memory_space<hbm>> -> memref<40x128xf32, #tpu.memory_space<hbm>>
      %dma_wait3A_781 = arith.constant 0 : i32
      %dma_wait3A_782 = arith.constant 0 : i32
      %dma_wait3A_783 = tpu.memref_slice %arg8[%dma_wait3A_773, %dma_wait3A_781, %dma_wait3A_782] : memref<5x40x128xf32, #tpu.memory_space<vmem>> -> memref<1x40x128xf32, #tpu.memory_space<vmem>>
      %dma_wait3A_784 = tpu.memref_squeeze %dma_wait3A_783 : memref<1x40x128xf32, #tpu.memory_space<vmem>> -> memref<40x128xf32, #tpu.memory_space<vmem>>
      %dma_wait3A_785 = arith.constant 0 : i32
      %dma_wait3A_786 = arith.constant 0 : i32
      %dma_wait3A_787 = tpu.memref_slice %arg4[%dma_wait3A_785, %dma_wait3A_786] : memref<10000x128xf32, #tpu.memory_space<hbm>> -> memref<40x128xf32, #tpu.memory_space<hbm>>
      tpu.wait_dma2 semaphore(%arg12 : memref<!tpu.dma_semaphore, #tpu.memory_space<semaphore_mem>>) src(%dma_wait3A_787 : memref<40x128xf32, #tpu.memory_space<hbm>>) dst(%dma_wait3A_784 : memref<40x128xf32, #tpu.memory_space<vmem>>)
      %dma_wait3A_788 = arith.constant 0 : i32
      %dma_wait3A_789 = arith.constant 0 : i32
      %dma_wait3A_790 = arith.constant 0 : i32
      %dma_wait3A_791 = tpu.memref_slice %arg8[%dma_wait3A_788, %dma_wait3A_789, %dma_wait3A_790] : memref<5x40x128xf32, #tpu.memory_space<vmem>> -> memref<1x40x128xf32, #tpu.memory_space<vmem>>
      %dma_wait3A_792 = tpu.memref_squeeze %dma_wait3A_791 : memref<1x40x128xf32, #tpu.memory_space<vmem>> -> memref<40x128xf32, #tpu.memory_space<vmem>>
      %dma_wait3A_793 = arith.constant 0 : i32
      %dma_wait3A_794 = arith.constant 0 : i32
      %dma_wait3A_795 = tpu.memref_slice %arg4[%dma_wait3A_793, %dma_wait3A_794] : memref<10000x128xf32, #tpu.memory_space<hbm>> -> memref<40x128xf32, #tpu.memory_space<hbm>>
      %dma_wait3A_796 = arith.constant 0 : i32
      %dma_wait3A_797 = arith.constant 0 : i32
      %dma_wait3A_798 = tpu.memref_slice %arg8[%dma_wait3A_788, %dma_wait3A_796, %dma_wait3A_797] : memref<5x40x128xf32, #tpu.memory_space<vmem>> -> memref<1x40x128xf32, #tpu.memory_space<vmem>>
      %dma_wait3A_799 = tpu.memref_squeeze %dma_wait3A_798 : memref<1x40x128xf32, #tpu.memory_space<vmem>> -> memref<40x128xf32, #tpu.memory_space<vmem>>
      %dma_wait3A_800 = arith.constant 0 : i32
      %dma_wait3A_801 = arith.constant 0 : i32
      %dma_wait3A_802 = tpu.memref_slice %arg4[%dma_wait3A_800, %dma_wait3A_801] : memref<10000x128xf32, #tpu.memory_space<hbm>> -> memref<40x128xf32, #tpu.memory_space<hbm>>
      tpu.wait_dma2 semaphore(%arg12 : memref<!tpu.dma_semaphore, #tpu.memory_space<semaphore_mem>>) src(%dma_wait3A_802 : memref<40x128xf32, #tpu.memory_space<hbm>>) dst(%dma_wait3A_799 : memref<40x128xf32, #tpu.memory_space<vmem>>)
      %dma_wait3A_803 = arith.constant 0 : i32
      %dma_wait3A_804 = arith.constant 0 : i32
      %dma_wait3A_805 = arith.constant 0 : i32
      %dma_wait3A_806 = tpu.memref_slice %arg8[%dma_wait3A_803, %dma_wait3A_804, %dma_wait3A_805] : memref<5x40x128xf32, #tpu.memory_space<vmem>> -> memref<1x40x128xf32, #tpu.memory_space<vmem>>
      %dma_wait3A_807 = tpu.memref_squeeze %dma_wait3A_806 : memref<1x40x128xf32, #tpu.memory_space<vmem>> -> memref<40x128xf32, #tpu.memory_space<vmem>>
      %dma_wait3A_808 = arith.constant 0 : i32
      %dma_wait3A_809 = arith.constant 0 : i32
      %dma_wait3A_810 = tpu.memref_slice %arg4[%dma_wait3A_808, %dma_wait3A_809] : memref<10000x128xf32, #tpu.memory_space<hbm>> -> memref<40x128xf32, #tpu.memory_space<hbm>>
      %dma_wait3A_811 = arith.constant 0 : i32
      %dma_wait3A_812 = arith.constant 0 : i32
      %dma_wait3A_813 = tpu.memref_slice %arg8[%dma_wait3A_803, %dma_wait3A_811, %dma_wait3A_812] : memref<5x40x128xf32, #tpu.memory_space<vmem>> -> memref<1x40x128xf32, #tpu.memory_space<vmem>>
      %dma_wait3A_814 = tpu.memref_squeeze %dma_wait3A_813 : memref<1x40x128xf32, #tpu.memory_space<vmem>> -> memref<40x128xf32, #tpu.memory_space<vmem>>
      %dma_wait3A_815 = arith.constant 0 : i32
      %dma_wait3A_816 = arith.constant 0 : i32
      %dma_wait3A_817 = tpu.memref_slice %arg4[%dma_wait3A_815, %dma_wait3A_816] : memref<10000x128xf32, #tpu.memory_space<hbm>> -> memref<40x128xf32, #tpu.memory_space<hbm>>
      tpu.wait_dma2 semaphore(%arg12 : memref<!tpu.dma_semaphore, #tpu.memory_space<semaphore_mem>>) src(%dma_wait3A_817 : memref<40x128xf32, #tpu.memory_space<hbm>>) dst(%dma_wait3A_814 : memref<40x128xf32, #tpu.memory_space<vmem>>)
      %dma_wait3A_818 = arith.constant 0 : i32
      %dma_wait3A_819 = arith.constant 0 : i32
      %dma_wait3A_820 = arith.constant 0 : i32
      %dma_wait3A_821 = tpu.memref_slice %arg8[%dma_wait3A_818, %dma_wait3A_819, %dma_wait3A_820] : memref<5x40x128xf32, #tpu.memory_space<vmem>> -> memref<1x40x128xf32, #tpu.memory_space<vmem>>
      %dma_wait3A_822 = tpu.memref_squeeze %dma_wait3A_821 : memref<1x40x128xf32, #tpu.memory_space<vmem>> -> memref<40x128xf32, #tpu.memory_space<vmem>>
      %dma_wait3A_823 = arith.constant 0 : i32
      %dma_wait3A_824 = arith.constant 0 : i32
      %dma_wait3A_825 = tpu.memref_slice %arg4[%dma_wait3A_823, %dma_wait3A_824] : memref<10000x128xf32, #tpu.memory_space<hbm>> -> memref<40x128xf32, #tpu.memory_space<hbm>>
      %dma_wait3A_826 = arith.constant 0 : i32
      %dma_wait3A_827 = arith.constant 0 : i32
      %dma_wait3A_828 = tpu.memref_slice %arg8[%dma_wait3A_818, %dma_wait3A_826, %dma_wait3A_827] : memref<5x40x128xf32, #tpu.memory_space<vmem>> -> memref<1x40x128xf32, #tpu.memory_space<vmem>>
      %dma_wait3A_829 = tpu.memref_squeeze %dma_wait3A_828 : memref<1x40x128xf32, #tpu.memory_space<vmem>> -> memref<40x128xf32, #tpu.memory_space<vmem>>
      %dma_wait3A_830 = arith.constant 0 : i32
      %dma_wait3A_831 = arith.constant 0 : i32
      %dma_wait3A_832 = tpu.memref_slice %arg4[%dma_wait3A_830, %dma_wait3A_831] : memref<10000x128xf32, #tpu.memory_space<hbm>> -> memref<40x128xf32, #tpu.memory_space<hbm>>
      tpu.wait_dma2 semaphore(%arg12 : memref<!tpu.dma_semaphore, #tpu.memory_space<semaphore_mem>>) src(%dma_wait3A_832 : memref<40x128xf32, #tpu.memory_space<hbm>>) dst(%dma_wait3A_829 : memref<40x128xf32, #tpu.memory_space<vmem>>)
      %dma_wait3A_833 = arith.constant 0 : i32
      %dma_wait3A_834 = arith.constant 0 : i32
      %dma_wait3A_835 = arith.constant 0 : i32
      %dma_wait3A_836 = tpu.memref_slice %arg8[%dma_wait3A_833, %dma_wait3A_834, %dma_wait3A_835] : memref<5x40x128xf32, #tpu.memory_space<vmem>> -> memref<1x40x128xf32, #tpu.memory_space<vmem>>
      %dma_wait3A_837 = tpu.memref_squeeze %dma_wait3A_836 : memref<1x40x128xf32, #tpu.memory_space<vmem>> -> memref<40x128xf32, #tpu.memory_space<vmem>>
      %dma_wait3A_838 = arith.constant 0 : i32
      %dma_wait3A_839 = arith.constant 0 : i32
      %dma_wait3A_840 = tpu.memref_slice %arg4[%dma_wait3A_838, %dma_wait3A_839] : memref<10000x128xf32, #tpu.memory_space<hbm>> -> memref<40x128xf32, #tpu.memory_space<hbm>>
      %dma_wait3A_841 = arith.constant 0 : i32
      %dma_wait3A_842 = arith.constant 0 : i32
      %dma_wait3A_843 = tpu.memref_slice %arg8[%dma_wait3A_833, %dma_wait3A_841, %dma_wait3A_842] : memref<5x40x128xf32, #tpu.memory_space<vmem>> -> memref<1x40x128xf32, #tpu.memory_space<vmem>>
      %dma_wait3A_844 = tpu.memref_squeeze %dma_wait3A_843 : memref<1x40x128xf32, #tpu.memory_space<vmem>> -> memref<40x128xf32, #tpu.memory_space<vmem>>
      %dma_wait3A_845 = arith.constant 0 : i32
      %dma_wait3A_846 = arith.constant 0 : i32
      %dma_wait3A_847 = tpu.memref_slice %arg4[%dma_wait3A_845, %dma_wait3A_846] : memref<10000x128xf32, #tpu.memory_space<hbm>> -> memref<40x128xf32, #tpu.memory_space<hbm>>
      tpu.wait_dma2 semaphore(%arg12 : memref<!tpu.dma_semaphore, #tpu.memory_space<semaphore_mem>>) src(%dma_wait3A_847 : memref<40x128xf32, #tpu.memory_space<hbm>>) dst(%dma_wait3A_844 : memref<40x128xf32, #tpu.memory_space<vmem>>)
      %dma_wait3A_848 = arith.constant 0 : i32
      %dma_wait3A_849 = arith.constant 0 : i32
      %dma_wait3A_850 = arith.constant 0 : i32
      %dma_wait3A_851 = tpu.memref_slice %arg8[%dma_wait3A_848, %dma_wait3A_849, %dma_wait3A_850] : memref<5x40x128xf32, #tpu.memory_space<vmem>> -> memref<1x40x128xf32, #tpu.memory_space<vmem>>
      %dma_wait3A_852 = tpu.memref_squeeze %dma_wait3A_851 : memref<1x40x128xf32, #tpu.memory_space<vmem>> -> memref<40x128xf32, #tpu.memory_space<vmem>>
      %dma_wait3A_853 = arith.constant 0 : i32
      %dma_wait3A_854 = arith.constant 0 : i32
      %dma_wait3A_855 = tpu.memref_slice %arg4[%dma_wait3A_853, %dma_wait3A_854] : memref<10000x128xf32, #tpu.memory_space<hbm>> -> memref<40x128xf32, #tpu.memory_space<hbm>>
      %dma_wait3A_856 = arith.constant 0 : i32
      %dma_wait3A_857 = arith.constant 0 : i32
      %dma_wait3A_858 = tpu.memref_slice %arg8[%dma_wait3A_848, %dma_wait3A_856, %dma_wait3A_857] : memref<5x40x128xf32, #tpu.memory_space<vmem>> -> memref<1x40x128xf32, #tpu.memory_space<vmem>>
      %dma_wait3A_859 = tpu.memref_squeeze %dma_wait3A_858 : memref<1x40x128xf32, #tpu.memory_space<vmem>> -> memref<40x128xf32, #tpu.memory_space<vmem>>
      %dma_wait3A_860 = arith.constant 0 : i32
      %dma_wait3A_861 = arith.constant 0 : i32
      %dma_wait3A_862 = tpu.memref_slice %arg4[%dma_wait3A_860, %dma_wait3A_861] : memref<10000x128xf32, #tpu.memory_space<hbm>> -> memref<40x128xf32, #tpu.memory_space<hbm>>
      tpu.wait_dma2 semaphore(%arg12 : memref<!tpu.dma_semaphore, #tpu.memory_space<semaphore_mem>>) src(%dma_wait3A_862 : memref<40x128xf32, #tpu.memory_space<hbm>>) dst(%dma_wait3A_859 : memref<40x128xf32, #tpu.memory_space<vmem>>)
      %dma_wait3A_863 = arith.constant 0 : i32
      %dma_wait3A_864 = arith.constant 0 : i32
      %dma_wait3A_865 = arith.constant 0 : i32
      %dma_wait3A_866 = tpu.memref_slice %arg8[%dma_wait3A_863, %dma_wait3A_864, %dma_wait3A_865] : memref<5x40x128xf32, #tpu.memory_space<vmem>> -> memref<1x40x128xf32, #tpu.memory_space<vmem>>
      %dma_wait3A_867 = tpu.memref_squeeze %dma_wait3A_866 : memref<1x40x128xf32, #tpu.memory_space<vmem>> -> memref<40x128xf32, #tpu.memory_space<vmem>>
      %dma_wait3A_868 = arith.constant 0 : i32
      %dma_wait3A_869 = arith.constant 0 : i32
      %dma_wait3A_870 = tpu.memref_slice %arg4[%dma_wait3A_868, %dma_wait3A_869] : memref<10000x128xf32, #tpu.memory_space<hbm>> -> memref<40x128xf32, #tpu.memory_space<hbm>>
      %dma_wait3A_871 = arith.constant 0 : i32
      %dma_wait3A_872 = arith.constant 0 : i32
      %dma_wait3A_873 = tpu.memref_slice %arg8[%dma_wait3A_863, %dma_wait3A_871, %dma_wait3A_872] : memref<5x40x128xf32, #tpu.memory_space<vmem>> -> memref<1x40x128xf32, #tpu.memory_space<vmem>>
      %dma_wait3A_874 = tpu.memref_squeeze %dma_wait3A_873 : memref<1x40x128xf32, #tpu.memory_space<vmem>> -> memref<40x128xf32, #tpu.memory_space<vmem>>
      %dma_wait3A_875 = arith.constant 0 : i32
      %dma_wait3A_876 = arith.constant 0 : i32
      %dma_wait3A_877 = tpu.memref_slice %arg4[%dma_wait3A_875, %dma_wait3A_876] : memref<10000x128xf32, #tpu.memory_space<hbm>> -> memref<40x128xf32, #tpu.memory_space<hbm>>
      tpu.wait_dma2 semaphore(%arg12 : memref<!tpu.dma_semaphore, #tpu.memory_space<semaphore_mem>>) src(%dma_wait3A_877 : memref<40x128xf32, #tpu.memory_space<hbm>>) dst(%dma_wait3A_874 : memref<40x128xf32, #tpu.memory_space<vmem>>)
      %dma_wait3A_878 = arith.constant 0 : i32
      %dma_wait3A_879 = arith.constant 0 : i32
      %dma_wait3A_880 = arith.constant 0 : i32
      %dma_wait3A_881 = tpu.memref_slice %arg8[%dma_wait3A_878, %dma_wait3A_879, %dma_wait3A_880] : memref<5x40x128xf32, #tpu.memory_space<vmem>> -> memref<1x40x128xf32, #tpu.memory_space<vmem>>
      %dma_wait3A_882 = tpu.memref_squeeze %dma_wait3A_881 : memref<1x40x128xf32, #tpu.memory_space<vmem>> -> memref<40x128xf32, #tpu.memory_space<vmem>>
      %dma_wait3A_883 = arith.constant 0 : i32
      %dma_wait3A_884 = arith.constant 0 : i32
      %dma_wait3A_885 = tpu.memref_slice %arg4[%dma_wait3A_883, %dma_wait3A_884] : memref<10000x128xf32, #tpu.memory_space<hbm>> -> memref<40x128xf32, #tpu.memory_space<hbm>>
      %dma_wait3A_886 = arith.constant 0 : i32
      %dma_wait3A_887 = arith.constant 0 : i32
      %dma_wait3A_888 = tpu.memref_slice %arg8[%dma_wait3A_878, %dma_wait3A_886, %dma_wait3A_887] : memref<5x40x128xf32, #tpu.memory_space<vmem>> -> memref<1x40x128xf32, #tpu.memory_space<vmem>>
      %dma_wait3A_889 = tpu.memref_squeeze %dma_wait3A_888 : memref<1x40x128xf32, #tpu.memory_space<vmem>> -> memref<40x128xf32, #tpu.memory_space<vmem>>
      %dma_wait3A_890 = arith.constant 0 : i32
      %dma_wait3A_891 = arith.constant 0 : i32
      %dma_wait3A_892 = tpu.memref_slice %arg4[%dma_wait3A_890, %dma_wait3A_891] : memref<10000x128xf32, #tpu.memory_space<hbm>> -> memref<40x128xf32, #tpu.memory_space<hbm>>
      tpu.wait_dma2 semaphore(%arg12 : memref<!tpu.dma_semaphore, #tpu.memory_space<semaphore_mem>>) src(%dma_wait3A_892 : memref<40x128xf32, #tpu.memory_space<hbm>>) dst(%dma_wait3A_889 : memref<40x128xf32, #tpu.memory_space<vmem>>)
      %dma_wait3A_893 = arith.constant 0 : i32
      %dma_wait3A_894 = arith.constant 0 : i32
      %dma_wait3A_895 = arith.constant 0 : i32
      %dma_wait3A_896 = tpu.memref_slice %arg8[%dma_wait3A_893, %dma_wait3A_894, %dma_wait3A_895] : memref<5x40x128xf32, #tpu.memory_space<vmem>> -> memref<1x40x128xf32, #tpu.memory_space<vmem>>
      %dma_wait3A_897 = tpu.memref_squeeze %dma_wait3A_896 : memref<1x40x128xf32, #tpu.memory_space<vmem>> -> memref<40x128xf32, #tpu.memory_space<vmem>>
      %dma_wait3A_898 = arith.constant 0 : i32
      %dma_wait3A_899 = arith.constant 0 : i32
      %dma_wait3A_900 = tpu.memref_slice %arg4[%dma_wait3A_898, %dma_wait3A_899] : memref<10000x128xf32, #tpu.memory_space<hbm>> -> memref<40x128xf32, #tpu.memory_space<hbm>>
      %dma_wait3A_901 = arith.constant 0 : i32
      %dma_wait3A_902 = arith.constant 0 : i32
      %dma_wait3A_903 = tpu.memref_slice %arg8[%dma_wait3A_893, %dma_wait3A_901, %dma_wait3A_902] : memref<5x40x128xf32, #tpu.memory_space<vmem>> -> memref<1x40x128xf32, #tpu.memory_space<vmem>>
      %dma_wait3A_904 = tpu.memref_squeeze %dma_wait3A_903 : memref<1x40x128xf32, #tpu.memory_space<vmem>> -> memref<40x128xf32, #tpu.memory_space<vmem>>
      %dma_wait3A_905 = arith.constant 0 : i32
      %dma_wait3A_906 = arith.constant 0 : i32
      %dma_wait3A_907 = tpu.memref_slice %arg4[%dma_wait3A_905, %dma_wait3A_906] : memref<10000x128xf32, #tpu.memory_space<hbm>> -> memref<40x128xf32, #tpu.memory_space<hbm>>
      tpu.wait_dma2 semaphore(%arg12 : memref<!tpu.dma_semaphore, #tpu.memory_space<semaphore_mem>>) src(%dma_wait3A_907 : memref<40x128xf32, #tpu.memory_space<hbm>>) dst(%dma_wait3A_904 : memref<40x128xf32, #tpu.memory_space<vmem>>)
      %dma_wait3A_908 = arith.constant 0 : i32
      %dma_wait3A_909 = arith.constant 0 : i32
      %dma_wait3A_910 = arith.constant 0 : i32
      %dma_wait3A_911 = tpu.memref_slice %arg8[%dma_wait3A_908, %dma_wait3A_909, %dma_wait3A_910] : memref<5x40x128xf32, #tpu.memory_space<vmem>> -> memref<1x40x128xf32, #tpu.memory_space<vmem>>
      %dma_wait3A_912 = tpu.memref_squeeze %dma_wait3A_911 : memref<1x40x128xf32, #tpu.memory_space<vmem>> -> memref<40x128xf32, #tpu.memory_space<vmem>>
      %dma_wait3A_913 = arith.constant 0 : i32
      %dma_wait3A_914 = arith.constant 0 : i32
      %dma_wait3A_915 = tpu.memref_slice %arg4[%dma_wait3A_913, %dma_wait3A_914] : memref<10000x128xf32, #tpu.memory_space<hbm>> -> memref<40x128xf32, #tpu.memory_space<hbm>>
      %dma_wait3A_916 = arith.constant 0 : i32
      %dma_wait3A_917 = arith.constant 0 : i32
      %dma_wait3A_918 = tpu.memref_slice %arg8[%dma_wait3A_908, %dma_wait3A_916, %dma_wait3A_917] : memref<5x40x128xf32, #tpu.memory_space<vmem>> -> memref<1x40x128xf32, #tpu.memory_space<vmem>>
      %dma_wait3A_919 = tpu.memref_squeeze %dma_wait3A_918 : memref<1x40x128xf32, #tpu.memory_space<vmem>> -> memref<40x128xf32, #tpu.memory_space<vmem>>
      %dma_wait3A_920 = arith.constant 0 : i32
      %dma_wait3A_921 = arith.constant 0 : i32
      %dma_wait3A_922 = tpu.memref_slice %arg4[%dma_wait3A_920, %dma_wait3A_921] : memref<10000x128xf32, #tpu.memory_space<hbm>> -> memref<40x128xf32, #tpu.memory_space<hbm>>
      tpu.wait_dma2 semaphore(%arg12 : memref<!tpu.dma_semaphore, #tpu.memory_space<semaphore_mem>>) src(%dma_wait3A_922 : memref<40x128xf32, #tpu.memory_space<hbm>>) dst(%dma_wait3A_919 : memref<40x128xf32, #tpu.memory_space<vmem>>)
      %dma_wait3A_923 = arith.constant 0 : i32
      %dma_wait3A_924 = arith.constant 0 : i32
      %dma_wait3A_925 = arith.constant 0 : i32
      %dma_wait3A_926 = tpu.memref_slice %arg8[%dma_wait3A_923, %dma_wait3A_924, %dma_wait3A_925] : memref<5x40x128xf32, #tpu.memory_space<vmem>> -> memref<1x40x128xf32, #tpu.memory_space<vmem>>
      %dma_wait3A_927 = tpu.memref_squeeze %dma_wait3A_926 : memref<1x40x128xf32, #tpu.memory_space<vmem>> -> memref<40x128xf32, #tpu.memory_space<vmem>>
      %dma_wait3A_928 = arith.constant 0 : i32
      %dma_wait3A_929 = arith.constant 0 : i32
      %dma_wait3A_930 = tpu.memref_slice %arg4[%dma_wait3A_928, %dma_wait3A_929] : memref<10000x128xf32, #tpu.memory_space<hbm>> -> memref<40x128xf32, #tpu.memory_space<hbm>>
      %dma_wait3A_931 = arith.constant 0 : i32
      %dma_wait3A_932 = arith.constant 0 : i32
      %dma_wait3A_933 = tpu.memref_slice %arg8[%dma_wait3A_923, %dma_wait3A_931, %dma_wait3A_932] : memref<5x40x128xf32, #tpu.memory_space<vmem>> -> memref<1x40x128xf32, #tpu.memory_space<vmem>>
      %dma_wait3A_934 = tpu.memref_squeeze %dma_wait3A_933 : memref<1x40x128xf32, #tpu.memory_space<vmem>> -> memref<40x128xf32, #tpu.memory_space<vmem>>
      %dma_wait3A_935 = arith.constant 0 : i32
      %dma_wait3A_936 = arith.constant 0 : i32
      %dma_wait3A_937 = tpu.memref_slice %arg4[%dma_wait3A_935, %dma_wait3A_936] : memref<10000x128xf32, #tpu.memory_space<hbm>> -> memref<40x128xf32, #tpu.memory_space<hbm>>
      tpu.wait_dma2 semaphore(%arg12 : memref<!tpu.dma_semaphore, #tpu.memory_space<semaphore_mem>>) src(%dma_wait3A_937 : memref<40x128xf32, #tpu.memory_space<hbm>>) dst(%dma_wait3A_934 : memref<40x128xf32, #tpu.memory_space<vmem>>)
      %dma_wait3A_938 = arith.constant 0 : i32
      %dma_wait3A_939 = arith.constant 0 : i32
      %dma_wait3A_940 = arith.constant 0 : i32
      %dma_wait3A_941 = tpu.memref_slice %arg8[%dma_wait3A_938, %dma_wait3A_939, %dma_wait3A_940] : memref<5x40x128xf32, #tpu.memory_space<vmem>> -> memref<1x40x128xf32, #tpu.memory_space<vmem>>
      %dma_wait3A_942 = tpu.memref_squeeze %dma_wait3A_941 : memref<1x40x128xf32, #tpu.memory_space<vmem>> -> memref<40x128xf32, #tpu.memory_space<vmem>>
      %dma_wait3A_943 = arith.constant 0 : i32
      %dma_wait3A_944 = arith.constant 0 : i32
      %dma_wait3A_945 = tpu.memref_slice %arg4[%dma_wait3A_943, %dma_wait3A_944] : memref<10000x128xf32, #tpu.memory_space<hbm>> -> memref<40x128xf32, #tpu.memory_space<hbm>>
      %dma_wait3A_946 = arith.constant 0 : i32
      %dma_wait3A_947 = arith.constant 0 : i32
      %dma_wait3A_948 = tpu.memref_slice %arg8[%dma_wait3A_938, %dma_wait3A_946, %dma_wait3A_947] : memref<5x40x128xf32, #tpu.memory_space<vmem>> -> memref<1x40x128xf32, #tpu.memory_space<vmem>>
      %dma_wait3A_949 = tpu.memref_squeeze %dma_wait3A_948 : memref<1x40x128xf32, #tpu.memory_space<vmem>> -> memref<40x128xf32, #tpu.memory_space<vmem>>
      %dma_wait3A_950 = arith.constant 0 : i32
      %dma_wait3A_951 = arith.constant 0 : i32
      %dma_wait3A_952 = tpu.memref_slice %arg4[%dma_wait3A_950, %dma_wait3A_951] : memref<10000x128xf32, #tpu.memory_space<hbm>> -> memref<40x128xf32, #tpu.memory_space<hbm>>
      tpu.wait_dma2 semaphore(%arg12 : memref<!tpu.dma_semaphore, #tpu.memory_space<semaphore_mem>>) src(%dma_wait3A_952 : memref<40x128xf32, #tpu.memory_space<hbm>>) dst(%dma_wait3A_949 : memref<40x128xf32, #tpu.memory_space<vmem>>)
      %dma_wait3A_953 = arith.constant 0 : i32
      %dma_wait3A_954 = arith.constant 0 : i32
      %dma_wait3A_955 = arith.constant 0 : i32
      %dma_wait3A_956 = tpu.memref_slice %arg8[%dma_wait3A_953, %dma_wait3A_954, %dma_wait3A_955] : memref<5x40x128xf32, #tpu.memory_space<vmem>> -> memref<1x40x128xf32, #tpu.memory_space<vmem>>
      %dma_wait3A_957 = tpu.memref_squeeze %dma_wait3A_956 : memref<1x40x128xf32, #tpu.memory_space<vmem>> -> memref<40x128xf32, #tpu.memory_space<vmem>>
      %dma_wait3A_958 = arith.constant 0 : i32
      %dma_wait3A_959 = arith.constant 0 : i32
      %dma_wait3A_960 = tpu.memref_slice %arg4[%dma_wait3A_958, %dma_wait3A_959] : memref<10000x128xf32, #tpu.memory_space<hbm>> -> memref<40x128xf32, #tpu.memory_space<hbm>>
      %dma_wait3A_961 = arith.constant 0 : i32
      %dma_wait3A_962 = arith.constant 0 : i32
      %dma_wait3A_963 = tpu.memref_slice %arg8[%dma_wait3A_953, %dma_wait3A_961, %dma_wait3A_962] : memref<5x40x128xf32, #tpu.memory_space<vmem>> -> memref<1x40x128xf32, #tpu.memory_space<vmem>>
      %dma_wait3A_964 = tpu.memref_squeeze %dma_wait3A_963 : memref<1x40x128xf32, #tpu.memory_space<vmem>> -> memref<40x128xf32, #tpu.memory_space<vmem>>
      %dma_wait3A_965 = arith.constant 0 : i32
      %dma_wait3A_966 = arith.constant 0 : i32
      %dma_wait3A_967 = tpu.memref_slice %arg4[%dma_wait3A_965, %dma_wait3A_966] : memref<10000x128xf32, #tpu.memory_space<hbm>> -> memref<40x128xf32, #tpu.memory_space<hbm>>
      tpu.wait_dma2 semaphore(%arg12 : memref<!tpu.dma_semaphore, #tpu.memory_space<semaphore_mem>>) src(%dma_wait3A_967 : memref<40x128xf32, #tpu.memory_space<hbm>>) dst(%dma_wait3A_964 : memref<40x128xf32, #tpu.memory_space<vmem>>)
      %dma_wait3A_968 = arith.constant 0 : i32
      %dma_wait3A_969 = arith.constant 0 : i32
      %dma_wait3A_970 = arith.constant 0 : i32
      %dma_wait3A_971 = tpu.memref_slice %arg8[%dma_wait3A_968, %dma_wait3A_969, %dma_wait3A_970] : memref<5x40x128xf32, #tpu.memory_space<vmem>> -> memref<1x40x128xf32, #tpu.memory_space<vmem>>
      %dma_wait3A_972 = tpu.memref_squeeze %dma_wait3A_971 : memref<1x40x128xf32, #tpu.memory_space<vmem>> -> memref<40x128xf32, #tpu.memory_space<vmem>>
      %dma_wait3A_973 = arith.constant 0 : i32
      %dma_wait3A_974 = arith.constant 0 : i32
      %dma_wait3A_975 = tpu.memref_slice %arg4[%dma_wait3A_973, %dma_wait3A_974] : memref<10000x128xf32, #tpu.memory_space<hbm>> -> memref<40x128xf32, #tpu.memory_space<hbm>>
      %dma_wait3A_976 = arith.constant 0 : i32
      %dma_wait3A_977 = arith.constant 0 : i32
      %dma_wait3A_978 = tpu.memref_slice %arg8[%dma_wait3A_968, %dma_wait3A_976, %dma_wait3A_977] : memref<5x40x128xf32, #tpu.memory_space<vmem>> -> memref<1x40x128xf32, #tpu.memory_space<vmem>>
      %dma_wait3A_979 = tpu.memref_squeeze %dma_wait3A_978 : memref<1x40x128xf32, #tpu.memory_space<vmem>> -> memref<40x128xf32, #tpu.memory_space<vmem>>
      %dma_wait3A_980 = arith.constant 0 : i32
      %dma_wait3A_981 = arith.constant 0 : i32
      %dma_wait3A_982 = tpu.memref_slice %arg4[%dma_wait3A_980, %dma_wait3A_981] : memref<10000x128xf32, #tpu.memory_space<hbm>> -> memref<40x128xf32, #tpu.memory_space<hbm>>
      tpu.wait_dma2 semaphore(%arg12 : memref<!tpu.dma_semaphore, #tpu.memory_space<semaphore_mem>>) src(%dma_wait3A_982 : memref<40x128xf32, #tpu.memory_space<hbm>>) dst(%dma_wait3A_979 : memref<40x128xf32, #tpu.memory_space<vmem>>)
      %dma_wait3A_983 = arith.constant 0 : i32
      %dma_wait3A_984 = arith.constant 0 : i32
      %dma_wait3A_985 = arith.constant 0 : i32
      %dma_wait3A_986 = tpu.memref_slice %arg8[%dma_wait3A_983, %dma_wait3A_984, %dma_wait3A_985] : memref<5x40x128xf32, #tpu.memory_space<vmem>> -> memref<1x40x128xf32, #tpu.memory_space<vmem>>
      %dma_wait3A_987 = tpu.memref_squeeze %dma_wait3A_986 : memref<1x40x128xf32, #tpu.memory_space<vmem>> -> memref<40x128xf32, #tpu.memory_space<vmem>>
      %dma_wait3A_988 = arith.constant 0 : i32
      %dma_wait3A_989 = arith.constant 0 : i32
      %dma_wait3A_990 = tpu.memref_slice %arg4[%dma_wait3A_988, %dma_wait3A_989] : memref<10000x128xf32, #tpu.memory_space<hbm>> -> memref<40x128xf32, #tpu.memory_space<hbm>>
      %dma_wait3A_991 = arith.constant 0 : i32
      %dma_wait3A_992 = arith.constant 0 : i32
      %dma_wait3A_993 = tpu.memref_slice %arg8[%dma_wait3A_983, %dma_wait3A_991, %dma_wait3A_992] : memref<5x40x128xf32, #tpu.memory_space<vmem>> -> memref<1x40x128xf32, #tpu.memory_space<vmem>>
      %dma_wait3A_994 = tpu.memref_squeeze %dma_wait3A_993 : memref<1x40x128xf32, #tpu.memory_space<vmem>> -> memref<40x128xf32, #tpu.memory_space<vmem>>
      %dma_wait3A_995 = arith.constant 0 : i32
      %dma_wait3A_996 = arith.constant 0 : i32
      %dma_wait3A_997 = tpu.memref_slice %arg4[%dma_wait3A_995, %dma_wait3A_996] : memref<10000x128xf32, #tpu.memory_space<hbm>> -> memref<40x128xf32, #tpu.memory_space<hbm>>
      tpu.wait_dma2 semaphore(%arg12 : memref<!tpu.dma_semaphore, #tpu.memory_space<semaphore_mem>>) src(%dma_wait3A_997 : memref<40x128xf32, #tpu.memory_space<hbm>>) dst(%dma_wait3A_994 : memref<40x128xf32, #tpu.memory_space<vmem>>)
    } else {
    }
    %barrier3A = arith.constant 0 : index
    tpu.barrier barrier_id(%barrier3A)
    %mul3A_13 = arith.constant 10000 : i32
    %mul3A_14 = arith.muli %add3A, %mul3A_13 : i32
    "tpu.region"() ({
      %run_scoped3A = tpu.sem_alloc : memref<!tpu.dma_semaphore, #tpu.memory_space<semaphore_mem>>
      %dma_start3A_486 = tpu.memref_slice %arg2[%mul3A_14] : memref<320000xi32, #tpu.memory_space<hbm>> -> memref<10000xi32, #tpu.memory_space<hbm>>
      %dma_start3A_487 = tpu.memref_slice %arg2[%mul3A_14] : memref<320000xi32, #tpu.memory_space<hbm>> -> memref<10000xi32, #tpu.memory_space<hbm>>
      tpu.enqueue_dma source(%dma_start3A_487 : memref<10000xi32, #tpu.memory_space<hbm>>) target(%arg6 : memref<10000xi32, #tpu.memory_space<vmem>>) target_semaphore(%run_scoped3A : memref<!tpu.dma_semaphore, #tpu.memory_space<semaphore_mem>>)
      %dma_wait3A_488 = tpu.memref_slice %arg2[%mul3A_14] : memref<320000xi32, #tpu.memory_space<hbm>> -> memref<10000xi32, #tpu.memory_space<hbm>>
      %dma_wait3A_489 = tpu.memref_slice %arg2[%mul3A_14] : memref<320000xi32, #tpu.memory_space<hbm>> -> memref<10000xi32, #tpu.memory_space<hbm>>
      tpu.wait_dma2 semaphore(%run_scoped3A : memref<!tpu.dma_semaphore, #tpu.memory_space<semaphore_mem>>) src(%dma_wait3A_489 : memref<10000xi32, #tpu.memory_space<hbm>>) dst(%arg6 : memref<10000xi32, #tpu.memory_space<vmem>>)
      tpu.yield
    }) : () -> ()
    %mul3A_15 = arith.constant 10000 : i32
    %mul3A_16 = arith.muli %add3A, %mul3A_15 : i32
    %add3A_17 = arith.constant 0 : i32
    %add3A_18 = arith.addi %mul3A_16, %add3A_17 : i32
    %dma_start3A = arith.constant 0 : i32
    %dma_start3A_19 = arith.constant 0 : i32
    %dma_start3A_20 = arith.constant 0 : i32
    %dma_start3A_21 = tpu.memref_slice %arg7[%dma_start3A, %dma_start3A_20] : memref<5x40xi32, #tpu.memory_space<vmem>> -> memref<1x40xi32, #tpu.memory_space<vmem>>
    %dma_start3A_22 = tpu.memref_squeeze %dma_start3A_21 : memref<1x40xi32, #tpu.memory_space<vmem>> -> memref<40xi32, #tpu.memory_space<vmem>>
    %dma_start3A_23 = tpu.memref_slice %arg3[%add3A_18] : memref<320000xi32, #tpu.memory_space<hbm>> -> memref<40xi32, #tpu.memory_space<hbm>>
    %dma_start3A_24 = tpu.memref_slice %arg11[%dma_start3A_19] : memref<5x!tpu.dma_semaphore, #tpu.memory_space<semaphore_mem>> -> memref<1x!tpu.dma_semaphore, #tpu.memory_space<semaphore_mem>>
    %dma_start3A_25 = tpu.memref_squeeze %dma_start3A_24 : memref<1x!tpu.dma_semaphore, #tpu.memory_space<semaphore_mem>> -> memref<!tpu.dma_semaphore, #tpu.memory_space<semaphore_mem>>
    %dma_start3A_26 = arith.constant 0 : i32
    %dma_start3A_27 = tpu.memref_slice %arg7[%dma_start3A, %dma_start3A_26] : memref<5x40xi32, #tpu.memory_space<vmem>> -> memref<1x40xi32, #tpu.memory_space<vmem>>
    %dma_start3A_28 = tpu.memref_squeeze %dma_start3A_27 : memref<1x40xi32, #tpu.memory_space<vmem>> -> memref<40xi32, #tpu.memory_space<vmem>>
    %dma_start3A_29 = tpu.memref_slice %arg3[%add3A_18] : memref<320000xi32, #tpu.memory_space<hbm>> -> memref<40xi32, #tpu.memory_space<hbm>>
    tpu.enqueue_dma source(%dma_start3A_29 : memref<40xi32, #tpu.memory_space<hbm>>) target(%dma_start3A_28 : memref<40xi32, #tpu.memory_space<vmem>>) target_semaphore(%dma_start3A_25 : memref<!tpu.dma_semaphore, #tpu.memory_space<semaphore_mem>>)
    %dma_start3A_30 = arith.constant 0 : i32
    %dma_start3A_31 = arith.constant 0 : i32
    %dma_start3A_32 = arith.constant 0 : i32
    %dma_start3A_33 = arith.constant 0 : i32
    %dma_start3A_34 = tpu.memref_slice %arg8[%dma_start3A_30, %dma_start3A_32, %dma_start3A_33] : memref<5x40x128xf32, #tpu.memory_space<vmem>> -> memref<1x40x128xf32, #tpu.memory_space<vmem>>
    %dma_start3A_35 = tpu.memref_squeeze %dma_start3A_34 : memref<1x40x128xf32, #tpu.memory_space<vmem>> -> memref<40x128xf32, #tpu.memory_space<vmem>>
    %dma_start3A_36 = arith.constant 0 : i32
    %dma_start3A_37 = tpu.memref_slice %arg6[%dma_start3A_36] : memref<10000xi32, #tpu.memory_space<vmem>> -> memref<40xi32, #tpu.memory_space<vmem>>
    %dma_start3A_38 = arith.constant 0 : i32
    %dma_start3A_39 = arith.constant 0 : i32
    %dma_start3A_40 = tpu.memref_slice %arg4[%dma_start3A_38, %dma_start3A_39] : memref<10000x128xf32, #tpu.memory_space<hbm>> -> memref<10000x128xf32, #tpu.memory_space<hbm>>
    %dma_start3A_41 = tpu.memref_slice %arg9[%dma_start3A_31] : memref<5x!tpu.dma_semaphore, #tpu.memory_space<semaphore_mem>> -> memref<1x!tpu.dma_semaphore, #tpu.memory_space<semaphore_mem>>
    %dma_start3A_42 = tpu.memref_squeeze %dma_start3A_41 : memref<1x!tpu.dma_semaphore, #tpu.memory_space<semaphore_mem>> -> memref<!tpu.dma_semaphore, #tpu.memory_space<semaphore_mem>>
    tpu.enqueue_indirect_dma source(%dma_start3A_40 : memref<10000x128xf32, #tpu.memory_space<hbm>>) target(%dma_start3A_35 : memref<40x128xf32, #tpu.memory_space<vmem>>) offsets(%dma_start3A_37 : memref<40xi32, #tpu.memory_space<vmem>>) semaphore(%dma_start3A_42 : memref<!tpu.dma_semaphore, #tpu.memory_space<semaphore_mem>>)
    %add3A_43 = arith.constant 40 : i32
    %add3A_44 = arith.addi %mul3A_16, %add3A_43 : i32
    %dma_start3A_45 = arith.constant 1 : i32
    %dma_start3A_46 = arith.constant 1 : i32
    %dma_start3A_47 = arith.constant 0 : i32
    %dma_start3A_48 = tpu.memref_slice %arg7[%dma_start3A_45, %dma_start3A_47] : memref<5x40xi32, #tpu.memory_space<vmem>> -> memref<1x40xi32, #tpu.memory_space<vmem>>
    %dma_start3A_49 = tpu.memref_squeeze %dma_start3A_48 : memref<1x40xi32, #tpu.memory_space<vmem>> -> memref<40xi32, #tpu.memory_space<vmem>>
    %dma_start3A_50 = tpu.memref_slice %arg3[%add3A_44] : memref<320000xi32, #tpu.memory_space<hbm>> -> memref<40xi32, #tpu.memory_space<hbm>>
    %dma_start3A_51 = tpu.memref_slice %arg11[%dma_start3A_46] : memref<5x!tpu.dma_semaphore, #tpu.memory_space<semaphore_mem>> -> memref<1x!tpu.dma_semaphore, #tpu.memory_space<semaphore_mem>>
    %dma_start3A_52 = tpu.memref_squeeze %dma_start3A_51 : memref<1x!tpu.dma_semaphore, #tpu.memory_space<semaphore_mem>> -> memref<!tpu.dma_semaphore, #tpu.memory_space<semaphore_mem>>
    %dma_start3A_53 = arith.constant 0 : i32
    %dma_start3A_54 = tpu.memref_slice %arg7[%dma_start3A_45, %dma_start3A_53] : memref<5x40xi32, #tpu.memory_space<vmem>> -> memref<1x40xi32, #tpu.memory_space<vmem>>
    %dma_start3A_55 = tpu.memref_squeeze %dma_start3A_54 : memref<1x40xi32, #tpu.memory_space<vmem>> -> memref<40xi32, #tpu.memory_space<vmem>>
    %dma_start3A_56 = tpu.memref_slice %arg3[%add3A_44] : memref<320000xi32, #tpu.memory_space<hbm>> -> memref<40xi32, #tpu.memory_space<hbm>>
    tpu.enqueue_dma source(%dma_start3A_56 : memref<40xi32, #tpu.memory_space<hbm>>) target(%dma_start3A_55 : memref<40xi32, #tpu.memory_space<vmem>>) target_semaphore(%dma_start3A_52 : memref<!tpu.dma_semaphore, #tpu.memory_space<semaphore_mem>>)
    %dma_start3A_57 = arith.constant 1 : i32
    %dma_start3A_58 = arith.constant 1 : i32
    %dma_start3A_59 = arith.constant 0 : i32
    %dma_start3A_60 = arith.constant 0 : i32
    %dma_start3A_61 = tpu.memref_slice %arg8[%dma_start3A_57, %dma_start3A_59, %dma_start3A_60] : memref<5x40x128xf32, #tpu.memory_space<vmem>> -> memref<1x40x128xf32, #tpu.memory_space<vmem>>
    %dma_start3A_62 = tpu.memref_squeeze %dma_start3A_61 : memref<1x40x128xf32, #tpu.memory_space<vmem>> -> memref<40x128xf32, #tpu.memory_space<vmem>>
    %dma_start3A_63 = arith.constant 40 : i32
    %dma_start3A_64 = tpu.memref_slice %arg6[%dma_start3A_63] : memref<10000xi32, #tpu.memory_space<vmem>> -> memref<40xi32, #tpu.memory_space<vmem>>
    %dma_start3A_65 = arith.constant 0 : i32
    %dma_start3A_66 = arith.constant 0 : i32
    %dma_start3A_67 = tpu.memref_slice %arg4[%dma_start3A_65, %dma_start3A_66] : memref<10000x128xf32, #tpu.memory_space<hbm>> -> memref<10000x128xf32, #tpu.memory_space<hbm>>
    %dma_start3A_68 = tpu.memref_slice %arg9[%dma_start3A_58] : memref<5x!tpu.dma_semaphore, #tpu.memory_space<semaphore_mem>> -> memref<1x!tpu.dma_semaphore, #tpu.memory_space<semaphore_mem>>
    %dma_start3A_69 = tpu.memref_squeeze %dma_start3A_68 : memref<1x!tpu.dma_semaphore, #tpu.memory_space<semaphore_mem>> -> memref<!tpu.dma_semaphore, #tpu.memory_space<semaphore_mem>>
    tpu.enqueue_indirect_dma source(%dma_start3A_67 : memref<10000x128xf32, #tpu.memory_space<hbm>>) target(%dma_start3A_62 : memref<40x128xf32, #tpu.memory_space<vmem>>) offsets(%dma_start3A_64 : memref<40xi32, #tpu.memory_space<vmem>>) semaphore(%dma_start3A_69 : memref<!tpu.dma_semaphore, #tpu.memory_space<semaphore_mem>>)
    %add3A_70 = arith.constant 80 : i32
    %add3A_71 = arith.addi %mul3A_16, %add3A_70 : i32
    %dma_start3A_72 = arith.constant 2 : i32
    %dma_start3A_73 = arith.constant 2 : i32
    %dma_start3A_74 = arith.constant 0 : i32
    %dma_start3A_75 = tpu.memref_slice %arg7[%dma_start3A_72, %dma_start3A_74] : memref<5x40xi32, #tpu.memory_space<vmem>> -> memref<1x40xi32, #tpu.memory_space<vmem>>
    %dma_start3A_76 = tpu.memref_squeeze %dma_start3A_75 : memref<1x40xi32, #tpu.memory_space<vmem>> -> memref<40xi32, #tpu.memory_space<vmem>>
    %dma_start3A_77 = tpu.memref_slice %arg3[%add3A_71] : memref<320000xi32, #tpu.memory_space<hbm>> -> memref<40xi32, #tpu.memory_space<hbm>>
    %dma_start3A_78 = tpu.memref_slice %arg11[%dma_start3A_73] : memref<5x!tpu.dma_semaphore, #tpu.memory_space<semaphore_mem>> -> memref<1x!tpu.dma_semaphore, #tpu.memory_space<semaphore_mem>>
    %dma_start3A_79 = tpu.memref_squeeze %dma_start3A_78 : memref<1x!tpu.dma_semaphore, #tpu.memory_space<semaphore_mem>> -> memref<!tpu.dma_semaphore, #tpu.memory_space<semaphore_mem>>
    %dma_start3A_80 = arith.constant 0 : i32
    %dma_start3A_81 = tpu.memref_slice %arg7[%dma_start3A_72, %dma_start3A_80] : memref<5x40xi32, #tpu.memory_space<vmem>> -> memref<1x40xi32, #tpu.memory_space<vmem>>
    %dma_start3A_82 = tpu.memref_squeeze %dma_start3A_81 : memref<1x40xi32, #tpu.memory_space<vmem>> -> memref<40xi32, #tpu.memory_space<vmem>>
    %dma_start3A_83 = tpu.memref_slice %arg3[%add3A_71] : memref<320000xi32, #tpu.memory_space<hbm>> -> memref<40xi32, #tpu.memory_space<hbm>>
    tpu.enqueue_dma source(%dma_start3A_83 : memref<40xi32, #tpu.memory_space<hbm>>) target(%dma_start3A_82 : memref<40xi32, #tpu.memory_space<vmem>>) target_semaphore(%dma_start3A_79 : memref<!tpu.dma_semaphore, #tpu.memory_space<semaphore_mem>>)
    %dma_start3A_84 = arith.constant 2 : i32
    %dma_start3A_85 = arith.constant 2 : i32
    %dma_start3A_86 = arith.constant 0 : i32
    %dma_start3A_87 = arith.constant 0 : i32
    %dma_start3A_88 = tpu.memref_slice %arg8[%dma_start3A_84, %dma_start3A_86, %dma_start3A_87] : memref<5x40x128xf32, #tpu.memory_space<vmem>> -> memref<1x40x128xf32, #tpu.memory_space<vmem>>
    %dma_start3A_89 = tpu.memref_squeeze %dma_start3A_88 : memref<1x40x128xf32, #tpu.memory_space<vmem>> -> memref<40x128xf32, #tpu.memory_space<vmem>>
    %dma_start3A_90 = arith.constant 80 : i32
    %dma_start3A_91 = tpu.memref_slice %arg6[%dma_start3A_90] : memref<10000xi32, #tpu.memory_space<vmem>> -> memref<40xi32, #tpu.memory_space<vmem>>
    %dma_start3A_92 = arith.constant 0 : i32
    %dma_start3A_93 = arith.constant 0 : i32
    %dma_start3A_94 = tpu.memref_slice %arg4[%dma_start3A_92, %dma_start3A_93] : memref<10000x128xf32, #tpu.memory_space<hbm>> -> memref<10000x128xf32, #tpu.memory_space<hbm>>
    %dma_start3A_95 = tpu.memref_slice %arg9[%dma_start3A_85] : memref<5x!tpu.dma_semaphore, #tpu.memory_space<semaphore_mem>> -> memref<1x!tpu.dma_semaphore, #tpu.memory_space<semaphore_mem>>
    %dma_start3A_96 = tpu.memref_squeeze %dma_start3A_95 : memref<1x!tpu.dma_semaphore, #tpu.memory_space<semaphore_mem>> -> memref<!tpu.dma_semaphore, #tpu.memory_space<semaphore_mem>>
    tpu.enqueue_indirect_dma source(%dma_start3A_94 : memref<10000x128xf32, #tpu.memory_space<hbm>>) target(%dma_start3A_89 : memref<40x128xf32, #tpu.memory_space<vmem>>) offsets(%dma_start3A_91 : memref<40xi32, #tpu.memory_space<vmem>>) semaphore(%dma_start3A_96 : memref<!tpu.dma_semaphore, #tpu.memory_space<semaphore_mem>>)
    %add3A_97 = arith.constant 120 : i32
    %add3A_98 = arith.addi %mul3A_16, %add3A_97 : i32
    %dma_start3A_99 = arith.constant 3 : i32
    %dma_start3A_100 = arith.constant 3 : i32
    %dma_start3A_101 = arith.constant 0 : i32
    %dma_start3A_102 = tpu.memref_slice %arg7[%dma_start3A_99, %dma_start3A_101] : memref<5x40xi32, #tpu.memory_space<vmem>> -> memref<1x40xi32, #tpu.memory_space<vmem>>
    %dma_start3A_103 = tpu.memref_squeeze %dma_start3A_102 : memref<1x40xi32, #tpu.memory_space<vmem>> -> memref<40xi32, #tpu.memory_space<vmem>>
    %dma_start3A_104 = tpu.memref_slice %arg3[%add3A_98] : memref<320000xi32, #tpu.memory_space<hbm>> -> memref<40xi32, #tpu.memory_space<hbm>>
    %dma_start3A_105 = tpu.memref_slice %arg11[%dma_start3A_100] : memref<5x!tpu.dma_semaphore, #tpu.memory_space<semaphore_mem>> -> memref<1x!tpu.dma_semaphore, #tpu.memory_space<semaphore_mem>>
    %dma_start3A_106 = tpu.memref_squeeze %dma_start3A_105 : memref<1x!tpu.dma_semaphore, #tpu.memory_space<semaphore_mem>> -> memref<!tpu.dma_semaphore, #tpu.memory_space<semaphore_mem>>
    %dma_start3A_107 = arith.constant 0 : i32
    %dma_start3A_108 = tpu.memref_slice %arg7[%dma_start3A_99, %dma_start3A_107] : memref<5x40xi32, #tpu.memory_space<vmem>> -> memref<1x40xi32, #tpu.memory_space<vmem>>
    %dma_start3A_109 = tpu.memref_squeeze %dma_start3A_108 : memref<1x40xi32, #tpu.memory_space<vmem>> -> memref<40xi32, #tpu.memory_space<vmem>>
    %dma_start3A_110 = tpu.memref_slice %arg3[%add3A_98] : memref<320000xi32, #tpu.memory_space<hbm>> -> memref<40xi32, #tpu.memory_space<hbm>>
    tpu.enqueue_dma source(%dma_start3A_110 : memref<40xi32, #tpu.memory_space<hbm>>) target(%dma_start3A_109 : memref<40xi32, #tpu.memory_space<vmem>>) target_semaphore(%dma_start3A_106 : memref<!tpu.dma_semaphore, #tpu.memory_space<semaphore_mem>>)
    %dma_start3A_111 = arith.constant 3 : i32
    %dma_start3A_112 = arith.constant 3 : i32
    %dma_start3A_113 = arith.constant 0 : i32
    %dma_start3A_114 = arith.constant 0 : i32
    %dma_start3A_115 = tpu.memref_slice %arg8[%dma_start3A_111, %dma_start3A_113, %dma_start3A_114] : memref<5x40x128xf32, #tpu.memory_space<vmem>> -> memref<1x40x128xf32, #tpu.memory_space<vmem>>
    %dma_start3A_116 = tpu.memref_squeeze %dma_start3A_115 : memref<1x40x128xf32, #tpu.memory_space<vmem>> -> memref<40x128xf32, #tpu.memory_space<vmem>>
    %dma_start3A_117 = arith.constant 120 : i32
    %dma_start3A_118 = tpu.memref_slice %arg6[%dma_start3A_117] : memref<10000xi32, #tpu.memory_space<vmem>> -> memref<40xi32, #tpu.memory_space<vmem>>
    %dma_start3A_119 = arith.constant 0 : i32
    %dma_start3A_120 = arith.constant 0 : i32
    %dma_start3A_121 = tpu.memref_slice %arg4[%dma_start3A_119, %dma_start3A_120] : memref<10000x128xf32, #tpu.memory_space<hbm>> -> memref<10000x128xf32, #tpu.memory_space<hbm>>
    %dma_start3A_122 = tpu.memref_slice %arg9[%dma_start3A_112] : memref<5x!tpu.dma_semaphore, #tpu.memory_space<semaphore_mem>> -> memref<1x!tpu.dma_semaphore, #tpu.memory_space<semaphore_mem>>
    %dma_start3A_123 = tpu.memref_squeeze %dma_start3A_122 : memref<1x!tpu.dma_semaphore, #tpu.memory_space<semaphore_mem>> -> memref<!tpu.dma_semaphore, #tpu.memory_space<semaphore_mem>>
    tpu.enqueue_indirect_dma source(%dma_start3A_121 : memref<10000x128xf32, #tpu.memory_space<hbm>>) target(%dma_start3A_116 : memref<40x128xf32, #tpu.memory_space<vmem>>) offsets(%dma_start3A_118 : memref<40xi32, #tpu.memory_space<vmem>>) semaphore(%dma_start3A_123 : memref<!tpu.dma_semaphore, #tpu.memory_space<semaphore_mem>>)
    %add3A_124 = arith.constant 160 : i32
    %add3A_125 = arith.addi %mul3A_16, %add3A_124 : i32
    %dma_start3A_126 = arith.constant 4 : i32
    %dma_start3A_127 = arith.constant 4 : i32
    %dma_start3A_128 = arith.constant 0 : i32
    %dma_start3A_129 = tpu.memref_slice %arg7[%dma_start3A_126, %dma_start3A_128] : memref<5x40xi32, #tpu.memory_space<vmem>> -> memref<1x40xi32, #tpu.memory_space<vmem>>
    %dma_start3A_130 = tpu.memref_squeeze %dma_start3A_129 : memref<1x40xi32, #tpu.memory_space<vmem>> -> memref<40xi32, #tpu.memory_space<vmem>>
    %dma_start3A_131 = tpu.memref_slice %arg3[%add3A_125] : memref<320000xi32, #tpu.memory_space<hbm>> -> memref<40xi32, #tpu.memory_space<hbm>>
    %dma_start3A_132 = tpu.memref_slice %arg11[%dma_start3A_127] : memref<5x!tpu.dma_semaphore, #tpu.memory_space<semaphore_mem>> -> memref<1x!tpu.dma_semaphore, #tpu.memory_space<semaphore_mem>>
    %dma_start3A_133 = tpu.memref_squeeze %dma_start3A_132 : memref<1x!tpu.dma_semaphore, #tpu.memory_space<semaphore_mem>> -> memref<!tpu.dma_semaphore, #tpu.memory_space<semaphore_mem>>
    %dma_start3A_134 = arith.constant 0 : i32
    %dma_start3A_135 = tpu.memref_slice %arg7[%dma_start3A_126, %dma_start3A_134] : memref<5x40xi32, #tpu.memory_space<vmem>> -> memref<1x40xi32, #tpu.memory_space<vmem>>
    %dma_start3A_136 = tpu.memref_squeeze %dma_start3A_135 : memref<1x40xi32, #tpu.memory_space<vmem>> -> memref<40xi32, #tpu.memory_space<vmem>>
    %dma_start3A_137 = tpu.memref_slice %arg3[%add3A_125] : memref<320000xi32, #tpu.memory_space<hbm>> -> memref<40xi32, #tpu.memory_space<hbm>>
    tpu.enqueue_dma source(%dma_start3A_137 : memref<40xi32, #tpu.memory_space<hbm>>) target(%dma_start3A_136 : memref<40xi32, #tpu.memory_space<vmem>>) target_semaphore(%dma_start3A_133 : memref<!tpu.dma_semaphore, #tpu.memory_space<semaphore_mem>>)
    %dma_start3A_138 = arith.constant 4 : i32
    %dma_start3A_139 = arith.constant 4 : i32
    %dma_start3A_140 = arith.constant 0 : i32
    %dma_start3A_141 = arith.constant 0 : i32
    %dma_start3A_142 = tpu.memref_slice %arg8[%dma_start3A_138, %dma_start3A_140, %dma_start3A_141] : memref<5x40x128xf32, #tpu.memory_space<vmem>> -> memref<1x40x128xf32, #tpu.memory_space<vmem>>
    %dma_start3A_143 = tpu.memref_squeeze %dma_start3A_142 : memref<1x40x128xf32, #tpu.memory_space<vmem>> -> memref<40x128xf32, #tpu.memory_space<vmem>>
    %dma_start3A_144 = arith.constant 160 : i32
    %dma_start3A_145 = tpu.memref_slice %arg6[%dma_start3A_144] : memref<10000xi32, #tpu.memory_space<vmem>> -> memref<40xi32, #tpu.memory_space<vmem>>
    %dma_start3A_146 = arith.constant 0 : i32
    %dma_start3A_147 = arith.constant 0 : i32
    %dma_start3A_148 = tpu.memref_slice %arg4[%dma_start3A_146, %dma_start3A_147] : memref<10000x128xf32, #tpu.memory_space<hbm>> -> memref<10000x128xf32, #tpu.memory_space<hbm>>
    %dma_start3A_149 = tpu.memref_slice %arg9[%dma_start3A_139] : memref<5x!tpu.dma_semaphore, #tpu.memory_space<semaphore_mem>> -> memref<1x!tpu.dma_semaphore, #tpu.memory_space<semaphore_mem>>
    %dma_start3A_150 = tpu.memref_squeeze %dma_start3A_149 : memref<1x!tpu.dma_semaphore, #tpu.memory_space<semaphore_mem>> -> memref<!tpu.dma_semaphore, #tpu.memory_space<semaphore_mem>>
    tpu.enqueue_indirect_dma source(%dma_start3A_148 : memref<10000x128xf32, #tpu.memory_space<hbm>>) target(%dma_start3A_143 : memref<40x128xf32, #tpu.memory_space<vmem>>) offsets(%dma_start3A_145 : memref<40xi32, #tpu.memory_space<vmem>>) semaphore(%dma_start3A_150 : memref<!tpu.dma_semaphore, #tpu.memory_space<semaphore_mem>>)
    %scan3A_151 = arith.constant 0 : i32
    %scan3A_152 = arith.constant 0 : i32
    %scan3A_153 = arith.constant 49 : i32
    %scan3A_154 = arith.addi %scan3A_152, %scan3A_153 : i32
    %scan3A_155 = arith.constant 1 : i32
    scf.for %scan3A_486 = %scan3A_152 to %scan3A_154 step %scan3A_155  : i32 {
      %dma_wait3A_487 = arith.constant 0 : i32
      %dma_wait3A_488 = arith.constant 0 : i32
      %dma_wait3A_489 = arith.constant 0 : i32
      %dma_wait3A_490 = arith.constant 0 : i32
      %dma_wait3A_491 = tpu.memref_slice %arg8[%dma_wait3A_487, %dma_wait3A_489, %dma_wait3A_490] : memref<5x40x128xf32, #tpu.memory_space<vmem>> -> memref<1x40x128xf32, #tpu.memory_space<vmem>>
      %dma_wait3A_492 = tpu.memref_squeeze %dma_wait3A_491 : memref<1x40x128xf32, #tpu.memory_space<vmem>> -> memref<40x128xf32, #tpu.memory_space<vmem>>
      %dma_wait3A_493 = arith.constant 0 : i32
      %dma_wait3A_494 = arith.constant 0 : i32
      %dma_wait3A_495 = tpu.memref_slice %arg4[%dma_wait3A_493, %dma_wait3A_494] : memref<10000x128xf32, #tpu.memory_space<hbm>> -> memref<40x128xf32, #tpu.memory_space<hbm>>
      %dma_wait3A_496 = tpu.memref_slice %arg9[%dma_wait3A_488] : memref<5x!tpu.dma_semaphore, #tpu.memory_space<semaphore_mem>> -> memref<1x!tpu.dma_semaphore, #tpu.memory_space<semaphore_mem>>
      %dma_wait3A_497 = tpu.memref_squeeze %dma_wait3A_496 : memref<1x!tpu.dma_semaphore, #tpu.memory_space<semaphore_mem>> -> memref<!tpu.dma_semaphore, #tpu.memory_space<semaphore_mem>>
      %dma_wait3A_498 = arith.constant 0 : i32
      %dma_wait3A_499 = arith.constant 0 : i32
      %dma_wait3A_500 = tpu.memref_slice %arg8[%dma_wait3A_487, %dma_wait3A_498, %dma_wait3A_499] : memref<5x40x128xf32, #tpu.memory_space<vmem>> -> memref<1x40x128xf32, #tpu.memory_space<vmem>>
      %dma_wait3A_501 = tpu.memref_squeeze %dma_wait3A_500 : memref<1x40x128xf32, #tpu.memory_space<vmem>> -> memref<40x128xf32, #tpu.memory_space<vmem>>
      %dma_wait3A_502 = arith.constant 0 : i32
      %dma_wait3A_503 = arith.constant 0 : i32
      %dma_wait3A_504 = tpu.memref_slice %arg4[%dma_wait3A_502, %dma_wait3A_503] : memref<10000x128xf32, #tpu.memory_space<hbm>> -> memref<40x128xf32, #tpu.memory_space<hbm>>
      tpu.wait_dma2 semaphore(%dma_wait3A_497 : memref<!tpu.dma_semaphore, #tpu.memory_space<semaphore_mem>>) src(%dma_wait3A_504 : memref<40x128xf32, #tpu.memory_space<hbm>>) dst(%dma_wait3A_501 : memref<40x128xf32, #tpu.memory_space<vmem>>)
      %dma_wait3A_505 = arith.constant 0 : i32
      %dma_wait3A_506 = arith.constant 0 : i32
      %dma_wait3A_507 = arith.constant 0 : i32
      %dma_wait3A_508 = tpu.memref_slice %arg7[%dma_wait3A_505, %dma_wait3A_507] : memref<5x40xi32, #tpu.memory_space<vmem>> -> memref<1x40xi32, #tpu.memory_space<vmem>>
      %dma_wait3A_509 = tpu.memref_squeeze %dma_wait3A_508 : memref<1x40xi32, #tpu.memory_space<vmem>> -> memref<40xi32, #tpu.memory_space<vmem>>
      %dma_wait3A_510 = arith.constant 0 : i32
      %dma_wait3A_511 = tpu.memref_slice %arg3[%dma_wait3A_510] : memref<320000xi32, #tpu.memory_space<hbm>> -> memref<40xi32, #tpu.memory_space<hbm>>
      %dma_wait3A_512 = tpu.memref_slice %arg11[%dma_wait3A_506] : memref<5x!tpu.dma_semaphore, #tpu.memory_space<semaphore_mem>> -> memref<1x!tpu.dma_semaphore, #tpu.memory_space<semaphore_mem>>
      %dma_wait3A_513 = tpu.memref_squeeze %dma_wait3A_512 : memref<1x!tpu.dma_semaphore, #tpu.memory_space<semaphore_mem>> -> memref<!tpu.dma_semaphore, #tpu.memory_space<semaphore_mem>>
      %dma_wait3A_514 = arith.constant 0 : i32
      %dma_wait3A_515 = tpu.memref_slice %arg7[%dma_wait3A_505, %dma_wait3A_514] : memref<5x40xi32, #tpu.memory_space<vmem>> -> memref<1x40xi32, #tpu.memory_space<vmem>>
      %dma_wait3A_516 = tpu.memref_squeeze %dma_wait3A_515 : memref<1x40xi32, #tpu.memory_space<vmem>> -> memref<40xi32, #tpu.memory_space<vmem>>
      %dma_wait3A_517 = arith.constant 0 : i32
      %dma_wait3A_518 = tpu.memref_slice %arg3[%dma_wait3A_517] : memref<320000xi32, #tpu.memory_space<hbm>> -> memref<40xi32, #tpu.memory_space<hbm>>
      tpu.wait_dma2 semaphore(%dma_wait3A_513 : memref<!tpu.dma_semaphore, #tpu.memory_space<semaphore_mem>>) src(%dma_wait3A_518 : memref<40xi32, #tpu.memory_space<hbm>>) dst(%dma_wait3A_516 : memref<40xi32, #tpu.memory_space<vmem>>)
      %dma_start3A_519 = arith.constant 0 : i32
      %dma_start3A_520 = arith.constant 0 : i32
      %dma_start3A_521 = arith.constant 0 : i32
      %dma_start3A_522 = arith.constant 0 : i32
      %dma_start3A_523 = arith.constant 0 : i32
      %dma_start3A_524 = tpu.memref_slice %arg8[%dma_start3A_519, %dma_start3A_522, %dma_start3A_523] : memref<5x40x128xf32, #tpu.memory_space<vmem>> -> memref<1x40x128xf32, #tpu.memory_space<vmem>>
      %dma_start3A_525 = tpu.memref_squeeze %dma_start3A_524 : memref<1x40x128xf32, #tpu.memory_space<vmem>> -> memref<40x128xf32, #tpu.memory_space<vmem>>
      %dma_start3A_526 = arith.constant 0 : i32
      %dma_start3A_527 = tpu.memref_slice %arg7[%dma_start3A_520, %dma_start3A_526] : memref<5x40xi32, #tpu.memory_space<vmem>> -> memref<1x40xi32, #tpu.memory_space<vmem>>
      %dma_start3A_528 = tpu.memref_squeeze %dma_start3A_527 : memref<1x40xi32, #tpu.memory_space<vmem>> -> memref<40xi32, #tpu.memory_space<vmem>>
      %dma_start3A_529 = arith.constant 0 : i32
      %dma_start3A_530 = arith.constant 0 : i32
      %dma_start3A_531 = tpu.memref_slice %arg13[%dma_start3A_529, %dma_start3A_530] : memref<10240x128xf32, #tpu.memory_space<vmem_shared>> -> memref<10240x128xf32, #tpu.memory_space<vmem_shared>>
      %dma_start3A_532 = tpu.memref_slice %arg10[%dma_start3A_521] : memref<5x!tpu.dma_semaphore, #tpu.memory_space<semaphore_mem>> -> memref<1x!tpu.dma_semaphore, #tpu.memory_space<semaphore_mem>>
      %dma_start3A_533 = tpu.memref_squeeze %dma_start3A_532 : memref<1x!tpu.dma_semaphore, #tpu.memory_space<semaphore_mem>> -> memref<!tpu.dma_semaphore, #tpu.memory_space<semaphore_mem>>
      tpu.enqueue_indirect_dma source(%dma_start3A_525 : memref<40x128xf32, #tpu.memory_space<vmem>>) target(%dma_start3A_531 : memref<10240x128xf32, #tpu.memory_space<vmem_shared>>) offsets(%dma_start3A_528 : memref<40xi32, #tpu.memory_space<vmem>>) semaphore(%dma_start3A_533 : memref<!tpu.dma_semaphore, #tpu.memory_space<semaphore_mem>>) {add = true}
      %dma_wait3A_534 = arith.constant 1 : i32
      %dma_wait3A_535 = arith.constant 1 : i32
      %dma_wait3A_536 = arith.constant 0 : i32
      %dma_wait3A_537 = arith.constant 0 : i32
      %dma_wait3A_538 = tpu.memref_slice %arg8[%dma_wait3A_534, %dma_wait3A_536, %dma_wait3A_537] : memref<5x40x128xf32, #tpu.memory_space<vmem>> -> memref<1x40x128xf32, #tpu.memory_space<vmem>>
      %dma_wait3A_539 = tpu.memref_squeeze %dma_wait3A_538 : memref<1x40x128xf32, #tpu.memory_space<vmem>> -> memref<40x128xf32, #tpu.memory_space<vmem>>
      %dma_wait3A_540 = arith.constant 0 : i32
      %dma_wait3A_541 = arith.constant 0 : i32
      %dma_wait3A_542 = tpu.memref_slice %arg4[%dma_wait3A_540, %dma_wait3A_541] : memref<10000x128xf32, #tpu.memory_space<hbm>> -> memref<40x128xf32, #tpu.memory_space<hbm>>
      %dma_wait3A_543 = tpu.memref_slice %arg9[%dma_wait3A_535] : memref<5x!tpu.dma_semaphore, #tpu.memory_space<semaphore_mem>> -> memref<1x!tpu.dma_semaphore, #tpu.memory_space<semaphore_mem>>
      %dma_wait3A_544 = tpu.memref_squeeze %dma_wait3A_543 : memref<1x!tpu.dma_semaphore, #tpu.memory_space<semaphore_mem>> -> memref<!tpu.dma_semaphore, #tpu.memory_space<semaphore_mem>>
      %dma_wait3A_545 = arith.constant 0 : i32
      %dma_wait3A_546 = arith.constant 0 : i32
      %dma_wait3A_547 = tpu.memref_slice %arg8[%dma_wait3A_534, %dma_wait3A_545, %dma_wait3A_546] : memref<5x40x128xf32, #tpu.memory_space<vmem>> -> memref<1x40x128xf32, #tpu.memory_space<vmem>>
      %dma_wait3A_548 = tpu.memref_squeeze %dma_wait3A_547 : memref<1x40x128xf32, #tpu.memory_space<vmem>> -> memref<40x128xf32, #tpu.memory_space<vmem>>
      %dma_wait3A_549 = arith.constant 0 : i32
      %dma_wait3A_550 = arith.constant 0 : i32
      %dma_wait3A_551 = tpu.memref_slice %arg4[%dma_wait3A_549, %dma_wait3A_550] : memref<10000x128xf32, #tpu.memory_space<hbm>> -> memref<40x128xf32, #tpu.memory_space<hbm>>
      tpu.wait_dma2 semaphore(%dma_wait3A_544 : memref<!tpu.dma_semaphore, #tpu.memory_space<semaphore_mem>>) src(%dma_wait3A_551 : memref<40x128xf32, #tpu.memory_space<hbm>>) dst(%dma_wait3A_548 : memref<40x128xf32, #tpu.memory_space<vmem>>)
      %dma_wait3A_552 = arith.constant 1 : i32
      %dma_wait3A_553 = arith.constant 1 : i32
      %dma_wait3A_554 = arith.constant 0 : i32
      %dma_wait3A_555 = tpu.memref_slice %arg7[%dma_wait3A_552, %dma_wait3A_554] : memref<5x40xi32, #tpu.memory_space<vmem>> -> memref<1x40xi32, #tpu.memory_space<vmem>>
      %dma_wait3A_556 = tpu.memref_squeeze %dma_wait3A_555 : memref<1x40xi32, #tpu.memory_space<vmem>> -> memref<40xi32, #tpu.memory_space<vmem>>
      %dma_wait3A_557 = arith.constant 0 : i32
      %dma_wait3A_558 = tpu.memref_slice %arg3[%dma_wait3A_557] : memref<320000xi32, #tpu.memory_space<hbm>> -> memref<40xi32, #tpu.memory_space<hbm>>
      %dma_wait3A_559 = tpu.memref_slice %arg11[%dma_wait3A_553] : memref<5x!tpu.dma_semaphore, #tpu.memory_space<semaphore_mem>> -> memref<1x!tpu.dma_semaphore, #tpu.memory_space<semaphore_mem>>
      %dma_wait3A_560 = tpu.memref_squeeze %dma_wait3A_559 : memref<1x!tpu.dma_semaphore, #tpu.memory_space<semaphore_mem>> -> memref<!tpu.dma_semaphore, #tpu.memory_space<semaphore_mem>>
      %dma_wait3A_561 = arith.constant 0 : i32
      %dma_wait3A_562 = tpu.memref_slice %arg7[%dma_wait3A_552, %dma_wait3A_561] : memref<5x40xi32, #tpu.memory_space<vmem>> -> memref<1x40xi32, #tpu.memory_space<vmem>>
      %dma_wait3A_563 = tpu.memref_squeeze %dma_wait3A_562 : memref<1x40xi32, #tpu.memory_space<vmem>> -> memref<40xi32, #tpu.memory_space<vmem>>
      %dma_wait3A_564 = arith.constant 0 : i32
      %dma_wait3A_565 = tpu.memref_slice %arg3[%dma_wait3A_564] : memref<320000xi32, #tpu.memory_space<hbm>> -> memref<40xi32, #tpu.memory_space<hbm>>
      tpu.wait_dma2 semaphore(%dma_wait3A_560 : memref<!tpu.dma_semaphore, #tpu.memory_space<semaphore_mem>>) src(%dma_wait3A_565 : memref<40xi32, #tpu.memory_space<hbm>>) dst(%dma_wait3A_563 : memref<40xi32, #tpu.memory_space<vmem>>)
      %dma_start3A_566 = arith.constant 1 : i32
      %dma_start3A_567 = arith.constant 1 : i32
      %dma_start3A_568 = arith.constant 1 : i32
      %dma_start3A_569 = arith.constant 0 : i32
      %dma_start3A_570 = arith.constant 0 : i32
      %dma_start3A_571 = tpu.memref_slice %arg8[%dma_start3A_566, %dma_start3A_569, %dma_start3A_570] : memref<5x40x128xf32, #tpu.memory_space<vmem>> -> memref<1x40x128xf32, #tpu.memory_space<vmem>>
      %dma_start3A_572 = tpu.memref_squeeze %dma_start3A_571 : memref<1x40x128xf32, #tpu.memory_space<vmem>> -> memref<40x128xf32, #tpu.memory_space<vmem>>
      %dma_start3A_573 = arith.constant 0 : i32
      %dma_start3A_574 = tpu.memref_slice %arg7[%dma_start3A_567, %dma_start3A_573] : memref<5x40xi32, #tpu.memory_space<vmem>> -> memref<1x40xi32, #tpu.memory_space<vmem>>
      %dma_start3A_575 = tpu.memref_squeeze %dma_start3A_574 : memref<1x40xi32, #tpu.memory_space<vmem>> -> memref<40xi32, #tpu.memory_space<vmem>>
      %dma_start3A_576 = arith.constant 0 : i32
      %dma_start3A_577 = arith.constant 0 : i32
      %dma_start3A_578 = tpu.memref_slice %arg13[%dma_start3A_576, %dma_start3A_577] : memref<10240x128xf32, #tpu.memory_space<vmem_shared>> -> memref<10240x128xf32, #tpu.memory_space<vmem_shared>>
      %dma_start3A_579 = tpu.memref_slice %arg10[%dma_start3A_568] : memref<5x!tpu.dma_semaphore, #tpu.memory_space<semaphore_mem>> -> memref<1x!tpu.dma_semaphore, #tpu.memory_space<semaphore_mem>>
      %dma_start3A_580 = tpu.memref_squeeze %dma_start3A_579 : memref<1x!tpu.dma_semaphore, #tpu.memory_space<semaphore_mem>> -> memref<!tpu.dma_semaphore, #tpu.memory_space<semaphore_mem>>
      tpu.enqueue_indirect_dma source(%dma_start3A_572 : memref<40x128xf32, #tpu.memory_space<vmem>>) target(%dma_start3A_578 : memref<10240x128xf32, #tpu.memory_space<vmem_shared>>) offsets(%dma_start3A_575 : memref<40xi32, #tpu.memory_space<vmem>>) semaphore(%dma_start3A_580 : memref<!tpu.dma_semaphore, #tpu.memory_space<semaphore_mem>>) {add = true}
      %dma_wait3A_581 = arith.constant 2 : i32
      %dma_wait3A_582 = arith.constant 2 : i32
      %dma_wait3A_583 = arith.constant 0 : i32
      %dma_wait3A_584 = arith.constant 0 : i32
      %dma_wait3A_585 = tpu.memref_slice %arg8[%dma_wait3A_581, %dma_wait3A_583, %dma_wait3A_584] : memref<5x40x128xf32, #tpu.memory_space<vmem>> -> memref<1x40x128xf32, #tpu.memory_space<vmem>>
      %dma_wait3A_586 = tpu.memref_squeeze %dma_wait3A_585 : memref<1x40x128xf32, #tpu.memory_space<vmem>> -> memref<40x128xf32, #tpu.memory_space<vmem>>
      %dma_wait3A_587 = arith.constant 0 : i32
      %dma_wait3A_588 = arith.constant 0 : i32
      %dma_wait3A_589 = tpu.memref_slice %arg4[%dma_wait3A_587, %dma_wait3A_588] : memref<10000x128xf32, #tpu.memory_space<hbm>> -> memref<40x128xf32, #tpu.memory_space<hbm>>
      %dma_wait3A_590 = tpu.memref_slice %arg9[%dma_wait3A_582] : memref<5x!tpu.dma_semaphore, #tpu.memory_space<semaphore_mem>> -> memref<1x!tpu.dma_semaphore, #tpu.memory_space<semaphore_mem>>
      %dma_wait3A_591 = tpu.memref_squeeze %dma_wait3A_590 : memref<1x!tpu.dma_semaphore, #tpu.memory_space<semaphore_mem>> -> memref<!tpu.dma_semaphore, #tpu.memory_space<semaphore_mem>>
      %dma_wait3A_592 = arith.constant 0 : i32
      %dma_wait3A_593 = arith.constant 0 : i32
      %dma_wait3A_594 = tpu.memref_slice %arg8[%dma_wait3A_581, %dma_wait3A_592, %dma_wait3A_593] : memref<5x40x128xf32, #tpu.memory_space<vmem>> -> memref<1x40x128xf32, #tpu.memory_space<vmem>>
      %dma_wait3A_595 = tpu.memref_squeeze %dma_wait3A_594 : memref<1x40x128xf32, #tpu.memory_space<vmem>> -> memref<40x128xf32, #tpu.memory_space<vmem>>
      %dma_wait3A_596 = arith.constant 0 : i32
      %dma_wait3A_597 = arith.constant 0 : i32
      %dma_wait3A_598 = tpu.memref_slice %arg4[%dma_wait3A_596, %dma_wait3A_597] : memref<10000x128xf32, #tpu.memory_space<hbm>> -> memref<40x128xf32, #tpu.memory_space<hbm>>
      tpu.wait_dma2 semaphore(%dma_wait3A_591 : memref<!tpu.dma_semaphore, #tpu.memory_space<semaphore_mem>>) src(%dma_wait3A_598 : memref<40x128xf32, #tpu.memory_space<hbm>>) dst(%dma_wait3A_595 : memref<40x128xf32, #tpu.memory_space<vmem>>)
      %dma_wait3A_599 = arith.constant 2 : i32
      %dma_wait3A_600 = arith.constant 2 : i32
      %dma_wait3A_601 = arith.constant 0 : i32
      %dma_wait3A_602 = tpu.memref_slice %arg7[%dma_wait3A_599, %dma_wait3A_601] : memref<5x40xi32, #tpu.memory_space<vmem>> -> memref<1x40xi32, #tpu.memory_space<vmem>>
      %dma_wait3A_603 = tpu.memref_squeeze %dma_wait3A_602 : memref<1x40xi32, #tpu.memory_space<vmem>> -> memref<40xi32, #tpu.memory_space<vmem>>
      %dma_wait3A_604 = arith.constant 0 : i32
      %dma_wait3A_605 = tpu.memref_slice %arg3[%dma_wait3A_604] : memref<320000xi32, #tpu.memory_space<hbm>> -> memref<40xi32, #tpu.memory_space<hbm>>
      %dma_wait3A_606 = tpu.memref_slice %arg11[%dma_wait3A_600] : memref<5x!tpu.dma_semaphore, #tpu.memory_space<semaphore_mem>> -> memref<1x!tpu.dma_semaphore, #tpu.memory_space<semaphore_mem>>
      %dma_wait3A_607 = tpu.memref_squeeze %dma_wait3A_606 : memref<1x!tpu.dma_semaphore, #tpu.memory_space<semaphore_mem>> -> memref<!tpu.dma_semaphore, #tpu.memory_space<semaphore_mem>>
      %dma_wait3A_608 = arith.constant 0 : i32
      %dma_wait3A_609 = tpu.memref_slice %arg7[%dma_wait3A_599, %dma_wait3A_608] : memref<5x40xi32, #tpu.memory_space<vmem>> -> memref<1x40xi32, #tpu.memory_space<vmem>>
      %dma_wait3A_610 = tpu.memref_squeeze %dma_wait3A_609 : memref<1x40xi32, #tpu.memory_space<vmem>> -> memref<40xi32, #tpu.memory_space<vmem>>
      %dma_wait3A_611 = arith.constant 0 : i32
      %dma_wait3A_612 = tpu.memref_slice %arg3[%dma_wait3A_611] : memref<320000xi32, #tpu.memory_space<hbm>> -> memref<40xi32, #tpu.memory_space<hbm>>
      tpu.wait_dma2 semaphore(%dma_wait3A_607 : memref<!tpu.dma_semaphore, #tpu.memory_space<semaphore_mem>>) src(%dma_wait3A_612 : memref<40xi32, #tpu.memory_space<hbm>>) dst(%dma_wait3A_610 : memref<40xi32, #tpu.memory_space<vmem>>)
      %dma_start3A_613 = arith.constant 2 : i32
      %dma_start3A_614 = arith.constant 2 : i32
      %dma_start3A_615 = arith.constant 2 : i32
      %dma_start3A_616 = arith.constant 0 : i32
      %dma_start3A_617 = arith.constant 0 : i32
      %dma_start3A_618 = tpu.memref_slice %arg8[%dma_start3A_613, %dma_start3A_616, %dma_start3A_617] : memref<5x40x128xf32, #tpu.memory_space<vmem>> -> memref<1x40x128xf32, #tpu.memory_space<vmem>>
      %dma_start3A_619 = tpu.memref_squeeze %dma_start3A_618 : memref<1x40x128xf32, #tpu.memory_space<vmem>> -> memref<40x128xf32, #tpu.memory_space<vmem>>
      %dma_start3A_620 = arith.constant 0 : i32
      %dma_start3A_621 = tpu.memref_slice %arg7[%dma_start3A_614, %dma_start3A_620] : memref<5x40xi32, #tpu.memory_space<vmem>> -> memref<1x40xi32, #tpu.memory_space<vmem>>
      %dma_start3A_622 = tpu.memref_squeeze %dma_start3A_621 : memref<1x40xi32, #tpu.memory_space<vmem>> -> memref<40xi32, #tpu.memory_space<vmem>>
      %dma_start3A_623 = arith.constant 0 : i32
      %dma_start3A_624 = arith.constant 0 : i32
      %dma_start3A_625 = tpu.memref_slice %arg13[%dma_start3A_623, %dma_start3A_624] : memref<10240x128xf32, #tpu.memory_space<vmem_shared>> -> memref<10240x128xf32, #tpu.memory_space<vmem_shared>>
      %dma_start3A_626 = tpu.memref_slice %arg10[%dma_start3A_615] : memref<5x!tpu.dma_semaphore, #tpu.memory_space<semaphore_mem>> -> memref<1x!tpu.dma_semaphore, #tpu.memory_space<semaphore_mem>>
      %dma_start3A_627 = tpu.memref_squeeze %dma_start3A_626 : memref<1x!tpu.dma_semaphore, #tpu.memory_space<semaphore_mem>> -> memref<!tpu.dma_semaphore, #tpu.memory_space<semaphore_mem>>
      tpu.enqueue_indirect_dma source(%dma_start3A_619 : memref<40x128xf32, #tpu.memory_space<vmem>>) target(%dma_start3A_625 : memref<10240x128xf32, #tpu.memory_space<vmem_shared>>) offsets(%dma_start3A_622 : memref<40xi32, #tpu.memory_space<vmem>>) semaphore(%dma_start3A_627 : memref<!tpu.dma_semaphore, #tpu.memory_space<semaphore_mem>>) {add = true}
      %dma_wait3A_628 = arith.constant 3 : i32
      %dma_wait3A_629 = arith.constant 3 : i32
      %dma_wait3A_630 = arith.constant 0 : i32
      %dma_wait3A_631 = arith.constant 0 : i32
      %dma_wait3A_632 = tpu.memref_slice %arg8[%dma_wait3A_628, %dma_wait3A_630, %dma_wait3A_631] : memref<5x40x128xf32, #tpu.memory_space<vmem>> -> memref<1x40x128xf32, #tpu.memory_space<vmem>>
      %dma_wait3A_633 = tpu.memref_squeeze %dma_wait3A_632 : memref<1x40x128xf32, #tpu.memory_space<vmem>> -> memref<40x128xf32, #tpu.memory_space<vmem>>
      %dma_wait3A_634 = arith.constant 0 : i32
      %dma_wait3A_635 = arith.constant 0 : i32
      %dma_wait3A_636 = tpu.memref_slice %arg4[%dma_wait3A_634, %dma_wait3A_635] : memref<10000x128xf32, #tpu.memory_space<hbm>> -> memref<40x128xf32, #tpu.memory_space<hbm>>
      %dma_wait3A_637 = tpu.memref_slice %arg9[%dma_wait3A_629] : memref<5x!tpu.dma_semaphore, #tpu.memory_space<semaphore_mem>> -> memref<1x!tpu.dma_semaphore, #tpu.memory_space<semaphore_mem>>
      %dma_wait3A_638 = tpu.memref_squeeze %dma_wait3A_637 : memref<1x!tpu.dma_semaphore, #tpu.memory_space<semaphore_mem>> -> memref<!tpu.dma_semaphore, #tpu.memory_space<semaphore_mem>>
      %dma_wait3A_639 = arith.constant 0 : i32
      %dma_wait3A_640 = arith.constant 0 : i32
      %dma_wait3A_641 = tpu.memref_slice %arg8[%dma_wait3A_628, %dma_wait3A_639, %dma_wait3A_640] : memref<5x40x128xf32, #tpu.memory_space<vmem>> -> memref<1x40x128xf32, #tpu.memory_space<vmem>>
      %dma_wait3A_642 = tpu.memref_squeeze %dma_wait3A_641 : memref<1x40x128xf32, #tpu.memory_space<vmem>> -> memref<40x128xf32, #tpu.memory_space<vmem>>
      %dma_wait3A_643 = arith.constant 0 : i32
      %dma_wait3A_644 = arith.constant 0 : i32
      %dma_wait3A_645 = tpu.memref_slice %arg4[%dma_wait3A_643, %dma_wait3A_644] : memref<10000x128xf32, #tpu.memory_space<hbm>> -> memref<40x128xf32, #tpu.memory_space<hbm>>
      tpu.wait_dma2 semaphore(%dma_wait3A_638 : memref<!tpu.dma_semaphore, #tpu.memory_space<semaphore_mem>>) src(%dma_wait3A_645 : memref<40x128xf32, #tpu.memory_space<hbm>>) dst(%dma_wait3A_642 : memref<40x128xf32, #tpu.memory_space<vmem>>)
      %dma_wait3A_646 = arith.constant 3 : i32
      %dma_wait3A_647 = arith.constant 3 : i32
      %dma_wait3A_648 = arith.constant 0 : i32
      %dma_wait3A_649 = tpu.memref_slice %arg7[%dma_wait3A_646, %dma_wait3A_648] : memref<5x40xi32, #tpu.memory_space<vmem>> -> memref<1x40xi32, #tpu.memory_space<vmem>>
      %dma_wait3A_650 = tpu.memref_squeeze %dma_wait3A_649 : memref<1x40xi32, #tpu.memory_space<vmem>> -> memref<40xi32, #tpu.memory_space<vmem>>
      %dma_wait3A_651 = arith.constant 0 : i32
      %dma_wait3A_652 = tpu.memref_slice %arg3[%dma_wait3A_651] : memref<320000xi32, #tpu.memory_space<hbm>> -> memref<40xi32, #tpu.memory_space<hbm>>
      %dma_wait3A_653 = tpu.memref_slice %arg11[%dma_wait3A_647] : memref<5x!tpu.dma_semaphore, #tpu.memory_space<semaphore_mem>> -> memref<1x!tpu.dma_semaphore, #tpu.memory_space<semaphore_mem>>
      %dma_wait3A_654 = tpu.memref_squeeze %dma_wait3A_653 : memref<1x!tpu.dma_semaphore, #tpu.memory_space<semaphore_mem>> -> memref<!tpu.dma_semaphore, #tpu.memory_space<semaphore_mem>>
      %dma_wait3A_655 = arith.constant 0 : i32
      %dma_wait3A_656 = tpu.memref_slice %arg7[%dma_wait3A_646, %dma_wait3A_655] : memref<5x40xi32, #tpu.memory_space<vmem>> -> memref<1x40xi32, #tpu.memory_space<vmem>>
      %dma_wait3A_657 = tpu.memref_squeeze %dma_wait3A_656 : memref<1x40xi32, #tpu.memory_space<vmem>> -> memref<40xi32, #tpu.memory_space<vmem>>
      %dma_wait3A_658 = arith.constant 0 : i32
      %dma_wait3A_659 = tpu.memref_slice %arg3[%dma_wait3A_658] : memref<320000xi32, #tpu.memory_space<hbm>> -> memref<40xi32, #tpu.memory_space<hbm>>
      tpu.wait_dma2 semaphore(%dma_wait3A_654 : memref<!tpu.dma_semaphore, #tpu.memory_space<semaphore_mem>>) src(%dma_wait3A_659 : memref<40xi32, #tpu.memory_space<hbm>>) dst(%dma_wait3A_657 : memref<40xi32, #tpu.memory_space<vmem>>)
      %dma_start3A_660 = arith.constant 3 : i32
      %dma_start3A_661 = arith.constant 3 : i32
      %dma_start3A_662 = arith.constant 3 : i32
      %dma_start3A_663 = arith.constant 0 : i32
      %dma_start3A_664 = arith.constant 0 : i32
      %dma_start3A_665 = tpu.memref_slice %arg8[%dma_start3A_660, %dma_start3A_663, %dma_start3A_664] : memref<5x40x128xf32, #tpu.memory_space<vmem>> -> memref<1x40x128xf32, #tpu.memory_space<vmem>>
      %dma_start3A_666 = tpu.memref_squeeze %dma_start3A_665 : memref<1x40x128xf32, #tpu.memory_space<vmem>> -> memref<40x128xf32, #tpu.memory_space<vmem>>
      %dma_start3A_667 = arith.constant 0 : i32
      %dma_start3A_668 = tpu.memref_slice %arg7[%dma_start3A_661, %dma_start3A_667] : memref<5x40xi32, #tpu.memory_space<vmem>> -> memref<1x40xi32, #tpu.memory_space<vmem>>
      %dma_start3A_669 = tpu.memref_squeeze %dma_start3A_668 : memref<1x40xi32, #tpu.memory_space<vmem>> -> memref<40xi32, #tpu.memory_space<vmem>>
      %dma_start3A_670 = arith.constant 0 : i32
      %dma_start3A_671 = arith.constant 0 : i32
      %dma_start3A_672 = tpu.memref_slice %arg13[%dma_start3A_670, %dma_start3A_671] : memref<10240x128xf32, #tpu.memory_space<vmem_shared>> -> memref<10240x128xf32, #tpu.memory_space<vmem_shared>>
      %dma_start3A_673 = tpu.memref_slice %arg10[%dma_start3A_662] : memref<5x!tpu.dma_semaphore, #tpu.memory_space<semaphore_mem>> -> memref<1x!tpu.dma_semaphore, #tpu.memory_space<semaphore_mem>>
      %dma_start3A_674 = tpu.memref_squeeze %dma_start3A_673 : memref<1x!tpu.dma_semaphore, #tpu.memory_space<semaphore_mem>> -> memref<!tpu.dma_semaphore, #tpu.memory_space<semaphore_mem>>
      tpu.enqueue_indirect_dma source(%dma_start3A_666 : memref<40x128xf32, #tpu.memory_space<vmem>>) target(%dma_start3A_672 : memref<10240x128xf32, #tpu.memory_space<vmem_shared>>) offsets(%dma_start3A_669 : memref<40xi32, #tpu.memory_space<vmem>>) semaphore(%dma_start3A_674 : memref<!tpu.dma_semaphore, #tpu.memory_space<semaphore_mem>>) {add = true}
      %dma_wait3A_675 = arith.constant 4 : i32
      %dma_wait3A_676 = arith.constant 4 : i32
      %dma_wait3A_677 = arith.constant 0 : i32
      %dma_wait3A_678 = arith.constant 0 : i32
      %dma_wait3A_679 = tpu.memref_slice %arg8[%dma_wait3A_675, %dma_wait3A_677, %dma_wait3A_678] : memref<5x40x128xf32, #tpu.memory_space<vmem>> -> memref<1x40x128xf32, #tpu.memory_space<vmem>>
      %dma_wait3A_680 = tpu.memref_squeeze %dma_wait3A_679 : memref<1x40x128xf32, #tpu.memory_space<vmem>> -> memref<40x128xf32, #tpu.memory_space<vmem>>
      %dma_wait3A_681 = arith.constant 0 : i32
      %dma_wait3A_682 = arith.constant 0 : i32
      %dma_wait3A_683 = tpu.memref_slice %arg4[%dma_wait3A_681, %dma_wait3A_682] : memref<10000x128xf32, #tpu.memory_space<hbm>> -> memref<40x128xf32, #tpu.memory_space<hbm>>
      %dma_wait3A_684 = tpu.memref_slice %arg9[%dma_wait3A_676] : memref<5x!tpu.dma_semaphore, #tpu.memory_space<semaphore_mem>> -> memref<1x!tpu.dma_semaphore, #tpu.memory_space<semaphore_mem>>
      %dma_wait3A_685 = tpu.memref_squeeze %dma_wait3A_684 : memref<1x!tpu.dma_semaphore, #tpu.memory_space<semaphore_mem>> -> memref<!tpu.dma_semaphore, #tpu.memory_space<semaphore_mem>>
      %dma_wait3A_686 = arith.constant 0 : i32
      %dma_wait3A_687 = arith.constant 0 : i32
      %dma_wait3A_688 = tpu.memref_slice %arg8[%dma_wait3A_675, %dma_wait3A_686, %dma_wait3A_687] : memref<5x40x128xf32, #tpu.memory_space<vmem>> -> memref<1x40x128xf32, #tpu.memory_space<vmem>>
      %dma_wait3A_689 = tpu.memref_squeeze %dma_wait3A_688 : memref<1x40x128xf32, #tpu.memory_space<vmem>> -> memref<40x128xf32, #tpu.memory_space<vmem>>
      %dma_wait3A_690 = arith.constant 0 : i32
      %dma_wait3A_691 = arith.constant 0 : i32
      %dma_wait3A_692 = tpu.memref_slice %arg4[%dma_wait3A_690, %dma_wait3A_691] : memref<10000x128xf32, #tpu.memory_space<hbm>> -> memref<40x128xf32, #tpu.memory_space<hbm>>
      tpu.wait_dma2 semaphore(%dma_wait3A_685 : memref<!tpu.dma_semaphore, #tpu.memory_space<semaphore_mem>>) src(%dma_wait3A_692 : memref<40x128xf32, #tpu.memory_space<hbm>>) dst(%dma_wait3A_689 : memref<40x128xf32, #tpu.memory_space<vmem>>)
      %dma_wait3A_693 = arith.constant 4 : i32
      %dma_wait3A_694 = arith.constant 4 : i32
      %dma_wait3A_695 = arith.constant 0 : i32
      %dma_wait3A_696 = tpu.memref_slice %arg7[%dma_wait3A_693, %dma_wait3A_695] : memref<5x40xi32, #tpu.memory_space<vmem>> -> memref<1x40xi32, #tpu.memory_space<vmem>>
      %dma_wait3A_697 = tpu.memref_squeeze %dma_wait3A_696 : memref<1x40xi32, #tpu.memory_space<vmem>> -> memref<40xi32, #tpu.memory_space<vmem>>
      %dma_wait3A_698 = arith.constant 0 : i32
      %dma_wait3A_699 = tpu.memref_slice %arg3[%dma_wait3A_698] : memref<320000xi32, #tpu.memory_space<hbm>> -> memref<40xi32, #tpu.memory_space<hbm>>
      %dma_wait3A_700 = tpu.memref_slice %arg11[%dma_wait3A_694] : memref<5x!tpu.dma_semaphore, #tpu.memory_space<semaphore_mem>> -> memref<1x!tpu.dma_semaphore, #tpu.memory_space<semaphore_mem>>
      %dma_wait3A_701 = tpu.memref_squeeze %dma_wait3A_700 : memref<1x!tpu.dma_semaphore, #tpu.memory_space<semaphore_mem>> -> memref<!tpu.dma_semaphore, #tpu.memory_space<semaphore_mem>>
      %dma_wait3A_702 = arith.constant 0 : i32
      %dma_wait3A_703 = tpu.memref_slice %arg7[%dma_wait3A_693, %dma_wait3A_702] : memref<5x40xi32, #tpu.memory_space<vmem>> -> memref<1x40xi32, #tpu.memory_space<vmem>>
      %dma_wait3A_704 = tpu.memref_squeeze %dma_wait3A_703 : memref<1x40xi32, #tpu.memory_space<vmem>> -> memref<40xi32, #tpu.memory_space<vmem>>
      %dma_wait3A_705 = arith.constant 0 : i32
      %dma_wait3A_706 = tpu.memref_slice %arg3[%dma_wait3A_705] : memref<320000xi32, #tpu.memory_space<hbm>> -> memref<40xi32, #tpu.memory_space<hbm>>
      tpu.wait_dma2 semaphore(%dma_wait3A_701 : memref<!tpu.dma_semaphore, #tpu.memory_space<semaphore_mem>>) src(%dma_wait3A_706 : memref<40xi32, #tpu.memory_space<hbm>>) dst(%dma_wait3A_704 : memref<40xi32, #tpu.memory_space<vmem>>)
      %dma_start3A_707 = arith.constant 4 : i32
      %dma_start3A_708 = arith.constant 4 : i32
      %dma_start3A_709 = arith.constant 4 : i32
      %dma_start3A_710 = arith.constant 0 : i32
      %dma_start3A_711 = arith.constant 0 : i32
      %dma_start3A_712 = tpu.memref_slice %arg8[%dma_start3A_707, %dma_start3A_710, %dma_start3A_711] : memref<5x40x128xf32, #tpu.memory_space<vmem>> -> memref<1x40x128xf32, #tpu.memory_space<vmem>>
      %dma_start3A_713 = tpu.memref_squeeze %dma_start3A_712 : memref<1x40x128xf32, #tpu.memory_space<vmem>> -> memref<40x128xf32, #tpu.memory_space<vmem>>
      %dma_start3A_714 = arith.constant 0 : i32
      %dma_start3A_715 = tpu.memref_slice %arg7[%dma_start3A_708, %dma_start3A_714] : memref<5x40xi32, #tpu.memory_space<vmem>> -> memref<1x40xi32, #tpu.memory_space<vmem>>
      %dma_start3A_716 = tpu.memref_squeeze %dma_start3A_715 : memref<1x40xi32, #tpu.memory_space<vmem>> -> memref<40xi32, #tpu.memory_space<vmem>>
      %dma_start3A_717 = arith.constant 0 : i32
      %dma_start3A_718 = arith.constant 0 : i32
      %dma_start3A_719 = tpu.memref_slice %arg13[%dma_start3A_717, %dma_start3A_718] : memref<10240x128xf32, #tpu.memory_space<vmem_shared>> -> memref<10240x128xf32, #tpu.memory_space<vmem_shared>>
      %dma_start3A_720 = tpu.memref_slice %arg10[%dma_start3A_709] : memref<5x!tpu.dma_semaphore, #tpu.memory_space<semaphore_mem>> -> memref<1x!tpu.dma_semaphore, #tpu.memory_space<semaphore_mem>>
      %dma_start3A_721 = tpu.memref_squeeze %dma_start3A_720 : memref<1x!tpu.dma_semaphore, #tpu.memory_space<semaphore_mem>> -> memref<!tpu.dma_semaphore, #tpu.memory_space<semaphore_mem>>
      tpu.enqueue_indirect_dma source(%dma_start3A_713 : memref<40x128xf32, #tpu.memory_space<vmem>>) target(%dma_start3A_719 : memref<10240x128xf32, #tpu.memory_space<vmem_shared>>) offsets(%dma_start3A_716 : memref<40xi32, #tpu.memory_space<vmem>>) semaphore(%dma_start3A_721 : memref<!tpu.dma_semaphore, #tpu.memory_space<semaphore_mem>>) {add = true}
      %add3A_722 = arith.constant 1 : i32
      %add3A_723 = arith.addi %scan3A_486, %add3A_722 : i32
      %mul3A_724 = arith.constant 5 : i32
      %mul3A_725 = arith.muli %add3A_723, %mul3A_724 : i32
      %add3A_726 = arith.constant 0 : i32
      %add3A_727 = arith.addi %mul3A_725, %add3A_726 : i32
      %dma_wait3A_728 = arith.constant 0 : i32
      %dma_wait3A_729 = arith.constant 0 : i32
      %dma_wait3A_730 = arith.constant 0 : i32
      %dma_wait3A_731 = arith.constant 0 : i32
      %dma_wait3A_732 = tpu.memref_slice %arg8[%dma_wait3A_728, %dma_wait3A_730, %dma_wait3A_731] : memref<5x40x128xf32, #tpu.memory_space<vmem>> -> memref<1x40x128xf32, #tpu.memory_space<vmem>>
      %dma_wait3A_733 = tpu.memref_squeeze %dma_wait3A_732 : memref<1x40x128xf32, #tpu.memory_space<vmem>> -> memref<40x128xf32, #tpu.memory_space<vmem>>
      %dma_wait3A_734 = arith.constant 0 : i32
      %dma_wait3A_735 = arith.constant 0 : i32
      %dma_wait3A_736 = tpu.memref_slice %arg4[%dma_wait3A_734, %dma_wait3A_735] : memref<10000x128xf32, #tpu.memory_space<hbm>> -> memref<40x128xf32, #tpu.memory_space<hbm>>
      %dma_wait3A_737 = tpu.memref_slice %arg10[%dma_wait3A_729] : memref<5x!tpu.dma_semaphore, #tpu.memory_space<semaphore_mem>> -> memref<1x!tpu.dma_semaphore, #tpu.memory_space<semaphore_mem>>
      %dma_wait3A_738 = tpu.memref_squeeze %dma_wait3A_737 : memref<1x!tpu.dma_semaphore, #tpu.memory_space<semaphore_mem>> -> memref<!tpu.dma_semaphore, #tpu.memory_space<semaphore_mem>>
      %dma_wait3A_739 = arith.constant 0 : i32
      %dma_wait3A_740 = arith.constant 0 : i32
      %dma_wait3A_741 = tpu.memref_slice %arg8[%dma_wait3A_728, %dma_wait3A_739, %dma_wait3A_740] : memref<5x40x128xf32, #tpu.memory_space<vmem>> -> memref<1x40x128xf32, #tpu.memory_space<vmem>>
      %dma_wait3A_742 = tpu.memref_squeeze %dma_wait3A_741 : memref<1x40x128xf32, #tpu.memory_space<vmem>> -> memref<40x128xf32, #tpu.memory_space<vmem>>
      %dma_wait3A_743 = arith.constant 0 : i32
      %dma_wait3A_744 = arith.constant 0 : i32
      %dma_wait3A_745 = tpu.memref_slice %arg4[%dma_wait3A_743, %dma_wait3A_744] : memref<10000x128xf32, #tpu.memory_space<hbm>> -> memref<40x128xf32, #tpu.memory_space<hbm>>
      tpu.wait_dma2 semaphore(%dma_wait3A_738 : memref<!tpu.dma_semaphore, #tpu.memory_space<semaphore_mem>>) src(%dma_wait3A_745 : memref<40x128xf32, #tpu.memory_space<hbm>>) dst(%dma_wait3A_742 : memref<40x128xf32, #tpu.memory_space<vmem>>)
      %mul3A_746 = arith.constant 40 : i32
      %mul3A_747 = arith.muli %add3A_727, %mul3A_746 : i32
      %add3A_748 = arith.addi %mul3A_16, %mul3A_747 : i32
      %dma_start3A_749 = arith.constant 0 : i32
      %dma_start3A_750 = arith.constant 0 : i32
      %dma_start3A_751 = arith.constant 0 : i32
      %dma_start3A_752 = tpu.memref_slice %arg7[%dma_start3A_749, %dma_start3A_751] : memref<5x40xi32, #tpu.memory_space<vmem>> -> memref<1x40xi32, #tpu.memory_space<vmem>>
      %dma_start3A_753 = tpu.memref_squeeze %dma_start3A_752 : memref<1x40xi32, #tpu.memory_space<vmem>> -> memref<40xi32, #tpu.memory_space<vmem>>
      %dma_start3A_754 = tpu.memref_slice %arg3[%add3A_748] : memref<320000xi32, #tpu.memory_space<hbm>> -> memref<40xi32, #tpu.memory_space<hbm>>
      %dma_start3A_755 = tpu.memref_slice %arg11[%dma_start3A_750] : memref<5x!tpu.dma_semaphore, #tpu.memory_space<semaphore_mem>> -> memref<1x!tpu.dma_semaphore, #tpu.memory_space<semaphore_mem>>
      %dma_start3A_756 = tpu.memref_squeeze %dma_start3A_755 : memref<1x!tpu.dma_semaphore, #tpu.memory_space<semaphore_mem>> -> memref<!tpu.dma_semaphore, #tpu.memory_space<semaphore_mem>>
      %dma_start3A_757 = arith.constant 0 : i32
      %dma_start3A_758 = tpu.memref_slice %arg7[%dma_start3A_749, %dma_start3A_757] : memref<5x40xi32, #tpu.memory_space<vmem>> -> memref<1x40xi32, #tpu.memory_space<vmem>>
      %dma_start3A_759 = tpu.memref_squeeze %dma_start3A_758 : memref<1x40xi32, #tpu.memory_space<vmem>> -> memref<40xi32, #tpu.memory_space<vmem>>
      %dma_start3A_760 = tpu.memref_slice %arg3[%add3A_748] : memref<320000xi32, #tpu.memory_space<hbm>> -> memref<40xi32, #tpu.memory_space<hbm>>
      tpu.enqueue_dma source(%dma_start3A_760 : memref<40xi32, #tpu.memory_space<hbm>>) target(%dma_start3A_759 : memref<40xi32, #tpu.memory_space<vmem>>) target_semaphore(%dma_start3A_756 : memref<!tpu.dma_semaphore, #tpu.memory_space<semaphore_mem>>)
      %mul3A_761 = arith.constant 40 : i32
      %mul3A_762 = arith.muli %add3A_727, %mul3A_761 : i32
      %dma_start3A_763 = arith.constant 0 : i32
      %dma_start3A_764 = arith.constant 0 : i32
      %dma_start3A_765 = arith.constant 0 : i32
      %dma_start3A_766 = arith.constant 0 : i32
      %dma_start3A_767 = tpu.memref_slice %arg8[%dma_start3A_763, %dma_start3A_765, %dma_start3A_766] : memref<5x40x128xf32, #tpu.memory_space<vmem>> -> memref<1x40x128xf32, #tpu.memory_space<vmem>>
      %dma_start3A_768 = tpu.memref_squeeze %dma_start3A_767 : memref<1x40x128xf32, #tpu.memory_space<vmem>> -> memref<40x128xf32, #tpu.memory_space<vmem>>
      %dma_start3A_769 = tpu.memref_slice %arg6[%mul3A_762] : memref<10000xi32, #tpu.memory_space<vmem>> -> memref<40xi32, #tpu.memory_space<vmem>>
      %dma_start3A_770 = arith.constant 0 : i32
      %dma_start3A_771 = arith.constant 0 : i32
      %dma_start3A_772 = tpu.memref_slice %arg4[%dma_start3A_770, %dma_start3A_771] : memref<10000x128xf32, #tpu.memory_space<hbm>> -> memref<10000x128xf32, #tpu.memory_space<hbm>>
      %dma_start3A_773 = tpu.memref_slice %arg9[%dma_start3A_764] : memref<5x!tpu.dma_semaphore, #tpu.memory_space<semaphore_mem>> -> memref<1x!tpu.dma_semaphore, #tpu.memory_space<semaphore_mem>>
      %dma_start3A_774 = tpu.memref_squeeze %dma_start3A_773 : memref<1x!tpu.dma_semaphore, #tpu.memory_space<semaphore_mem>> -> memref<!tpu.dma_semaphore, #tpu.memory_space<semaphore_mem>>
      tpu.enqueue_indirect_dma source(%dma_start3A_772 : memref<10000x128xf32, #tpu.memory_space<hbm>>) target(%dma_start3A_768 : memref<40x128xf32, #tpu.memory_space<vmem>>) offsets(%dma_start3A_769 : memref<40xi32, #tpu.memory_space<vmem>>) semaphore(%dma_start3A_774 : memref<!tpu.dma_semaphore, #tpu.memory_space<semaphore_mem>>)
      %add3A_775 = arith.constant 1 : i32
      %add3A_776 = arith.addi %scan3A_486, %add3A_775 : i32
      %mul3A_777 = arith.constant 5 : i32
      %mul3A_778 = arith.muli %add3A_776, %mul3A_777 : i32
      %add3A_779 = arith.constant 1 : i32
      %add3A_780 = arith.addi %mul3A_778, %add3A_779 : i32
      %dma_wait3A_781 = arith.constant 1 : i32
      %dma_wait3A_782 = arith.constant 1 : i32
      %dma_wait3A_783 = arith.constant 0 : i32
      %dma_wait3A_784 = arith.constant 0 : i32
      %dma_wait3A_785 = tpu.memref_slice %arg8[%dma_wait3A_781, %dma_wait3A_783, %dma_wait3A_784] : memref<5x40x128xf32, #tpu.memory_space<vmem>> -> memref<1x40x128xf32, #tpu.memory_space<vmem>>
      %dma_wait3A_786 = tpu.memref_squeeze %dma_wait3A_785 : memref<1x40x128xf32, #tpu.memory_space<vmem>> -> memref<40x128xf32, #tpu.memory_space<vmem>>
      %dma_wait3A_787 = arith.constant 0 : i32
      %dma_wait3A_788 = arith.constant 0 : i32
      %dma_wait3A_789 = tpu.memref_slice %arg4[%dma_wait3A_787, %dma_wait3A_788] : memref<10000x128xf32, #tpu.memory_space<hbm>> -> memref<40x128xf32, #tpu.memory_space<hbm>>
      %dma_wait3A_790 = tpu.memref_slice %arg10[%dma_wait3A_782] : memref<5x!tpu.dma_semaphore, #tpu.memory_space<semaphore_mem>> -> memref<1x!tpu.dma_semaphore, #tpu.memory_space<semaphore_mem>>
      %dma_wait3A_791 = tpu.memref_squeeze %dma_wait3A_790 : memref<1x!tpu.dma_semaphore, #tpu.memory_space<semaphore_mem>> -> memref<!tpu.dma_semaphore, #tpu.memory_space<semaphore_mem>>
      %dma_wait3A_792 = arith.constant 0 : i32
      %dma_wait3A_793 = arith.constant 0 : i32
      %dma_wait3A_794 = tpu.memref_slice %arg8[%dma_wait3A_781, %dma_wait3A_792, %dma_wait3A_793] : memref<5x40x128xf32, #tpu.memory_space<vmem>> -> memref<1x40x128xf32, #tpu.memory_space<vmem>>
      %dma_wait3A_795 = tpu.memref_squeeze %dma_wait3A_794 : memref<1x40x128xf32, #tpu.memory_space<vmem>> -> memref<40x128xf32, #tpu.memory_space<vmem>>
      %dma_wait3A_796 = arith.constant 0 : i32
      %dma_wait3A_797 = arith.constant 0 : i32
      %dma_wait3A_798 = tpu.memref_slice %arg4[%dma_wait3A_796, %dma_wait3A_797] : memref<10000x128xf32, #tpu.memory_space<hbm>> -> memref<40x128xf32, #tpu.memory_space<hbm>>
      tpu.wait_dma2 semaphore(%dma_wait3A_791 : memref<!tpu.dma_semaphore, #tpu.memory_space<semaphore_mem>>) src(%dma_wait3A_798 : memref<40x128xf32, #tpu.memory_space<hbm>>) dst(%dma_wait3A_795 : memref<40x128xf32, #tpu.memory_space<vmem>>)
      %mul3A_799 = arith.constant 40 : i32
      %mul3A_800 = arith.muli %add3A_780, %mul3A_799 : i32
      %add3A_801 = arith.addi %mul3A_16, %mul3A_800 : i32
      %dma_start3A_802 = arith.constant 1 : i32
      %dma_start3A_803 = arith.constant 1 : i32
      %dma_start3A_804 = arith.constant 0 : i32
      %dma_start3A_805 = tpu.memref_slice %arg7[%dma_start3A_802, %dma_start3A_804] : memref<5x40xi32, #tpu.memory_space<vmem>> -> memref<1x40xi32, #tpu.memory_space<vmem>>
      %dma_start3A_806 = tpu.memref_squeeze %dma_start3A_805 : memref<1x40xi32, #tpu.memory_space<vmem>> -> memref<40xi32, #tpu.memory_space<vmem>>
      %dma_start3A_807 = tpu.memref_slice %arg3[%add3A_801] : memref<320000xi32, #tpu.memory_space<hbm>> -> memref<40xi32, #tpu.memory_space<hbm>>
      %dma_start3A_808 = tpu.memref_slice %arg11[%dma_start3A_803] : memref<5x!tpu.dma_semaphore, #tpu.memory_space<semaphore_mem>> -> memref<1x!tpu.dma_semaphore, #tpu.memory_space<semaphore_mem>>
      %dma_start3A_809 = tpu.memref_squeeze %dma_start3A_808 : memref<1x!tpu.dma_semaphore, #tpu.memory_space<semaphore_mem>> -> memref<!tpu.dma_semaphore, #tpu.memory_space<semaphore_mem>>
      %dma_start3A_810 = arith.constant 0 : i32
      %dma_start3A_811 = tpu.memref_slice %arg7[%dma_start3A_802, %dma_start3A_810] : memref<5x40xi32, #tpu.memory_space<vmem>> -> memref<1x40xi32, #tpu.memory_space<vmem>>
      %dma_start3A_812 = tpu.memref_squeeze %dma_start3A_811 : memref<1x40xi32, #tpu.memory_space<vmem>> -> memref<40xi32, #tpu.memory_space<vmem>>
      %dma_start3A_813 = tpu.memref_slice %arg3[%add3A_801] : memref<320000xi32, #tpu.memory_space<hbm>> -> memref<40xi32, #tpu.memory_space<hbm>>
      tpu.enqueue_dma source(%dma_start3A_813 : memref<40xi32, #tpu.memory_space<hbm>>) target(%dma_start3A_812 : memref<40xi32, #tpu.memory_space<vmem>>) target_semaphore(%dma_start3A_809 : memref<!tpu.dma_semaphore, #tpu.memory_space<semaphore_mem>>)
      %mul3A_814 = arith.constant 40 : i32
      %mul3A_815 = arith.muli %add3A_780, %mul3A_814 : i32
      %dma_start3A_816 = arith.constant 1 : i32
      %dma_start3A_817 = arith.constant 1 : i32
      %dma_start3A_818 = arith.constant 0 : i32
      %dma_start3A_819 = arith.constant 0 : i32
      %dma_start3A_820 = tpu.memref_slice %arg8[%dma_start3A_816, %dma_start3A_818, %dma_start3A_819] : memref<5x40x128xf32, #tpu.memory_space<vmem>> -> memref<1x40x128xf32, #tpu.memory_space<vmem>>
      %dma_start3A_821 = tpu.memref_squeeze %dma_start3A_820 : memref<1x40x128xf32, #tpu.memory_space<vmem>> -> memref<40x128xf32, #tpu.memory_space<vmem>>
      %dma_start3A_822 = tpu.memref_slice %arg6[%mul3A_815] : memref<10000xi32, #tpu.memory_space<vmem>> -> memref<40xi32, #tpu.memory_space<vmem>>
      %dma_start3A_823 = arith.constant 0 : i32
      %dma_start3A_824 = arith.constant 0 : i32
      %dma_start3A_825 = tpu.memref_slice %arg4[%dma_start3A_823, %dma_start3A_824] : memref<10000x128xf32, #tpu.memory_space<hbm>> -> memref<10000x128xf32, #tpu.memory_space<hbm>>
      %dma_start3A_826 = tpu.memref_slice %arg9[%dma_start3A_817] : memref<5x!tpu.dma_semaphore, #tpu.memory_space<semaphore_mem>> -> memref<1x!tpu.dma_semaphore, #tpu.memory_space<semaphore_mem>>
      %dma_start3A_827 = tpu.memref_squeeze %dma_start3A_826 : memref<1x!tpu.dma_semaphore, #tpu.memory_space<semaphore_mem>> -> memref<!tpu.dma_semaphore, #tpu.memory_space<semaphore_mem>>
      tpu.enqueue_indirect_dma source(%dma_start3A_825 : memref<10000x128xf32, #tpu.memory_space<hbm>>) target(%dma_start3A_821 : memref<40x128xf32, #tpu.memory_space<vmem>>) offsets(%dma_start3A_822 : memref<40xi32, #tpu.memory_space<vmem>>) semaphore(%dma_start3A_827 : memref<!tpu.dma_semaphore, #tpu.memory_space<semaphore_mem>>)
      %add3A_828 = arith.constant 1 : i32
      %add3A_829 = arith.addi %scan3A_486, %add3A_828 : i32
      %mul3A_830 = arith.constant 5 : i32
      %mul3A_831 = arith.muli %add3A_829, %mul3A_830 : i32
      %add3A_832 = arith.constant 2 : i32
      %add3A_833 = arith.addi %mul3A_831, %add3A_832 : i32
      %dma_wait3A_834 = arith.constant 2 : i32
      %dma_wait3A_835 = arith.constant 2 : i32
      %dma_wait3A_836 = arith.constant 0 : i32
      %dma_wait3A_837 = arith.constant 0 : i32
      %dma_wait3A_838 = tpu.memref_slice %arg8[%dma_wait3A_834, %dma_wait3A_836, %dma_wait3A_837] : memref<5x40x128xf32, #tpu.memory_space<vmem>> -> memref<1x40x128xf32, #tpu.memory_space<vmem>>
      %dma_wait3A_839 = tpu.memref_squeeze %dma_wait3A_838 : memref<1x40x128xf32, #tpu.memory_space<vmem>> -> memref<40x128xf32, #tpu.memory_space<vmem>>
      %dma_wait3A_840 = arith.constant 0 : i32
      %dma_wait3A_841 = arith.constant 0 : i32
      %dma_wait3A_842 = tpu.memref_slice %arg4[%dma_wait3A_840, %dma_wait3A_841] : memref<10000x128xf32, #tpu.memory_space<hbm>> -> memref<40x128xf32, #tpu.memory_space<hbm>>
      %dma_wait3A_843 = tpu.memref_slice %arg10[%dma_wait3A_835] : memref<5x!tpu.dma_semaphore, #tpu.memory_space<semaphore_mem>> -> memref<1x!tpu.dma_semaphore, #tpu.memory_space<semaphore_mem>>
      %dma_wait3A_844 = tpu.memref_squeeze %dma_wait3A_843 : memref<1x!tpu.dma_semaphore, #tpu.memory_space<semaphore_mem>> -> memref<!tpu.dma_semaphore, #tpu.memory_space<semaphore_mem>>
      %dma_wait3A_845 = arith.constant 0 : i32
      %dma_wait3A_846 = arith.constant 0 : i32
      %dma_wait3A_847 = tpu.memref_slice %arg8[%dma_wait3A_834, %dma_wait3A_845, %dma_wait3A_846] : memref<5x40x128xf32, #tpu.memory_space<vmem>> -> memref<1x40x128xf32, #tpu.memory_space<vmem>>
      %dma_wait3A_848 = tpu.memref_squeeze %dma_wait3A_847 : memref<1x40x128xf32, #tpu.memory_space<vmem>> -> memref<40x128xf32, #tpu.memory_space<vmem>>
      %dma_wait3A_849 = arith.constant 0 : i32
      %dma_wait3A_850 = arith.constant 0 : i32
      %dma_wait3A_851 = tpu.memref_slice %arg4[%dma_wait3A_849, %dma_wait3A_850] : memref<10000x128xf32, #tpu.memory_space<hbm>> -> memref<40x128xf32, #tpu.memory_space<hbm>>
      tpu.wait_dma2 semaphore(%dma_wait3A_844 : memref<!tpu.dma_semaphore, #tpu.memory_space<semaphore_mem>>) src(%dma_wait3A_851 : memref<40x128xf32, #tpu.memory_space<hbm>>) dst(%dma_wait3A_848 : memref<40x128xf32, #tpu.memory_space<vmem>>)
      %mul3A_852 = arith.constant 40 : i32
      %mul3A_853 = arith.muli %add3A_833, %mul3A_852 : i32
      %add3A_854 = arith.addi %mul3A_16, %mul3A_853 : i32
      %dma_start3A_855 = arith.constant 2 : i32
      %dma_start3A_856 = arith.constant 2 : i32
      %dma_start3A_857 = arith.constant 0 : i32
      %dma_start3A_858 = tpu.memref_slice %arg7[%dma_start3A_855, %dma_start3A_857] : memref<5x40xi32, #tpu.memory_space<vmem>> -> memref<1x40xi32, #tpu.memory_space<vmem>>
      %dma_start3A_859 = tpu.memref_squeeze %dma_start3A_858 : memref<1x40xi32, #tpu.memory_space<vmem>> -> memref<40xi32, #tpu.memory_space<vmem>>
      %dma_start3A_860 = tpu.memref_slice %arg3[%add3A_854] : memref<320000xi32, #tpu.memory_space<hbm>> -> memref<40xi32, #tpu.memory_space<hbm>>
      %dma_start3A_861 = tpu.memref_slice %arg11[%dma_start3A_856] : memref<5x!tpu.dma_semaphore, #tpu.memory_space<semaphore_mem>> -> memref<1x!tpu.dma_semaphore, #tpu.memory_space<semaphore_mem>>
      %dma_start3A_862 = tpu.memref_squeeze %dma_start3A_861 : memref<1x!tpu.dma_semaphore, #tpu.memory_space<semaphore_mem>> -> memref<!tpu.dma_semaphore, #tpu.memory_space<semaphore_mem>>
      %dma_start3A_863 = arith.constant 0 : i32
      %dma_start3A_864 = tpu.memref_slice %arg7[%dma_start3A_855, %dma_start3A_863] : memref<5x40xi32, #tpu.memory_space<vmem>> -> memref<1x40xi32, #tpu.memory_space<vmem>>
      %dma_start3A_865 = tpu.memref_squeeze %dma_start3A_864 : memref<1x40xi32, #tpu.memory_space<vmem>> -> memref<40xi32, #tpu.memory_space<vmem>>
      %dma_start3A_866 = tpu.memref_slice %arg3[%add3A_854] : memref<320000xi32, #tpu.memory_space<hbm>> -> memref<40xi32, #tpu.memory_space<hbm>>
      tpu.enqueue_dma source(%dma_start3A_866 : memref<40xi32, #tpu.memory_space<hbm>>) target(%dma_start3A_865 : memref<40xi32, #tpu.memory_space<vmem>>) target_semaphore(%dma_start3A_862 : memref<!tpu.dma_semaphore, #tpu.memory_space<semaphore_mem>>)
      %mul3A_867 = arith.constant 40 : i32
      %mul3A_868 = arith.muli %add3A_833, %mul3A_867 : i32
      %dma_start3A_869 = arith.constant 2 : i32
      %dma_start3A_870 = arith.constant 2 : i32
      %dma_start3A_871 = arith.constant 0 : i32
      %dma_start3A_872 = arith.constant 0 : i32
      %dma_start3A_873 = tpu.memref_slice %arg8[%dma_start3A_869, %dma_start3A_871, %dma_start3A_872] : memref<5x40x128xf32, #tpu.memory_space<vmem>> -> memref<1x40x128xf32, #tpu.memory_space<vmem>>
      %dma_start3A_874 = tpu.memref_squeeze %dma_start3A_873 : memref<1x40x128xf32, #tpu.memory_space<vmem>> -> memref<40x128xf32, #tpu.memory_space<vmem>>
      %dma_start3A_875 = tpu.memref_slice %arg6[%mul3A_868] : memref<10000xi32, #tpu.memory_space<vmem>> -> memref<40xi32, #tpu.memory_space<vmem>>
      %dma_start3A_876 = arith.constant 0 : i32
      %dma_start3A_877 = arith.constant 0 : i32
      %dma_start3A_878 = tpu.memref_slice %arg4[%dma_start3A_876, %dma_start3A_877] : memref<10000x128xf32, #tpu.memory_space<hbm>> -> memref<10000x128xf32, #tpu.memory_space<hbm>>
      %dma_start3A_879 = tpu.memref_slice %arg9[%dma_start3A_870] : memref<5x!tpu.dma_semaphore, #tpu.memory_space<semaphore_mem>> -> memref<1x!tpu.dma_semaphore, #tpu.memory_space<semaphore_mem>>
      %dma_start3A_880 = tpu.memref_squeeze %dma_start3A_879 : memref<1x!tpu.dma_semaphore, #tpu.memory_space<semaphore_mem>> -> memref<!tpu.dma_semaphore, #tpu.memory_space<semaphore_mem>>
      tpu.enqueue_indirect_dma source(%dma_start3A_878 : memref<10000x128xf32, #tpu.memory_space<hbm>>) target(%dma_start3A_874 : memref<40x128xf32, #tpu.memory_space<vmem>>) offsets(%dma_start3A_875 : memref<40xi32, #tpu.memory_space<vmem>>) semaphore(%dma_start3A_880 : memref<!tpu.dma_semaphore, #tpu.memory_space<semaphore_mem>>)
      %add3A_881 = arith.constant 1 : i32
      %add3A_882 = arith.addi %scan3A_486, %add3A_881 : i32
      %mul3A_883 = arith.constant 5 : i32
      %mul3A_884 = arith.muli %add3A_882, %mul3A_883 : i32
      %add3A_885 = arith.constant 3 : i32
      %add3A_886 = arith.addi %mul3A_884, %add3A_885 : i32
      %dma_wait3A_887 = arith.constant 3 : i32
      %dma_wait3A_888 = arith.constant 3 : i32
      %dma_wait3A_889 = arith.constant 0 : i32
      %dma_wait3A_890 = arith.constant 0 : i32
      %dma_wait3A_891 = tpu.memref_slice %arg8[%dma_wait3A_887, %dma_wait3A_889, %dma_wait3A_890] : memref<5x40x128xf32, #tpu.memory_space<vmem>> -> memref<1x40x128xf32, #tpu.memory_space<vmem>>
      %dma_wait3A_892 = tpu.memref_squeeze %dma_wait3A_891 : memref<1x40x128xf32, #tpu.memory_space<vmem>> -> memref<40x128xf32, #tpu.memory_space<vmem>>
      %dma_wait3A_893 = arith.constant 0 : i32
      %dma_wait3A_894 = arith.constant 0 : i32
      %dma_wait3A_895 = tpu.memref_slice %arg4[%dma_wait3A_893, %dma_wait3A_894] : memref<10000x128xf32, #tpu.memory_space<hbm>> -> memref<40x128xf32, #tpu.memory_space<hbm>>
      %dma_wait3A_896 = tpu.memref_slice %arg10[%dma_wait3A_888] : memref<5x!tpu.dma_semaphore, #tpu.memory_space<semaphore_mem>> -> memref<1x!tpu.dma_semaphore, #tpu.memory_space<semaphore_mem>>
      %dma_wait3A_897 = tpu.memref_squeeze %dma_wait3A_896 : memref<1x!tpu.dma_semaphore, #tpu.memory_space<semaphore_mem>> -> memref<!tpu.dma_semaphore, #tpu.memory_space<semaphore_mem>>
      %dma_wait3A_898 = arith.constant 0 : i32
      %dma_wait3A_899 = arith.constant 0 : i32
      %dma_wait3A_900 = tpu.memref_slice %arg8[%dma_wait3A_887, %dma_wait3A_898, %dma_wait3A_899] : memref<5x40x128xf32, #tpu.memory_space<vmem>> -> memref<1x40x128xf32, #tpu.memory_space<vmem>>
      %dma_wait3A_901 = tpu.memref_squeeze %dma_wait3A_900 : memref<1x40x128xf32, #tpu.memory_space<vmem>> -> memref<40x128xf32, #tpu.memory_space<vmem>>
      %dma_wait3A_902 = arith.constant 0 : i32
      %dma_wait3A_903 = arith.constant 0 : i32
      %dma_wait3A_904 = tpu.memref_slice %arg4[%dma_wait3A_902, %dma_wait3A_903] : memref<10000x128xf32, #tpu.memory_space<hbm>> -> memref<40x128xf32, #tpu.memory_space<hbm>>
      tpu.wait_dma2 semaphore(%dma_wait3A_897 : memref<!tpu.dma_semaphore, #tpu.memory_space<semaphore_mem>>) src(%dma_wait3A_904 : memref<40x128xf32, #tpu.memory_space<hbm>>) dst(%dma_wait3A_901 : memref<40x128xf32, #tpu.memory_space<vmem>>)
      %mul3A_905 = arith.constant 40 : i32
      %mul3A_906 = arith.muli %add3A_886, %mul3A_905 : i32
      %add3A_907 = arith.addi %mul3A_16, %mul3A_906 : i32
      %dma_start3A_908 = arith.constant 3 : i32
      %dma_start3A_909 = arith.constant 3 : i32
      %dma_start3A_910 = arith.constant 0 : i32
      %dma_start3A_911 = tpu.memref_slice %arg7[%dma_start3A_908, %dma_start3A_910] : memref<5x40xi32, #tpu.memory_space<vmem>> -> memref<1x40xi32, #tpu.memory_space<vmem>>
      %dma_start3A_912 = tpu.memref_squeeze %dma_start3A_911 : memref<1x40xi32, #tpu.memory_space<vmem>> -> memref<40xi32, #tpu.memory_space<vmem>>
      %dma_start3A_913 = tpu.memref_slice %arg3[%add3A_907] : memref<320000xi32, #tpu.memory_space<hbm>> -> memref<40xi32, #tpu.memory_space<hbm>>
      %dma_start3A_914 = tpu.memref_slice %arg11[%dma_start3A_909] : memref<5x!tpu.dma_semaphore, #tpu.memory_space<semaphore_mem>> -> memref<1x!tpu.dma_semaphore, #tpu.memory_space<semaphore_mem>>
      %dma_start3A_915 = tpu.memref_squeeze %dma_start3A_914 : memref<1x!tpu.dma_semaphore, #tpu.memory_space<semaphore_mem>> -> memref<!tpu.dma_semaphore, #tpu.memory_space<semaphore_mem>>
      %dma_start3A_916 = arith.constant 0 : i32
      %dma_start3A_917 = tpu.memref_slice %arg7[%dma_start3A_908, %dma_start3A_916] : memref<5x40xi32, #tpu.memory_space<vmem>> -> memref<1x40xi32, #tpu.memory_space<vmem>>
      %dma_start3A_918 = tpu.memref_squeeze %dma_start3A_917 : memref<1x40xi32, #tpu.memory_space<vmem>> -> memref<40xi32, #tpu.memory_space<vmem>>
      %dma_start3A_919 = tpu.memref_slice %arg3[%add3A_907] : memref<320000xi32, #tpu.memory_space<hbm>> -> memref<40xi32, #tpu.memory_space<hbm>>
      tpu.enqueue_dma source(%dma_start3A_919 : memref<40xi32, #tpu.memory_space<hbm>>) target(%dma_start3A_918 : memref<40xi32, #tpu.memory_space<vmem>>) target_semaphore(%dma_start3A_915 : memref<!tpu.dma_semaphore, #tpu.memory_space<semaphore_mem>>)
      %mul3A_920 = arith.constant 40 : i32
      %mul3A_921 = arith.muli %add3A_886, %mul3A_920 : i32
      %dma_start3A_922 = arith.constant 3 : i32
      %dma_start3A_923 = arith.constant 3 : i32
      %dma_start3A_924 = arith.constant 0 : i32
      %dma_start3A_925 = arith.constant 0 : i32
      %dma_start3A_926 = tpu.memref_slice %arg8[%dma_start3A_922, %dma_start3A_924, %dma_start3A_925] : memref<5x40x128xf32, #tpu.memory_space<vmem>> -> memref<1x40x128xf32, #tpu.memory_space<vmem>>
      %dma_start3A_927 = tpu.memref_squeeze %dma_start3A_926 : memref<1x40x128xf32, #tpu.memory_space<vmem>> -> memref<40x128xf32, #tpu.memory_space<vmem>>
      %dma_start3A_928 = tpu.memref_slice %arg6[%mul3A_921] : memref<10000xi32, #tpu.memory_space<vmem>> -> memref<40xi32, #tpu.memory_space<vmem>>
      %dma_start3A_929 = arith.constant 0 : i32
      %dma_start3A_930 = arith.constant 0 : i32
      %dma_start3A_931 = tpu.memref_slice %arg4[%dma_start3A_929, %dma_start3A_930] : memref<10000x128xf32, #tpu.memory_space<hbm>> -> memref<10000x128xf32, #tpu.memory_space<hbm>>
      %dma_start3A_932 = tpu.memref_slice %arg9[%dma_start3A_923] : memref<5x!tpu.dma_semaphore, #tpu.memory_space<semaphore_mem>> -> memref<1x!tpu.dma_semaphore, #tpu.memory_space<semaphore_mem>>
      %dma_start3A_933 = tpu.memref_squeeze %dma_start3A_932 : memref<1x!tpu.dma_semaphore, #tpu.memory_space<semaphore_mem>> -> memref<!tpu.dma_semaphore, #tpu.memory_space<semaphore_mem>>
      tpu.enqueue_indirect_dma source(%dma_start3A_931 : memref<10000x128xf32, #tpu.memory_space<hbm>>) target(%dma_start3A_927 : memref<40x128xf32, #tpu.memory_space<vmem>>) offsets(%dma_start3A_928 : memref<40xi32, #tpu.memory_space<vmem>>) semaphore(%dma_start3A_933 : memref<!tpu.dma_semaphore, #tpu.memory_space<semaphore_mem>>)
      %add3A_934 = arith.constant 1 : i32
      %add3A_935 = arith.addi %scan3A_486, %add3A_934 : i32
      %mul3A_936 = arith.constant 5 : i32
      %mul3A_937 = arith.muli %add3A_935, %mul3A_936 : i32
      %add3A_938 = arith.constant 4 : i32
      %add3A_939 = arith.addi %mul3A_937, %add3A_938 : i32
      %dma_wait3A_940 = arith.constant 4 : i32
      %dma_wait3A_941 = arith.constant 4 : i32
      %dma_wait3A_942 = arith.constant 0 : i32
      %dma_wait3A_943 = arith.constant 0 : i32
      %dma_wait3A_944 = tpu.memref_slice %arg8[%dma_wait3A_940, %dma_wait3A_942, %dma_wait3A_943] : memref<5x40x128xf32, #tpu.memory_space<vmem>> -> memref<1x40x128xf32, #tpu.memory_space<vmem>>
      %dma_wait3A_945 = tpu.memref_squeeze %dma_wait3A_944 : memref<1x40x128xf32, #tpu.memory_space<vmem>> -> memref<40x128xf32, #tpu.memory_space<vmem>>
      %dma_wait3A_946 = arith.constant 0 : i32
      %dma_wait3A_947 = arith.constant 0 : i32
      %dma_wait3A_948 = tpu.memref_slice %arg4[%dma_wait3A_946, %dma_wait3A_947] : memref<10000x128xf32, #tpu.memory_space<hbm>> -> memref<40x128xf32, #tpu.memory_space<hbm>>
      %dma_wait3A_949 = tpu.memref_slice %arg10[%dma_wait3A_941] : memref<5x!tpu.dma_semaphore, #tpu.memory_space<semaphore_mem>> -> memref<1x!tpu.dma_semaphore, #tpu.memory_space<semaphore_mem>>
      %dma_wait3A_950 = tpu.memref_squeeze %dma_wait3A_949 : memref<1x!tpu.dma_semaphore, #tpu.memory_space<semaphore_mem>> -> memref<!tpu.dma_semaphore, #tpu.memory_space<semaphore_mem>>
      %dma_wait3A_951 = arith.constant 0 : i32
      %dma_wait3A_952 = arith.constant 0 : i32
      %dma_wait3A_953 = tpu.memref_slice %arg8[%dma_wait3A_940, %dma_wait3A_951, %dma_wait3A_952] : memref<5x40x128xf32, #tpu.memory_space<vmem>> -> memref<1x40x128xf32, #tpu.memory_space<vmem>>
      %dma_wait3A_954 = tpu.memref_squeeze %dma_wait3A_953 : memref<1x40x128xf32, #tpu.memory_space<vmem>> -> memref<40x128xf32, #tpu.memory_space<vmem>>
      %dma_wait3A_955 = arith.constant 0 : i32
      %dma_wait3A_956 = arith.constant 0 : i32
      %dma_wait3A_957 = tpu.memref_slice %arg4[%dma_wait3A_955, %dma_wait3A_956] : memref<10000x128xf32, #tpu.memory_space<hbm>> -> memref<40x128xf32, #tpu.memory_space<hbm>>
      tpu.wait_dma2 semaphore(%dma_wait3A_950 : memref<!tpu.dma_semaphore, #tpu.memory_space<semaphore_mem>>) src(%dma_wait3A_957 : memref<40x128xf32, #tpu.memory_space<hbm>>) dst(%dma_wait3A_954 : memref<40x128xf32, #tpu.memory_space<vmem>>)
      %mul3A_958 = arith.constant 40 : i32
      %mul3A_959 = arith.muli %add3A_939, %mul3A_958 : i32
      %add3A_960 = arith.addi %mul3A_16, %mul3A_959 : i32
      %dma_start3A_961 = arith.constant 4 : i32
      %dma_start3A_962 = arith.constant 4 : i32
      %dma_start3A_963 = arith.constant 0 : i32
      %dma_start3A_964 = tpu.memref_slice %arg7[%dma_start3A_961, %dma_start3A_963] : memref<5x40xi32, #tpu.memory_space<vmem>> -> memref<1x40xi32, #tpu.memory_space<vmem>>
      %dma_start3A_965 = tpu.memref_squeeze %dma_start3A_964 : memref<1x40xi32, #tpu.memory_space<vmem>> -> memref<40xi32, #tpu.memory_space<vmem>>
      %dma_start3A_966 = tpu.memref_slice %arg3[%add3A_960] : memref<320000xi32, #tpu.memory_space<hbm>> -> memref<40xi32, #tpu.memory_space<hbm>>
      %dma_start3A_967 = tpu.memref_slice %arg11[%dma_start3A_962] : memref<5x!tpu.dma_semaphore, #tpu.memory_space<semaphore_mem>> -> memref<1x!tpu.dma_semaphore, #tpu.memory_space<semaphore_mem>>
      %dma_start3A_968 = tpu.memref_squeeze %dma_start3A_967 : memref<1x!tpu.dma_semaphore, #tpu.memory_space<semaphore_mem>> -> memref<!tpu.dma_semaphore, #tpu.memory_space<semaphore_mem>>
      %dma_start3A_969 = arith.constant 0 : i32
      %dma_start3A_970 = tpu.memref_slice %arg7[%dma_start3A_961, %dma_start3A_969] : memref<5x40xi32, #tpu.memory_space<vmem>> -> memref<1x40xi32, #tpu.memory_space<vmem>>
      %dma_start3A_971 = tpu.memref_squeeze %dma_start3A_970 : memref<1x40xi32, #tpu.memory_space<vmem>> -> memref<40xi32, #tpu.memory_space<vmem>>
      %dma_start3A_972 = tpu.memref_slice %arg3[%add3A_960] : memref<320000xi32, #tpu.memory_space<hbm>> -> memref<40xi32, #tpu.memory_space<hbm>>
      tpu.enqueue_dma source(%dma_start3A_972 : memref<40xi32, #tpu.memory_space<hbm>>) target(%dma_start3A_971 : memref<40xi32, #tpu.memory_space<vmem>>) target_semaphore(%dma_start3A_968 : memref<!tpu.dma_semaphore, #tpu.memory_space<semaphore_mem>>)
      %mul3A_973 = arith.constant 40 : i32
      %mul3A_974 = arith.muli %add3A_939, %mul3A_973 : i32
      %dma_start3A_975 = arith.constant 4 : i32
      %dma_start3A_976 = arith.constant 4 : i32
      %dma_start3A_977 = arith.constant 0 : i32
      %dma_start3A_978 = arith.constant 0 : i32
      %dma_start3A_979 = tpu.memref_slice %arg8[%dma_start3A_975, %dma_start3A_977, %dma_start3A_978] : memref<5x40x128xf32, #tpu.memory_space<vmem>> -> memref<1x40x128xf32, #tpu.memory_space<vmem>>
      %dma_start3A_980 = tpu.memref_squeeze %dma_start3A_979 : memref<1x40x128xf32, #tpu.memory_space<vmem>> -> memref<40x128xf32, #tpu.memory_space<vmem>>
      %dma_start3A_981 = tpu.memref_slice %arg6[%mul3A_974] : memref<10000xi32, #tpu.memory_space<vmem>> -> memref<40xi32, #tpu.memory_space<vmem>>
      %dma_start3A_982 = arith.constant 0 : i32
      %dma_start3A_983 = arith.constant 0 : i32
      %dma_start3A_984 = tpu.memref_slice %arg4[%dma_start3A_982, %dma_start3A_983] : memref<10000x128xf32, #tpu.memory_space<hbm>> -> memref<10000x128xf32, #tpu.memory_space<hbm>>
      %dma_start3A_985 = tpu.memref_slice %arg9[%dma_start3A_976] : memref<5x!tpu.dma_semaphore, #tpu.memory_space<semaphore_mem>> -> memref<1x!tpu.dma_semaphore, #tpu.memory_space<semaphore_mem>>
      %dma_start3A_986 = tpu.memref_squeeze %dma_start3A_985 : memref<1x!tpu.dma_semaphore, #tpu.memory_space<semaphore_mem>> -> memref<!tpu.dma_semaphore, #tpu.memory_space<semaphore_mem>>
      tpu.enqueue_indirect_dma source(%dma_start3A_984 : memref<10000x128xf32, #tpu.memory_space<hbm>>) target(%dma_start3A_980 : memref<40x128xf32, #tpu.memory_space<vmem>>) offsets(%dma_start3A_981 : memref<40xi32, #tpu.memory_space<vmem>>) semaphore(%dma_start3A_986 : memref<!tpu.dma_semaphore, #tpu.memory_space<semaphore_mem>>)
    }
    %scan3A_156 = arith.constant 49 : i32
    %dma_wait3A = arith.constant 0 : i32
    %dma_wait3A_157 = arith.constant 0 : i32
    %dma_wait3A_158 = arith.constant 0 : i32
    %dma_wait3A_159 = arith.constant 0 : i32
    %dma_wait3A_160 = tpu.memref_slice %arg8[%dma_wait3A, %dma_wait3A_158, %dma_wait3A_159] : memref<5x40x128xf32, #tpu.memory_space<vmem>> -> memref<1x40x128xf32, #tpu.memory_space<vmem>>
    %dma_wait3A_161 = tpu.memref_squeeze %dma_wait3A_160 : memref<1x40x128xf32, #tpu.memory_space<vmem>> -> memref<40x128xf32, #tpu.memory_space<vmem>>
    %dma_wait3A_162 = arith.constant 0 : i32
    %dma_wait3A_163 = arith.constant 0 : i32
    %dma_wait3A_164 = tpu.memref_slice %arg4[%dma_wait3A_162, %dma_wait3A_163] : memref<10000x128xf32, #tpu.memory_space<hbm>> -> memref<40x128xf32, #tpu.memory_space<hbm>>
    %dma_wait3A_165 = tpu.memref_slice %arg9[%dma_wait3A_157] : memref<5x!tpu.dma_semaphore, #tpu.memory_space<semaphore_mem>> -> memref<1x!tpu.dma_semaphore, #tpu.memory_space<semaphore_mem>>
    %dma_wait3A_166 = tpu.memref_squeeze %dma_wait3A_165 : memref<1x!tpu.dma_semaphore, #tpu.memory_space<semaphore_mem>> -> memref<!tpu.dma_semaphore, #tpu.memory_space<semaphore_mem>>
    %dma_wait3A_167 = arith.constant 0 : i32
    %dma_wait3A_168 = arith.constant 0 : i32
    %dma_wait3A_169 = tpu.memref_slice %arg8[%dma_wait3A, %dma_wait3A_167, %dma_wait3A_168] : memref<5x40x128xf32, #tpu.memory_space<vmem>> -> memref<1x40x128xf32, #tpu.memory_space<vmem>>
    %dma_wait3A_170 = tpu.memref_squeeze %dma_wait3A_169 : memref<1x40x128xf32, #tpu.memory_space<vmem>> -> memref<40x128xf32, #tpu.memory_space<vmem>>
    %dma_wait3A_171 = arith.constant 0 : i32
    %dma_wait3A_172 = arith.constant 0 : i32
    %dma_wait3A_173 = tpu.memref_slice %arg4[%dma_wait3A_171, %dma_wait3A_172] : memref<10000x128xf32, #tpu.memory_space<hbm>> -> memref<40x128xf32, #tpu.memory_space<hbm>>
    tpu.wait_dma2 semaphore(%dma_wait3A_166 : memref<!tpu.dma_semaphore, #tpu.memory_space<semaphore_mem>>) src(%dma_wait3A_173 : memref<40x128xf32, #tpu.memory_space<hbm>>) dst(%dma_wait3A_170 : memref<40x128xf32, #tpu.memory_space<vmem>>)
    %dma_wait3A_174 = arith.constant 0 : i32
    %dma_wait3A_175 = arith.constant 0 : i32
    %dma_wait3A_176 = arith.constant 0 : i32
    %dma_wait3A_177 = tpu.memref_slice %arg7[%dma_wait3A_174, %dma_wait3A_176] : memref<5x40xi32, #tpu.memory_space<vmem>> -> memref<1x40xi32, #tpu.memory_space<vmem>>
    %dma_wait3A_178 = tpu.memref_squeeze %dma_wait3A_177 : memref<1x40xi32, #tpu.memory_space<vmem>> -> memref<40xi32, #tpu.memory_space<vmem>>
    %dma_wait3A_179 = arith.constant 0 : i32
    %dma_wait3A_180 = tpu.memref_slice %arg3[%dma_wait3A_179] : memref<320000xi32, #tpu.memory_space<hbm>> -> memref<40xi32, #tpu.memory_space<hbm>>
    %dma_wait3A_181 = tpu.memref_slice %arg11[%dma_wait3A_175] : memref<5x!tpu.dma_semaphore, #tpu.memory_space<semaphore_mem>> -> memref<1x!tpu.dma_semaphore, #tpu.memory_space<semaphore_mem>>
    %dma_wait3A_182 = tpu.memref_squeeze %dma_wait3A_181 : memref<1x!tpu.dma_semaphore, #tpu.memory_space<semaphore_mem>> -> memref<!tpu.dma_semaphore, #tpu.memory_space<semaphore_mem>>
    %dma_wait3A_183 = arith.constant 0 : i32
    %dma_wait3A_184 = tpu.memref_slice %arg7[%dma_wait3A_174, %dma_wait3A_183] : memref<5x40xi32, #tpu.memory_space<vmem>> -> memref<1x40xi32, #tpu.memory_space<vmem>>
    %dma_wait3A_185 = tpu.memref_squeeze %dma_wait3A_184 : memref<1x40xi32, #tpu.memory_space<vmem>> -> memref<40xi32, #tpu.memory_space<vmem>>
    %dma_wait3A_186 = arith.constant 0 : i32
    %dma_wait3A_187 = tpu.memref_slice %arg3[%dma_wait3A_186] : memref<320000xi32, #tpu.memory_space<hbm>> -> memref<40xi32, #tpu.memory_space<hbm>>
    tpu.wait_dma2 semaphore(%dma_wait3A_182 : memref<!tpu.dma_semaphore, #tpu.memory_space<semaphore_mem>>) src(%dma_wait3A_187 : memref<40xi32, #tpu.memory_space<hbm>>) dst(%dma_wait3A_185 : memref<40xi32, #tpu.memory_space<vmem>>)
    %dma_start3A_188 = arith.constant 0 : i32
    %dma_start3A_189 = arith.constant 0 : i32
    %dma_start3A_190 = arith.constant 0 : i32
    %dma_start3A_191 = arith.constant 0 : i32
    %dma_start3A_192 = arith.constant 0 : i32
    %dma_start3A_193 = tpu.memref_slice %arg8[%dma_start3A_188, %dma_start3A_191, %dma_start3A_192] : memref<5x40x128xf32, #tpu.memory_space<vmem>> -> memref<1x40x128xf32, #tpu.memory_space<vmem>>
    %dma_start3A_194 = tpu.memref_squeeze %dma_start3A_193 : memref<1x40x128xf32, #tpu.memory_space<vmem>> -> memref<40x128xf32, #tpu.memory_space<vmem>>
    %dma_start3A_195 = arith.constant 0 : i32
    %dma_start3A_196 = tpu.memref_slice %arg7[%dma_start3A_189, %dma_start3A_195] : memref<5x40xi32, #tpu.memory_space<vmem>> -> memref<1x40xi32, #tpu.memory_space<vmem>>
    %dma_start3A_197 = tpu.memref_squeeze %dma_start3A_196 : memref<1x40xi32, #tpu.memory_space<vmem>> -> memref<40xi32, #tpu.memory_space<vmem>>
    %dma_start3A_198 = arith.constant 0 : i32
    %dma_start3A_199 = arith.constant 0 : i32
    %dma_start3A_200 = tpu.memref_slice %arg13[%dma_start3A_198, %dma_start3A_199] : memref<10240x128xf32, #tpu.memory_space<vmem_shared>> -> memref<10240x128xf32, #tpu.memory_space<vmem_shared>>
    %dma_start3A_201 = tpu.memref_slice %arg10[%dma_start3A_190] : memref<5x!tpu.dma_semaphore, #tpu.memory_space<semaphore_mem>> -> memref<1x!tpu.dma_semaphore, #tpu.memory_space<semaphore_mem>>
    %dma_start3A_202 = tpu.memref_squeeze %dma_start3A_201 : memref<1x!tpu.dma_semaphore, #tpu.memory_space<semaphore_mem>> -> memref<!tpu.dma_semaphore, #tpu.memory_space<semaphore_mem>>
    tpu.enqueue_indirect_dma source(%dma_start3A_194 : memref<40x128xf32, #tpu.memory_space<vmem>>) target(%dma_start3A_200 : memref<10240x128xf32, #tpu.memory_space<vmem_shared>>) offsets(%dma_start3A_197 : memref<40xi32, #tpu.memory_space<vmem>>) semaphore(%dma_start3A_202 : memref<!tpu.dma_semaphore, #tpu.memory_space<semaphore_mem>>) {add = true}
    %dma_wait3A_203 = arith.constant 1 : i32
    %dma_wait3A_204 = arith.constant 1 : i32
    %dma_wait3A_205 = arith.constant 0 : i32
    %dma_wait3A_206 = arith.constant 0 : i32
    %dma_wait3A_207 = tpu.memref_slice %arg8[%dma_wait3A_203, %dma_wait3A_205, %dma_wait3A_206] : memref<5x40x128xf32, #tpu.memory_space<vmem>> -> memref<1x40x128xf32, #tpu.memory_space<vmem>>
    %dma_wait3A_208 = tpu.memref_squeeze %dma_wait3A_207 : memref<1x40x128xf32, #tpu.memory_space<vmem>> -> memref<40x128xf32, #tpu.memory_space<vmem>>
    %dma_wait3A_209 = arith.constant 0 : i32
    %dma_wait3A_210 = arith.constant 0 : i32
    %dma_wait3A_211 = tpu.memref_slice %arg4[%dma_wait3A_209, %dma_wait3A_210] : memref<10000x128xf32, #tpu.memory_space<hbm>> -> memref<40x128xf32, #tpu.memory_space<hbm>>
    %dma_wait3A_212 = tpu.memref_slice %arg9[%dma_wait3A_204] : memref<5x!tpu.dma_semaphore, #tpu.memory_space<semaphore_mem>> -> memref<1x!tpu.dma_semaphore, #tpu.memory_space<semaphore_mem>>
    %dma_wait3A_213 = tpu.memref_squeeze %dma_wait3A_212 : memref<1x!tpu.dma_semaphore, #tpu.memory_space<semaphore_mem>> -> memref<!tpu.dma_semaphore, #tpu.memory_space<semaphore_mem>>
    %dma_wait3A_214 = arith.constant 0 : i32
    %dma_wait3A_215 = arith.constant 0 : i32
    %dma_wait3A_216 = tpu.memref_slice %arg8[%dma_wait3A_203, %dma_wait3A_214, %dma_wait3A_215] : memref<5x40x128xf32, #tpu.memory_space<vmem>> -> memref<1x40x128xf32, #tpu.memory_space<vmem>>
    %dma_wait3A_217 = tpu.memref_squeeze %dma_wait3A_216 : memref<1x40x128xf32, #tpu.memory_space<vmem>> -> memref<40x128xf32, #tpu.memory_space<vmem>>
    %dma_wait3A_218 = arith.constant 0 : i32
    %dma_wait3A_219 = arith.constant 0 : i32
    %dma_wait3A_220 = tpu.memref_slice %arg4[%dma_wait3A_218, %dma_wait3A_219] : memref<10000x128xf32, #tpu.memory_space<hbm>> -> memref<40x128xf32, #tpu.memory_space<hbm>>
    tpu.wait_dma2 semaphore(%dma_wait3A_213 : memref<!tpu.dma_semaphore, #tpu.memory_space<semaphore_mem>>) src(%dma_wait3A_220 : memref<40x128xf32, #tpu.memory_space<hbm>>) dst(%dma_wait3A_217 : memref<40x128xf32, #tpu.memory_space<vmem>>)
    %dma_wait3A_221 = arith.constant 1 : i32
    %dma_wait3A_222 = arith.constant 1 : i32
    %dma_wait3A_223 = arith.constant 0 : i32
    %dma_wait3A_224 = tpu.memref_slice %arg7[%dma_wait3A_221, %dma_wait3A_223] : memref<5x40xi32, #tpu.memory_space<vmem>> -> memref<1x40xi32, #tpu.memory_space<vmem>>
    %dma_wait3A_225 = tpu.memref_squeeze %dma_wait3A_224 : memref<1x40xi32, #tpu.memory_space<vmem>> -> memref<40xi32, #tpu.memory_space<vmem>>
    %dma_wait3A_226 = arith.constant 0 : i32
    %dma_wait3A_227 = tpu.memref_slice %arg3[%dma_wait3A_226] : memref<320000xi32, #tpu.memory_space<hbm>> -> memref<40xi32, #tpu.memory_space<hbm>>
    %dma_wait3A_228 = tpu.memref_slice %arg11[%dma_wait3A_222] : memref<5x!tpu.dma_semaphore, #tpu.memory_space<semaphore_mem>> -> memref<1x!tpu.dma_semaphore, #tpu.memory_space<semaphore_mem>>
    %dma_wait3A_229 = tpu.memref_squeeze %dma_wait3A_228 : memref<1x!tpu.dma_semaphore, #tpu.memory_space<semaphore_mem>> -> memref<!tpu.dma_semaphore, #tpu.memory_space<semaphore_mem>>
    %dma_wait3A_230 = arith.constant 0 : i32
    %dma_wait3A_231 = tpu.memref_slice %arg7[%dma_wait3A_221, %dma_wait3A_230] : memref<5x40xi32, #tpu.memory_space<vmem>> -> memref<1x40xi32, #tpu.memory_space<vmem>>
    %dma_wait3A_232 = tpu.memref_squeeze %dma_wait3A_231 : memref<1x40xi32, #tpu.memory_space<vmem>> -> memref<40xi32, #tpu.memory_space<vmem>>
    %dma_wait3A_233 = arith.constant 0 : i32
    %dma_wait3A_234 = tpu.memref_slice %arg3[%dma_wait3A_233] : memref<320000xi32, #tpu.memory_space<hbm>> -> memref<40xi32, #tpu.memory_space<hbm>>
    tpu.wait_dma2 semaphore(%dma_wait3A_229 : memref<!tpu.dma_semaphore, #tpu.memory_space<semaphore_mem>>) src(%dma_wait3A_234 : memref<40xi32, #tpu.memory_space<hbm>>) dst(%dma_wait3A_232 : memref<40xi32, #tpu.memory_space<vmem>>)
    %dma_start3A_235 = arith.constant 1 : i32
    %dma_start3A_236 = arith.constant 1 : i32
    %dma_start3A_237 = arith.constant 1 : i32
    %dma_start3A_238 = arith.constant 0 : i32
    %dma_start3A_239 = arith.constant 0 : i32
    %dma_start3A_240 = tpu.memref_slice %arg8[%dma_start3A_235, %dma_start3A_238, %dma_start3A_239] : memref<5x40x128xf32, #tpu.memory_space<vmem>> -> memref<1x40x128xf32, #tpu.memory_space<vmem>>
    %dma_start3A_241 = tpu.memref_squeeze %dma_start3A_240 : memref<1x40x128xf32, #tpu.memory_space<vmem>> -> memref<40x128xf32, #tpu.memory_space<vmem>>
    %dma_start3A_242 = arith.constant 0 : i32
    %dma_start3A_243 = tpu.memref_slice %arg7[%dma_start3A_236, %dma_start3A_242] : memref<5x40xi32, #tpu.memory_space<vmem>> -> memref<1x40xi32, #tpu.memory_space<vmem>>
    %dma_start3A_244 = tpu.memref_squeeze %dma_start3A_243 : memref<1x40xi32, #tpu.memory_space<vmem>> -> memref<40xi32, #tpu.memory_space<vmem>>
    %dma_start3A_245 = arith.constant 0 : i32
    %dma_start3A_246 = arith.constant 0 : i32
    %dma_start3A_247 = tpu.memref_slice %arg13[%dma_start3A_245, %dma_start3A_246] : memref<10240x128xf32, #tpu.memory_space<vmem_shared>> -> memref<10240x128xf32, #tpu.memory_space<vmem_shared>>
    %dma_start3A_248 = tpu.memref_slice %arg10[%dma_start3A_237] : memref<5x!tpu.dma_semaphore, #tpu.memory_space<semaphore_mem>> -> memref<1x!tpu.dma_semaphore, #tpu.memory_space<semaphore_mem>>
    %dma_start3A_249 = tpu.memref_squeeze %dma_start3A_248 : memref<1x!tpu.dma_semaphore, #tpu.memory_space<semaphore_mem>> -> memref<!tpu.dma_semaphore, #tpu.memory_space<semaphore_mem>>
    tpu.enqueue_indirect_dma source(%dma_start3A_241 : memref<40x128xf32, #tpu.memory_space<vmem>>) target(%dma_start3A_247 : memref<10240x128xf32, #tpu.memory_space<vmem_shared>>) offsets(%dma_start3A_244 : memref<40xi32, #tpu.memory_space<vmem>>) semaphore(%dma_start3A_249 : memref<!tpu.dma_semaphore, #tpu.memory_space<semaphore_mem>>) {add = true}
    %dma_wait3A_250 = arith.constant 2 : i32
    %dma_wait3A_251 = arith.constant 2 : i32
    %dma_wait3A_252 = arith.constant 0 : i32
    %dma_wait3A_253 = arith.constant 0 : i32
    %dma_wait3A_254 = tpu.memref_slice %arg8[%dma_wait3A_250, %dma_wait3A_252, %dma_wait3A_253] : memref<5x40x128xf32, #tpu.memory_space<vmem>> -> memref<1x40x128xf32, #tpu.memory_space<vmem>>
    %dma_wait3A_255 = tpu.memref_squeeze %dma_wait3A_254 : memref<1x40x128xf32, #tpu.memory_space<vmem>> -> memref<40x128xf32, #tpu.memory_space<vmem>>
    %dma_wait3A_256 = arith.constant 0 : i32
    %dma_wait3A_257 = arith.constant 0 : i32
    %dma_wait3A_258 = tpu.memref_slice %arg4[%dma_wait3A_256, %dma_wait3A_257] : memref<10000x128xf32, #tpu.memory_space<hbm>> -> memref<40x128xf32, #tpu.memory_space<hbm>>
    %dma_wait3A_259 = tpu.memref_slice %arg9[%dma_wait3A_251] : memref<5x!tpu.dma_semaphore, #tpu.memory_space<semaphore_mem>> -> memref<1x!tpu.dma_semaphore, #tpu.memory_space<semaphore_mem>>
    %dma_wait3A_260 = tpu.memref_squeeze %dma_wait3A_259 : memref<1x!tpu.dma_semaphore, #tpu.memory_space<semaphore_mem>> -> memref<!tpu.dma_semaphore, #tpu.memory_space<semaphore_mem>>
    %dma_wait3A_261 = arith.constant 0 : i32
    %dma_wait3A_262 = arith.constant 0 : i32
    %dma_wait3A_263 = tpu.memref_slice %arg8[%dma_wait3A_250, %dma_wait3A_261, %dma_wait3A_262] : memref<5x40x128xf32, #tpu.memory_space<vmem>> -> memref<1x40x128xf32, #tpu.memory_space<vmem>>
    %dma_wait3A_264 = tpu.memref_squeeze %dma_wait3A_263 : memref<1x40x128xf32, #tpu.memory_space<vmem>> -> memref<40x128xf32, #tpu.memory_space<vmem>>
    %dma_wait3A_265 = arith.constant 0 : i32
    %dma_wait3A_266 = arith.constant 0 : i32
    %dma_wait3A_267 = tpu.memref_slice %arg4[%dma_wait3A_265, %dma_wait3A_266] : memref<10000x128xf32, #tpu.memory_space<hbm>> -> memref<40x128xf32, #tpu.memory_space<hbm>>
    tpu.wait_dma2 semaphore(%dma_wait3A_260 : memref<!tpu.dma_semaphore, #tpu.memory_space<semaphore_mem>>) src(%dma_wait3A_267 : memref<40x128xf32, #tpu.memory_space<hbm>>) dst(%dma_wait3A_264 : memref<40x128xf32, #tpu.memory_space<vmem>>)
    %dma_wait3A_268 = arith.constant 2 : i32
    %dma_wait3A_269 = arith.constant 2 : i32
    %dma_wait3A_270 = arith.constant 0 : i32
    %dma_wait3A_271 = tpu.memref_slice %arg7[%dma_wait3A_268, %dma_wait3A_270] : memref<5x40xi32, #tpu.memory_space<vmem>> -> memref<1x40xi32, #tpu.memory_space<vmem>>
    %dma_wait3A_272 = tpu.memref_squeeze %dma_wait3A_271 : memref<1x40xi32, #tpu.memory_space<vmem>> -> memref<40xi32, #tpu.memory_space<vmem>>
    %dma_wait3A_273 = arith.constant 0 : i32
    %dma_wait3A_274 = tpu.memref_slice %arg3[%dma_wait3A_273] : memref<320000xi32, #tpu.memory_space<hbm>> -> memref<40xi32, #tpu.memory_space<hbm>>
    %dma_wait3A_275 = tpu.memref_slice %arg11[%dma_wait3A_269] : memref<5x!tpu.dma_semaphore, #tpu.memory_space<semaphore_mem>> -> memref<1x!tpu.dma_semaphore, #tpu.memory_space<semaphore_mem>>
    %dma_wait3A_276 = tpu.memref_squeeze %dma_wait3A_275 : memref<1x!tpu.dma_semaphore, #tpu.memory_space<semaphore_mem>> -> memref<!tpu.dma_semaphore, #tpu.memory_space<semaphore_mem>>
    %dma_wait3A_277 = arith.constant 0 : i32
    %dma_wait3A_278 = tpu.memref_slice %arg7[%dma_wait3A_268, %dma_wait3A_277] : memref<5x40xi32, #tpu.memory_space<vmem>> -> memref<1x40xi32, #tpu.memory_space<vmem>>
    %dma_wait3A_279 = tpu.memref_squeeze %dma_wait3A_278 : memref<1x40xi32, #tpu.memory_space<vmem>> -> memref<40xi32, #tpu.memory_space<vmem>>
    %dma_wait3A_280 = arith.constant 0 : i32
    %dma_wait3A_281 = tpu.memref_slice %arg3[%dma_wait3A_280] : memref<320000xi32, #tpu.memory_space<hbm>> -> memref<40xi32, #tpu.memory_space<hbm>>
    tpu.wait_dma2 semaphore(%dma_wait3A_276 : memref<!tpu.dma_semaphore, #tpu.memory_space<semaphore_mem>>) src(%dma_wait3A_281 : memref<40xi32, #tpu.memory_space<hbm>>) dst(%dma_wait3A_279 : memref<40xi32, #tpu.memory_space<vmem>>)
    %dma_start3A_282 = arith.constant 2 : i32
    %dma_start3A_283 = arith.constant 2 : i32
    %dma_start3A_284 = arith.constant 2 : i32
    %dma_start3A_285 = arith.constant 0 : i32
    %dma_start3A_286 = arith.constant 0 : i32
    %dma_start3A_287 = tpu.memref_slice %arg8[%dma_start3A_282, %dma_start3A_285, %dma_start3A_286] : memref<5x40x128xf32, #tpu.memory_space<vmem>> -> memref<1x40x128xf32, #tpu.memory_space<vmem>>
    %dma_start3A_288 = tpu.memref_squeeze %dma_start3A_287 : memref<1x40x128xf32, #tpu.memory_space<vmem>> -> memref<40x128xf32, #tpu.memory_space<vmem>>
    %dma_start3A_289 = arith.constant 0 : i32
    %dma_start3A_290 = tpu.memref_slice %arg7[%dma_start3A_283, %dma_start3A_289] : memref<5x40xi32, #tpu.memory_space<vmem>> -> memref<1x40xi32, #tpu.memory_space<vmem>>
    %dma_start3A_291 = tpu.memref_squeeze %dma_start3A_290 : memref<1x40xi32, #tpu.memory_space<vmem>> -> memref<40xi32, #tpu.memory_space<vmem>>
    %dma_start3A_292 = arith.constant 0 : i32
    %dma_start3A_293 = arith.constant 0 : i32
    %dma_start3A_294 = tpu.memref_slice %arg13[%dma_start3A_292, %dma_start3A_293] : memref<10240x128xf32, #tpu.memory_space<vmem_shared>> -> memref<10240x128xf32, #tpu.memory_space<vmem_shared>>
    %dma_start3A_295 = tpu.memref_slice %arg10[%dma_start3A_284] : memref<5x!tpu.dma_semaphore, #tpu.memory_space<semaphore_mem>> -> memref<1x!tpu.dma_semaphore, #tpu.memory_space<semaphore_mem>>
    %dma_start3A_296 = tpu.memref_squeeze %dma_start3A_295 : memref<1x!tpu.dma_semaphore, #tpu.memory_space<semaphore_mem>> -> memref<!tpu.dma_semaphore, #tpu.memory_space<semaphore_mem>>
    tpu.enqueue_indirect_dma source(%dma_start3A_288 : memref<40x128xf32, #tpu.memory_space<vmem>>) target(%dma_start3A_294 : memref<10240x128xf32, #tpu.memory_space<vmem_shared>>) offsets(%dma_start3A_291 : memref<40xi32, #tpu.memory_space<vmem>>) semaphore(%dma_start3A_296 : memref<!tpu.dma_semaphore, #tpu.memory_space<semaphore_mem>>) {add = true}
    %dma_wait3A_297 = arith.constant 3 : i32
    %dma_wait3A_298 = arith.constant 3 : i32
    %dma_wait3A_299 = arith.constant 0 : i32
    %dma_wait3A_300 = arith.constant 0 : i32
    %dma_wait3A_301 = tpu.memref_slice %arg8[%dma_wait3A_297, %dma_wait3A_299, %dma_wait3A_300] : memref<5x40x128xf32, #tpu.memory_space<vmem>> -> memref<1x40x128xf32, #tpu.memory_space<vmem>>
    %dma_wait3A_302 = tpu.memref_squeeze %dma_wait3A_301 : memref<1x40x128xf32, #tpu.memory_space<vmem>> -> memref<40x128xf32, #tpu.memory_space<vmem>>
    %dma_wait3A_303 = arith.constant 0 : i32
    %dma_wait3A_304 = arith.constant 0 : i32
    %dma_wait3A_305 = tpu.memref_slice %arg4[%dma_wait3A_303, %dma_wait3A_304] : memref<10000x128xf32, #tpu.memory_space<hbm>> -> memref<40x128xf32, #tpu.memory_space<hbm>>
    %dma_wait3A_306 = tpu.memref_slice %arg9[%dma_wait3A_298] : memref<5x!tpu.dma_semaphore, #tpu.memory_space<semaphore_mem>> -> memref<1x!tpu.dma_semaphore, #tpu.memory_space<semaphore_mem>>
    %dma_wait3A_307 = tpu.memref_squeeze %dma_wait3A_306 : memref<1x!tpu.dma_semaphore, #tpu.memory_space<semaphore_mem>> -> memref<!tpu.dma_semaphore, #tpu.memory_space<semaphore_mem>>
    %dma_wait3A_308 = arith.constant 0 : i32
    %dma_wait3A_309 = arith.constant 0 : i32
    %dma_wait3A_310 = tpu.memref_slice %arg8[%dma_wait3A_297, %dma_wait3A_308, %dma_wait3A_309] : memref<5x40x128xf32, #tpu.memory_space<vmem>> -> memref<1x40x128xf32, #tpu.memory_space<vmem>>
    %dma_wait3A_311 = tpu.memref_squeeze %dma_wait3A_310 : memref<1x40x128xf32, #tpu.memory_space<vmem>> -> memref<40x128xf32, #tpu.memory_space<vmem>>
    %dma_wait3A_312 = arith.constant 0 : i32
    %dma_wait3A_313 = arith.constant 0 : i32
    %dma_wait3A_314 = tpu.memref_slice %arg4[%dma_wait3A_312, %dma_wait3A_313] : memref<10000x128xf32, #tpu.memory_space<hbm>> -> memref<40x128xf32, #tpu.memory_space<hbm>>
    tpu.wait_dma2 semaphore(%dma_wait3A_307 : memref<!tpu.dma_semaphore, #tpu.memory_space<semaphore_mem>>) src(%dma_wait3A_314 : memref<40x128xf32, #tpu.memory_space<hbm>>) dst(%dma_wait3A_311 : memref<40x128xf32, #tpu.memory_space<vmem>>)
    %dma_wait3A_315 = arith.constant 3 : i32
    %dma_wait3A_316 = arith.constant 3 : i32
    %dma_wait3A_317 = arith.constant 0 : i32
    %dma_wait3A_318 = tpu.memref_slice %arg7[%dma_wait3A_315, %dma_wait3A_317] : memref<5x40xi32, #tpu.memory_space<vmem>> -> memref<1x40xi32, #tpu.memory_space<vmem>>
    %dma_wait3A_319 = tpu.memref_squeeze %dma_wait3A_318 : memref<1x40xi32, #tpu.memory_space<vmem>> -> memref<40xi32, #tpu.memory_space<vmem>>
    %dma_wait3A_320 = arith.constant 0 : i32
    %dma_wait3A_321 = tpu.memref_slice %arg3[%dma_wait3A_320] : memref<320000xi32, #tpu.memory_space<hbm>> -> memref<40xi32, #tpu.memory_space<hbm>>
    %dma_wait3A_322 = tpu.memref_slice %arg11[%dma_wait3A_316] : memref<5x!tpu.dma_semaphore, #tpu.memory_space<semaphore_mem>> -> memref<1x!tpu.dma_semaphore, #tpu.memory_space<semaphore_mem>>
    %dma_wait3A_323 = tpu.memref_squeeze %dma_wait3A_322 : memref<1x!tpu.dma_semaphore, #tpu.memory_space<semaphore_mem>> -> memref<!tpu.dma_semaphore, #tpu.memory_space<semaphore_mem>>
    %dma_wait3A_324 = arith.constant 0 : i32
    %dma_wait3A_325 = tpu.memref_slice %arg7[%dma_wait3A_315, %dma_wait3A_324] : memref<5x40xi32, #tpu.memory_space<vmem>> -> memref<1x40xi32, #tpu.memory_space<vmem>>
    %dma_wait3A_326 = tpu.memref_squeeze %dma_wait3A_325 : memref<1x40xi32, #tpu.memory_space<vmem>> -> memref<40xi32, #tpu.memory_space<vmem>>
    %dma_wait3A_327 = arith.constant 0 : i32
    %dma_wait3A_328 = tpu.memref_slice %arg3[%dma_wait3A_327] : memref<320000xi32, #tpu.memory_space<hbm>> -> memref<40xi32, #tpu.memory_space<hbm>>
    tpu.wait_dma2 semaphore(%dma_wait3A_323 : memref<!tpu.dma_semaphore, #tpu.memory_space<semaphore_mem>>) src(%dma_wait3A_328 : memref<40xi32, #tpu.memory_space<hbm>>) dst(%dma_wait3A_326 : memref<40xi32, #tpu.memory_space<vmem>>)
    %dma_start3A_329 = arith.constant 3 : i32
    %dma_start3A_330 = arith.constant 3 : i32
    %dma_start3A_331 = arith.constant 3 : i32
    %dma_start3A_332 = arith.constant 0 : i32
    %dma_start3A_333 = arith.constant 0 : i32
    %dma_start3A_334 = tpu.memref_slice %arg8[%dma_start3A_329, %dma_start3A_332, %dma_start3A_333] : memref<5x40x128xf32, #tpu.memory_space<vmem>> -> memref<1x40x128xf32, #tpu.memory_space<vmem>>
    %dma_start3A_335 = tpu.memref_squeeze %dma_start3A_334 : memref<1x40x128xf32, #tpu.memory_space<vmem>> -> memref<40x128xf32, #tpu.memory_space<vmem>>
    %dma_start3A_336 = arith.constant 0 : i32
    %dma_start3A_337 = tpu.memref_slice %arg7[%dma_start3A_330, %dma_start3A_336] : memref<5x40xi32, #tpu.memory_space<vmem>> -> memref<1x40xi32, #tpu.memory_space<vmem>>
    %dma_start3A_338 = tpu.memref_squeeze %dma_start3A_337 : memref<1x40xi32, #tpu.memory_space<vmem>> -> memref<40xi32, #tpu.memory_space<vmem>>
    %dma_start3A_339 = arith.constant 0 : i32
    %dma_start3A_340 = arith.constant 0 : i32
    %dma_start3A_341 = tpu.memref_slice %arg13[%dma_start3A_339, %dma_start3A_340] : memref<10240x128xf32, #tpu.memory_space<vmem_shared>> -> memref<10240x128xf32, #tpu.memory_space<vmem_shared>>
    %dma_start3A_342 = tpu.memref_slice %arg10[%dma_start3A_331] : memref<5x!tpu.dma_semaphore, #tpu.memory_space<semaphore_mem>> -> memref<1x!tpu.dma_semaphore, #tpu.memory_space<semaphore_mem>>
    %dma_start3A_343 = tpu.memref_squeeze %dma_start3A_342 : memref<1x!tpu.dma_semaphore, #tpu.memory_space<semaphore_mem>> -> memref<!tpu.dma_semaphore, #tpu.memory_space<semaphore_mem>>
    tpu.enqueue_indirect_dma source(%dma_start3A_335 : memref<40x128xf32, #tpu.memory_space<vmem>>) target(%dma_start3A_341 : memref<10240x128xf32, #tpu.memory_space<vmem_shared>>) offsets(%dma_start3A_338 : memref<40xi32, #tpu.memory_space<vmem>>) semaphore(%dma_start3A_343 : memref<!tpu.dma_semaphore, #tpu.memory_space<semaphore_mem>>) {add = true}
    %dma_wait3A_344 = arith.constant 4 : i32
    %dma_wait3A_345 = arith.constant 4 : i32
    %dma_wait3A_346 = arith.constant 0 : i32
    %dma_wait3A_347 = arith.constant 0 : i32
    %dma_wait3A_348 = tpu.memref_slice %arg8[%dma_wait3A_344, %dma_wait3A_346, %dma_wait3A_347] : memref<5x40x128xf32, #tpu.memory_space<vmem>> -> memref<1x40x128xf32, #tpu.memory_space<vmem>>
    %dma_wait3A_349 = tpu.memref_squeeze %dma_wait3A_348 : memref<1x40x128xf32, #tpu.memory_space<vmem>> -> memref<40x128xf32, #tpu.memory_space<vmem>>
    %dma_wait3A_350 = arith.constant 0 : i32
    %dma_wait3A_351 = arith.constant 0 : i32
    %dma_wait3A_352 = tpu.memref_slice %arg4[%dma_wait3A_350, %dma_wait3A_351] : memref<10000x128xf32, #tpu.memory_space<hbm>> -> memref<40x128xf32, #tpu.memory_space<hbm>>
    %dma_wait3A_353 = tpu.memref_slice %arg9[%dma_wait3A_345] : memref<5x!tpu.dma_semaphore, #tpu.memory_space<semaphore_mem>> -> memref<1x!tpu.dma_semaphore, #tpu.memory_space<semaphore_mem>>
    %dma_wait3A_354 = tpu.memref_squeeze %dma_wait3A_353 : memref<1x!tpu.dma_semaphore, #tpu.memory_space<semaphore_mem>> -> memref<!tpu.dma_semaphore, #tpu.memory_space<semaphore_mem>>
    %dma_wait3A_355 = arith.constant 0 : i32
    %dma_wait3A_356 = arith.constant 0 : i32
    %dma_wait3A_357 = tpu.memref_slice %arg8[%dma_wait3A_344, %dma_wait3A_355, %dma_wait3A_356] : memref<5x40x128xf32, #tpu.memory_space<vmem>> -> memref<1x40x128xf32, #tpu.memory_space<vmem>>
    %dma_wait3A_358 = tpu.memref_squeeze %dma_wait3A_357 : memref<1x40x128xf32, #tpu.memory_space<vmem>> -> memref<40x128xf32, #tpu.memory_space<vmem>>
    %dma_wait3A_359 = arith.constant 0 : i32
    %dma_wait3A_360 = arith.constant 0 : i32
    %dma_wait3A_361 = tpu.memref_slice %arg4[%dma_wait3A_359, %dma_wait3A_360] : memref<10000x128xf32, #tpu.memory_space<hbm>> -> memref<40x128xf32, #tpu.memory_space<hbm>>
    tpu.wait_dma2 semaphore(%dma_wait3A_354 : memref<!tpu.dma_semaphore, #tpu.memory_space<semaphore_mem>>) src(%dma_wait3A_361 : memref<40x128xf32, #tpu.memory_space<hbm>>) dst(%dma_wait3A_358 : memref<40x128xf32, #tpu.memory_space<vmem>>)
    %dma_wait3A_362 = arith.constant 4 : i32
    %dma_wait3A_363 = arith.constant 4 : i32
    %dma_wait3A_364 = arith.constant 0 : i32
    %dma_wait3A_365 = tpu.memref_slice %arg7[%dma_wait3A_362, %dma_wait3A_364] : memref<5x40xi32, #tpu.memory_space<vmem>> -> memref<1x40xi32, #tpu.memory_space<vmem>>
    %dma_wait3A_366 = tpu.memref_squeeze %dma_wait3A_365 : memref<1x40xi32, #tpu.memory_space<vmem>> -> memref<40xi32, #tpu.memory_space<vmem>>
    %dma_wait3A_367 = arith.constant 0 : i32
    %dma_wait3A_368 = tpu.memref_slice %arg3[%dma_wait3A_367] : memref<320000xi32, #tpu.memory_space<hbm>> -> memref<40xi32, #tpu.memory_space<hbm>>
    %dma_wait3A_369 = tpu.memref_slice %arg11[%dma_wait3A_363] : memref<5x!tpu.dma_semaphore, #tpu.memory_space<semaphore_mem>> -> memref<1x!tpu.dma_semaphore, #tpu.memory_space<semaphore_mem>>
    %dma_wait3A_370 = tpu.memref_squeeze %dma_wait3A_369 : memref<1x!tpu.dma_semaphore, #tpu.memory_space<semaphore_mem>> -> memref<!tpu.dma_semaphore, #tpu.memory_space<semaphore_mem>>
    %dma_wait3A_371 = arith.constant 0 : i32
    %dma_wait3A_372 = tpu.memref_slice %arg7[%dma_wait3A_362, %dma_wait3A_371] : memref<5x40xi32, #tpu.memory_space<vmem>> -> memref<1x40xi32, #tpu.memory_space<vmem>>
    %dma_wait3A_373 = tpu.memref_squeeze %dma_wait3A_372 : memref<1x40xi32, #tpu.memory_space<vmem>> -> memref<40xi32, #tpu.memory_space<vmem>>
    %dma_wait3A_374 = arith.constant 0 : i32
    %dma_wait3A_375 = tpu.memref_slice %arg3[%dma_wait3A_374] : memref<320000xi32, #tpu.memory_space<hbm>> -> memref<40xi32, #tpu.memory_space<hbm>>
    tpu.wait_dma2 semaphore(%dma_wait3A_370 : memref<!tpu.dma_semaphore, #tpu.memory_space<semaphore_mem>>) src(%dma_wait3A_375 : memref<40xi32, #tpu.memory_space<hbm>>) dst(%dma_wait3A_373 : memref<40xi32, #tpu.memory_space<vmem>>)
    %dma_start3A_376 = arith.constant 4 : i32
    %dma_start3A_377 = arith.constant 4 : i32
    %dma_start3A_378 = arith.constant 4 : i32
    %dma_start3A_379 = arith.constant 0 : i32
    %dma_start3A_380 = arith.constant 0 : i32
    %dma_start3A_381 = tpu.memref_slice %arg8[%dma_start3A_376, %dma_start3A_379, %dma_start3A_380] : memref<5x40x128xf32, #tpu.memory_space<vmem>> -> memref<1x40x128xf32, #tpu.memory_space<vmem>>
    %dma_start3A_382 = tpu.memref_squeeze %dma_start3A_381 : memref<1x40x128xf32, #tpu.memory_space<vmem>> -> memref<40x128xf32, #tpu.memory_space<vmem>>
    %dma_start3A_383 = arith.constant 0 : i32
    %dma_start3A_384 = tpu.memref_slice %arg7[%dma_start3A_377, %dma_start3A_383] : memref<5x40xi32, #tpu.memory_space<vmem>> -> memref<1x40xi32, #tpu.memory_space<vmem>>
    %dma_start3A_385 = tpu.memref_squeeze %dma_start3A_384 : memref<1x40xi32, #tpu.memory_space<vmem>> -> memref<40xi32, #tpu.memory_space<vmem>>
    %dma_start3A_386 = arith.constant 0 : i32
    %dma_start3A_387 = arith.constant 0 : i32
    %dma_start3A_388 = tpu.memref_slice %arg13[%dma_start3A_386, %dma_start3A_387] : memref<10240x128xf32, #tpu.memory_space<vmem_shared>> -> memref<10240x128xf32, #tpu.memory_space<vmem_shared>>
    %dma_start3A_389 = tpu.memref_slice %arg10[%dma_start3A_378] : memref<5x!tpu.dma_semaphore, #tpu.memory_space<semaphore_mem>> -> memref<1x!tpu.dma_semaphore, #tpu.memory_space<semaphore_mem>>
    %dma_start3A_390 = tpu.memref_squeeze %dma_start3A_389 : memref<1x!tpu.dma_semaphore, #tpu.memory_space<semaphore_mem>> -> memref<!tpu.dma_semaphore, #tpu.memory_space<semaphore_mem>>
    tpu.enqueue_indirect_dma source(%dma_start3A_382 : memref<40x128xf32, #tpu.memory_space<vmem>>) target(%dma_start3A_388 : memref<10240x128xf32, #tpu.memory_space<vmem_shared>>) offsets(%dma_start3A_385 : memref<40xi32, #tpu.memory_space<vmem>>) semaphore(%dma_start3A_390 : memref<!tpu.dma_semaphore, #tpu.memory_space<semaphore_mem>>) {add = true}
    %dma_wait3A_391 = arith.constant 0 : i32
    %dma_wait3A_392 = arith.constant 0 : i32
    %dma_wait3A_393 = arith.constant 0 : i32
    %dma_wait3A_394 = arith.constant 0 : i32
    %dma_wait3A_395 = tpu.memref_slice %arg8[%dma_wait3A_391, %dma_wait3A_393, %dma_wait3A_394] : memref<5x40x128xf32, #tpu.memory_space<vmem>> -> memref<1x40x128xf32, #tpu.memory_space<vmem>>
    %dma_wait3A_396 = tpu.memref_squeeze %dma_wait3A_395 : memref<1x40x128xf32, #tpu.memory_space<vmem>> -> memref<40x128xf32, #tpu.memory_space<vmem>>
    %dma_wait3A_397 = arith.constant 0 : i32
    %dma_wait3A_398 = arith.constant 0 : i32
    %dma_wait3A_399 = tpu.memref_slice %arg4[%dma_wait3A_397, %dma_wait3A_398] : memref<10000x128xf32, #tpu.memory_space<hbm>> -> memref<40x128xf32, #tpu.memory_space<hbm>>
    %dma_wait3A_400 = tpu.memref_slice %arg10[%dma_wait3A_392] : memref<5x!tpu.dma_semaphore, #tpu.memory_space<semaphore_mem>> -> memref<1x!tpu.dma_semaphore, #tpu.memory_space<semaphore_mem>>
    %dma_wait3A_401 = tpu.memref_squeeze %dma_wait3A_400 : memref<1x!tpu.dma_semaphore, #tpu.memory_space<semaphore_mem>> -> memref<!tpu.dma_semaphore, #tpu.memory_space<semaphore_mem>>
    %dma_wait3A_402 = arith.constant 0 : i32
    %dma_wait3A_403 = arith.constant 0 : i32
    %dma_wait3A_404 = tpu.memref_slice %arg8[%dma_wait3A_391, %dma_wait3A_402, %dma_wait3A_403] : memref<5x40x128xf32, #tpu.memory_space<vmem>> -> memref<1x40x128xf32, #tpu.memory_space<vmem>>
    %dma_wait3A_405 = tpu.memref_squeeze %dma_wait3A_404 : memref<1x40x128xf32, #tpu.memory_space<vmem>> -> memref<40x128xf32, #tpu.memory_space<vmem>>
    %dma_wait3A_406 = arith.constant 0 : i32
    %dma_wait3A_407 = arith.constant 0 : i32
    %dma_wait3A_408 = tpu.memref_slice %arg4[%dma_wait3A_406, %dma_wait3A_407] : memref<10000x128xf32, #tpu.memory_space<hbm>> -> memref<40x128xf32, #tpu.memory_space<hbm>>
    tpu.wait_dma2 semaphore(%dma_wait3A_401 : memref<!tpu.dma_semaphore, #tpu.memory_space<semaphore_mem>>) src(%dma_wait3A_408 : memref<40x128xf32, #tpu.memory_space<hbm>>) dst(%dma_wait3A_405 : memref<40x128xf32, #tpu.memory_space<vmem>>)
    %dma_wait3A_409 = arith.constant 1 : i32
    %dma_wait3A_410 = arith.constant 1 : i32
    %dma_wait3A_411 = arith.constant 0 : i32
    %dma_wait3A_412 = arith.constant 0 : i32
    %dma_wait3A_413 = tpu.memref_slice %arg8[%dma_wait3A_409, %dma_wait3A_411, %dma_wait3A_412] : memref<5x40x128xf32, #tpu.memory_space<vmem>> -> memref<1x40x128xf32, #tpu.memory_space<vmem>>
    %dma_wait3A_414 = tpu.memref_squeeze %dma_wait3A_413 : memref<1x40x128xf32, #tpu.memory_space<vmem>> -> memref<40x128xf32, #tpu.memory_space<vmem>>
    %dma_wait3A_415 = arith.constant 0 : i32
    %dma_wait3A_416 = arith.constant 0 : i32
    %dma_wait3A_417 = tpu.memref_slice %arg4[%dma_wait3A_415, %dma_wait3A_416] : memref<10000x128xf32, #tpu.memory_space<hbm>> -> memref<40x128xf32, #tpu.memory_space<hbm>>
    %dma_wait3A_418 = tpu.memref_slice %arg10[%dma_wait3A_410] : memref<5x!tpu.dma_semaphore, #tpu.memory_space<semaphore_mem>> -> memref<1x!tpu.dma_semaphore, #tpu.memory_space<semaphore_mem>>
    %dma_wait3A_419 = tpu.memref_squeeze %dma_wait3A_418 : memref<1x!tpu.dma_semaphore, #tpu.memory_space<semaphore_mem>> -> memref<!tpu.dma_semaphore, #tpu.memory_space<semaphore_mem>>
    %dma_wait3A_420 = arith.constant 0 : i32
    %dma_wait3A_421 = arith.constant 0 : i32
    %dma_wait3A_422 = tpu.memref_slice %arg8[%dma_wait3A_409, %dma_wait3A_420, %dma_wait3A_421] : memref<5x40x128xf32, #tpu.memory_space<vmem>> -> memref<1x40x128xf32, #tpu.memory_space<vmem>>
    %dma_wait3A_423 = tpu.memref_squeeze %dma_wait3A_422 : memref<1x40x128xf32, #tpu.memory_space<vmem>> -> memref<40x128xf32, #tpu.memory_space<vmem>>
    %dma_wait3A_424 = arith.constant 0 : i32
    %dma_wait3A_425 = arith.constant 0 : i32
    %dma_wait3A_426 = tpu.memref_slice %arg4[%dma_wait3A_424, %dma_wait3A_425] : memref<10000x128xf32, #tpu.memory_space<hbm>> -> memref<40x128xf32, #tpu.memory_space<hbm>>
    tpu.wait_dma2 semaphore(%dma_wait3A_419 : memref<!tpu.dma_semaphore, #tpu.memory_space<semaphore_mem>>) src(%dma_wait3A_426 : memref<40x128xf32, #tpu.memory_space<hbm>>) dst(%dma_wait3A_423 : memref<40x128xf32, #tpu.memory_space<vmem>>)
    %dma_wait3A_427 = arith.constant 2 : i32
    %dma_wait3A_428 = arith.constant 2 : i32
    %dma_wait3A_429 = arith.constant 0 : i32
    %dma_wait3A_430 = arith.constant 0 : i32
    %dma_wait3A_431 = tpu.memref_slice %arg8[%dma_wait3A_427, %dma_wait3A_429, %dma_wait3A_430] : memref<5x40x128xf32, #tpu.memory_space<vmem>> -> memref<1x40x128xf32, #tpu.memory_space<vmem>>
    %dma_wait3A_432 = tpu.memref_squeeze %dma_wait3A_431 : memref<1x40x128xf32, #tpu.memory_space<vmem>> -> memref<40x128xf32, #tpu.memory_space<vmem>>
    %dma_wait3A_433 = arith.constant 0 : i32
    %dma_wait3A_434 = arith.constant 0 : i32
    %dma_wait3A_435 = tpu.memref_slice %arg4[%dma_wait3A_433, %dma_wait3A_434] : memref<10000x128xf32, #tpu.memory_space<hbm>> -> memref<40x128xf32, #tpu.memory_space<hbm>>
    %dma_wait3A_436 = tpu.memref_slice %arg10[%dma_wait3A_428] : memref<5x!tpu.dma_semaphore, #tpu.memory_space<semaphore_mem>> -> memref<1x!tpu.dma_semaphore, #tpu.memory_space<semaphore_mem>>
    %dma_wait3A_437 = tpu.memref_squeeze %dma_wait3A_436 : memref<1x!tpu.dma_semaphore, #tpu.memory_space<semaphore_mem>> -> memref<!tpu.dma_semaphore, #tpu.memory_space<semaphore_mem>>
    %dma_wait3A_438 = arith.constant 0 : i32
    %dma_wait3A_439 = arith.constant 0 : i32
    %dma_wait3A_440 = tpu.memref_slice %arg8[%dma_wait3A_427, %dma_wait3A_438, %dma_wait3A_439] : memref<5x40x128xf32, #tpu.memory_space<vmem>> -> memref<1x40x128xf32, #tpu.memory_space<vmem>>
    %dma_wait3A_441 = tpu.memref_squeeze %dma_wait3A_440 : memref<1x40x128xf32, #tpu.memory_space<vmem>> -> memref<40x128xf32, #tpu.memory_space<vmem>>
    %dma_wait3A_442 = arith.constant 0 : i32
    %dma_wait3A_443 = arith.constant 0 : i32
    %dma_wait3A_444 = tpu.memref_slice %arg4[%dma_wait3A_442, %dma_wait3A_443] : memref<10000x128xf32, #tpu.memory_space<hbm>> -> memref<40x128xf32, #tpu.memory_space<hbm>>
    tpu.wait_dma2 semaphore(%dma_wait3A_437 : memref<!tpu.dma_semaphore, #tpu.memory_space<semaphore_mem>>) src(%dma_wait3A_444 : memref<40x128xf32, #tpu.memory_space<hbm>>) dst(%dma_wait3A_441 : memref<40x128xf32, #tpu.memory_space<vmem>>)
    %dma_wait3A_445 = arith.constant 3 : i32
    %dma_wait3A_446 = arith.constant 3 : i32
    %dma_wait3A_447 = arith.constant 0 : i32
    %dma_wait3A_448 = arith.constant 0 : i32
    %dma_wait3A_449 = tpu.memref_slice %arg8[%dma_wait3A_445, %dma_wait3A_447, %dma_wait3A_448] : memref<5x40x128xf32, #tpu.memory_space<vmem>> -> memref<1x40x128xf32, #tpu.memory_space<vmem>>
    %dma_wait3A_450 = tpu.memref_squeeze %dma_wait3A_449 : memref<1x40x128xf32, #tpu.memory_space<vmem>> -> memref<40x128xf32, #tpu.memory_space<vmem>>
    %dma_wait3A_451 = arith.constant 0 : i32
    %dma_wait3A_452 = arith.constant 0 : i32
    %dma_wait3A_453 = tpu.memref_slice %arg4[%dma_wait3A_451, %dma_wait3A_452] : memref<10000x128xf32, #tpu.memory_space<hbm>> -> memref<40x128xf32, #tpu.memory_space<hbm>>
    %dma_wait3A_454 = tpu.memref_slice %arg10[%dma_wait3A_446] : memref<5x!tpu.dma_semaphore, #tpu.memory_space<semaphore_mem>> -> memref<1x!tpu.dma_semaphore, #tpu.memory_space<semaphore_mem>>
    %dma_wait3A_455 = tpu.memref_squeeze %dma_wait3A_454 : memref<1x!tpu.dma_semaphore, #tpu.memory_space<semaphore_mem>> -> memref<!tpu.dma_semaphore, #tpu.memory_space<semaphore_mem>>
    %dma_wait3A_456 = arith.constant 0 : i32
    %dma_wait3A_457 = arith.constant 0 : i32
    %dma_wait3A_458 = tpu.memref_slice %arg8[%dma_wait3A_445, %dma_wait3A_456, %dma_wait3A_457] : memref<5x40x128xf32, #tpu.memory_space<vmem>> -> memref<1x40x128xf32, #tpu.memory_space<vmem>>
    %dma_wait3A_459 = tpu.memref_squeeze %dma_wait3A_458 : memref<1x40x128xf32, #tpu.memory_space<vmem>> -> memref<40x128xf32, #tpu.memory_space<vmem>>
    %dma_wait3A_460 = arith.constant 0 : i32
    %dma_wait3A_461 = arith.constant 0 : i32
    %dma_wait3A_462 = tpu.memref_slice %arg4[%dma_wait3A_460, %dma_wait3A_461] : memref<10000x128xf32, #tpu.memory_space<hbm>> -> memref<40x128xf32, #tpu.memory_space<hbm>>
    tpu.wait_dma2 semaphore(%dma_wait3A_455 : memref<!tpu.dma_semaphore, #tpu.memory_space<semaphore_mem>>) src(%dma_wait3A_462 : memref<40x128xf32, #tpu.memory_space<hbm>>) dst(%dma_wait3A_459 : memref<40x128xf32, #tpu.memory_space<vmem>>)
    %dma_wait3A_463 = arith.constant 4 : i32
    %dma_wait3A_464 = arith.constant 4 : i32
    %dma_wait3A_465 = arith.constant 0 : i32
    %dma_wait3A_466 = arith.constant 0 : i32
    %dma_wait3A_467 = tpu.memref_slice %arg8[%dma_wait3A_463, %dma_wait3A_465, %dma_wait3A_466] : memref<5x40x128xf32, #tpu.memory_space<vmem>> -> memref<1x40x128xf32, #tpu.memory_space<vmem>>
    %dma_wait3A_468 = tpu.memref_squeeze %dma_wait3A_467 : memref<1x40x128xf32, #tpu.memory_space<vmem>> -> memref<40x128xf32, #tpu.memory_space<vmem>>
    %dma_wait3A_469 = arith.constant 0 : i32
    %dma_wait3A_470 = arith.constant 0 : i32
    %dma_wait3A_471 = tpu.memref_slice %arg4[%dma_wait3A_469, %dma_wait3A_470] : memref<10000x128xf32, #tpu.memory_space<hbm>> -> memref<40x128xf32, #tpu.memory_space<hbm>>
    %dma_wait3A_472 = tpu.memref_slice %arg10[%dma_wait3A_464] : memref<5x!tpu.dma_semaphore, #tpu.memory_space<semaphore_mem>> -> memref<1x!tpu.dma_semaphore, #tpu.memory_space<semaphore_mem>>
    %dma_wait3A_473 = tpu.memref_squeeze %dma_wait3A_472 : memref<1x!tpu.dma_semaphore, #tpu.memory_space<semaphore_mem>> -> memref<!tpu.dma_semaphore, #tpu.memory_space<semaphore_mem>>
    %dma_wait3A_474 = arith.constant 0 : i32
    %dma_wait3A_475 = arith.constant 0 : i32
    %dma_wait3A_476 = tpu.memref_slice %arg8[%dma_wait3A_463, %dma_wait3A_474, %dma_wait3A_475] : memref<5x40x128xf32, #tpu.memory_space<vmem>> -> memref<1x40x128xf32, #tpu.memory_space<vmem>>
    %dma_wait3A_477 = tpu.memref_squeeze %dma_wait3A_476 : memref<1x40x128xf32, #tpu.memory_space<vmem>> -> memref<40x128xf32, #tpu.memory_space<vmem>>
    %dma_wait3A_478 = arith.constant 0 : i32
    %dma_wait3A_479 = arith.constant 0 : i32
    %dma_wait3A_480 = tpu.memref_slice %arg4[%dma_wait3A_478, %dma_wait3A_479] : memref<10000x128xf32, #tpu.memory_space<hbm>> -> memref<40x128xf32, #tpu.memory_space<hbm>>
    tpu.wait_dma2 semaphore(%dma_wait3A_473 : memref<!tpu.dma_semaphore, #tpu.memory_space<semaphore_mem>>) src(%dma_wait3A_480 : memref<40x128xf32, #tpu.memory_space<hbm>>) dst(%dma_wait3A_477 : memref<40x128xf32, #tpu.memory_space<vmem>>)
    %barrier3A_481 = arith.constant 0 : index
    tpu.barrier barrier_id(%barrier3A_481)
    %mul3A_482 = arith.constant 640 : i32
    %mul3A_483 = arith.muli %arg1, %mul3A_482 : i32
    %mul3A_484 = arith.constant 640 : i32
    %mul3A_485 = arith.muli %arg1, %mul3A_484 : i32
    "tpu.region"() ({
      %run_scoped3A = tpu.sem_alloc : memref<!tpu.dma_semaphore, #tpu.memory_space<semaphore_mem>>
      %dma_start3A_486 = arith.constant 0 : i32
      %dma_start3A_487 = tpu.memref_slice %arg5[%arg0, %mul3A_485, %dma_start3A_486] : memref<2x10240x128xf32, #tpu.memory_space<hbm>> -> memref<1x640x128xf32, #tpu.memory_space<hbm>>
      %dma_start3A_488 = tpu.memref_squeeze %dma_start3A_487 : memref<1x640x128xf32, #tpu.memory_space<hbm>> -> memref<640x128xf32, #tpu.memory_space<hbm>>
      %dma_start3A_489 = arith.constant 0 : i32
      %dma_start3A_490 = tpu.memref_slice %arg13[%mul3A_483, %dma_start3A_489] : memref<10240x128xf32, #tpu.memory_space<vmem_shared>> -> memref<640x128xf32, #tpu.memory_space<vmem_shared>>
      tpu.enqueue_dma source(%dma_start3A_490 : memref<640x128xf32, #tpu.memory_space<vmem_shared>>) target(%dma_start3A_488 : memref<640x128xf32, #tpu.memory_space<hbm>>) target_semaphore(%run_scoped3A : memref<!tpu.dma_semaphore, #tpu.memory_space<semaphore_mem>>)
      %dma_wait3A_491 = arith.constant 0 : i32
      %dma_wait3A_492 = tpu.memref_slice %arg5[%arg0, %mul3A_485, %dma_wait3A_491] : memref<2x10240x128xf32, #tpu.memory_space<hbm>> -> memref<1x640x128xf32, #tpu.memory_space<hbm>>
      %dma_wait3A_493 = tpu.memref_squeeze %dma_wait3A_492 : memref<1x640x128xf32, #tpu.memory_space<hbm>> -> memref<640x128xf32, #tpu.memory_space<hbm>>
      %dma_wait3A_494 = arith.constant 0 : i32
      %dma_wait3A_495 = tpu.memref_slice %arg13[%mul3A_483, %dma_wait3A_494] : memref<10240x128xf32, #tpu.memory_space<vmem_shared>> -> memref<640x128xf32, #tpu.memory_space<vmem_shared>>
      tpu.wait_dma2 semaphore(%run_scoped3A : memref<!tpu.dma_semaphore, #tpu.memory_space<semaphore_mem>>) src(%dma_wait3A_495 : memref<640x128xf32, #tpu.memory_space<vmem_shared>>) dst(%dma_wait3A_493 : memref<640x128xf32, #tpu.memory_space<hbm>>)
      tpu.yield
    }) : () -> ()
    return
  }
}

module attributes {stable_mosaic.version = 14 : i64} {
  func.func @_h2_body(%arg0: i32, %arg1: memref<1000x128xf32, #tpu.memory_space<vmem>>, %arg2: memref<128x128xf32, #tpu.memory_space<vmem>>, %arg3: memref<1000x2xf32, #tpu.memory_space<vmem>>, %arg4: memref<1000x128xf32, #tpu.memory_space<vmem>>) attributes {dimension_semantics = [#tpu.dimension_semantics<arbitrary>], iteration_bounds = array<i64: 10>, scalar_prefetch = 0 : i64, scratch_operands = 0 : i64, tpu.core_type = #tpu.core_type<tc>, window_params = [{transform_indices = @transform_0, window_bounds = array<i64: 1000, 128>}, {pipeline_mode = #tpu.pipeline_mode<synchronous>, transform_indices = @transform_1, window_bounds = array<i64: 128, 128>}, {transform_indices = @transform_2, window_bounds = array<i64: 1000, 2>}, {transform_indices = @transform_3, window_bounds = array<i64: 1000, 128>}]} {
    %get3A = arith.constant 0 : index
    %get3A_0 = arith.constant 0 : index
    %get3A_1 = vector.load %arg3[%get3A, %get3A_0] : memref<1000x2xf32, #tpu.memory_space<vmem>>, vector<1000x1xf32>
    %get3A_2 = arith.constant 0 : index
    %get3A_3 = arith.constant 1 : index
    %get3A_4 = vector.load %arg3[%get3A_2, %get3A_3] : memref<1000x2xf32, #tpu.memory_space<vmem>>, vector<1000x1xf32>
    %add3A = arith.addf %get3A_1, %get3A_4 : vector<1000x1xf32>
    %add3A_5 = arith.constant 1.000000e+00 : f32
    %add3A_6 = vector.broadcast %add3A_5 : f32 to vector<1000x1xf32>
    %add3A_7 = arith.addf %add3A, %add3A_6 : vector<1000x1xf32>
    %rsqrt3A = math.rsqrt %add3A_7 : vector<1000x1xf32>
    %get3A_8 = arith.constant 0 : index
    %get3A_9 = arith.constant 0 : index
    %get3A_10 = vector.load %arg1[%get3A_8, %get3A_9] : memref<1000x128xf32, #tpu.memory_space<vmem>>, vector<1000x128xf32>
    %get3A_11 = arith.constant 0 : index
    %get3A_12 = arith.constant 0 : index
    %get3A_13 = vector.load %arg2[%get3A_11, %get3A_12] : memref<128x128xf32, #tpu.memory_space<vmem>>, vector<128x128xf32>
    %dot_general3A = arith.constant dense<0.000000e+00> : vector<1000x128xf32>
    %dot_general3A_14 = tpu.matmul %get3A_10, %get3A_13, %dot_general3A {dimension_numbers = #tpu.dot_dimension_numbers<[1], [0], [0], [1], [0, 0, 1, 1], [], []>, transpose_lhs_hint = false} : vector<1000x128xf32>, vector<128x128xf32>, vector<1000x128xf32> -> vector<1000x128xf32>
    %mul3A = vector.broadcast %rsqrt3A : vector<1000x1xf32> to vector<1000x128xf32>
    %mul3A_15 = arith.mulf %dot_general3A_14, %mul3A : vector<1000x128xf32>
    %swap3A = arith.constant 0 : index
    %swap3A_16 = arith.constant 0 : index
    %swap3A_17 = vector.load %arg4[%swap3A, %swap3A_16] : memref<1000x128xf32, #tpu.memory_space<vmem>>, vector<1000x128xf32>
    tpu.vector_store %arg4[%swap3A, %swap3A_16], %mul3A_15 {strides = array<i32>} : memref<1000x128xf32, #tpu.memory_space<vmem>>, vector<1000x128xf32>,
    return
  }
  func.func @transform_0(%arg0: i32) -> (i32, i32) {
    %c0_i32 = arith.constant 0 : i32
    %c0_i32_0 = arith.constant 0 : i32
    return %arg0, %c0_i32 : i32, i32
  }
  func.func @transform_1(%arg0: i32) -> (i32, i32) {
    %c0_i32 = arith.constant 0 : i32
    %c0_i32_0 = arith.constant 0 : i32
    %c0_i32_1 = arith.constant 0 : i32
    return %c0_i32, %c0_i32_0 : i32, i32
  }
  func.func @transform_2(%arg0: i32) -> (i32, i32) {
    %c0_i32 = arith.constant 0 : i32
    %c0_i32_0 = arith.constant 0 : i32
    return %arg0, %c0_i32 : i32, i32
  }
  func.func @transform_3(%arg0: i32) -> (i32, i32) {
    %c0_i32 = arith.constant 0 : i32
    %c0_i32_0 = arith.constant 0 : i32
    return %arg0, %c0_i32 : i32, i32
  }
}

module attributes {stable_mosaic.version = 14 : i64} {
  func.func @_bn_body(%arg0: memref<2x10240x128xf32, #tpu.memory_space<vmem>>, %arg1: memref<10240x2xf32, #tpu.memory_space<vmem>>, %arg2: memref<1x128xf32, #tpu.memory_space<vmem>>, %arg3: memref<1x128xf32, #tpu.memory_space<vmem>>, %arg4: memref<1x128xf32, #tpu.memory_space<vmem>>, %arg5: memref<10000x128xf32, #tpu.memory_space<vmem>>) attributes {dimension_semantics = [], scalar_prefetch = 0 : i64, scratch_operands = 0 : i64, tpu.core_type = #tpu.core_type<tc>} {
    %get3A = arith.constant 0 : index
    %get3A_0 = arith.constant 0 : index
    %get3A_1 = arith.constant 0 : index
    %get3A_2 = vector.load %arg0[%get3A, %get3A_0, %get3A_1] : memref<2x10240x128xf32, #tpu.memory_space<vmem>>, vector<1x10000x128xf32>
    %get3A_3 = vector.shape_cast %get3A_2 : vector<1x10000x128xf32> to vector<10000x128xf32>
    %get3A_4 = arith.constant 1 : index
    %get3A_5 = arith.constant 0 : index
    %get3A_6 = arith.constant 0 : index
    %get3A_7 = vector.load %arg0[%get3A_4, %get3A_5, %get3A_6] : memref<2x10240x128xf32, #tpu.memory_space<vmem>>, vector<1x10000x128xf32>
    %get3A_8 = vector.shape_cast %get3A_7 : vector<1x10000x128xf32> to vector<10000x128xf32>
    %add3A = arith.addf %get3A_3, %get3A_8 : vector<10000x128xf32>
    %get3A_9 = arith.constant 0 : index
    %get3A_10 = arith.constant 0 : index
    %get3A_11 = vector.load %arg1[%get3A_9, %get3A_10] : memref<10240x2xf32, #tpu.memory_space<vmem>>, vector<10000x1xf32>
    %get3A_12 = arith.constant 0 : index
    %get3A_13 = arith.constant 1 : index
    %get3A_14 = vector.load %arg1[%get3A_12, %get3A_13] : memref<10240x2xf32, #tpu.memory_space<vmem>>, vector<10000x1xf32>
    %add3A_15 = arith.addf %get3A_11, %get3A_14 : vector<10000x1xf32>
    %add3A_16 = arith.constant 1.000000e+00 : f32
    %add3A_17 = vector.broadcast %add3A_16 : f32 to vector<10000x1xf32>
    %add3A_18 = arith.addf %add3A_15, %add3A_17 : vector<10000x1xf32>
    %rsqrt3A = math.rsqrt %add3A_18 : vector<10000x1xf32>
    %mul3A = vector.broadcast %rsqrt3A : vector<10000x1xf32> to vector<10000x128xf32>
    %mul3A_19 = arith.mulf %mul3A, %add3A : vector<10000x128xf32>
    %get3A_20 = arith.constant 0 : index
    %get3A_21 = arith.constant 0 : index
    %get3A_22 = vector.load %arg2[%get3A_20, %get3A_21] : memref<1x128xf32, #tpu.memory_space<vmem>>, vector<1x128xf32>
    %add3A_23 = vector.broadcast %get3A_22 : vector<1x128xf32> to vector<10000x128xf32>
    %add3A_24 = arith.addf %mul3A_19, %add3A_23 : vector<10000x128xf32>
    %reduce_sum3A = arith.constant dense<0.000000e+00> : vector<128xf32>
    %reduce_sum3A_25 = vector.multi_reduction <add>, %add3A_24, %reduce_sum3A [0] : vector<10000x128xf32> to vector<128xf32>
    %broadcast_in_dim3A = vector.shape_cast %reduce_sum3A_25 : vector<128xf32> to vector<1x128xf32>
    %div3A = arith.constant 1.000000e+04 : f32
    %div3A_26 = vector.broadcast %div3A : f32 to vector<1x128xf32>
    %div3A_27 = arith.divf %broadcast_in_dim3A, %div3A_26 : vector<1x128xf32>
    %sub3A = vector.broadcast %div3A_27 : vector<1x128xf32> to vector<10000x128xf32>
    %sub3A_28 = arith.subf %add3A_24, %sub3A : vector<10000x128xf32>
    %mul3A_29 = arith.mulf %sub3A_28, %sub3A_28 : vector<10000x128xf32>
    %reduce_sum3A_30 = arith.constant dense<0.000000e+00> : vector<128xf32>
    %reduce_sum3A_31 = vector.multi_reduction <add>, %mul3A_29, %reduce_sum3A_30 [0] : vector<10000x128xf32> to vector<128xf32>
    %broadcast_in_dim3A_32 = vector.shape_cast %reduce_sum3A_31 : vector<128xf32> to vector<1x128xf32>
    %div3A_33 = arith.constant 1.000000e+04 : f32
    %div3A_34 = vector.broadcast %div3A_33 : f32 to vector<1x128xf32>
    %div3A_35 = arith.divf %broadcast_in_dim3A_32, %div3A_34 : vector<1x128xf32>
    %add3A_36 = arith.constant 9.99999974E-6 : f32
    %add3A_37 = vector.broadcast %add3A_36 : f32 to vector<1x128xf32>
    %add3A_38 = arith.addf %div3A_35, %add3A_37 : vector<1x128xf32>
    %rsqrt3A_39 = math.rsqrt %add3A_38 : vector<1x128xf32>
    %mul3A_40 = vector.broadcast %rsqrt3A_39 : vector<1x128xf32> to vector<10000x128xf32>
    %mul3A_41 = arith.mulf %sub3A_28, %mul3A_40 : vector<10000x128xf32>
    %get3A_42 = arith.constant 0 : index
    %get3A_43 = arith.constant 0 : index
    %get3A_44 = vector.load %arg3[%get3A_42, %get3A_43] : memref<1x128xf32, #tpu.memory_space<vmem>>, vector<1x128xf32>
    %mul3A_45 = vector.broadcast %get3A_44 : vector<1x128xf32> to vector<10000x128xf32>
    %mul3A_46 = arith.mulf %mul3A_41, %mul3A_45 : vector<10000x128xf32>
    %get3A_47 = arith.constant 0 : index
    %get3A_48 = arith.constant 0 : index
    %get3A_49 = vector.load %arg4[%get3A_47, %get3A_48] : memref<1x128xf32, #tpu.memory_space<vmem>>, vector<1x128xf32>
    %add3A_50 = vector.broadcast %get3A_49 : vector<1x128xf32> to vector<10000x128xf32>
    %add3A_51 = arith.addf %mul3A_46, %add3A_50 : vector<10000x128xf32>
    %max3A = arith.constant 0.000000e+00 : f32
    %max3A_52 = vector.broadcast %max3A : f32 to vector<10000x128xf32>
    %max3A_53 = arith.maximumf %add3A_51, %max3A_52 : vector<10000x128xf32>
    %swap3A = arith.constant 0 : index
    %swap3A_54 = arith.constant 0 : index
    %swap3A_55 = vector.load %arg5[%swap3A, %swap3A_54] : memref<10000x128xf32, #tpu.memory_space<vmem>>, vector<10000x128xf32>
    tpu.vector_store %arg5[%swap3A, %swap3A_54], %max3A_53 {strides = array<i32>} : memref<10000x128xf32, #tpu.memory_space<vmem>>, vector<10000x128xf32>,
    return
  }
}

</mosaic_0001>

<sc_bundles>
// kernel: kernel.6.cloned.1.call-start
scs
__scs_entry_jumppad:
0x0: {  	(pc) =	sbr.rel $0x88, $3  }
0x1: {  	(tag) =	ssettag $0x0;
	lr =	simm.s32 $0x1  }
0x2: {  	[smem:$0x3F9B] =	sst lr;
	_ =	strace $0xD0000000  }
0x3: {  	_ = 	snop  }
0x4: {  	_ = 	snop  }
0x5: {  	_ = 	snop  }
0x6: {  	_ = 	snop  }
0x7: {  	_ = 	snop  }
__scs_overlays_trampoline_lowered:
0x8: {  	[smem:$0x3FAA] =	sst s0  }
0x9: {  	[smem:$0x3FAB] =	sst s1  }
0xa: {  	[smem:$0x3FAC] =	sst s2  }
0xb: {  	[smem:$0x3FAD] =	sst s3  }
0xc: {  	[smem:$0x3FAE] =	sst s4  }
0xd: {  	[smem:$0x3FAF] =	sst s5  }
0xe: {  	[smem:$0x3FB0] =	sst s6  }
0xf: {  	[smem:$0x3FB1] =	sst s7  }
0x10: {  	[smem:$0x3FB2] =	sst s8  }
0x11: {  	[smem:$0x3FB3] =	sst s9;
	s0 =	simm.s32 @!p0 $0x0  }
0x12: {  	s1 =	sld [smem:$0x3F99];
	s0 =	simm.s32 @p0 $0x1  }
0x13: {  	[smem:$0x3FB4] =	sst s0;
	s0 =	simm.s32 @!p1 $0x0  }
0x14: {  	s2 =	sld [smem:$0x3F98];
	s0 =	simm.s32 @p1 $0x1  }
0x15: {  	[smem:$0x3FB5] =	sst s0;
	s0 =	simm.s32 @!p2 $0x0  }
0x16: {  	s3 =	sld [smem:$0x3FDB];
	s0 =	simm.s32 @p2 $0x1  }
0x17: {  	s4 =	simm.s32 $0x1BF5;
	[smem:$0x3FB7] =	sst s0  }
0x18: {  	s0 =	sld [smem:$0x3F9A];
	_ =	swait.ge [sflag:s4], $0x0  }
0x19: {  	s7 =	sld [smem:$0x3F9B]  }
0x1a: {  	s8 =	sadd.s32 $0xFFFFE003, lr  }
0x1b: {  	s9 =	sadd.s32 $0xFFFFFEF7, lr;
	s5 =	simm.s32 $0xFFFFFFFF;
	p2 =	slt.u32 s8, $0xFFFFF086  }
0x1c: {  	p1 =	slt.u32 s9, $0xF7A;
	s5 =	simm.s32 @!p2 $0x0  }
0x1d: {  	s5 =	simm.s32 @p1 $0x1;
	p0 =	seq.s32 s7, s2  }
0x1e: {  	s7 =	smul.u32 @!p0 $0xF7A, s2;
	p2 =	seq.s32 @!p0 s5, $0x0  }
0x1f: {  	s9 =	smul.u32 $0xF7A, s1;
	s8 =	simm.s32 @!p0 $0x1BF5;
	p2 =	por !p2, p0  }
0x20: {  	[sflag:s8] =	ssyncset.s32 @!p0 $0xFFFFF086;
	s6 =	sadd.s32 @!p0 s3, s7;
	s7 =	simm.s32 @!p0 $0x108  }
0x21: {  	s3 =	sadd.s32 s3, s9;
	s6 =	sadd.s32 @!p0 $0x88, s6;
	s7 =	simm.s32 @p2 $0x1082  }
0x22: {  	[simem:s7], [sflag:s8] =	dma.local @!p0 [hbm:s6], $0xF7A  }
0x23: {  	s9 =	sor.u32 $0xD0000000, s2;
	s6 =	simm.s32 $0x108;
	_ =	swait.ge @!p0 [sflag:s8], $0x0  }
0x24: {  	s3 =	sadd.s32 $0x88, s3;
	s6 =	simm.s32 @!p1 $0x1082;
	[sflag:s4] =	ssyncset.s32 $0xFFFFF086  }
0x25: {  	[simem:s6], [sflag:s4] =	dma.local [hbm:s3], $0xF7A  }
0x26: {  	[smem:$0x3F9B] =	sst s1;
	(tag) =	ssettag s2;
	_ =	strace s9  }
0x27: {  	s1 =	sld [smem:$0x3FAB]  }
0x28: {  	s2 =	sld [smem:$0x3FAC]  }
0x29: {  	s4 =	sld [smem:$0x3FAE]  }
0x2a: {  	p0 =	seq.s32 s5, $0x0;
	s5 =	sld [smem:$0x3FAF]  }
0x2b: {  	s6 =	sld [smem:$0x3FB0]  }
0x2c: {  	s7 =	sld [smem:$0x3FB1]  }
0x2d: {  	s3 =	simm.s32 $0x108;
	s8 =	sld [smem:$0x3FB2]  }
0x2e: {  	s3 =	simm.s32 @!p0 $0x1082;
	s9 =	sld [smem:$0x3FB3]  }
0x2f: {  	lr =	sadd.s32 s0, s3;
	s0 =	sld [smem:$0x3FAA]  }
0x30: {  	s3 =	sld [smem:$0x3FAD]  }
0x31: {  	[smem:$0x3FB6] =	sst s10  }
0x32: {  	s10 =	sld [smem:$0x3FB4];
	_ =	sdelay $0x3  }
0x33: {  	p0 =	seq.s32 s10, $0x1;
	s10 =	sld [smem:$0x3FB6];
	_ =	sdelay $0x3  }
0x34: {  	[smem:$0x3FB6] =	sst s10  }
0x35: {  	s10 =	sld [smem:$0x3FB5];
	_ =	sdelay $0x3  }
0x36: {  	p1 =	seq.s32 s10, $0x1;
	s10 =	sld [smem:$0x3FB6];
	_ =	sdelay $0x3  }
0x37: {  	[smem:$0x3FB6] =	sst s10  }
0x38: {  	s10 =	sld [smem:$0x3FB7]  }
0x39: {  	_ = 	snop;
	(pc) =	sbr.ind lr, $3  }
0x3a: {  	_ = 	snop  }
0x3b: {  	_ = 	snop  }
0x3c: {  	p2 =	seq.s32 s10, $0x1;
	s10 =	sld [smem:$0x3FB6]  }
0x3d: {  	_ =	shalt  }
0x3e: {  	_ =	shalt  }
0x3f: {  	_ =	shalt  }
0x40: {  	_ =	shalt  }
0x41: {  	_ =	shalt  }
0x42: {  	_ =	shalt  }
0x43: {  	_ =	shalt  }
0x44: {  	_ =	shalt  }
0x45: {  	_ =	shalt  }
0x46: {  	_ =	shalt  }
0x47: {  	_ =	shalt  }
0x48: {  	_ =	shalt  }
0x49: {  	_ =	shalt  }
0x4a: {  	_ =	shalt  }
0x4b: {  	_ =	shalt  }
0x4c: {  	_ =	shalt  }
0x4d: {  	_ =	shalt  }
0x4e: {  	_ =	shalt  }
0x4f: {  	_ =	shalt  }
0x50: {  	_ =	shalt  }
0x51: {  	_ =	shalt  }
0x52: {  	_ =	shalt  }
0x53: {  	_ =	shalt  }
0x54: {  	_ =	shalt  }
0x55: {  	_ =	shalt  }
0x56: {  	_ =	shalt  }
0x57: {  	_ =	shalt  }
0x58: {  	_ =	shalt  }
0x59: {  	_ =	shalt  }
0x5a: {  	_ =	shalt  }
0x5b: {  	_ =	shalt  }
0x5c: {  	_ =	shalt  }
0x5d: {  	_ =	shalt  }
0x5e: {  	_ =	shalt  }
0x5f: {  	_ =	shalt  }
0x60: {  	_ =	shalt  }
0x61: {  	_ =	shalt  }
0x62: {  	_ =	shalt  }
0x63: {  	_ =	shalt  }
0x64: {  	_ =	shalt  }
0x65: {  	_ =	shalt  }
0x66: {  	_ =	shalt  }
0x67: {  	_ =	shalt  }
0x68: {  	_ =	shalt  }
0x69: {  	_ =	shalt  }
0x6a: {  	_ =	shalt  }
0x6b: {  	_ =	shalt  }
0x6c: {  	_ =	shalt  }
0x6d: {  	_ =	shalt  }
0x6e: {  	_ =	shalt  }
0x6f: {  	_ =	shalt  }
0x70: {  	_ =	shalt  }
0x71: {  	_ =	shalt  }
0x72: {  	_ =	shalt  }
0x73: {  	_ =	shalt  }
0x74: {  	_ =	shalt  }
0x75: {  	_ =	shalt  }
0x76: {  	_ =	shalt  }
0x77: {  	_ =	shalt  }
0x78: {  	_ =	shalt  }
0x79: {  	_ =	shalt  }
0x7a: {  	_ =	shalt  }
0x7b: {  	_ =	shalt  }
0x7c: {  	_ =	shalt  }
0x7d: {  	_ =	shalt  }
0x7e: {  	_ =	shalt  }
0x7f: {  	_ =	shalt  }
0x80: {  	_ =	shalt  }
0x81: {  	_ =	shalt  }
0x82: {  	_ =	shalt  }
0x83: {  	_ =	shalt  }
0x84: {  	_ =	shalt  }
0x85: {  	_ =	shalt  }
0x86: {  	_ =	shalt  }
0x87: {  	_ =	shalt  }
.Lfunc_end0:
.L_simem_size_0:
called_computation_lowered:
.L_overlay_start_0:
0x88: {  	s2 =	sld [smem:$0x3FD9]  }
0x89: {  	s3 =	sld [smem:$0x3FFE];
	_ =	sdelay $0x1  }
0x8a: {  	s1 =	srdreg.scid  }
0x8b: {  	s0 =	sand.u32 $0x1, s1  }
0x8c: {  	s17 =	sshll.u32 s0, $0xA;
	s2 =	sadd.s32 s3, s2  }
0x8d: {  	s2 =	sadd.s32 s2, s17  }
0x8e: {  	[smem:$0x3FC2] =	sst s2  }
0x8f: {  	_ = 	snop  }
0x90: {  	s2 =	sld [smem:$0x3FD0];
	(tm) =	ssettm $0x1  }
0x91: {  	s18 =	sld [smem:$0x3FFB];
	_ =	sdelay $0x3  }
0x92: {  	_ =	strace s18  }
0x93: {  	s3 =	sld [smem:$0x3FFC];
	_ =	sdelay $0x3  }
0x94: {  	_ =	strace s3  }
0x95: {  	s3 =	sld [smem:$0x3FFD];
	_ =	sdelay $0x3  }
0x96: {  	_ =	strace s3  }
0x97: {  	_ =	strace $0x8FFFFFFF  }
0x98: {  	s19 =	sld [smem:$0x3FDB];
	_ =	sdelay $0x1  }
0x99: {  	s4 =	simm.s32 $_scs_section_size  }
0x9a: {  	s5 =	simm.s32 $_size__tile_overlayer_lowered;
	s6 =	simm.s32 $_tile_overlayer_lowered  }
0x9b: {  	s22 =	simm.s32 $0x1BFF;
	s21 =	sshll.u32 s6, $0x1;
	s3 =	sadd.s32 s4, s19  }
0x9c: {  	s7 =	simm.s32 $0x0;
	s20 =	sshll.u32 s5, $0x1;
	s5 =	sadd.s32 s21, s3  }
0x9d: {  	[timem:s7], [sflag:s22] =	dma.local [hbm:s5], s20  }
0x9e: {  	_ =	swait.ge [sflag:s22], s20  }
0x9f: {  	s4 =	ssub.s32 $0x0, s20;
	[sflag:s22] =	ssyncset.done $0x0  }
0xa0: {  	[sflag:s22] =	ssyncadd.s32 s4;
	_ =	sdelay $0x1  }
0xa1: {  	s23 =	simm.s32 $0x1B8B  }
0xa2: {  	_ =	swait.ge [sflag:s23], $0x1  }
0xa3: {  	[sflag:s23] =	ssyncset.done $0x0  }
0xa4: {  	s25 =	simm.s32 $0x1B8E;
	s24 =	sld [smem:$0x3FFE];
	[sflag:s23] =	ssyncadd.s32 $0xFFFFFFFF  }
0xa5: {  	s26 =	simm.s32 $execute0_lowered;
	[smem:$0x3FD2] =	sst s25  }
0xa6: {  	s5 =	sshll.u32 s26, $0x1;
	_ =	strace $0x80000046;
	[dreg:$0x1] =	wrdreg $0xFFFFFFFF  }
0xa7: {  	s28 =	simm.s32 $_size_execute0_lowered;
	s3 =	sadd.s32 s3, s5;
	[dreg:$0x0] =	wrdreg $0x0  }
0xa8: {  	s5 =	sshll.u32 s28, $0x1;
	[dreg:$0x2] =	wrdreg s3  }
0xa9: {  	[dreg:$0x3] =	wrdreg s5  }
0xaa: {  	[dreg:$0x4] =	wrdreg $0xC0  }
0xab: {  	_ =	task [dreg:s7], $0x5FFFF  }
0xac: {  	[dreg:$0x1] =	wrdreg $0xFFFFFFFF  }
0xad: {  	[dreg:$0x0] =	wrdreg $0x60  }
0xae: {  	[dreg:$0x2] =	wrdreg s2  }
0xaf: {  	[dreg:$0x3] =	wrdreg s24  }
0xb0: {  	[dreg:$0x4] =	wrdreg $0x43000  }
0xb1: {  	[dreg:$0x5] =	wrdreg $0x9  }
0xb2: {  	_ =	task.clear_ibuf [dreg:s7], $0x6FFFF;
	_ =	strace $0x90000046  }
0xb3: {  	s29 =	simm.s32 $0x9;
	_ =	strace $0x80000048  }
0xb4: {  	_ =	swait.ge [sflag:s29], $0x1  }
0xb5: {  	[sflag:s29] =	ssyncadd.s32 $0xFFFFFFFF  }
0xb6: {  	_ =	strace $0x90000048  }
0xb7: {  	_ =	sfence  }
0xb8: {  	s30 =	sld [smem:$0x0];
	_ =	sdelay $0x2  }
0xb9: {  	s31 =	sshll.u32 s1, $0xD;
	s1 =	sshrl.u32 s1, $0x2  }
0xba: {  	s3 =	sand.u32 $0x4000, s31;
	s1 =	sadd.s32 s1, s30  }
0xbb: {  	s0 =	sor.u32 s3, s0;
	s1 =	sshll.u32 s1, $0x11  }
0xbc: {  	s0 =	sor.u32 s1, s0  }
0xbd: {  	s0 =	sadd.s32 $0x8F2B, s0  }
0xbe: {  	[sflag:s0] =	ssyncadd.remote.s32 $0x1  }
0xbf: {  	_ =	sfence.sel $0xFFFF  }
0xc0: {  	[dreg:$0x0] =	wrdreg $0xFFFFFFFF;
	(pc) =	sbr.abs _section_cstart, $3  }
0xc1: {  	[dreg:$0x1] =	wrdreg $0xFFFFFFFF  }
0xc2: {  	_ =	task.clear_ibuf [dreg:s7], $0x2FFFF;
	_ =	strace $0x9FFFFFFF  }
0xc3: {  	(tm) =	ssettm $0x7FFFFFFF  }
tec
execute0_lowered:
.L_overlay_start_1:
0x0: {  	(tag) =	ssettag $0x1  }
0x1: {  	s4 =	rddreg [dreg:$0x0]  }
0x2: {  	s5 =	rddreg [dreg:$0x1]  }
0x3: {  	s2 =	rddreg [dreg:$0x2]  }
0x4: {  	s0 =	rddreg [dreg:$0x3]  }
0x5: {  	s6 =	srdreg.scid;
	s1 =	stileid.u32;
	s3 =	simm.s32 $0x0  }
0x6: {  	s11 =	simm.s32 $0x4000;
	s12 =	simm.s32 $0x80;
	s13 =	simm.s32 $0x100  }
0x7: {  	s14 =	simm.s32 $0x180;
	s15 =	simm.s32 $0x200;
	s16 =	simm.s32 $0x1  }
0x8: {  	s17 =	simm.s32 $0x2;
	s18 =	simm.s32 $0x3;
	s19 =	simm.s32 $0x4  }
0x9: {  	s20 =	simm.s32 $0x5;
	s23 =	simm.s32 $0x20;
	s24 =	simm.s32 $0x10  }
0xa: {  	s25 =	simm.s32 $0x0;
	s6 =	sand.u32 $0x1, s6;
	s7 =	smul.u32 $0x500, s1  }
0xb: {  	[smem:$0x7FF] =	sst s3;
	s9 =	smul.u32 $0xA00, s1;
	s10 =	sshll.u32 s1, $0xC  }
0xc: {  	s21 =	sshll.u32 s1, $0x6;
	s8 =	sshll.u32 s6, $0x7;
	_ =	strace $0x80000047  }
0xd: {  	s30 =	ssub.s32 $0x2, s6;
	s6 =	sshll.u32 s6, $0xB;
	s21 =	sor.u32 $0x1C06, s21  }
0xe: {  	s7 =	sor.u32 s8, s7;
	s31 =	sshrl.u32 s30, $0x1;
	s9 =	sshrl.u32 s9, $0x2  }
0xf: {  	s6 =	sadd.s32 s4, s6;
	s7 =	sshrl.u32 s7, $0x3;
	s8 =	ssub.s32 s30, s31  }
0x10: {  	s4 =	sadd.s32 s9, s2;
	s9 =	simm.s32 $0x6;
	s7 =	sadd.s32 s7, s5  }
0x11: {  	s5 =	sadd.s32 s10, s6;
	s10 =	simm.s32 $0x50;
	s22 =	sshrl.u32 s4, $0x3  }
0x12: {  	v0 =	vimm.f32 $0.0e+00;
	v1 =	vimm.f32 $1.000000000e+00;
	s6 =	sadd.s32 $0x15200, s7;
	s7 =	smax.u32 s8, $0x1;
	s8 =	simm.s32 $0x4080  }
.LBB2_1:
0x13: {  	[tilespmem:$0x4080] =	vst v0  }
0x14: {  	[tilespmem:$0x4090] =	vst v0  }
0x15: {  	[tilespmem:$0x40A0] =	vst v0  }
0x16: {  	[tilespmem:$0x40B0] =	vst v0  }
0x17: {  	[tilespmem:$0x40C0] =	vst v0  }
0x18: {  	[tilespmem:$0x40D0] =	vst v0  }
0x19: {  	[tilespmem:$0x40E0] =	vst v0  }
0x1a: {  	[tilespmem:$0x40F0] =	vst v0  }
0x1b: {  	[tilespmem:$0x4100] =	vst v0  }
0x1c: {  	[tilespmem:$0x4110] =	vst v0  }
0x1d: {  	[tilespmem:$0x4120] =	vst v0  }
0x1e: {  	[tilespmem:$0x4130] =	vst v0  }
0x1f: {  	[tilespmem:$0x4140] =	vst v0  }
0x20: {  	[tilespmem:$0x4150] =	vst v0  }
0x21: {  	[tilespmem:$0x4160] =	vst v0  }
0x22: {  	[tilespmem:$0x4170] =	vst v0  }
0x23: {  	[tilespmem:$0x4180] =	vst v0  }
0x24: {  	[tilespmem:$0x4190] =	vst v0  }
0x25: {  	[tilespmem:$0x41A0] =	vst v0  }
0x26: {  	[tilespmem:$0x41B0] =	vst v0  }
0x27: {  	[tilespmem:$0x41C0] =	vst v0  }
0x28: {  	[tilespmem:$0x41D0] =	vst v0  }
0x29: {  	[tilespmem:$0x41E0] =	vst v0  }
0x2a: {  	[tilespmem:$0x41F0] =	vst v0  }
0x2b: {  	[tilespmem:$0x4200] =	vst v0  }
0x2c: {  	[tilespmem:$0x4210] =	vst v0  }
0x2d: {  	[tilespmem:$0x4220] =	vst v0  }
0x2e: {  	[tilespmem:$0x4230] =	vst v0  }
0x2f: {  	[tilespmem:$0x4240] =	vst v0  }
0x30: {  	[tilespmem:$0x4250] =	vst v0  }
0x31: {  	[tilespmem:$0x4260] =	vst v0  }
0x32: {  	[tilespmem:$0x4270] =	vst v0  }
0x33: {  	[tilespmem:$0x4280] =	vst v0  }
0x34: {  	[tilespmem:$0x4290] =	vst v0  }
0x35: {  	[tilespmem:$0x42A0] =	vst v0  }
0x36: {  	[tilespmem:$0x42B0] =	vst v0  }
0x37: {  	[tilespmem:$0x42C0] =	vst v0  }
0x38: {  	[tilespmem:$0x42D0] =	vst v0  }
0x39: {  	[tilespmem:$0x42E0] =	vst v0  }
0x3a: {  	[tilespmem:$0x42F0] =	vst v0  }
0x3b: {  	[spmem:s4] =	stream.linear.scatter [tilespmem:s8], [sflag:$0x6], $0x280, $0x38;
	[tilespmem:$0x4580] =	vst v63  }
0x3c: {  	_ =	swait.ge [sflag:s9], $0x280  }
0x3d: {  	[sflag:s9] =	ssyncset.done $0x0  }
0x3e: {  	[sflag:s9] =	ssyncadd.s32 $0xFFFFFD80  }
0x3f: {  	[tilespmem:$0x4000] =	vst v1  }
0x40: {  	[tilespmem:$0x4010] =	vst v1  }
0x41: {  	[tilespmem:$0x4020] =	vst v1  }
0x42: {  	[tilespmem:$0x4030] =	vst v1  }
0x43: {  	[tilespmem:$0x4040] =	vst v1  }
0x44: {  	[bflag:$0x0] =	sbarrier.arrive $0xFFFF  }
0x45: {  	[tilespmem:s3], [sflag:$0x6] =	stream.linear.gather [hbm4b:s5+s3], $0x3E80, $0x38;
	[tilespmem:$0x4580] =	vst v63  }
0x46: {  	_ =	swait.ge [sflag:s9], $0x3E80  }
0x47: {  	[sflag:s9] =	ssyncset.done $0x0  }
0x48: {  	[sflag:s9] =	ssyncadd.s32 $0xFFFFC180  }
0x49: {  	[spmem:s2] =	stream.indirect.scatter.add.f32 [tilespmem:s11], [sflag:$0x1], $0x1, s3, s10, $0xb8;
	[tilespmem:$0x4580] =	vst v63  }
0x4a: {  	_ = 	snop  }
0x4b: {  	[spmem:s2] =	stream.indirect.scatter.add.f32 [tilespmem:s11], [sflag:$0x2], $0x1, s12, s10, $0xb8;
	[tilespmem:$0x4580] =	vst v63  }
0x4c: {  	_ = 	snop  }
0x4d: {  	[spmem:s2] =	stream.indirect.scatter.add.f32 [tilespmem:s11], [sflag:$0x3], $0x1, s13, s10, $0xb8;
	[tilespmem:$0x4580] =	vst v63  }
0x4e: {  	_ = 	snop  }
0x4f: {  	[spmem:s2] =	stream.indirect.scatter.add.f32 [tilespmem:s11], [sflag:$0x4], $0x1, s14, s10, $0xb8;
	[tilespmem:$0x4580] =	vst v63  }
0x50: {  	_ = 	snop  }
0x51: {  	[spmem:s2] =	stream.indirect.scatter.add.f32 [tilespmem:s11], [sflag:$0x5], $0x1, s15, s10, $0xb8;
	[tilespmem:$0x4580] =	vst v63  }
0x52: {  	_ =	swait.ge [sflag:s16], $0x50  }
0x53: {  	[sflag:s16] =	ssyncset.done $0x0  }
0x54: {  	s26 =	simm.s32 $0x280;
	[sflag:s16] =	ssyncadd.s32 $0xFFFFFFB0  }
0x55: {  	[spmem:s2] =	stream.indirect.scatter.add.f32 [tilespmem:s11], [sflag:$0x1], $0x1, s26, s10, $0xb8;
	[tilespmem:$0x4580] =	vst v63  }
0x56: {  	_ =	swait.ge [sflag:s17], $0x50  }
0x57: {  	[sflag:s17] =	ssyncset.done $0x0  }
0x58: {  	s29 =	simm.s32 $0x300;
	[sflag:s17] =	ssyncadd.s32 $0xFFFFFFB0  }
0x59: {  	[spmem:s2] =	stream.indirect.scatter.add.f32 [tilespmem:s11], [sflag:$0x2], $0x1, s29, s10, $0xb8;
	[tilespmem:$0x4580] =	vst v63  }
0x5a: {  	_ =	swait.ge [sflag:s18], $0x50  }
0x5b: {  	[sflag:s18] =	ssyncset.done $0x0  }
0x5c: {  	s30 =	simm.s32 $0x380;
	[sflag:s18] =	ssyncadd.s32 $0xFFFFFFB0  }
0x5d: {  	[spmem:s2] =	stream.indirect.scatter.add.f32 [tilespmem:s11], [sflag:$0x3], $0x1, s30, s10, $0xb8;
	[tilespmem:$0x4580] =	vst v63  }
0x5e: {  	_ =	swait.ge [sflag:s19], $0x50  }
0x5f: {  	[sflag:s19] =	ssyncset.done $0x0  }
0x60: {  	s31 =	simm.s32 $0x400;
	[sflag:s19] =	ssyncadd.s32 $0xFFFFFFB0  }
0x61: {  	[spmem:s2] =	stream.indirect.scatter.add.f32 [tilespmem:s11], [sflag:$0x4], $0x1, s31, s10, $0xb8;
	[tilespmem:$0x4580] =	vst v63  }
0x62: {  	_ =	swait.ge [sflag:s20], $0x50  }
0x63: {  	[sflag:s20] =	ssyncset.done $0x0  }
0x64: {  	s28 =	simm.s32 $0x480;
	s26 =	simm.s32 $0xFFFF1A00;
	[sflag:s20] =	ssyncadd.s32 $0xFFFFFFB0  }
.LBB2_2:
0x65: {  	[spmem:s2] =	stream.indirect.scatter.add.f32 [tilespmem:s11], [sflag:$0x5], $0x1, s28, s10, $0xb8;
	[tilespmem:$0x4580] =	vst v63  }
0x66: {  	s28 =	smov.u32 s26  }
0x67: {  	p0 =	sne.s32 s26, $0xFFFFF600;
	s26 =	sadd.s32 $0xA00, s26;
	_ =	swait.ge [sflag:s16], $0x50  }
0x68: {  	s28 =	sshra.s32 s28, $0x2;
	[sflag:s16] =	ssyncset.done $0x0  }
0x69: {  	s29 =	sadd.s32 $0x3E80, s28;
	[sflag:s16] =	ssyncadd.s32 $0xFFFFFFB0  }
0x6a: {  	[spmem:s2] =	stream.indirect.scatter.add.f32 [tilespmem:s11], [sflag:$0x1], $0x1, s29, s10, $0xb8;
	[tilespmem:$0x4580] =	vst v63  }
0x6b: {  	_ =	swait.ge [sflag:s17], $0x50  }
0x6c: {  	[sflag:s17] =	ssyncset.done $0x0  }
0x6d: {  	s29 =	sadd.s32 $0x3F00, s28;
	[sflag:s17] =	ssyncadd.s32 $0xFFFFFFB0  }
0x6e: {  	[spmem:s2] =	stream.indirect.scatter.add.f32 [tilespmem:s11], [sflag:$0x2], $0x1, s29, s10, $0xb8;
	[tilespmem:$0x4580] =	vst v63  }
0x6f: {  	_ =	swait.ge [sflag:s18], $0x50  }
0x70: {  	[sflag:s18] =	ssyncset.done $0x0  }
0x71: {  	s29 =	sadd.s32 $0x3F80, s28;
	[sflag:s18] =	ssyncadd.s32 $0xFFFFFFB0  }
0x72: {  	[spmem:s2] =	stream.indirect.scatter.add.f32 [tilespmem:s11], [sflag:$0x3], $0x1, s29, s10, $0xb8;
	[tilespmem:$0x4580] =	vst v63  }
0x73: {  	_ =	swait.ge [sflag:s19], $0x50  }
0x74: {  	[sflag:s19] =	ssyncset.done $0x0  }
.Ltmp0:
0x75: {  	s29 =	sadd.s32 $0x4000, s28;
	[sflag:s19] =	ssyncadd.s32 $0xFFFFFFB0;
	(pc) =	sbr.rel @p0 .LBB2_2-.Ltmp0, $4  }
0x76: {  	[spmem:s2] =	stream.indirect.scatter.add.f32 [tilespmem:s11], [sflag:$0x4], $0x1, s29, s10, $0xb8;
	[tilespmem:$0x4580] =	vst v63  }
0x77: {  	_ =	swait.ge [sflag:s20], $0x50  }
0x78: {  	[sflag:s20] =	ssyncset.done $0x0  }
0x79: {  	s28 =	sadd.s32 $0x4080, s28;
	[sflag:s20] =	ssyncadd.s32 $0xFFFFFFB0  }
0x7a: {  	[spmem:s2] =	stream.indirect.scatter.add.f32 [tilespmem:s11], [sflag:$0x5], $0x1, s28, s10, $0xb8;
	[tilespmem:$0x4580] =	vst v63  }
0x7b: {  	_ =	swait.ge [sflag:s16], $0x50  }
0x7c: {  	[sflag:s16] =	ssyncset.done $0x0  }
0x7d: {  	[sflag:s16] =	ssyncadd.s32 $0xFFFFFFB0  }
0x7e: {  	_ =	swait.ge [sflag:s17], $0x50  }
0x7f: {  	[sflag:s17] =	ssyncset.done $0x0  }
0x80: {  	[sflag:s17] =	ssyncadd.s32 $0xFFFFFFB0  }
0x81: {  	_ =	swait.ge [sflag:s18], $0x50  }
0x82: {  	[sflag:s18] =	ssyncset.done $0x0  }
0x83: {  	[sflag:s18] =	ssyncadd.s32 $0xFFFFFFB0  }
0x84: {  	_ =	swait.ge [sflag:s19], $0x50  }
0x85: {  	[sflag:s19] =	ssyncset.done $0x0  }
0x86: {  	[sflag:s19] =	ssyncadd.s32 $0xFFFFFFB0  }
0x87: {  	_ =	swait.ge [sflag:s20], $0x50  }
0x88: {  	s25 =	sadd.s32 $0x1, s25;
	[sflag:s20] =	ssyncset.done $0x0  }
0x89: {  	p0 =	sne.s32 s25, s7;
	[sflag:s20] =	ssyncadd.s32 $0xFFFFFFB0  }
.Ltmp1:
0x8a: {  	[bflag:$0x0] =	sbarrier.arrive $0xFFFF;
	(pc) =	sbr.rel @p0 .LBB2_1-.Ltmp1, $4  }
0x8b: {  	[hbm:s6@s23], [sflag:s21] =	dma.strided [spmem:s22@s24], $0x50, s16, $0x10   }
0x8c: {  	_ =	swait.ge [sflag:s9], $0x50  }
0x8d: {  	[sflag:s9] =	ssyncset.done $0x0  }
0x8e: {  	[sflag:s9] =	ssyncadd.s32 $0xFFFFFFB0  }
0x8f: {  	_ =	sfence.sel $0x180000  }
0x90: {  	[bflag:$0x0] =	sbarrier.arrive $0xFFFF  }
0x91: {  	p0 =	sne.s32 s1, $0x0;
	_ =	strace $0x90000047  }
0x92: {  	s0 =	sadd.s32 @!p0 $0x100000, s0;
	[bflag:$0x2] =	sbarrier.arrive $0xFFFF  }
0x93: {  	[sflag:s0] =	ssyncadd.tile.s32 @!p0 $0x1;
	_ =	shalt  }
.Lfunc_end2:
_tile_overlayer_lowered:
.L_overlay_start_2:
0x94: {  	(tag) =	ssettag $0x2  }
0x95: {  	s0 =	rddreg [dreg:$0x0];
	s2 =	stileid.u32  }
0x96: {  	s1 =	rddreg [dreg:$0x1];
	p0 =	sne.s32 s2, $0x0  }
0x97: {  	s3 =	rddreg [dreg:$0x2];
	[bflag:$0x3] =	sbarrier.arrive $0xFFFF;
	s2 =	simm.s32 @!p0 $0x1C06  }
0x98: {  	[timem:s3], [sflag:s2] =	dma.local @!p0 [hbm:s0], s1  }
0x99: {  	s0 =	simm.s32 @!p0 $0x6  }
0x9a: {  	_ =	swait.ge @!p0 [sflag:s0], s1  }
0x9b: {  	s1 =	ssub.s32 @!p0 $0x0, s1;
	[sflag:s0] =	ssyncset.done @!p0 $0x0  }
0x9c: {  	[sflag:s0] =	ssyncadd.s32 @!p0 s1  }
0x9d: {  	[bflag:$0x3] =	sbarrier.arrive $0xFFFF  }
0x9e: {  	_ =	shalt  }

// kernel: kernel.9.cloned.1.call-start
scs
__scs_entry_jumppad:
0x0: {  	(pc) =	sbr.rel $0x88, $3  }
0x1: {  	(tag) =	ssettag $0x0;
	lr =	simm.s32 $0x1  }
0x2: {  	[smem:$0x3F9B] =	sst lr;
	_ =	strace $0xD0000000  }
0x3: {  	_ = 	snop  }
0x4: {  	_ = 	snop  }
0x5: {  	_ = 	snop  }
0x6: {  	_ = 	snop  }
0x7: {  	_ = 	snop  }
__scs_overlays_trampoline_lowered:
0x8: {  	[smem:$0x3FAA] =	sst s0  }
0x9: {  	[smem:$0x3FAB] =	sst s1  }
0xa: {  	[smem:$0x3FAC] =	sst s2  }
0xb: {  	[smem:$0x3FAD] =	sst s3  }
0xc: {  	[smem:$0x3FAE] =	sst s4  }
0xd: {  	[smem:$0x3FAF] =	sst s5  }
0xe: {  	[smem:$0x3FB0] =	sst s6  }
0xf: {  	[smem:$0x3FB1] =	sst s7  }
0x10: {  	[smem:$0x3FB2] =	sst s8  }
0x11: {  	[smem:$0x3FB3] =	sst s9;
	s0 =	simm.s32 @!p0 $0x0  }
0x12: {  	s1 =	sld [smem:$0x3F99];
	s0 =	simm.s32 @p0 $0x1  }
0x13: {  	[smem:$0x3FB4] =	sst s0;
	s0 =	simm.s32 @!p1 $0x0  }
0x14: {  	s2 =	sld [smem:$0x3F98];
	s0 =	simm.s32 @p1 $0x1  }
0x15: {  	[smem:$0x3FB5] =	sst s0;
	s0 =	simm.s32 @!p2 $0x0  }
0x16: {  	s3 =	sld [smem:$0x3FDB];
	s0 =	simm.s32 @p2 $0x1  }
0x17: {  	s4 =	simm.s32 $0x1BF5;
	[smem:$0x3FB7] =	sst s0  }
0x18: {  	s0 =	sld [smem:$0x3F9A];
	_ =	swait.ge [sflag:s4], $0x0  }
0x19: {  	s7 =	sld [smem:$0x3F9B]  }
0x1a: {  	s8 =	sadd.s32 $0xFFFFE003, lr  }
0x1b: {  	s9 =	sadd.s32 $0xFFFFFEF7, lr;
	s5 =	simm.s32 $0xFFFFFFFF;
	p2 =	slt.u32 s8, $0xFFFFF086  }
0x1c: {  	p1 =	slt.u32 s9, $0xF7A;
	s5 =	simm.s32 @!p2 $0x0  }
0x1d: {  	s5 =	simm.s32 @p1 $0x1;
	p0 =	seq.s32 s7, s2  }
0x1e: {  	s7 =	smul.u32 @!p0 $0xF7A, s2;
	p2 =	seq.s32 @!p0 s5, $0x0  }
0x1f: {  	s9 =	smul.u32 $0xF7A, s1;
	s8 =	simm.s32 @!p0 $0x1BF5;
	p2 =	por !p2, p0  }
0x20: {  	[sflag:s8] =	ssyncset.s32 @!p0 $0xFFFFF086;
	s6 =	sadd.s32 @!p0 s3, s7;
	s7 =	simm.s32 @!p0 $0x108  }
0x21: {  	s3 =	sadd.s32 s3, s9;
	s6 =	sadd.s32 @!p0 $0x88, s6;
	s7 =	simm.s32 @p2 $0x1082  }
0x22: {  	[simem:s7], [sflag:s8] =	dma.local @!p0 [hbm:s6], $0xF7A  }
0x23: {  	s9 =	sor.u32 $0xD0000000, s2;
	s6 =	simm.s32 $0x108;
	_ =	swait.ge @!p0 [sflag:s8], $0x0  }
0x24: {  	s3 =	sadd.s32 $0x88, s3;
	s6 =	simm.s32 @!p1 $0x1082;
	[sflag:s4] =	ssyncset.s32 $0xFFFFF086  }
0x25: {  	[simem:s6], [sflag:s4] =	dma.local [hbm:s3], $0xF7A  }
0x26: {  	[smem:$0x3F9B] =	sst s1;
	(tag) =	ssettag s2;
	_ =	strace s9  }
0x27: {  	s1 =	sld [smem:$0x3FAB]  }
0x28: {  	s2 =	sld [smem:$0x3FAC]  }
0x29: {  	s4 =	sld [smem:$0x3FAE]  }
0x2a: {  	p0 =	seq.s32 s5, $0x0;
	s5 =	sld [smem:$0x3FAF]  }
0x2b: {  	s6 =	sld [smem:$0x3FB0]  }
0x2c: {  	s7 =	sld [smem:$0x3FB1]  }
0x2d: {  	s3 =	simm.s32 $0x108;
	s8 =	sld [smem:$0x3FB2]  }
0x2e: {  	s3 =	simm.s32 @!p0 $0x1082;
	s9 =	sld [smem:$0x3FB3]  }
0x2f: {  	lr =	sadd.s32 s0, s3;
	s0 =	sld [smem:$0x3FAA]  }
0x30: {  	s3 =	sld [smem:$0x3FAD]  }
0x31: {  	[smem:$0x3FB6] =	sst s10  }
0x32: {  	s10 =	sld [smem:$0x3FB4];
	_ =	sdelay $0x3  }
0x33: {  	p0 =	seq.s32 s10, $0x1;
	s10 =	sld [smem:$0x3FB6];
	_ =	sdelay $0x3  }
0x34: {  	[smem:$0x3FB6] =	sst s10  }
0x35: {  	s10 =	sld [smem:$0x3FB5];
	_ =	sdelay $0x3  }
0x36: {  	p1 =	seq.s32 s10, $0x1;
	s10 =	sld [smem:$0x3FB6];
	_ =	sdelay $0x3  }
0x37: {  	[smem:$0x3FB6] =	sst s10  }
0x38: {  	s10 =	sld [smem:$0x3FB7]  }
0x39: {  	_ = 	snop;
	(pc) =	sbr.ind lr, $3  }
0x3a: {  	_ = 	snop  }
0x3b: {  	_ = 	snop  }
0x3c: {  	p2 =	seq.s32 s10, $0x1;
	s10 =	sld [smem:$0x3FB6]  }
0x3d: {  	_ =	shalt  }
0x3e: {  	_ =	shalt  }
0x3f: {  	_ =	shalt  }
0x40: {  	_ =	shalt  }
0x41: {  	_ =	shalt  }
0x42: {  	_ =	shalt  }
0x43: {  	_ =	shalt  }
0x44: {  	_ =	shalt  }
0x45: {  	_ =	shalt  }
0x46: {  	_ =	shalt  }
0x47: {  	_ =	shalt  }
0x48: {  	_ =	shalt  }
0x49: {  	_ =	shalt  }
0x4a: {  	_ =	shalt  }
0x4b: {  	_ =	shalt  }
0x4c: {  	_ =	shalt  }
0x4d: {  	_ =	shalt  }
0x4e: {  	_ =	shalt  }
0x4f: {  	_ =	shalt  }
0x50: {  	_ =	shalt  }
0x51: {  	_ =	shalt  }
0x52: {  	_ =	shalt  }
0x53: {  	_ =	shalt  }
0x54: {  	_ =	shalt  }
0x55: {  	_ =	shalt  }
0x56: {  	_ =	shalt  }
0x57: {  	_ =	shalt  }
0x58: {  	_ =	shalt  }
0x59: {  	_ =	shalt  }
0x5a: {  	_ =	shalt  }
0x5b: {  	_ =	shalt  }
0x5c: {  	_ =	shalt  }
0x5d: {  	_ =	shalt  }
0x5e: {  	_ =	shalt  }
0x5f: {  	_ =	shalt  }
0x60: {  	_ =	shalt  }
0x61: {  	_ =	shalt  }
0x62: {  	_ =	shalt  }
0x63: {  	_ =	shalt  }
0x64: {  	_ =	shalt  }
0x65: {  	_ =	shalt  }
0x66: {  	_ =	shalt  }
0x67: {  	_ =	shalt  }
0x68: {  	_ =	shalt  }
0x69: {  	_ =	shalt  }
0x6a: {  	_ =	shalt  }
0x6b: {  	_ =	shalt  }
0x6c: {  	_ =	shalt  }
0x6d: {  	_ =	shalt  }
0x6e: {  	_ =	shalt  }
0x6f: {  	_ =	shalt  }
0x70: {  	_ =	shalt  }
0x71: {  	_ =	shalt  }
0x72: {  	_ =	shalt  }
0x73: {  	_ =	shalt  }
0x74: {  	_ =	shalt  }
0x75: {  	_ =	shalt  }
0x76: {  	_ =	shalt  }
0x77: {  	_ =	shalt  }
0x78: {  	_ =	shalt  }
0x79: {  	_ =	shalt  }
0x7a: {  	_ =	shalt  }
0x7b: {  	_ =	shalt  }
0x7c: {  	_ =	shalt  }
0x7d: {  	_ =	shalt  }
0x7e: {  	_ =	shalt  }
0x7f: {  	_ =	shalt  }
0x80: {  	_ =	shalt  }
0x81: {  	_ =	shalt  }
0x82: {  	_ =	shalt  }
0x83: {  	_ =	shalt  }
0x84: {  	_ =	shalt  }
0x85: {  	_ =	shalt  }
0x86: {  	_ =	shalt  }
0x87: {  	_ =	shalt  }
.Lfunc_end0:
.L_simem_size_0:
called_computation.1_lowered:
.L_overlay_start_0:
0x88: {  	s2 =	sld [smem:$0x3FD9]  }
0x89: {  	s3 =	sld [smem:$0x3FFE];
	_ =	sdelay $0x1  }
0x8a: {  	s1 =	srdreg.scid  }
0x8b: {  	s0 =	sand.u32 $0x1, s1  }
0x8c: {  	s17 =	sshll.u32 s0, $0xA;
	s2 =	sadd.s32 s3, s2  }
0x8d: {  	s2 =	sadd.s32 s2, s17  }
0x8e: {  	[smem:$0x3FC2] =	sst s2  }
0x8f: {  	_ = 	snop  }
0x90: {  	s2 =	sld [smem:$0x3FD0];
	(tm) =	ssettm $0x1  }
0x91: {  	s18 =	sld [smem:$0x3FFB];
	_ =	sdelay $0x3  }
0x92: {  	_ =	strace s18  }
0x93: {  	s3 =	sld [smem:$0x3FFC];
	_ =	sdelay $0x3  }
0x94: {  	_ =	strace s3  }
0x95: {  	s3 =	sld [smem:$0x3FFD];
	_ =	sdelay $0x3  }
0x96: {  	_ =	strace s3  }
0x97: {  	_ =	strace $0x8FFFFFFF  }
0x98: {  	s19 =	sld [smem:$0x3FDB];
	_ =	sdelay $0x1  }
0x99: {  	s4 =	simm.s32 $_scs_section_size  }
0x9a: {  	s5 =	simm.s32 $_size__tile_overlayer_lowered;
	s6 =	simm.s32 $_tile_overlayer_lowered  }
0x9b: {  	s22 =	simm.s32 $0x1BFF;
	s21 =	sshll.u32 s6, $0x1;
	s3 =	sadd.s32 s4, s19  }
0x9c: {  	s7 =	simm.s32 $0x0;
	s20 =	sshll.u32 s5, $0x1;
	s5 =	sadd.s32 s21, s3  }
0x9d: {  	[timem:s7], [sflag:s22] =	dma.local [hbm:s5], s20  }
0x9e: {  	_ =	swait.ge [sflag:s22], s20  }
0x9f: {  	s4 =	ssub.s32 $0x0, s20;
	[sflag:s22] =	ssyncset.done $0x0  }
0xa0: {  	[sflag:s22] =	ssyncadd.s32 s4;
	_ =	sdelay $0x1  }
0xa1: {  	s23 =	simm.s32 $0x1B8B  }
0xa2: {  	_ =	swait.ge [sflag:s23], $0x1  }
0xa3: {  	[sflag:s23] =	ssyncset.done $0x0  }
0xa4: {  	s25 =	simm.s32 $0x1B8E;
	s24 =	sld [smem:$0x3FFE];
	[sflag:s23] =	ssyncadd.s32 $0xFFFFFFFF  }
0xa5: {  	s26 =	simm.s32 $execute0_lowered;
	[smem:$0x3FD2] =	sst s25  }
0xa6: {  	s5 =	sshll.u32 s26, $0x1;
	_ =	strace $0x80000049;
	[dreg:$0x1] =	wrdreg $0xFFFFFFFF  }
0xa7: {  	s28 =	simm.s32 $_size_execute0_lowered;
	s3 =	sadd.s32 s3, s5;
	[dreg:$0x0] =	wrdreg $0x0  }
0xa8: {  	s5 =	sshll.u32 s28, $0x1;
	[dreg:$0x2] =	wrdreg s3  }
0xa9: {  	[dreg:$0x3] =	wrdreg s5  }
0xaa: {  	[dreg:$0x4] =	wrdreg $0xC0  }
0xab: {  	_ =	task [dreg:s7], $0x5FFFF  }
0xac: {  	[dreg:$0x1] =	wrdreg $0xFFFFFFFF  }
0xad: {  	[dreg:$0x0] =	wrdreg $0x60  }
0xae: {  	[dreg:$0x2] =	wrdreg s24  }
0xaf: {  	[dreg:$0x3] =	wrdreg s2  }
0xb0: {  	[dreg:$0x4] =	wrdreg $0x8F800  }
0xb1: {  	[dreg:$0x5] =	wrdreg $0x9  }
0xb2: {  	_ =	task.clear_ibuf [dreg:s7], $0x6FFFF;
	_ =	strace $0x90000049  }
0xb3: {  	s29 =	simm.s32 $0x9;
	_ =	strace $0x8000004B  }
0xb4: {  	_ =	swait.ge [sflag:s29], $0x1  }
0xb5: {  	[sflag:s29] =	ssyncadd.s32 $0xFFFFFFFF  }
0xb6: {  	_ =	strace $0x9000004B  }
0xb7: {  	_ =	sfence  }
0xb8: {  	s30 =	sld [smem:$0x0];
	_ =	sdelay $0x2  }
0xb9: {  	s31 =	sshll.u32 s1, $0xD;
	s1 =	sshrl.u32 s1, $0x2  }
0xba: {  	s3 =	sand.u32 $0x4000, s31;
	s1 =	sadd.s32 s1, s30  }
0xbb: {  	s0 =	sor.u32 s3, s0;
	s1 =	sshll.u32 s1, $0x11  }
0xbc: {  	s0 =	sor.u32 s1, s0  }
0xbd: {  	s0 =	sadd.s32 $0x8F2B, s0  }
0xbe: {  	[sflag:s0] =	ssyncadd.remote.s32 $0x1  }
0xbf: {  	_ =	sfence.sel $0xFFFF  }
0xc0: {  	[dreg:$0x0] =	wrdreg $0xFFFFFFFF;
	(pc) =	sbr.abs _section_cstart, $3  }
0xc1: {  	[dreg:$0x1] =	wrdreg $0xFFFFFFFF  }
0xc2: {  	_ =	task.clear_ibuf [dreg:s7], $0x2FFFF;
	_ =	strace $0x9FFFFFFF  }
0xc3: {  	(tm) =	ssettm $0x7FFFFFFF  }
tec
execute0_lowered:
.L_overlay_start_1:
0x0: {  	(tag) =	ssettag $0x1  }
0x1: {  	s1 =	rddreg [dreg:$0x0]  }
0x2: {  	s0 =	srdreg.scid;
	s2 =	rddreg [dreg:$0x1]  }
0x3: {  	s12 =	stileid.u32;
	s28 =	rddreg [dreg:$0x2]  }
0x4: {  	s29 =	simm.s32 $0x0;
	s31 =	simm.s32 $0x6780;
	s7 =	smul.u32 $0x14000, s12  }
0x5: {  	s30 =	simm.s32 $0x8;
	s0 =	sand.u32 $0x1, s0;
	s11 =	smul.u32 $0x50000, s12  }
0x6: {  	[smem:$0x7FF] =	sst s29;
	s13 =	sadd.s32 $0xB400, s1;
	s15 =	smul.u32 $0x2800, s12  }
0x7: {  	s3 =	sshll.u32 s12, $0x1;
	s16 =	sadd.s32 $0x138800, s28;
	s17 =	sadd.s32 $0x139C00, s28  }
0x8: {  	s18 =	sadd.s32 $0x13B000, s28;
	_ =	strace $0x8000004A;
	[dreg:$0x8] =	wrdreg s16  }
0x9: {  	s19 =	sadd.s32 $0x13C400, s28;
	s20 =	smul.u32 $0x4E20, s12;
	[dreg:$0x9] =	wrdreg s17  }
0xa: {  	s21 =	sadd.s32 $0x13D800, s28;
	s4 =	sor.u32 s0, s3;
	[dreg:$0xa] =	wrdreg s18  }
0xb: {  	s6 =	smul.u32 $0x140000, s0;
	s3 =	ssub.s32 $0x2, s0;
	[dreg:$0xb] =	wrdreg s19  }
0xc: {  	p0 =	seq.s32 s0, $0x1;
	[dreg:$0xc] =	wrdreg s21;
	s0 =	smul.u32 $0x2710, s0  }
0xd: {  	p1 =	seq.s32 s12, $0xF;
	[dreg:$0x4] =	wrdreg s13;
	s5 =	smul.u32 $0x2710, s4  }
0xe: {  	s10 =	sshrl.u32 s3, $0x1;
	s14 =	sshrl.u32 s11, $0x2;
	s6 =	sadd.s32 s7, s6  }
0xf: {  	s4 =	ssub.s32 s3, s10;
	s11 =	sadd.s32 s14, s28;
	s14 =	sadd.s32 $0x25800, s2  }
0x10: {  	s10 =	sadd.s32 s2, s15;
	s0 =	sadd.s32 s0, s20;
	[dreg:$0x6] =	wrdreg s14  }
0x11: {  	[dreg:$0x7] =	wrdreg s10;
	s23 =	sadd.s32 $0x168, s0;
	s24 =	smax.u32 s4, $0x1  }
0x12: {  	s26 =	sadd.s32 $0x140, s0;
	s2 =	sadd.s32 $0x118, s0;
	[dreg:$0x5] =	wrdreg s11  }
0x13: {  	s3 =	sadd.s32 $0xF0, s0;
	s0 =	sadd.s32 $0xC8, s0;
	[dreg:$0x12] =	wrdreg s24  }
0x14: {  	s7 =	sadd.s32 $0x12C000, s28;
	s10 =	sadd.s32 $0x3C00, s11;
	[dreg:$0x17] =	wrdreg s0  }
0x15: {  	s8 =	sshrl.u32 s5, $0x3;
	s12 =	sadd.s32 $0x5000, s11;
	[dreg:$0x1c] =	wrdreg s10  }
0x16: {  	s6 =	sshrl.u32 s6, $0x3;
	s14 =	sadd.s32 $0x6400, s11;
	[dreg:$0x1d] =	wrdreg s12  }
0x17: {  	s22 =	sadd.s32 $0x28, s5;
	s15 =	sadd.s32 $0x7800, s11;
	[dreg:$0x1e] =	wrdreg s14  }
0x18: {  	s5 =	sadd.s32 $0x78, s5;
	s16 =	sadd.s32 $0x8C00, s11;
	[dreg:$0x1f] =	wrdreg s15  }
0x19: {  	s17 =	sadd.s32 $0xA000, s11;
	s18 =	sadd.s32 $0xB400, s11;
	[smem:$0x7F3] =	sst s16  }
0x1a: {  	s19 =	sadd.s32 $0xC800, s11;
	s20 =	sadd.s32 $0xDC00, s11;
	[smem:$0x7F4] =	sst s17  }
0x1b: {  	s21 =	sadd.s32 $0xF000, s11;
	s9 =	sadd.s32 s8, s1;
	[smem:$0x7F5] =	sst s18  }
0x1c: {  	s1 =	sadd.s32 s6, s1;
	s5 =	sshrl.u32 s5, $0x3;
	[smem:$0x7F6] =	sst s19  }
0x1d: {  	s25 =	sshrl.u32 s23, $0x3;
	s0 =	sshrl.u32 @p1 s7, $0x3;
	[smem:$0x7F7] =	sst s20  }
0x1e: {  	s6 =	sadd.s32 $0x13EC00, s28;
	s7 =	sadd.s32 $0x1400, s11;
	[smem:$0x7F8] =	sst s21  }
0x1f: {  	s23 =	sadd.s32 $0x11800, s11;
	s24 =	sadd.s32 $0x12C00, s11;
	s10 =	simm.s32 $0x2B80  }
0x20: {  	s12 =	simm.s32 $0x11;
	s14 =	simm.s32 $0x2880;
	s16 =	simm.s32 $0x5380  }
0x21: {  	s17 =	simm.s32 $0x2900;
	s15 =	simm.s32 $0x2980;
	[dreg:$0x18] =	wrdreg s0  }
0x22: {  	s18 =	simm.s32 $0x7B80;
	s19 =	simm.s32 $0xB;
	[dreg:$0x19] =	wrdreg s6  }
0x23: {  	s20 =	simm.s32 $0x2;
	s21 =	simm.s32 $0xC;
	[dreg:$0x1a] =	wrdreg s7  }
0x24: {  	s9 =	sadd.s32 $0x1600, s9;
	s5 =	sadd.s32 s13, s5;
	[smem:$0x7FA] =	sst s23  }
0x25: {  	s1 =	sadd.s32 $0x15200, s1;
	[smem:$0x7FB] =	sst s24;
	s0 =	simm.s32 $0x3F80  }
0x26: {  	s23 =	simm.s32 $0xD;
	s24 =	simm.s32 $0x4;
	[dreg:$0xd] =	wrdreg s9  }
0x27: {  	s6 =	simm.s32 $0xE;
	s7 =	simm.s32 $0x5;
	[dreg:$0x10] =	wrdreg s5  }
0x28: {  	s9 =	sadd.s32 s13, s8;
	[dreg:$0x11] =	wrdreg s1;
	s1 =	sadd.s32 s25, s13  }
0x29: {  	s8 =	sshrl.u32 s22, $0x3;
	s22 =	sadd.s32 $0x10400, s11;
	[dreg:$0x13] =	wrdreg s1  }
0x2a: {  	s5 =	sshrl.u32 s2, $0x3;
	s2 =	simm.s32 $0xF;
	[smem:$0x7F9] =	sst s22  }
0x2b: {  	s8 =	sadd.s32 s13, s8;
	s1 =	sshrl.u32 s26, $0x3;
	[dreg:$0xe] =	wrdreg s9  }
0x2c: {  	s4 =	sadd.s32 s5, s13;
	s5 =	sshrl.u32 s3, $0x3;
	[dreg:$0xf] =	wrdreg s8  }
0x2d: {  	s25 =	sadd.s32 $0xA, s9;
	s26 =	sadd.s32 $0x14, s9;
	[dreg:$0x15] =	wrdreg s4  }
0x2e: {  	s9 =	simm.s32 $0x28;
	s22 =	simm.s32 $0x3;
	[smem:$0x7FC] =	sst s25  }
0x2f: {  	s3 =	simm.s32 $0x6;
	s1 =	sadd.s32 s1, s13;
	[smem:$0x7FD] =	sst s26  }
0x30: {  	s8 =	sadd.s32 $0x2800, s11;
	s25 =	simm.s32 $0x2780;
	[dreg:$0x14] =	wrdreg s1  }
0x31: {  	s26 =	simm.s32 $0x2800;
	s1 =	sadd.s32 s5, s13;
	[dreg:$0x1b] =	wrdreg s8  }
0x32: {  	v0 =	vimm.f32 $0.0e+00;
	s4 =	simm.s32 $0x7;
	s5 =	simm.s32 $0x0;
	[dreg:$0x16] =	wrdreg s1  }
.LBB2_1:
0x33: {  	[smem:$0x7F2] =	sst s5;
	s1 =	simm.s32 $0x0;
	s5 =	simm.s32 $0x200  }
.LBB2_2:
0x34: {  	p2 =	sne.s32 s5, $0x4E00;
	[tilespmem:s1+$0x2BF0] =	vst v0  }
0x35: {  	[tilespmem:s1+$0x2B80] =	vst v0  }
0x36: {  	[tilespmem:s1+$0x2B90] =	vst v0  }
.Ltmp0:
0x37: {  	[tilespmem:s1+$0x2BA0] =	vst v0;
	(pc) =	sbr.rel @p2 .LBB2_2-.Ltmp0, $4  }
0x38: {  	[tilespmem:s1+$0x2BB0] =	vst v0  }
0x39: {  	[tilespmem:s1+$0x2BC0] =	vst v0  }
0x3a: {  	[tilespmem:s1+$0x2BD0] =	vst v0  }
0x3b: {  	[tilespmem:s1+$0x2BE0] =	vst v0;
	s1 =	sshra.s32 s5, $0x2;
	s5 =	sadd.s32 $0x200, s5  }
0x3c: {  	[tilespmem:s1+$0x2BF0] =	vst v0  }
0x3d: {  	[tilespmem:s1+$0x2B80] =	vst v0  }
0x3e: {  	[tilespmem:s1+$0x2B90] =	vst v0  }
.Ltmp1:
0x3f: {  	[tilespmem:s1+$0x2BA0] =	vst v0;
	(pc) =	sbr.rel @!p0 .LBB2_4-.Ltmp1, $4  }
0x40: {  	[tilespmem:s1+$0x2BB0] =	vst v0  }
0x41: {  	[tilespmem:s1+$0x2BC0] =	vst v0  }
0x42: {  	[tilespmem:s1+$0x2BD0] =	vst v0  }
0x43: {  	[tilespmem:s1+$0x2BE0] =	vst v0  }
0x44: {  	[spmem:s11] =	stream.linear.scatter [tilespmem:s10], [sflag:$0x10], $0x1400, $0x38;
	[tilespmem:$0x1CF80] =	vst v63  }
0x45: {  	s1 =	rddreg [dreg:$0x1a]  }
0x46: {  	s8 =	rddreg [dreg:$0x1b]  }
0x47: {  	[spmem:s1] =	stream.linear.scatter [tilespmem:s10], [sflag:$0x10], $0x1400, $0x38;
	[tilespmem:$0x1CF80] =	vst v63  }
0x48: {  	s11 =	rddreg [dreg:$0x1c]  }
0x49: {  	[spmem:s8] =	stream.linear.scatter [tilespmem:s10], [sflag:$0x10], $0x1400, $0x38;
	[tilespmem:$0x1CF80] =	vst v63  }
0x4a: {  	s13 =	rddreg [dreg:$0x1d]  }
0x4b: {  	[spmem:s11] =	stream.linear.scatter [tilespmem:s10], [sflag:$0x10], $0x1400, $0x38;
	[tilespmem:$0x1CF80] =	vst v63  }
0x4c: {  	s5 =	rddreg [dreg:$0x1e]  }
0x4d: {  	[spmem:s13] =	stream.linear.scatter [tilespmem:s10], [sflag:$0x10], $0x1400, $0x38;
	[tilespmem:$0x1CF80] =	vst v63  }
0x4e: {  	s8 =	rddreg [dreg:$0x1f]  }
0x4f: {  	[spmem:s5] =	stream.linear.scatter [tilespmem:s10], [sflag:$0x10], $0x1400, $0x38;
	[tilespmem:$0x1CF80] =	vst v63  }
0x50: {  	s11 =	sld [smem:$0x7F3]  }
0x51: {  	[spmem:s8] =	stream.linear.scatter [tilespmem:s10], [sflag:$0x10], $0x1400, $0x38;
	[tilespmem:$0x1CF80] =	vst v63  }
0x52: {  	s13 =	sld [smem:$0x7F4]  }
0x53: {  	[spmem:s11] =	stream.linear.scatter [tilespmem:s10], [sflag:$0x10], $0x1400, $0x38;
	[tilespmem:$0x1CF80] =	vst v63  }
0x54: {  	s5 =	sld [smem:$0x7F5]  }
0x55: {  	[spmem:s13] =	stream.linear.scatter [tilespmem:s10], [sflag:$0x10], $0x1400, $0x38;
	[tilespmem:$0x1CF80] =	vst v63  }
0x56: {  	s8 =	sld [smem:$0x7F6]  }
0x57: {  	[spmem:s5] =	stream.linear.scatter [tilespmem:s10], [sflag:$0x10], $0x1400, $0x38;
	[tilespmem:$0x1CF80] =	vst v63  }
0x58: {  	s11 =	sld [smem:$0x7F7]  }
0x59: {  	[spmem:s8] =	stream.linear.scatter [tilespmem:s10], [sflag:$0x10], $0x1400, $0x38;
	[tilespmem:$0x1CF80] =	vst v63  }
0x5a: {  	s13 =	sld [smem:$0x7F8]  }
0x5b: {  	[spmem:s11] =	stream.linear.scatter [tilespmem:s10], [sflag:$0x10], $0x1400, $0x38;
	[tilespmem:$0x1CF80] =	vst v63  }
0x5c: {  	s5 =	sld [smem:$0x7F9]  }
0x5d: {  	[spmem:s13] =	stream.linear.scatter [tilespmem:s10], [sflag:$0x10], $0x1400, $0x38;
	[tilespmem:$0x1CF80] =	vst v63  }
0x5e: {  	s8 =	sld [smem:$0x7FA]  }
0x5f: {  	[spmem:s5] =	stream.linear.scatter [tilespmem:s10], [sflag:$0x10], $0x1400, $0x38;
	[tilespmem:$0x1CF80] =	vst v63  }
0x60: {  	s11 =	sld [smem:$0x7FB]  }
0x61: {  	[spmem:s8] =	stream.linear.scatter [tilespmem:s10], [sflag:$0x10], $0x1400, $0x38;
	[tilespmem:$0x1CF80] =	vst v63  }
0x62: {  	s13 =	simm.s32 $0x10  }
0x63: {  	[spmem:s11] =	stream.linear.scatter [tilespmem:s10], [sflag:$0x10], $0x1400, $0x38;
	[tilespmem:$0x1CF80] =	vst v63  }
0x64: {  	_ =	swait.ge [sflag:s13], $0x1400  }
0x65: {  	[sflag:s13] =	ssyncset.done $0x0  }
0x66: {  	[sflag:s13] =	ssyncadd.s32 $0xFFFFEC00  }
0x67: {  	_ =	swait.ge [sflag:s13], $0x1400  }
0x68: {  	[sflag:s13] =	ssyncset.done $0x0  }
0x69: {  	[sflag:s13] =	ssyncadd.s32 $0xFFFFEC00  }
0x6a: {  	_ =	swait.ge [sflag:s13], $0x1400  }
0x6b: {  	[sflag:s13] =	ssyncset.done $0x0  }
0x6c: {  	[sflag:s13] =	ssyncadd.s32 $0xFFFFEC00  }
0x6d: {  	_ =	swait.ge [sflag:s13], $0x1400  }
0x6e: {  	[sflag:s13] =	ssyncset.done $0x0  }
0x6f: {  	[sflag:s13] =	ssyncadd.s32 $0xFFFFEC00  }
0x70: {  	_ =	swait.ge [sflag:s13], $0x1400  }
0x71: {  	[sflag:s13] =	ssyncset.done $0x0  }
0x72: {  	[sflag:s13] =	ssyncadd.s32 $0xFFFFEC00  }
0x73: {  	_ =	swait.ge [sflag:s13], $0x1400  }
0x74: {  	[sflag:s13] =	ssyncset.done $0x0  }
0x75: {  	[sflag:s13] =	ssyncadd.s32 $0xFFFFEC00  }
0x76: {  	_ =	swait.ge [sflag:s13], $0x1400  }
0x77: {  	[sflag:s13] =	ssyncset.done $0x0  }
0x78: {  	[sflag:s13] =	ssyncadd.s32 $0xFFFFEC00  }
0x79: {  	_ =	swait.ge [sflag:s13], $0x1400  }
0x7a: {  	[sflag:s13] =	ssyncset.done $0x0  }
0x7b: {  	[sflag:s13] =	ssyncadd.s32 $0xFFFFEC00  }
0x7c: {  	_ =	swait.ge [sflag:s13], $0x1400  }
0x7d: {  	[sflag:s13] =	ssyncset.done $0x0  }
0x7e: {  	[sflag:s13] =	ssyncadd.s32 $0xFFFFEC00  }
0x7f: {  	_ =	swait.ge [sflag:s13], $0x1400  }
0x80: {  	[sflag:s13] =	ssyncset.done $0x0  }
0x81: {  	[sflag:s13] =	ssyncadd.s32 $0xFFFFEC00  }
0x82: {  	_ =	swait.ge [sflag:s13], $0x1400  }
0x83: {  	[sflag:s13] =	ssyncset.done $0x0  }
0x84: {  	[sflag:s13] =	ssyncadd.s32 $0xFFFFEC00  }
0x85: {  	_ =	swait.ge [sflag:s13], $0x1400  }
0x86: {  	[sflag:s13] =	ssyncset.done $0x0  }
0x87: {  	[sflag:s13] =	ssyncadd.s32 $0xFFFFEC00  }
0x88: {  	_ =	swait.ge [sflag:s13], $0x1400  }
0x89: {  	[sflag:s13] =	ssyncset.done $0x0  }
0x8a: {  	[sflag:s13] =	ssyncadd.s32 $0xFFFFEC00  }
0x8b: {  	_ =	swait.ge [sflag:s13], $0x1400  }
0x8c: {  	[sflag:s13] =	ssyncset.done $0x0  }
0x8d: {  	[sflag:s13] =	ssyncadd.s32 $0xFFFFEC00  }
0x8e: {  	_ =	swait.ge [sflag:s13], $0x1400  }
.Ltmp2:
0x8f: {  	[sflag:s13] =	ssyncset.done $0x0;
	(pc) =	sbr.rel .LBB2_6-.Ltmp2, $4  }
0x90: {  	[sflag:s13] =	ssyncadd.s32 $0xFFFFEC00  }
0x91: {  	_ =	swait.ge [sflag:s13], $0x1400  }
0x92: {  	[sflag:s13] =	ssyncset.done $0x0  }
0x93: {  	s8 =	simm.s32 $0x1;
	[sflag:s13] =	ssyncadd.s32 $0xFFFFEC00  }
.LBB2_4:
0x94: {  	s5 =	rddreg [dreg:$0x6]  }
0x95: {  	s1 =	simm.s32 @p1 $0x1FD1;
	s8 =	rddreg [dreg:$0x18]  }
0x96: {  	[spmem:s8], [sflag:s1] =	dma.local @p1 [hbm:s5], $0x1900  }
0x97: {  	s1 =	simm.s32 @p1 $0x11  }
0x98: {  	_ =	swait.ge @p1 [sflag:s1], $0x1900  }
0x99: {  	[sflag:s1] =	ssyncset.done @p1 $0x0  }
0x9a: {  	s5 =	rddreg [dreg:$0x8];
	[sflag:s1] =	ssyncadd.s32 @p1 $0xFFFFE700;
	s1 =	simm.s32 @p1 $0x2B80  }
0x9b: {  	[spmem:s5] =	stream.linear.scatter @p1 [tilespmem:s1], [sflag:$0x10], $0x1400, $0x38;
	[tilespmem:$0x1CF80] =	vst v63  }
0x9c: {  	s5 =	rddreg [dreg:$0x9]  }
0x9d: {  	[spmem:s5] =	stream.linear.scatter @p1 [tilespmem:s1], [sflag:$0x10], $0x1400, $0x38;
	[tilespmem:$0x1CF80] =	vst v63  }
0x9e: {  	s5 =	rddreg [dreg:$0xa]  }
0x9f: {  	[spmem:s5] =	stream.linear.scatter @p1 [tilespmem:s1], [sflag:$0x10], $0x1400, $0x38;
	[tilespmem:$0x1CF80] =	vst v63  }
0xa0: {  	s5 =	rddreg [dreg:$0xb]  }
0xa1: {  	[spmem:s5] =	stream.linear.scatter @p1 [tilespmem:s1], [sflag:$0x10], $0x1400, $0x38;
	[tilespmem:$0x1CF80] =	vst v63  }
0xa2: {  	s5 =	rddreg [dreg:$0xc]  }
0xa3: {  	[spmem:s5] =	stream.linear.scatter @p1 [tilespmem:s1], [sflag:$0x10], $0x1400, $0x38;
	[tilespmem:$0x1CF80] =	vst v63  }
0xa4: {  	s5 =	rddreg [dreg:$0x19]  }
0xa5: {  	[spmem:s5] =	stream.linear.scatter @p1 [tilespmem:s1], [sflag:$0x10], $0x1400, $0x38;
	[tilespmem:$0x1CF80] =	vst v63  }
0xa6: {  	s1 =	simm.s32 @p1 $0x10  }
0xa7: {  	_ =	swait.ge @p1 [sflag:s1], $0x1400  }
0xa8: {  	[sflag:s1] =	ssyncset.done @p1 $0x0  }
0xa9: {  	[sflag:s1] =	ssyncadd.s32 @p1 $0xFFFFEC00  }
0xaa: {  	_ =	swait.ge @p1 [sflag:s1], $0x1400  }
0xab: {  	[sflag:s1] =	ssyncset.done @p1 $0x0  }
0xac: {  	[sflag:s1] =	ssyncadd.s32 @p1 $0xFFFFEC00  }
0xad: {  	_ =	swait.ge @p1 [sflag:s1], $0x1400  }
0xae: {  	[sflag:s1] =	ssyncset.done @p1 $0x0  }
0xaf: {  	[sflag:s1] =	ssyncadd.s32 @p1 $0xFFFFEC00  }
0xb0: {  	_ =	swait.ge @p1 [sflag:s1], $0x1400  }
0xb1: {  	[sflag:s1] =	ssyncset.done @p1 $0x0  }
0xb2: {  	[sflag:s1] =	ssyncadd.s32 @p1 $0xFFFFEC00  }
0xb3: {  	_ =	swait.ge @p1 [sflag:s1], $0x1400  }
0xb4: {  	[sflag:s1] =	ssyncset.done @p1 $0x0  }
0xb5: {  	[sflag:s1] =	ssyncadd.s32 @p1 $0xFFFFEC00  }
0xb6: {  	s5 =	stileid.u32;
	_ =	swait.ge @p1 [sflag:s1], $0x1400  }
0xb7: {  	s5 =	sshll.u32 @!p1 s5, $0x6;
	[sflag:s1] =	ssyncset.done @p1 $0x0;
	s8 =	rddreg [dreg:$0x7]  }
0xb8: {  	[sflag:s1] =	ssyncadd.s32 @p1 $0xFFFFEC00;
	s1 =	sor.u32 @!p1 $0x1C11, s5;
	s5 =	sshrl.u32 @!p1 s11, $0x3  }
0xb9: {  	[spmem:s5], [sflag:s1] =	dma.local @!p1 [hbm:s8], $0x2800  }
0xba: {  	s1 =	simm.s32 @!p1 $0x11  }
0xbb: {  	_ =	swait.ge @!p1 [sflag:s1], $0x2800  }
0xbc: {  	[sflag:s1] =	ssyncset.done @!p1 $0x0  }
0xbd: {  	s8 =	simm.s32 $0x1;
	[sflag:s1] =	ssyncadd.s32 @!p1 $0xFFFFD800  }
.LBB2_6:
0xbe: {  	[bflag:$0x0] =	sbarrier.arrive $0xFFFF  }
0xbf: {  	s1 =	simm.s32 $0x0;
	s5 =	rddreg [dreg:$0xd]  }
0xc0: {  	[tilespmem:s1], [sflag:$0x11] =	stream.linear.gather [hbm4b:s5+s1], $0x2710, $0x38;
	[tilespmem:$0x1CF80] =	vst v63  }
0xc1: {  	_ =	swait.ge [sflag:s12], $0x2710  }
0xc2: {  	[sflag:s12] =	ssyncset.done $0x0  }
0xc3: {  	s13 =	rddreg [dreg:$0xe];
	[sflag:s12] =	ssyncadd.s32 $0xFFFFD8F0  }
0xc4: {  	[tilespmem:s25], [sflag:$0xB] =	stream.linear.gather [hbm4b:s13+s1], $0x28, $0x38;
	[tilespmem:$0x1CF80] =	vst v63  }
0xc5: {  	s13 =	rddreg [dreg:$0x1]  }
0xc6: {  	[tilespmem:s10], [sflag:$0x1] =	stream.indirect.gather [hbm4b:s13+s9], $0x80, s1, s9, $0xb8;
	[tilespmem:$0x1CF80] =	vst v63  }
0xc7: {  	s11 =	rddreg [dreg:$0xf]  }
0xc8: {  	[tilespmem:s26], [sflag:$0xC] =	stream.linear.gather [hbm4b:s11+s1], $0x28, $0x38;
	[tilespmem:$0x1CF80] =	vst v63  }
0xc9: {  	s12 =	sld [smem:$0x7FC]  }
0xca: {  	[tilespmem:s0], [sflag:$0x2] =	stream.indirect.gather [hbm4b:s13+s9], $0x80, s9, s9, $0xb8;
	[tilespmem:$0x1CF80] =	vst v63  }
0xcb: {  	_ = 	snop  }
0xcc: {  	[tilespmem:s14], [sflag:$0xD] =	stream.linear.gather [hbm4b:s12+s1], $0x28, $0x38;
	[tilespmem:$0x1CF80] =	vst v63  }
0xcd: {  	s11 =	simm.s32 $0x50  }
0xce: {  	[tilespmem:s16], [sflag:$0x3] =	stream.indirect.gather [hbm4b:s13+s9], $0x80, s11, s9, $0xb8;
	[tilespmem:$0x1CF80] =	vst v63  }
0xcf: {  	s12 =	rddreg [dreg:$0x10]  }
0xd0: {  	[tilespmem:s17], [sflag:$0xE] =	stream.linear.gather [hbm4b:s12+s1], $0x28, $0x38;
	[tilespmem:$0x1CF80] =	vst v63  }
0xd1: {  	s11 =	simm.s32 $0x78;
	s12 =	sld [smem:$0x7FD]  }
0xd2: {  	[tilespmem:s31], [sflag:$0x4] =	stream.indirect.gather [hbm4b:s13+s9], $0x80, s11, s9, $0xb8;
	[tilespmem:$0x1CF80] =	vst v63  }
0xd3: {  	_ = 	snop  }
0xd4: {  	[tilespmem:s15], [sflag:$0xF] =	stream.linear.gather [hbm4b:s12+s1], $0x28, $0x38;
	[tilespmem:$0x1CF80] =	vst v63  }
0xd5: {  	s5 =	simm.s32 $0xA0  }
0xd6: {  	[tilespmem:s18], [sflag:$0x5] =	stream.indirect.gather [hbm4b:s13+s9], $0x80, s5, s9, $0xb8;
	[tilespmem:$0x1CF80] =	vst v63  }
0xd7: {  	_ =	swait.ge [sflag:s8], $0x1400  }
0xd8: {  	[sflag:s8] =	ssyncset.done $0x0  }
0xd9: {  	[sflag:s8] =	ssyncadd.s32 $0xFFFFEC00  }
0xda: {  	_ =	swait.ge [sflag:s19], $0x28  }
0xdb: {  	[sflag:s19] =	ssyncset.done $0x0  }
0xdc: {  	[sflag:s19] =	ssyncadd.s32 $0xFFFFFFD8  }
0xdd: {  	[spmem:s28] =	stream.indirect.scatter.add.f32 [tilespmem:s10], [sflag:$0x6], $0x80, s25, s9, $0xb8;
	[tilespmem:$0x1CF80] =	vst v63  }
0xde: {  	_ =	swait.ge [sflag:s20], $0x1400  }
0xdf: {  	[sflag:s20] =	ssyncset.done $0x0  }
0xe0: {  	[sflag:s20] =	ssyncadd.s32 $0xFFFFEC00  }
0xe1: {  	_ =	swait.ge [sflag:s21], $0x28  }
0xe2: {  	[sflag:s21] =	ssyncset.done $0x0  }
0xe3: {  	[sflag:s21] =	ssyncadd.s32 $0xFFFFFFD8  }
0xe4: {  	[spmem:s28] =	stream.indirect.scatter.add.f32 [tilespmem:s0], [sflag:$0x7], $0x80, s26, s9, $0xb8;
	[tilespmem:$0x1CF80] =	vst v63  }
0xe5: {  	_ =	swait.ge [sflag:s22], $0x1400  }
0xe6: {  	[sflag:s22] =	ssyncset.done $0x0  }
0xe7: {  	[sflag:s22] =	ssyncadd.s32 $0xFFFFEC00  }
0xe8: {  	_ =	swait.ge [sflag:s23], $0x28  }
0xe9: {  	[sflag:s23] =	ssyncset.done $0x0  }
0xea: {  	[sflag:s23] =	ssyncadd.s32 $0xFFFFFFD8  }
0xeb: {  	[spmem:s28] =	stream.indirect.scatter.add.f32 [tilespmem:s16], [sflag:$0x8], $0x80, s14, s9, $0xb8;
	[tilespmem:$0x1CF80] =	vst v63  }
0xec: {  	_ =	swait.ge [sflag:s24], $0x1400  }
0xed: {  	[sflag:s24] =	ssyncset.done $0x0  }
0xee: {  	[sflag:s24] =	ssyncadd.s32 $0xFFFFEC00  }
0xef: {  	_ =	swait.ge [sflag:s6], $0x28  }
0xf0: {  	[sflag:s6] =	ssyncset.done $0x0  }
0xf1: {  	[sflag:s6] =	ssyncadd.s32 $0xFFFFFFD8  }
0xf2: {  	[spmem:s28] =	stream.indirect.scatter.add.f32 [tilespmem:s31], [sflag:$0x9], $0x80, s17, s9, $0xb8;
	[tilespmem:$0x1CF80] =	vst v63  }
0xf3: {  	_ =	swait.ge [sflag:s7], $0x1400  }
0xf4: {  	[sflag:s7] =	ssyncset.done $0x0  }
0xf5: {  	[sflag:s7] =	ssyncadd.s32 $0xFFFFEC00  }
0xf6: {  	_ =	swait.ge [sflag:s2], $0x28  }
0xf7: {  	[sflag:s2] =	ssyncset.done $0x0  }
0xf8: {  	[sflag:s2] =	ssyncadd.s32 $0xFFFFFFD8  }
0xf9: {  	[spmem:s28] =	stream.indirect.scatter.add.f32 [tilespmem:s18], [sflag:$0xA], $0x80, s15, s9, $0xb8;
	[tilespmem:$0x1CF80] =	vst v63  }
0xfa: {  	_ =	swait.ge [sflag:s3], $0x1400  }
0xfb: {  	s5 =	rddreg [dreg:$0x17]  }
0xfc: {  	[sflag:s3] =	ssyncset.done $0x0;
	s24 =	rddreg [dreg:$0x4];
	s11 =	sshrl.u32 s5, $0x3  }
0xfd: {  	[sflag:s3] =	ssyncadd.s32 $0xFFFFEC00;
	s1 =	sadd.s32 s24, s11  }
0xfe: {  	[tilespmem:s25], [sflag:$0xB] =	stream.linear.gather [hbm4b:s1+s29], $0x28, $0x38;
	[tilespmem:$0x1CF80] =	vst v63  }
0xff: {  	s6 =	simm.s32 $0xC8  }
0x100: {  	[tilespmem:s10], [sflag:$0x1] =	stream.indirect.gather [hbm4b:s13+s9], $0x80, s6, s9, $0xb8;
	[tilespmem:$0x1CF80] =	vst v63  }
0x101: {  	_ =	swait.ge [sflag:s4], $0x1400  }
0x102: {  	[sflag:s4] =	ssyncset.done $0x0  }
0x103: {  	s7 =	rddreg [dreg:$0x16];
	[sflag:s4] =	ssyncadd.s32 $0xFFFFEC00  }
0x104: {  	[tilespmem:s26], [sflag:$0xC] =	stream.linear.gather [hbm4b:s7+s29], $0x28, $0x38;
	[tilespmem:$0x1CF80] =	vst v63  }
0x105: {  	s8 =	simm.s32 $0xF0  }
0x106: {  	[tilespmem:s0], [sflag:$0x2] =	stream.indirect.gather [hbm4b:s13+s9], $0x80, s8, s9, $0xb8;
	[tilespmem:$0x1CF80] =	vst v63  }
0x107: {  	_ =	swait.ge [sflag:s30], $0x1400  }
0x108: {  	[sflag:s30] =	ssyncset.done $0x0  }
0x109: {  	s12 =	simm.s32 $0x2980;
	s10 =	rddreg [dreg:$0x15];
	[sflag:s30] =	ssyncadd.s32 $0xFFFFEC00  }
0x10a: {  	[tilespmem:s14], [sflag:$0xD] =	stream.linear.gather [hbm4b:s10+s29], $0x28, $0x38;
	[tilespmem:$0x1CF80] =	vst v63  }
0x10b: {  	s19 =	simm.s32 $0x140;
	s15 =	simm.s32 $0x118;
	s18 =	simm.s32 $0x9  }
0x10c: {  	[tilespmem:s16], [sflag:$0x3] =	stream.indirect.gather [hbm4b:s13+s9], $0x80, s15, s9, $0xb8;
	[tilespmem:$0x1CF80] =	vst v63  }
0x10d: {  	s20 =	simm.s32 $0xB;
	s21 =	simm.s32 $0x2;
	_ =	swait.ge [sflag:s18], $0x1400  }
0x10e: {  	s22 =	simm.s32 $0xC;
	s23 =	simm.s32 $0x3;
	[sflag:s18] =	ssyncset.done $0x0  }
0x10f: {  	s5 =	sadd.s32 $0xC8, s5;
	s11 =	rddreg [dreg:$0x14];
	[sflag:s18] =	ssyncadd.s32 $0xFFFFEC00  }
0x110: {  	[tilespmem:s17], [sflag:$0xE] =	stream.linear.gather [hbm4b:s11+s29], $0x28, $0x38;
	[tilespmem:$0x1CF80] =	vst v63  }
0x111: {  	s3 =	simm.s32 $0x0;
	s24 =	simm.s32 $0xD;
	s25 =	simm.s32 $0xA  }
0x112: {  	[tilespmem:s31], [sflag:$0x4] =	stream.indirect.gather [hbm4b:s13+s9], $0x80, s19, s9, $0xb8;
	[tilespmem:$0x1CF80] =	vst v63  }
0x113: {  	s1 =	simm.s32 $0x320;
	s8 =	sadd.s32 $0x19, s7;
	_ =	swait.ge [sflag:s25], $0x1400  }
0x114: {  	s30 =	simm.s32 $0x1;
	s11 =	sadd.s32 $0x19, s11;
	[sflag:s25] =	ssyncset.done $0x0  }
0x115: {  	s31 =	sadd.s32 $0x19, s10;
	s26 =	rddreg [dreg:$0x13];
	[sflag:s25] =	ssyncadd.s32 $0xFFFFEC00  }
0x116: {  	[tilespmem:s12], [sflag:$0xF] =	stream.linear.gather [hbm4b:s26+s29], $0x28, $0x38;
	[tilespmem:$0x1CF80] =	vst v63  }
0x117: {  	s10 =	sadd.s32 $0x19, s26;
	s29 =	simm.s32 $0x6;
	s12 =	simm.s32 $0x168  }
.LBB2_7:
0x118: {  	s14 =	simm.s32 $0x7B80  }
0x119: {  	[tilespmem:s14], [sflag:$0x5] =	stream.indirect.gather [hbm4b:s13+s9], $0x80, s12, s9, $0xb8;
	[tilespmem:$0x1CF80] =	vst v63  }
0x11a: {  	_ =	swait.ge [sflag:s30], $0x1400  }
0x11b: {  	[sflag:s30] =	ssyncset.done $0x0  }
0x11c: {  	[sflag:s30] =	ssyncadd.s32 $0xFFFFEC00  }
0x11d: {  	_ =	swait.ge [sflag:s20], $0x28  }
0x11e: {  	[sflag:s20] =	ssyncset.done $0x0  }
0x11f: {  	s4 =	simm.s32 $0x2780;
	s7 =	simm.s32 $0x2B80;
	[sflag:s20] =	ssyncadd.s32 $0xFFFFFFD8  }
0x120: {  	[spmem:s28] =	stream.indirect.scatter.add.f32 [tilespmem:s7], [sflag:$0x6], $0x80, s4, s9, $0xb8;
	[tilespmem:$0x1CF80] =	vst v63  }
0x121: {  	_ =	swait.ge [sflag:s21], $0x1400  }
0x122: {  	[sflag:s21] =	ssyncset.done $0x0  }
0x123: {  	[sflag:s21] =	ssyncadd.s32 $0xFFFFEC00  }
0x124: {  	_ =	swait.ge [sflag:s22], $0x28  }
0x125: {  	[sflag:s22] =	ssyncset.done $0x0  }
0x126: {  	s16 =	simm.s32 $0x3F80;
	s19 =	simm.s32 $0x2800;
	[sflag:s22] =	ssyncadd.s32 $0xFFFFFFD8  }
0x127: {  	[spmem:s28] =	stream.indirect.scatter.add.f32 [tilespmem:s16], [sflag:$0x7], $0x80, s19, s9, $0xb8;
	[tilespmem:$0x1CF80] =	vst v63  }
0x128: {  	_ =	swait.ge [sflag:s23], $0x1400  }
0x129: {  	[sflag:s23] =	ssyncset.done $0x0  }
0x12a: {  	[sflag:s23] =	ssyncadd.s32 $0xFFFFEC00  }
0x12b: {  	_ =	swait.ge [sflag:s24], $0x28  }
0x12c: {  	s26 =	simm.s32 $0x5380;
	[sflag:s24] =	ssyncset.done $0x0  }
0x12d: {  	s18 =	simm.s32 $0x2880;
	s0 =	simm.s32 $0x4;
	[sflag:s24] =	ssyncadd.s32 $0xFFFFFFD8  }
0x12e: {  	[spmem:s28] =	stream.indirect.scatter.add.f32 [tilespmem:s26], [sflag:$0x8], $0x80, s18, s9, $0xb8;
	[tilespmem:$0x1CF80] =	vst v63  }
0x12f: {  	_ =	swait.ge [sflag:s0], $0x1400  }
0x130: {  	[sflag:s0] =	ssyncset.done $0x0  }
0x131: {  	s2 =	simm.s32 $0xE;
	[sflag:s0] =	ssyncadd.s32 $0xFFFFEC00  }
0x132: {  	_ =	swait.ge [sflag:s2], $0x28  }
0x133: {  	s17 =	simm.s32 $0x6780;
	[sflag:s2] =	ssyncset.done $0x0  }
0x134: {  	s25 =	simm.s32 $0x2900;
	s6 =	simm.s32 $0x5;
	[sflag:s2] =	ssyncadd.s32 $0xFFFFFFD8  }
0x135: {  	[spmem:s28] =	stream.indirect.scatter.add.f32 [tilespmem:s17], [sflag:$0x9], $0x80, s25, s9, $0xb8;
	[tilespmem:$0x1CF80] =	vst v63  }
0x136: {  	_ =	swait.ge [sflag:s6], $0x1400  }
0x137: {  	[sflag:s6] =	ssyncset.done $0x0  }
0x138: {  	s13 =	simm.s32 $0xF;
	[sflag:s6] =	ssyncadd.s32 $0xFFFFEC00  }
0x139: {  	_ =	swait.ge [sflag:s13], $0x28  }
0x13a: {  	[sflag:s13] =	ssyncset.done $0x0  }
0x13b: {  	s0 =	simm.s32 $0x2980;
	[sflag:s13] =	ssyncadd.s32 $0xFFFFFFD8  }
0x13c: {  	[spmem:s28] =	stream.indirect.scatter.add.f32 [tilespmem:s14], [sflag:$0xA], $0x80, s0, s9, $0xb8;
	[tilespmem:$0x1CF80] =	vst v63  }
0x13d: {  	s12 =	smov.u32 s1;
	_ =	swait.ge [sflag:s29], $0x1400  }
0x13e: {  	s14 =	sshrl.u32 s5, $0x3;
	[sflag:s29] =	ssyncset.done $0x0;
	s15 =	rddreg [dreg:$0x4]  }
0x13f: {  	s12 =	sshra.s32 s12, $0x2;
	[sflag:s29] =	ssyncadd.s32 $0xFFFFEC00;
	s13 =	sadd.s32 s15, s14  }
0x140: {  	[tilespmem:s4], [sflag:$0xB] =	stream.linear.gather [hbm4b:s13+s3], $0x28, $0x38;
	[tilespmem:$0x1CF80] =	vst v63  }
0x141: {  	s15 =	sadd.s32 $0xC8, s12;
	s14 =	simm.s32 $0x7;
	s4 =	rddreg [dreg:$0x1]  }
0x142: {  	[tilespmem:s7], [sflag:$0x1] =	stream.indirect.gather [hbm4b:s4+s9], $0x80, s15, s9, $0xb8;
	[tilespmem:$0x1CF80] =	vst v63  }
0x143: {  	_ =	swait.ge [sflag:s14], $0x1400  }
0x144: {  	[sflag:s14] =	ssyncset.done $0x0  }
0x145: {  	[sflag:s14] =	ssyncadd.s32 $0xFFFFEC00  }
0x146: {  	[tilespmem:s19], [sflag:$0xC] =	stream.linear.gather [hbm4b:s8+s3], $0x28, $0x38;
	[tilespmem:$0x1CF80] =	vst v63  }
0x147: {  	s15 =	sadd.s32 $0xF0, s12;
	s14 =	simm.s32 $0x8;
	s7 =	rddreg [dreg:$0x1]  }
0x148: {  	[tilespmem:s16], [sflag:$0x2] =	stream.indirect.gather [hbm4b:s7+s9], $0x80, s15, s9, $0xb8;
	[tilespmem:$0x1CF80] =	vst v63  }
0x149: {  	_ =	swait.ge [sflag:s14], $0x1400  }
0x14a: {  	[sflag:s14] =	ssyncset.done $0x0  }
0x14b: {  	p2 =	sne.s32 s1, $0x9600;
	[sflag:s14] =	ssyncadd.s32 $0xFFFFEC00  }
0x14c: {  	[tilespmem:s18], [sflag:$0xD] =	stream.linear.gather [hbm4b:s31+s3], $0x28, $0x38;
	[tilespmem:$0x1CF80] =	vst v63  }
0x14d: {  	s15 =	sadd.s32 $0x118, s12;
	s14 =	simm.s32 $0x9;
	s7 =	rddreg [dreg:$0x1]  }
0x14e: {  	[tilespmem:s26], [sflag:$0x3] =	stream.indirect.gather [hbm4b:s7+s9], $0x80, s15, s9, $0xb8;
	[tilespmem:$0x1CF80] =	vst v63  }
0x14f: {  	s1 =	sadd.s32 $0x320, s1;
	s2 =	simm.s32 $0x2780;
	_ =	swait.ge [sflag:s14], $0x1400  }
0x150: {  	s6 =	simm.s32 $0x2B80;
	s5 =	sadd.s32 $0xC8, s5;
	[sflag:s14] =	ssyncset.done $0x0  }
0x151: {  	s4 =	simm.s32 $0x2800;
	s19 =	simm.s32 $0x3F80;
	[sflag:s14] =	ssyncadd.s32 $0xFFFFEC00  }
0x152: {  	[tilespmem:s25], [sflag:$0xE] =	stream.linear.gather [hbm4b:s11+s3], $0x28, $0x38;
	[tilespmem:$0x1CF80] =	vst v63  }
0x153: {  	s8 =	sadd.s32 $0x19, s8;
	s15 =	sadd.s32 $0x140, s12;
	s25 =	rddreg [dreg:$0x1]  }
0x154: {  	[tilespmem:s17], [sflag:$0x4] =	stream.indirect.gather [hbm4b:s25+s9], $0x80, s15, s9, $0xb8;
	[tilespmem:$0x1CF80] =	vst v63  }
0x155: {  	s16 =	simm.s32 $0x2880;
	s18 =	simm.s32 $0x5380;
	s15 =	simm.s32 $0xA  }
.Ltmp3:
0x156: {  	s13 =	rddreg [dreg:$0x1];
	_ =	swait.ge [sflag:s15], $0x1400;
	(pc) =	sbr.rel @p2 .LBB2_7-.Ltmp3, $4  }
0x157: {  	s31 =	sadd.s32 $0x19, s31;
	s26 =	simm.s32 $0x2900;
	[sflag:s15] =	ssyncset.done $0x0  }
0x158: {  	s12 =	sadd.s32 $0x168, s12;
	s14 =	simm.s32 $0x6780;
	[sflag:s15] =	ssyncadd.s32 $0xFFFFEC00  }
0x159: {  	[tilespmem:s0], [sflag:$0xF] =	stream.linear.gather [hbm4b:s10+s3], $0x28, $0x38;
	[tilespmem:$0x1CF80] =	vst v63  }
0x15a: {  	s11 =	sadd.s32 $0x19, s11;
	s17 =	simm.s32 $0x2980;
	s10 =	sadd.s32 $0x19, s10  }
0x15b: {  	s0 =	simm.s32 $0x7B80  }
0x15c: {  	[tilespmem:s0], [sflag:$0x5] =	stream.indirect.gather [hbm4b:s13+s9], $0x80, s12, s9, $0xb8;
	[tilespmem:$0x1CF80] =	vst v63  }
0x15d: {  	_ =	swait.ge [sflag:s30], $0x1400  }
0x15e: {  	[sflag:s30] =	ssyncset.done $0x0  }
0x15f: {  	[sflag:s30] =	ssyncadd.s32 $0xFFFFEC00  }
0x160: {  	_ =	swait.ge [sflag:s20], $0x28  }
0x161: {  	[sflag:s20] =	ssyncset.done $0x0  }
0x162: {  	[sflag:s20] =	ssyncadd.s32 $0xFFFFFFD8  }
0x163: {  	[spmem:s28] =	stream.indirect.scatter.add.f32 [tilespmem:s6], [sflag:$0x6], $0x80, s2, s9, $0xb8;
	[tilespmem:$0x1CF80] =	vst v63  }
0x164: {  	_ =	swait.ge [sflag:s21], $0x1400  }
0x165: {  	[sflag:s21] =	ssyncset.done $0x0  }
0x166: {  	[sflag:s21] =	ssyncadd.s32 $0xFFFFEC00  }
0x167: {  	_ =	swait.ge [sflag:s22], $0x28  }
0x168: {  	[sflag:s22] =	ssyncset.done $0x0  }
0x169: {  	[sflag:s22] =	ssyncadd.s32 $0xFFFFFFD8  }
0x16a: {  	[spmem:s28] =	stream.indirect.scatter.add.f32 [tilespmem:s19], [sflag:$0x7], $0x80, s4, s9, $0xb8;
	[tilespmem:$0x1CF80] =	vst v63  }
0x16b: {  	_ =	swait.ge [sflag:s23], $0x1400  }
0x16c: {  	[sflag:s23] =	ssyncset.done $0x0  }
0x16d: {  	[sflag:s23] =	ssyncadd.s32 $0xFFFFEC00  }
0x16e: {  	_ =	swait.ge [sflag:s24], $0x28  }
0x16f: {  	[sflag:s24] =	ssyncset.done $0x0  }
0x170: {  	s1 =	simm.s32 $0x4;
	[sflag:s24] =	ssyncadd.s32 $0xFFFFFFD8  }
0x171: {  	[spmem:s28] =	stream.indirect.scatter.add.f32 [tilespmem:s18], [sflag:$0x8], $0x80, s16, s9, $0xb8;
	[tilespmem:$0x1CF80] =	vst v63  }
0x172: {  	_ =	swait.ge [sflag:s1], $0x1400  }
0x173: {  	[sflag:s1] =	ssyncset.done $0x0  }
0x174: {  	s18 =	simm.s32 $0xE;
	[sflag:s1] =	ssyncadd.s32 $0xFFFFEC00  }
0x175: {  	_ =	swait.ge [sflag:s18], $0x28  }
0x176: {  	[sflag:s18] =	ssyncset.done $0x0  }
0x177: {  	s19 =	simm.s32 $0x5;
	[sflag:s18] =	ssyncadd.s32 $0xFFFFFFD8  }
0x178: {  	[spmem:s28] =	stream.indirect.scatter.add.f32 [tilespmem:s14], [sflag:$0x9], $0x80, s26, s9, $0xb8;
	[tilespmem:$0x1CF80] =	vst v63  }
0x179: {  	_ =	swait.ge [sflag:s19], $0x1400  }
0x17a: {  	[sflag:s19] =	ssyncset.done $0x0  }
0x17b: {  	s20 =	simm.s32 $0xF;
	[sflag:s19] =	ssyncadd.s32 $0xFFFFEC00  }
0x17c: {  	_ =	swait.ge [sflag:s20], $0x28  }
0x17d: {  	[sflag:s20] =	ssyncset.done $0x0  }
0x17e: {  	[sflag:s20] =	ssyncadd.s32 $0xFFFFFFD8  }
0x17f: {  	[spmem:s28] =	stream.indirect.scatter.add.f32 [tilespmem:s0], [sflag:$0xA], $0x80, s17, s9, $0xb8;
	[tilespmem:$0x1CF80] =	vst v63  }
0x180: {  	_ =	swait.ge [sflag:s29], $0x1400  }
0x181: {  	[sflag:s29] =	ssyncset.done $0x0  }
0x182: {  	s21 =	simm.s32 $0x7;
	[sflag:s29] =	ssyncadd.s32 $0xFFFFEC00  }
0x183: {  	_ =	swait.ge [sflag:s21], $0x1400  }
0x184: {  	[sflag:s21] =	ssyncset.done $0x0  }
0x185: {  	s22 =	simm.s32 $0x8;
	[sflag:s21] =	ssyncadd.s32 $0xFFFFEC00  }
0x186: {  	_ =	swait.ge [sflag:s22], $0x1400  }
0x187: {  	[sflag:s22] =	ssyncset.done $0x0  }
0x188: {  	s23 =	simm.s32 $0x9;
	[sflag:s22] =	ssyncadd.s32 $0xFFFFEC00  }
0x189: {  	_ =	swait.ge [sflag:s23], $0x1400  }
0x18a: {  	[sflag:s23] =	ssyncset.done $0x0  }
0x18b: {  	[sflag:s23] =	ssyncadd.s32 $0xFFFFEC00  }
0x18c: {  	_ =	swait.ge [sflag:s15], $0x1400  }
0x18d: {  	[sflag:s15] =	ssyncset.done $0x0  }
0x18e: {  	[sflag:s15] =	ssyncadd.s32 $0xFFFFEC00  }
0x18f: {  	s24 =	stileid.u32;
	[bflag:$0x0] =	sbarrier.arrive $0xFFFF  }
0x190: {  	s12 =	simm.s32 $0x11;
	s1 =	sshll.u32 s24, $0x6;
	s11 =	rddreg [dreg:$0x5]  }
0x191: {  	s1 =	sor.u32 $0x1C11, s1;
	s8 =	rddreg [dreg:$0x11];
	s5 =	sshrl.u32 s11, $0x3  }
0x192: {  	[hbm:s8], [sflag:s1] =	dma.local [spmem:s5], $0x2800  }
0x193: {  	_ =	swait.ge [sflag:s12], $0x2800  }
0x194: {  	s10 =	simm.s32 $0x2B80;
	s31 =	simm.s32 $0x6780;
	s25 =	sld [smem:$0x7F2]  }
0x195: {  	s7 =	simm.s32 $0x5;
	s3 =	simm.s32 $0x6;
	s30 =	simm.s32 $0x8  }
0x196: {  	s6 =	simm.s32 $0xE;
	s2 =	simm.s32 $0xF;
	s4 =	simm.s32 $0x7  }
0x197: {  	s16 =	simm.s32 $0x5380;
	s26 =	rddreg [dreg:$0x12];
	s5 =	sadd.s32 $0x1, s25  }
0x198: {  	s24 =	simm.s32 $0x4;
	s18 =	simm.s32 $0x7B80;
	p2 =	sne.s32 s5, s26  }
.Ltmp4:
0x199: {  	s14 =	simm.s32 $0x2880;
	s19 =	simm.s32 $0xB;
	(pc) =	sbr.rel @p2 .LBB2_1-.Ltmp4, $4  }
0x19a: {  	s20 =	simm.s32 $0x2;
	s0 =	simm.s32 $0x3F80;
	s17 =	simm.s32 $0x2900  }
0x19b: {  	s29 =	simm.s32 $0x0;
	s21 =	simm.s32 $0xC;
	s22 =	simm.s32 $0x3  }
0x19c: {  	s23 =	simm.s32 $0xD;
	s15 =	simm.s32 $0x2980;
	[sflag:s12] =	ssyncset.done $0x0  }
0x19d: {  	[sflag:s12] =	ssyncadd.s32 $0xFFFFD800;
	s25 =	simm.s32 $0x2780;
	s26 =	simm.s32 $0x2800  }
0x19e: {  	_ =	sfence.sel $0x180000  }
0x19f: {  	[bflag:$0x0] =	sbarrier.arrive $0xFFFF  }
0x1a0: {  	_ =	strace $0x9000004A  }
0x1a1: {  	s0 =	stileid.u32;
	[bflag:$0x2] =	sbarrier.arrive $0xFFFF  }
0x1a2: {  	p0 =	sne.s32 s0, $0x0;
	s0 =	rddreg [dreg:$0x3]  }
0x1a3: {  	s0 =	sadd.s32 @!p0 $0x100000, s0  }
0x1a4: {  	[sflag:s0] =	ssyncadd.tile.s32 @!p0 $0x1;
	_ =	shalt  }
.Lfunc_end2:
_tile_overlayer_lowered:
.L_overlay_start_2:
0x1a5: {  	(tag) =	ssettag $0x2  }
0x1a6: {  	s0 =	rddreg [dreg:$0x0];
	s2 =	stileid.u32  }
0x1a7: {  	s1 =	rddreg [dreg:$0x1];
	p0 =	sne.s32 s2, $0x0  }
0x1a8: {  	s3 =	rddreg [dreg:$0x2];
	[bflag:$0x3] =	sbarrier.arrive $0xFFFF;
	s2 =	simm.s32 @!p0 $0x1C11  }
0x1a9: {  	[timem:s3], [sflag:s2] =	dma.local @!p0 [hbm:s0], s1  }
0x1aa: {  	s0 =	simm.s32 @!p0 $0x11  }
0x1ab: {  	_ =	swait.ge @!p0 [sflag:s0], s1  }
0x1ac: {  	s1 =	ssub.s32 @!p0 $0x0, s1;
	[sflag:s0] =	ssyncset.done @!p0 $0x0  }
0x1ad: {  	[sflag:s0] =	ssyncadd.s32 @!p0 s1  }
0x1ae: {  	[bflag:$0x3] =	sbarrier.arrive $0xFFFF  }
0x1af: {  	_ =	shalt  }

</sc_bundles>
